<compile_context>
chip_gen: v7x
topology: tpu7x:2x2x1
jax: 0.10.2.dev20260603
libtpu: 0.0.44.dev20260713+nightly
codegen_flags: <defaults>
</compile_context>

<pallas_src>
import functools

import jax
import jax.numpy as jnp
from jax import lax
from jax.experimental import pallas as pl
from jax.experimental.pallas import tpu as pltpu
from jax.experimental.pallas import tpu_sc as plsc

N = 50000
E = 800000
D_SCALAR = 64
D_EDGE = 16
D_U = 16
NDIM = 3
NUM_GRAPHS = 8
HID = 64

NC = 2
NS = 16
NW = NC * NS
CH = 128
NBUF = 5
K_CH = 200
PW = K_CH * CH
EP = NW * PW
TK = EP // CH
K0 = 360
K1 = TK // NS - K0
DP = 128
NP = 51200
RPT = NP // NS

S = 2
EC = E // S
TKC = TK // S
EPC = TKC * CH
K0C = 190
K1C = TKC // NS - K0C
BE = 3200
BN = 2000


def _sc_mesh():
    return plsc.VectorSubcoreMesh(
        core_axis_name="c", subcore_axis_name="s", num_cores=NC, num_subcores=NS
    )


def _sc_gather(table, idx2):
    @functools.partial(
        pl.kernel,
        out_type=jax.ShapeDtypeStruct((2 * EPC, DP), jnp.float32),
        mesh=_sc_mesh(),
        scratch_types=[
            pltpu.VMEM((NBUF, CH), jnp.int32),
            pltpu.VMEM((NBUF, CH, DP), jnp.float32),
            pltpu.SemaphoreType.DMA((NBUF,)),
            pltpu.SemaphoreType.DMA((NBUF,)),
        ],
        compiler_params=pltpu.CompilerParams(use_tc_tiling_on_sc=False),
    )
    def k(table_hbm, idx_hbm, out_hbm, idx_v, rows_v, gsem, wsem):
        c = lax.axis_index("c")
        s = lax.axis_index("s")
        cbase = jnp.where(c == 0, s * K0C, NS * K0C + s * K1C)
        ngrp = jnp.where(c == 0, K0C // NBUF, K1C // NBUF)

        def group(g, _):
            ep = g // ngrp
            ge = g - ep * ngrp
            pltpu.sync_copy(idx_hbm.at[ep, pl.ds(cbase + ge * NBUF, NBUF)], idx_v)
            gd = []
            for b in range(NBUF):
                @pl.when(g > 0)
                def _(b=b):
                    pltpu.make_async_copy(
                        rows_v.at[b], out_hbm.at[pl.ds(0, CH)], wsem.at[b]
                    ).wait()
                gd.append(pltpu.async_copy(
                    table_hbm.at[idx_v.at[b]], rows_v.at[b], gsem.at[b]
                ))
            for b in range(NBUF):
                gd[b].wait()
                pltpu.async_copy(
                    rows_v.at[b],
                    out_hbm.at[
                        pl.ds(ep * EPC + (cbase + ge * NBUF + b) * CH, CH)
                    ],
                    wsem.at[b],
                )
            return 0

        lax.fori_loop(0, 2 * ngrp, group, 0)
        for b in range(NBUF):
            @pl.when(ngrp > 0)
            def _(b=b):
                pltpu.make_async_copy(
                    rows_v.at[b], out_hbm.at[pl.ds(0, CH)], wsem.at[b]
                ).wait()

    return k(table, idx2)


def _sc_scatter(vals, idx_col3, zeros_np4):
    @functools.partial(
        pl.kernel,
        out_type=jax.ShapeDtypeStruct((NC, NP, 4), jnp.float32),
        mesh=_sc_mesh(),
        scratch_types=[
            pltpu.VMEM((8, CH), jnp.int32),
            pltpu.VMEM((8 * CH, 4), jnp.float32),
            pltpu.VMEM_SHARED((NP, 4), jnp.float32),
            pltpu.SemaphoreType.DMA((8,)),
        ],
        compiler_params=pltpu.CompilerParams(use_tc_tiling_on_sc=False),
    )
    def k(vals_hbm, idx_hbm, zeros_hbm, out_hbm, idx_v, v_v, acc, sems):
        c = lax.axis_index("c")
        s = lax.axis_index("s")
        wid = s * NC + c

        pltpu.sync_copy(zeros_hbm.at[pl.ds(s * RPT, RPT)], acc.at[pl.ds(s * RPT, RPT)])
        plsc.subcore_barrier()

        def group(g, _):
            pltpu.sync_copy(idx_hbm.at[pl.ds(wid * K_CH + g * 8, 8)], idx_v)
            pltpu.sync_copy(
                vals_hbm.at[pl.ds(wid * PW + g * 8 * CH, 8 * CH)], v_v
            )
            ds = [
                pltpu.async_copy(
                    v_v.at[pl.ds(b * CH, CH)],
                    acc.at[idx_v.at[b]],
                    sems.at[b],
                    add=True,
                )
                for b in range(8)
            ]
            for d in ds:
                d.wait()
            return 0

        lax.fori_loop(0, K_CH // 8, group, 0)
        plsc.subcore_barrier()
        pltpu.sync_copy(
            acc.at[pl.ds(s * RPT, RPT)], out_hbm.at[c, pl.ds(s * RPT, RPT)]
        )

    return k(vals, idx_col3, zeros_np4)


def _edge_body(gr_ref, gc_ref, ea_ref,
               sel_ref,
               w1r_ref, w1c_ref, w1ea_ref, w1rad_ref, b1e_ref, w2e_ref, b2e_ref,
               wah_ref, ba_ref,
               n1s_ref, n1f_ref, b1n_ref, w2n4_ref, b2n4_ref,
               *rest, aliased):
    ef_ref, ov_ref = rest[-2], rest[-1]
    gr = gr_ref[...]
    gc = gc_ref[...]
    d = gr - gc
    dd = d * d
    r3 = jnp.dot(dd, sel_ref[...], preferred_element_type=jnp.float32)
    lane3 = lax.broadcasted_iota(jnp.int32, (1, 3), 1)
    radial = jnp.where(lane3 < 2, jnp.sqrt(jnp.maximum(r3, 0.0)), r3)

    h1 = jnp.maximum(
        jnp.dot(gr, w1r_ref[...], preferred_element_type=jnp.float32)
        + jnp.dot(gc, w1c_ref[...], preferred_element_type=jnp.float32)
        + jnp.dot(ea_ref[...], w1ea_ref[...], preferred_element_type=jnp.float32)
        + jnp.dot(radial, w1rad_ref[...], preferred_element_type=jnp.float32)
        + b1e_ref[...],
        0.0,
    )
    e2 = jnp.dot(h1, w2e_ref[...], preferred_element_type=jnp.float32) + b2e_ref[...]
    att = jax.nn.sigmoid(
        jnp.dot(h1, wah_ref[...], preferred_element_type=jnp.float32) + ba_ref[...]
    )
    ef = e2 * att

    @pl.when(pl.program_id(0) < EC // BE)
    def _():
        ef_ref[...] = ef

    h2 = jnp.maximum(
        jnp.dot(gr, n1s_ref[...], preferred_element_type=jnp.float32)
        + jnp.dot(ef, n1f_ref[...], preferred_element_type=jnp.float32)
        + b1n_ref[...],
        0.0,
    )
    os4 = jnp.dot(h2, w2n4_ref[...], preferred_element_type=jnp.float32) + b2n4_ref[...]
    lane4 = lax.broadcasted_iota(jnp.int32, (1, 4), 1)
    ov = os4 * d[:, 80:84] + (lane4 == 3).astype(jnp.float32)
    i = pl.program_id(0)
    ov_ref[...] = jnp.where(i < EC // BE, ov, 0.0)


def _tc_edge(g_both, edge_attr, ew, s, ef_in, ov_in):
    grid = (EPC // BE,)
    nreal = EC // BE
    ncol = EPC // BE
    off_r = s * nreal
    off_p = s * ncol
    full = lambda shape: pl.BlockSpec(shape, lambda i: (0, 0))
    in_specs = [
        pl.BlockSpec((BE, DP), lambda i: (i, 0)),
        pl.BlockSpec((BE, DP), lambda i: (ncol + i, 0)),
        pl.BlockSpec((BE, D_EDGE),
                     lambda i: (off_r + jnp.minimum(i, nreal - 1), 0)),
        full((DP, 3)),
        full((DP, HID)), full((DP, HID)), full((D_EDGE, HID)), full((3, HID)),
        full((1, HID)), full((HID, HID)), full((1, HID)),
        full((HID, HID)), full((1, 1)),
        full((DP, HID)), full((HID, HID)), full((1, HID)),
        full((HID, 4)), full((1, 4)),
    ]
    args = [g_both, g_both, edge_attr, *ew]
    aliases = {}
    if ef_in is not None:
        anyspec = pl.BlockSpec(memory_space=pl.ANY)
        in_specs += [anyspec, anyspec]
        args += [ef_in, ov_in]
        aliases = {18: 0, 19: 1}
    return pl.pallas_call(
        functools.partial(_edge_body, aliased=ef_in is not None),
        grid=grid,
        in_specs=in_specs,
        out_specs=[
            pl.BlockSpec((BE, HID),
                         lambda i: (off_r + jnp.minimum(i, nreal - 1), 0)),
            pl.BlockSpec((BE, 4), lambda i: (off_p + i, 0)),
        ],
        out_shape=[
            jax.ShapeDtypeStruct((E, HID), jnp.float32),
            jax.ShapeDtypeStruct((EP, 4), jnp.float32),
        ],
        input_output_aliases=aliases,
    )(*args)


def _node_body(na_ref, bf_ref, parts_ref, u_ref,
               w2s_ref, w2v_ref, w2u_ref, b2_ref, w22_ref, b22_ref,
               wg1_ref, bg1_ref, wg2_ref, bg2_ref,
               out_ref, acc_ref):
    i = pl.program_id(0)
    nb = pl.num_programs(0)
    na = na_ref[...]
    nv = na[:, 0:6]
    ns = na[:, 6:70]
    bf = bf_ref[...]
    gids = lax.broadcasted_iota(jnp.int32, (1, NUM_GRAPHS), 1).astype(jnp.float32)
    onehot = (bf == gids).astype(jnp.float32)
    ub = jnp.dot(onehot, u_ref[...], preferred_element_type=jnp.float32)

    h = jnp.maximum(
        jnp.dot(ns, w2s_ref[...], preferred_element_type=jnp.float32)
        + jnp.dot(nv, w2v_ref[...], preferred_element_type=jnp.float32)
        + jnp.dot(ub, w2u_ref[...], preferred_element_type=jnp.float32)
        + b2_ref[...],
        0.0,
    )
    out_global = jnp.dot(h, w22_ref[...], preferred_element_type=jnp.float32) + b22_ref[...]

    sc = parts_ref[0] + parts_ref[1]
    out_graph = sc[:, 0:3] / jnp.maximum(sc[:, 3:4], 1.0)
    acc3 = out_global + out_graph

    gx = jnp.concatenate([acc3, na, jnp.ones_like(bf)], axis=1)
    partial = lax.dot_general(
        onehot, gx, (((0,), (0,)), ((), ())), preferred_element_type=jnp.float32
    )

    @pl.when(i == 0)
    def _():
        acc_ref[...] = partial

    @pl.when(i > 0)
    def _():
        acc_ref[...] += partial

    @pl.when(i == nb - 1)
    def _():
        g_sum = acc_ref[...]
        g_mean = g_sum[:, 0:73] / jnp.maximum(g_sum[:, 73:74], 1.0)
        gin = jnp.concatenate([u_ref[...], g_mean], axis=1)
        hg = jnp.maximum(
            jnp.dot(gin, wg1_ref[...], preferred_element_type=jnp.float32)
            + bg1_ref[...],
            0.0,
        )
        out_ref[...] = (
            jnp.dot(hg, wg2_ref[...], preferred_element_type=jnp.float32)
            + bg2_ref[...]
        )


def _tc_node(node_attr, batch_f, parts, u, nw):
    grid = (N // BN,)
    full2 = lambda shape: pl.BlockSpec(shape, lambda i: (0, 0))
    return pl.pallas_call(
        _node_body,
        grid=grid,
        in_specs=[
            pl.BlockSpec((BN, 2 * NDIM + D_SCALAR), lambda i: (i, 0)),
            pl.BlockSpec((BN, 1), lambda i: (i, 0)),
            pl.BlockSpec((NC, BN, 4), lambda i: (0, i, 0)),
            full2((NUM_GRAPHS, D_U)),
            full2((D_SCALAR, HID)), full2((6, HID)), full2((D_U, HID)),
            full2((1, HID)), full2((HID, NDIM)), full2((1, NDIM)),
            full2((D_U + NDIM + 2 * NDIM + D_SCALAR, HID)), full2((1, HID)),
            full2((HID, D_U)), full2((1, D_U)),
        ],
        out_specs=pl.BlockSpec((NUM_GRAPHS, D_U), lambda i: (0, 0)),
        out_shape=jax.ShapeDtypeStruct((NUM_GRAPHS, D_U), jnp.float32),
        scratch_shapes=[pltpu.VMEM((NUM_GRAPHS, 74), jnp.float32)],
    )(node_attr, batch_f, parts, u, *nw)


def kernel(node_attr, edge_index, edge_attr, u, batch, params):
    pos = node_attr[:, 0:3]
    vel = node_attr[:, 3:6]
    table = jnp.concatenate(
        [node_attr[:, 6:70],
         pos, vel, jnp.zeros((N, 2), jnp.float32),
         pos + vel, pos - vel, jnp.zeros((N, 2), jnp.float32),
         pos, jnp.zeros((N, DP - 83), jnp.float32)],
        axis=1,
    )
    row = edge_index[0].astype(jnp.int32)
    col = edge_index[1].astype(jnp.int32)
    rowp = jnp.pad(row.reshape(S, EC), ((0, 0), (0, EPC - EC))).reshape(S, TKC, CH)
    colp = jnp.pad(col.reshape(S, EC), ((0, 0), (0, EPC - EC))).reshape(S, TKC, CH)
    col2 = colp.reshape(TK, CH)

    pe = params["edge"]
    pa = params["att"]
    p1 = params["node1"]
    w1 = pe["W1"]
    zpad = jnp.zeros((DP - 64, HID), jnp.float32)
    sel = (
        jnp.zeros((DP, 3), jnp.float32)
        .at[64:67, 0].set(1.0)
        .at[67:70, 1].set(1.0)
        .at[72:75, 2].set(0.25)
        .at[75:78, 2].set(-0.25)
    )
    ew = (
        sel,
        jnp.concatenate([w1[0:64], zpad], axis=0),
        jnp.concatenate([w1[64:128], zpad], axis=0),
        w1[128:144],
        w1[144:147],
        pe["b1"].reshape(1, HID), pe["W2"], pe["b2"].reshape(1, HID),
        jnp.tile(pe["W2"] @ pa["W"], (1, HID)),
        (pe["b2"].reshape(1, HID) @ pa["W"] + pa["b"]).reshape(1, 1),
        jnp.concatenate([p1["W1"][0:64], zpad], axis=0),
        p1["W1"][64:128], p1["b1"].reshape(1, HID),
        jnp.tile(p1["W2"], (1, 4)),
        jnp.tile(p1["b2"].reshape(1, 1), (1, 4)),
    )
    idx2 = jnp.stack([rowp, colp], axis=1)
    ef, ov = None, None
    for s in range(S):
        g_both = _sc_gather(table, idx2[s])
        ef, ov = _tc_edge(g_both, edge_attr, ew, s, ef, ov)

    parts = _sc_scatter(ov, col2, jnp.zeros((NP, 4), jnp.float32))

    p2 = params["node2"]
    pg = params["glob"]
    w21 = p2["W1"]
    nw = (
        w21[0:64], w21[64:70], w21[70:86],
        p2["b1"].reshape(1, HID), p2["W2"], p2["b2"].reshape(1, NDIM),
        pg["W1"], pg["b1"].reshape(1, HID), pg["W2"], pg["b2"].reshape(1, D_U),
    )
    batch_f = batch.astype(jnp.float32).reshape(N, 1)
    u_new = _tc_node(node_attr, batch_f, parts, u, nw)

    return (node_attr, ef, u_new)

# --- scband reference (transcript-rebuilt; emitter-appended) ---
"""Pipeline reference for scband-equivariant-meta-layer-65266323030018 (READ-ONLY COPY).

The authoritative reference and input builder live on the scoring server;
editing this copy changes nothing except your own understanding.
"""

import jax, jax.numpy as jnp
import numpy as np

N = 50000
E = 800000
D_SCALAR = 64
D_EDGE = 16
D_U = 16
NDIM = 3
NUM_GRAPHS = 8
HID = 64


def _linear_init(key, i, o):
    return jax.random.normal(key, (i, o), jnp.float32) * (1.0 / np.sqrt(i))


def _mlp(x, p):
    h = jax.nn.relu(x @ p["W1"] + p["b1"])
    return h @ p["W2"] + p["b2"]


def setup_inputs(seed: int = 0):
    key = jax.random.key(seed)
    ks = jax.random.split(key, 16)
    node_attr = jax.random.normal(ks[0], (N, 2 * NDIM + D_SCALAR), jnp.float32)
    edge_index = jax.random.randint(ks[1], (2, E), 0, N)
    edge_attr = jax.random.normal(ks[2], (E, D_EDGE), jnp.float32)
    u = jax.random.normal(ks[3], (NUM_GRAPHS, D_U), jnp.float32)
    batch = jnp.sort(jax.random.randint(ks[4], (N,), 0, NUM_GRAPHS))
    d_edge_in = 2 * D_SCALAR + D_EDGE + 3
    d_node1_in = D_SCALAR + HID
    d_node2_in = D_SCALAR + 2 * NDIM + D_U
    d_glob_in = D_U + NDIM + 2 * NDIM + D_SCALAR
    params = {
        "edge": {"W1": _linear_init(ks[5], d_edge_in, HID), "b1": jnp.zeros((HID,), jnp.float32), "W2": _linear_init(ks[6], HID, HID), "b2": jnp.zeros((HID,), jnp.float32)},
        "att": {"W": _linear_init(ks[7], HID, 1), "b": jnp.zeros((1,), jnp.float32)},
        "node1": {"W1": _linear_init(ks[8], d_node1_in, HID), "b1": jnp.zeros((HID,), jnp.float32), "W2": _linear_init(ks[9], HID, 1), "b2": jnp.zeros((1,), jnp.float32)},
        "node2": {"W1": _linear_init(ks[10], d_node2_in, HID), "b1": jnp.zeros((HID,), jnp.float32), "W2": _linear_init(ks[11], HID, NDIM), "b2": jnp.zeros((NDIM,), jnp.float32)},
        "glob": {"W1": _linear_init(ks[12], d_glob_in, HID), "b1": jnp.zeros((HID,), jnp.float32), "W2": _linear_init(ks[13], HID, D_U), "b2": jnp.zeros((D_U,), jnp.float32)},
    }
    return {"node_attr": node_attr, "edge_index": edge_index, "edge_attr": edge_attr, "u": u, "batch": batch, "params": params}


def reference(node_attr, edge_index, edge_attr, u, batch, params):
    node_scalar = node_attr[:, 2 * NDIM:]
    node_vector = node_attr[:, : 2 * NDIM]
    pos = node_vector[:, :NDIM]
    vel = node_vector[:, NDIM:]
    row = edge_index[0]
    col = edge_index[1]
    # vec2radial
    pos_diff = pos[row] - pos[col]
    vel_diff = vel[row] - vel[col]
    f_x = jnp.sqrt(jnp.sum(pos_diff ** 2, axis=1, keepdims=True))
    f_v = jnp.sqrt(jnp.sum(vel_diff ** 2, axis=1, keepdims=True))
    f_xv = jnp.sum(pos_diff * vel_diff, axis=1, keepdims=True)
    radial = jnp.concatenate([f_x, f_v, f_xv], axis=1)
    edge_attr_scalar = jnp.concatenate([edge_attr, radial], axis=1)
    # edge model (with attention)
    e_in = jnp.concatenate([node_scalar[row], node_scalar[col], edge_attr_scalar], axis=1)
    e_out = _mlp(e_in, params["edge"])
    att = jax.nn.sigmoid(e_out @ params["att"]["W"] + params["att"]["b"])
    edge_feature_scalar = e_out * att
    # node model
    attr_scalar = jnp.concatenate([node_scalar[row], edge_feature_scalar], axis=1)
    out_scalar = _mlp(attr_scalar, params["node1"])
    out_vector = out_scalar * pos_diff
    seg_sum = jnp.zeros((node_attr.shape[0], NDIM), jnp.float32).at[col].add(out_vector)
    seg_cnt = jnp.zeros((node_attr.shape[0], 1), jnp.float32).at[col].add(1.0)
    out_graph = seg_sum / jnp.maximum(seg_cnt, 1.0)
    feat_global = jnp.concatenate([node_scalar, node_vector, u[batch]], axis=1)
    out_global = _mlp(feat_global, params["node2"])
    acc = out_global + out_graph
    # global model
    g_attr = jnp.concatenate([acc, node_attr], axis=1)
    g_sum = jnp.zeros((u.shape[0], g_attr.shape[1]), jnp.float32).at[batch].add(g_attr)
    g_cnt = jnp.zeros((u.shape[0], 1), jnp.float32).at[batch].add(1.0)
    g_mean = g_sum / jnp.maximum(g_cnt, 1.0)
    u_new = _mlp(jnp.concatenate([u, g_mean], axis=1), params["glob"])
    # original forward returns (node_attr, edge_feature_scalar, u)
    return (node_attr, edge_feature_scalar, u_new)

if __name__ == "__main__":
    import jax
    _d = setup_inputs()
    print(jax.jit(kernel)(*tuple(_d.values())))

</pallas_src>

<mosaic_0001>
#map = affine_map<(d0, d1) -> (0, 0)>
#map1 = affine_map<(d0, d1) -> (0, 0, 0)>
module attributes {stable_mosaic.version = 14 : i64} {
  func.func @k(%arg0: i32, %arg1: i32, %arg2: memref<50000x128xf32, #tpu.memory_space<hbm>>, %arg3: memref<2x3200x128xi32, #tpu.memory_space<hbm>>, %arg4: memref<819200x128xf32, #tpu.memory_space<hbm>>, %arg5: memref<5x128xi32, #tpu.memory_space<vmem>>, %arg6: memref<5x128x128xf32, #tpu.memory_space<vmem>>, %arg7: memref<5x!tpu.dma_semaphore, #tpu.memory_space<semaphore_mem>>, %arg8: memref<5x!tpu.dma_semaphore, #tpu.memory_space<semaphore_mem>>) attributes {dimension_semantics = [#tpu.dimension_semantics<core_parallel>, #tpu.dimension_semantics<subcore_parallel>], iteration_bounds = array<i64: 2, 16>, scalar_prefetch = 0 : i64, scratch_operands = 4 : i64, tpu.core_type = #tpu.core_type<sc_vector_subcore>, window_params = [{transform_indices = #map}, {transform_indices = #map1}, {transform_indices = #map}]} {
    %eq3A = arith.constant 0 : i32
    %eq3A_0 = arith.cmpi eq, %arg0, %eq3A : i32
    %mul3A = arith.constant 190 : i32
    %mul3A_1 = arith.muli %arg1, %mul3A : i32
    %mul3A_2 = arith.constant 10 : i32
    %mul3A_3 = arith.muli %arg1, %mul3A_2 : i32
    %add3A = arith.constant 3040 : i32
    %add3A_4 = arith.addi %add3A, %mul3A_3 : i32
    %select_n3A = arith.select %eq3A_0, %mul3A_1, %add3A_4 : i32
    %eq3A_5 = arith.constant 0 : i32
    %eq3A_6 = arith.cmpi eq, %arg0, %eq3A_5 : i32
    %jit3A = arith.constant 38 : i32
    %jit3A_7 = arith.constant 2 : i32
    %select_n3A_8 = arith.select %eq3A_6, %jit3A, %jit3A_7 : i32
    %mul3A_9 = arith.constant 2 : i32
    %mul3A_10 = arith.muli %mul3A_9, %select_n3A_8 : i32
    %while3A = arith.constant 0 : i32
    %while3A_11 = arith.constant 0 : i32
    %while3A_12 = arith.subi %mul3A_10, %while3A : i32
    %while3A_13 = arith.addi %while3A, %while3A_12 : i32
    %while3A_14 = arith.constant 1 : i32
    %while3A_15 = arith.divsi %while3A_12, %while3A_14 : i32
    %while3A_16 = arith.muli %while3A_15, %while3A_14 : i32
    %while3A_17 = arith.addi %while3A, %while3A_16 : i32
    %while3A_18 = arith.constant 1 : i32
    %while3A_19 = scf.for %while3A_44 = %while3A to %while3A_17 step %while3A_18 iter_args(%while3A_45 = %while3A_11) -> (i32)  : i32 {
      %div3A = arith.divsi %while3A_44, %select_n3A_8 : i32
      %sign3A = arith.constant 0 : i32
      %sign3A_46 = arith.cmpi sgt, %while3A_44, %sign3A : i32
      %sign3A_47 = arith.extui %sign3A_46 : i1 to i32
      %sign3A_48 = arith.constant 0 : i32
      %sign3A_49 = arith.cmpi slt, %while3A_44, %sign3A_48 : i32
      %sign3A_50 = arith.extui %sign3A_49 : i1 to i32
      %sign3A_51 = arith.subi %sign3A_47, %sign3A_50 : i32
      %sign3A_52 = arith.constant 0 : i32
      %sign3A_53 = arith.cmpi sgt, %select_n3A_8, %sign3A_52 : i32
      %sign3A_54 = arith.extui %sign3A_53 : i1 to i32
      %sign3A_55 = arith.constant 0 : i32
      %sign3A_56 = arith.cmpi slt, %select_n3A_8, %sign3A_55 : i32
      %sign3A_57 = arith.extui %sign3A_56 : i1 to i32
      %sign3A_58 = arith.subi %sign3A_54, %sign3A_57 : i32
      %ne3A = arith.cmpi ne, %sign3A_51, %sign3A_58 : i32
      %rem3A = arith.remsi %while3A_44, %select_n3A_8 : i32
      %ne3A_59 = arith.constant 0 : i32
      %ne3A_60 = arith.cmpi ne, %rem3A, %ne3A_59 : i32
      %and3A = arith.andi %ne3A, %ne3A_60 : i1
      %sub3A = arith.constant 1 : i32
      %sub3A_61 = arith.subi %div3A, %sub3A : i32
      %select_n3A_62 = arith.select %and3A, %sub3A_61, %div3A : i32
      %mul3A_63 = arith.muli %select_n3A_62, %select_n3A_8 : i32
      %sub3A_64 = arith.subi %while3A_44, %mul3A_63 : i32
      %mul3A_65 = arith.constant 5 : i32
      %mul3A_66 = arith.muli %sub3A_64, %mul3A_65 : i32
      %add3A_67 = arith.addi %select_n3A, %mul3A_66 : i32
      "tpu.region"() ({
        %run_scoped3A = tpu.sem_alloc : memref<!tpu.dma_semaphore, #tpu.memory_space<semaphore_mem>>
        %dma_start3A_372 = arith.constant 0 : i32
        %dma_start3A_373 = tpu.memref_slice %arg3[%select_n3A_62, %add3A_67, %dma_start3A_372] : memref<2x3200x128xi32, #tpu.memory_space<hbm>> -> memref<1x5x128xi32, #tpu.memory_space<hbm>>
        %dma_start3A_374 = tpu.memref_squeeze %dma_start3A_373 : memref<1x5x128xi32, #tpu.memory_space<hbm>> -> memref<5x128xi32, #tpu.memory_space<hbm>>
        %dma_start3A_375 = arith.constant 0 : i32
        %dma_start3A_376 = tpu.memref_slice %arg3[%select_n3A_62, %add3A_67, %dma_start3A_375] : memref<2x3200x128xi32, #tpu.memory_space<hbm>> -> memref<1x5x128xi32, #tpu.memory_space<hbm>>
        %dma_start3A_377 = tpu.memref_squeeze %dma_start3A_376 : memref<1x5x128xi32, #tpu.memory_space<hbm>> -> memref<5x128xi32, #tpu.memory_space<hbm>>
        tpu.enqueue_dma source(%dma_start3A_377 : memref<5x128xi32, #tpu.memory_space<hbm>>) target(%arg5 : memref<5x128xi32, #tpu.memory_space<vmem>>) target_semaphore(%run_scoped3A : memref<!tpu.dma_semaphore, #tpu.memory_space<semaphore_mem>>)
        %dma_wait3A_378 = arith.constant 0 : i32
        %dma_wait3A_379 = tpu.memref_slice %arg3[%select_n3A_62, %add3A_67, %dma_wait3A_378] : memref<2x3200x128xi32, #tpu.memory_space<hbm>> -> memref<1x5x128xi32, #tpu.memory_space<hbm>>
        %dma_wait3A_380 = tpu.memref_squeeze %dma_wait3A_379 : memref<1x5x128xi32, #tpu.memory_space<hbm>> -> memref<5x128xi32, #tpu.memory_space<hbm>>
        %dma_wait3A_381 = arith.constant 0 : i32
        %dma_wait3A_382 = tpu.memref_slice %arg3[%select_n3A_62, %add3A_67, %dma_wait3A_381] : memref<2x3200x128xi32, #tpu.memory_space<hbm>> -> memref<1x5x128xi32, #tpu.memory_space<hbm>>
        %dma_wait3A_383 = tpu.memref_squeeze %dma_wait3A_382 : memref<1x5x128xi32, #tpu.memory_space<hbm>> -> memref<5x128xi32, #tpu.memory_space<hbm>>
        tpu.wait_dma2 semaphore(%run_scoped3A : memref<!tpu.dma_semaphore, #tpu.memory_space<semaphore_mem>>) src(%dma_wait3A_383 : memref<5x128xi32, #tpu.memory_space<hbm>>) dst(%arg5 : memref<5x128xi32, #tpu.memory_space<vmem>>)
        tpu.yield
      }) : () -> ()
      %gt3A_68 = arith.constant 0 : i32
      %gt3A_69 = arith.cmpi sgt, %while3A_44, %gt3A_68 : i32
      %convert_element_type3A_70 = arith.extui %gt3A_69 : i1 to i32
      %cond3A_71 = arith.constant 0 : i32
      %cond3A_72 = arith.cmpi ne, %convert_element_type3A_70, %cond3A_71 : i32
      scf.if %cond3A_72 {
        %dma_wait3A_372 = arith.constant 0 : i32
        %dma_wait3A_373 = arith.constant 0 : i32
        %dma_wait3A_374 = arith.constant 0 : i32
        %dma_wait3A_375 = arith.constant 0 : i32
        %dma_wait3A_376 = tpu.memref_slice %arg6[%dma_wait3A_372, %dma_wait3A_374, %dma_wait3A_375] : memref<5x128x128xf32, #tpu.memory_space<vmem>> -> memref<1x128x128xf32, #tpu.memory_space<vmem>>
        %dma_wait3A_377 = tpu.memref_squeeze %dma_wait3A_376 : memref<1x128x128xf32, #tpu.memory_space<vmem>> -> memref<128x128xf32, #tpu.memory_space<vmem>>
        %dma_wait3A_378 = arith.constant 0 : i32
        %dma_wait3A_379 = arith.constant 0 : i32
        %dma_wait3A_380 = tpu.memref_slice %arg4[%dma_wait3A_378, %dma_wait3A_379] : memref<819200x128xf32, #tpu.memory_space<hbm>> -> memref<128x128xf32, #tpu.memory_space<hbm>>
        %dma_wait3A_381 = tpu.memref_slice %arg8[%dma_wait3A_373] : memref<5x!tpu.dma_semaphore, #tpu.memory_space<semaphore_mem>> -> memref<1x!tpu.dma_semaphore, #tpu.memory_space<semaphore_mem>>
        %dma_wait3A_382 = tpu.memref_squeeze %dma_wait3A_381 : memref<1x!tpu.dma_semaphore, #tpu.memory_space<semaphore_mem>> -> memref<!tpu.dma_semaphore, #tpu.memory_space<semaphore_mem>>
        %dma_wait3A_383 = arith.constant 0 : i32
        %dma_wait3A_384 = arith.constant 0 : i32
        %dma_wait3A_385 = tpu.memref_slice %arg4[%dma_wait3A_383, %dma_wait3A_384] : memref<819200x128xf32, #tpu.memory_space<hbm>> -> memref<128x128xf32, #tpu.memory_space<hbm>>
        %dma_wait3A_386 = arith.constant 0 : i32
        %dma_wait3A_387 = arith.constant 0 : i32
        %dma_wait3A_388 = tpu.memref_slice %arg6[%dma_wait3A_372, %dma_wait3A_386, %dma_wait3A_387] : memref<5x128x128xf32, #tpu.memory_space<vmem>> -> memref<1x128x128xf32, #tpu.memory_space<vmem>>
        %dma_wait3A_389 = tpu.memref_squeeze %dma_wait3A_388 : memref<1x128x128xf32, #tpu.memory_space<vmem>> -> memref<128x128xf32, #tpu.memory_space<vmem>>
        tpu.wait_dma2 semaphore(%dma_wait3A_382 : memref<!tpu.dma_semaphore, #tpu.memory_space<semaphore_mem>>) src(%dma_wait3A_389 : memref<128x128xf32, #tpu.memory_space<vmem>>) dst(%dma_wait3A_385 : memref<128x128xf32, #tpu.memory_space<hbm>>)
      } else {
      }
      %dma_start3A = arith.constant 0 : i32
      %dma_start3A_73 = arith.constant 0 : i32
      %dma_start3A_74 = arith.constant 0 : i32
      %dma_start3A_75 = arith.constant 0 : i32
      %dma_start3A_76 = arith.constant 0 : i32
      %dma_start3A_77 = tpu.memref_slice %arg6[%dma_start3A_73, %dma_start3A_75, %dma_start3A_76] : memref<5x128x128xf32, #tpu.memory_space<vmem>> -> memref<1x128x128xf32, #tpu.memory_space<vmem>>
      %dma_start3A_78 = tpu.memref_squeeze %dma_start3A_77 : memref<1x128x128xf32, #tpu.memory_space<vmem>> -> memref<128x128xf32, #tpu.memory_space<vmem>>
      %dma_start3A_79 = arith.constant 0 : i32
      %dma_start3A_80 = tpu.memref_slice %arg5[%dma_start3A, %dma_start3A_79] : memref<5x128xi32, #tpu.memory_space<vmem>> -> memref<1x128xi32, #tpu.memory_space<vmem>>
      %dma_start3A_81 = tpu.memref_squeeze %dma_start3A_80 : memref<1x128xi32, #tpu.memory_space<vmem>> -> memref<128xi32, #tpu.memory_space<vmem>>
      %dma_start3A_82 = arith.constant 0 : i32
      %dma_start3A_83 = arith.constant 0 : i32
      %dma_start3A_84 = tpu.memref_slice %arg2[%dma_start3A_82, %dma_start3A_83] : memref<50000x128xf32, #tpu.memory_space<hbm>> -> memref<50000x128xf32, #tpu.memory_space<hbm>>
      %dma_start3A_85 = tpu.memref_slice %arg7[%dma_start3A_74] : memref<5x!tpu.dma_semaphore, #tpu.memory_space<semaphore_mem>> -> memref<1x!tpu.dma_semaphore, #tpu.memory_space<semaphore_mem>>
      %dma_start3A_86 = tpu.memref_squeeze %dma_start3A_85 : memref<1x!tpu.dma_semaphore, #tpu.memory_space<semaphore_mem>> -> memref<!tpu.dma_semaphore, #tpu.memory_space<semaphore_mem>>
      tpu.enqueue_indirect_dma source(%dma_start3A_84 : memref<50000x128xf32, #tpu.memory_space<hbm>>) target(%dma_start3A_78 : memref<128x128xf32, #tpu.memory_space<vmem>>) offsets(%dma_start3A_81 : memref<128xi32, #tpu.memory_space<vmem>>) semaphore(%dma_start3A_86 : memref<!tpu.dma_semaphore, #tpu.memory_space<semaphore_mem>>)
      %gt3A_87 = arith.constant 0 : i32
      %gt3A_88 = arith.cmpi sgt, %while3A_44, %gt3A_87 : i32
      %convert_element_type3A_89 = arith.extui %gt3A_88 : i1 to i32
      %cond3A_90 = arith.constant 0 : i32
      %cond3A_91 = arith.cmpi ne, %convert_element_type3A_89, %cond3A_90 : i32
      scf.if %cond3A_91 {
        %dma_wait3A_372 = arith.constant 1 : i32
        %dma_wait3A_373 = arith.constant 1 : i32
        %dma_wait3A_374 = arith.constant 0 : i32
        %dma_wait3A_375 = arith.constant 0 : i32
        %dma_wait3A_376 = tpu.memref_slice %arg6[%dma_wait3A_372, %dma_wait3A_374, %dma_wait3A_375] : memref<5x128x128xf32, #tpu.memory_space<vmem>> -> memref<1x128x128xf32, #tpu.memory_space<vmem>>
        %dma_wait3A_377 = tpu.memref_squeeze %dma_wait3A_376 : memref<1x128x128xf32, #tpu.memory_space<vmem>> -> memref<128x128xf32, #tpu.memory_space<vmem>>
        %dma_wait3A_378 = arith.constant 0 : i32
        %dma_wait3A_379 = arith.constant 0 : i32
        %dma_wait3A_380 = tpu.memref_slice %arg4[%dma_wait3A_378, %dma_wait3A_379] : memref<819200x128xf32, #tpu.memory_space<hbm>> -> memref<128x128xf32, #tpu.memory_space<hbm>>
        %dma_wait3A_381 = tpu.memref_slice %arg8[%dma_wait3A_373] : memref<5x!tpu.dma_semaphore, #tpu.memory_space<semaphore_mem>> -> memref<1x!tpu.dma_semaphore, #tpu.memory_space<semaphore_mem>>
        %dma_wait3A_382 = tpu.memref_squeeze %dma_wait3A_381 : memref<1x!tpu.dma_semaphore, #tpu.memory_space<semaphore_mem>> -> memref<!tpu.dma_semaphore, #tpu.memory_space<semaphore_mem>>
        %dma_wait3A_383 = arith.constant 0 : i32
        %dma_wait3A_384 = arith.constant 0 : i32
        %dma_wait3A_385 = tpu.memref_slice %arg4[%dma_wait3A_383, %dma_wait3A_384] : memref<819200x128xf32, #tpu.memory_space<hbm>> -> memref<128x128xf32, #tpu.memory_space<hbm>>
        %dma_wait3A_386 = arith.constant 0 : i32
        %dma_wait3A_387 = arith.constant 0 : i32
        %dma_wait3A_388 = tpu.memref_slice %arg6[%dma_wait3A_372, %dma_wait3A_386, %dma_wait3A_387] : memref<5x128x128xf32, #tpu.memory_space<vmem>> -> memref<1x128x128xf32, #tpu.memory_space<vmem>>
        %dma_wait3A_389 = tpu.memref_squeeze %dma_wait3A_388 : memref<1x128x128xf32, #tpu.memory_space<vmem>> -> memref<128x128xf32, #tpu.memory_space<vmem>>
        tpu.wait_dma2 semaphore(%dma_wait3A_382 : memref<!tpu.dma_semaphore, #tpu.memory_space<semaphore_mem>>) src(%dma_wait3A_389 : memref<128x128xf32, #tpu.memory_space<vmem>>) dst(%dma_wait3A_385 : memref<128x128xf32, #tpu.memory_space<hbm>>)
      } else {
      }
      %dma_start3A_92 = arith.constant 1 : i32
      %dma_start3A_93 = arith.constant 1 : i32
      %dma_start3A_94 = arith.constant 1 : i32
      %dma_start3A_95 = arith.constant 0 : i32
      %dma_start3A_96 = arith.constant 0 : i32
      %dma_start3A_97 = tpu.memref_slice %arg6[%dma_start3A_93, %dma_start3A_95, %dma_start3A_96] : memref<5x128x128xf32, #tpu.memory_space<vmem>> -> memref<1x128x128xf32, #tpu.memory_space<vmem>>
      %dma_start3A_98 = tpu.memref_squeeze %dma_start3A_97 : memref<1x128x128xf32, #tpu.memory_space<vmem>> -> memref<128x128xf32, #tpu.memory_space<vmem>>
      %dma_start3A_99 = arith.constant 0 : i32
      %dma_start3A_100 = tpu.memref_slice %arg5[%dma_start3A_92, %dma_start3A_99] : memref<5x128xi32, #tpu.memory_space<vmem>> -> memref<1x128xi32, #tpu.memory_space<vmem>>
      %dma_start3A_101 = tpu.memref_squeeze %dma_start3A_100 : memref<1x128xi32, #tpu.memory_space<vmem>> -> memref<128xi32, #tpu.memory_space<vmem>>
      %dma_start3A_102 = arith.constant 0 : i32
      %dma_start3A_103 = arith.constant 0 : i32
      %dma_start3A_104 = tpu.memref_slice %arg2[%dma_start3A_102, %dma_start3A_103] : memref<50000x128xf32, #tpu.memory_space<hbm>> -> memref<50000x128xf32, #tpu.memory_space<hbm>>
      %dma_start3A_105 = tpu.memref_slice %arg7[%dma_start3A_94] : memref<5x!tpu.dma_semaphore, #tpu.memory_space<semaphore_mem>> -> memref<1x!tpu.dma_semaphore, #tpu.memory_space<semaphore_mem>>
      %dma_start3A_106 = tpu.memref_squeeze %dma_start3A_105 : memref<1x!tpu.dma_semaphore, #tpu.memory_space<semaphore_mem>> -> memref<!tpu.dma_semaphore, #tpu.memory_space<semaphore_mem>>
      tpu.enqueue_indirect_dma source(%dma_start3A_104 : memref<50000x128xf32, #tpu.memory_space<hbm>>) target(%dma_start3A_98 : memref<128x128xf32, #tpu.memory_space<vmem>>) offsets(%dma_start3A_101 : memref<128xi32, #tpu.memory_space<vmem>>) semaphore(%dma_start3A_106 : memref<!tpu.dma_semaphore, #tpu.memory_space<semaphore_mem>>)
      %gt3A_107 = arith.constant 0 : i32
      %gt3A_108 = arith.cmpi sgt, %while3A_44, %gt3A_107 : i32
      %convert_element_type3A_109 = arith.extui %gt3A_108 : i1 to i32
      %cond3A_110 = arith.constant 0 : i32
      %cond3A_111 = arith.cmpi ne, %convert_element_type3A_109, %cond3A_110 : i32
      scf.if %cond3A_111 {
        %dma_wait3A_372 = arith.constant 2 : i32
        %dma_wait3A_373 = arith.constant 2 : i32
        %dma_wait3A_374 = arith.constant 0 : i32
        %dma_wait3A_375 = arith.constant 0 : i32
        %dma_wait3A_376 = tpu.memref_slice %arg6[%dma_wait3A_372, %dma_wait3A_374, %dma_wait3A_375] : memref<5x128x128xf32, #tpu.memory_space<vmem>> -> memref<1x128x128xf32, #tpu.memory_space<vmem>>
        %dma_wait3A_377 = tpu.memref_squeeze %dma_wait3A_376 : memref<1x128x128xf32, #tpu.memory_space<vmem>> -> memref<128x128xf32, #tpu.memory_space<vmem>>
        %dma_wait3A_378 = arith.constant 0 : i32
        %dma_wait3A_379 = arith.constant 0 : i32
        %dma_wait3A_380 = tpu.memref_slice %arg4[%dma_wait3A_378, %dma_wait3A_379] : memref<819200x128xf32, #tpu.memory_space<hbm>> -> memref<128x128xf32, #tpu.memory_space<hbm>>
        %dma_wait3A_381 = tpu.memref_slice %arg8[%dma_wait3A_373] : memref<5x!tpu.dma_semaphore, #tpu.memory_space<semaphore_mem>> -> memref<1x!tpu.dma_semaphore, #tpu.memory_space<semaphore_mem>>
        %dma_wait3A_382 = tpu.memref_squeeze %dma_wait3A_381 : memref<1x!tpu.dma_semaphore, #tpu.memory_space<semaphore_mem>> -> memref<!tpu.dma_semaphore, #tpu.memory_space<semaphore_mem>>
        %dma_wait3A_383 = arith.constant 0 : i32
        %dma_wait3A_384 = arith.constant 0 : i32
        %dma_wait3A_385 = tpu.memref_slice %arg4[%dma_wait3A_383, %dma_wait3A_384] : memref<819200x128xf32, #tpu.memory_space<hbm>> -> memref<128x128xf32, #tpu.memory_space<hbm>>
        %dma_wait3A_386 = arith.constant 0 : i32
        %dma_wait3A_387 = arith.constant 0 : i32
        %dma_wait3A_388 = tpu.memref_slice %arg6[%dma_wait3A_372, %dma_wait3A_386, %dma_wait3A_387] : memref<5x128x128xf32, #tpu.memory_space<vmem>> -> memref<1x128x128xf32, #tpu.memory_space<vmem>>
        %dma_wait3A_389 = tpu.memref_squeeze %dma_wait3A_388 : memref<1x128x128xf32, #tpu.memory_space<vmem>> -> memref<128x128xf32, #tpu.memory_space<vmem>>
        tpu.wait_dma2 semaphore(%dma_wait3A_382 : memref<!tpu.dma_semaphore, #tpu.memory_space<semaphore_mem>>) src(%dma_wait3A_389 : memref<128x128xf32, #tpu.memory_space<vmem>>) dst(%dma_wait3A_385 : memref<128x128xf32, #tpu.memory_space<hbm>>)
      } else {
      }
      %dma_start3A_112 = arith.constant 2 : i32
      %dma_start3A_113 = arith.constant 2 : i32
      %dma_start3A_114 = arith.constant 2 : i32
      %dma_start3A_115 = arith.constant 0 : i32
      %dma_start3A_116 = arith.constant 0 : i32
      %dma_start3A_117 = tpu.memref_slice %arg6[%dma_start3A_113, %dma_start3A_115, %dma_start3A_116] : memref<5x128x128xf32, #tpu.memory_space<vmem>> -> memref<1x128x128xf32, #tpu.memory_space<vmem>>
      %dma_start3A_118 = tpu.memref_squeeze %dma_start3A_117 : memref<1x128x128xf32, #tpu.memory_space<vmem>> -> memref<128x128xf32, #tpu.memory_space<vmem>>
      %dma_start3A_119 = arith.constant 0 : i32
      %dma_start3A_120 = tpu.memref_slice %arg5[%dma_start3A_112, %dma_start3A_119] : memref<5x128xi32, #tpu.memory_space<vmem>> -> memref<1x128xi32, #tpu.memory_space<vmem>>
      %dma_start3A_121 = tpu.memref_squeeze %dma_start3A_120 : memref<1x128xi32, #tpu.memory_space<vmem>> -> memref<128xi32, #tpu.memory_space<vmem>>
      %dma_start3A_122 = arith.constant 0 : i32
      %dma_start3A_123 = arith.constant 0 : i32
      %dma_start3A_124 = tpu.memref_slice %arg2[%dma_start3A_122, %dma_start3A_123] : memref<50000x128xf32, #tpu.memory_space<hbm>> -> memref<50000x128xf32, #tpu.memory_space<hbm>>
      %dma_start3A_125 = tpu.memref_slice %arg7[%dma_start3A_114] : memref<5x!tpu.dma_semaphore, #tpu.memory_space<semaphore_mem>> -> memref<1x!tpu.dma_semaphore, #tpu.memory_space<semaphore_mem>>
      %dma_start3A_126 = tpu.memref_squeeze %dma_start3A_125 : memref<1x!tpu.dma_semaphore, #tpu.memory_space<semaphore_mem>> -> memref<!tpu.dma_semaphore, #tpu.memory_space<semaphore_mem>>
      tpu.enqueue_indirect_dma source(%dma_start3A_124 : memref<50000x128xf32, #tpu.memory_space<hbm>>) target(%dma_start3A_118 : memref<128x128xf32, #tpu.memory_space<vmem>>) offsets(%dma_start3A_121 : memref<128xi32, #tpu.memory_space<vmem>>) semaphore(%dma_start3A_126 : memref<!tpu.dma_semaphore, #tpu.memory_space<semaphore_mem>>)
      %gt3A_127 = arith.constant 0 : i32
      %gt3A_128 = arith.cmpi sgt, %while3A_44, %gt3A_127 : i32
      %convert_element_type3A_129 = arith.extui %gt3A_128 : i1 to i32
      %cond3A_130 = arith.constant 0 : i32
      %cond3A_131 = arith.cmpi ne, %convert_element_type3A_129, %cond3A_130 : i32
      scf.if %cond3A_131 {
        %dma_wait3A_372 = arith.constant 3 : i32
        %dma_wait3A_373 = arith.constant 3 : i32
        %dma_wait3A_374 = arith.constant 0 : i32
        %dma_wait3A_375 = arith.constant 0 : i32
        %dma_wait3A_376 = tpu.memref_slice %arg6[%dma_wait3A_372, %dma_wait3A_374, %dma_wait3A_375] : memref<5x128x128xf32, #tpu.memory_space<vmem>> -> memref<1x128x128xf32, #tpu.memory_space<vmem>>
        %dma_wait3A_377 = tpu.memref_squeeze %dma_wait3A_376 : memref<1x128x128xf32, #tpu.memory_space<vmem>> -> memref<128x128xf32, #tpu.memory_space<vmem>>
        %dma_wait3A_378 = arith.constant 0 : i32
        %dma_wait3A_379 = arith.constant 0 : i32
        %dma_wait3A_380 = tpu.memref_slice %arg4[%dma_wait3A_378, %dma_wait3A_379] : memref<819200x128xf32, #tpu.memory_space<hbm>> -> memref<128x128xf32, #tpu.memory_space<hbm>>
        %dma_wait3A_381 = tpu.memref_slice %arg8[%dma_wait3A_373] : memref<5x!tpu.dma_semaphore, #tpu.memory_space<semaphore_mem>> -> memref<1x!tpu.dma_semaphore, #tpu.memory_space<semaphore_mem>>
        %dma_wait3A_382 = tpu.memref_squeeze %dma_wait3A_381 : memref<1x!tpu.dma_semaphore, #tpu.memory_space<semaphore_mem>> -> memref<!tpu.dma_semaphore, #tpu.memory_space<semaphore_mem>>
        %dma_wait3A_383 = arith.constant 0 : i32
        %dma_wait3A_384 = arith.constant 0 : i32
        %dma_wait3A_385 = tpu.memref_slice %arg4[%dma_wait3A_383, %dma_wait3A_384] : memref<819200x128xf32, #tpu.memory_space<hbm>> -> memref<128x128xf32, #tpu.memory_space<hbm>>
        %dma_wait3A_386 = arith.constant 0 : i32
        %dma_wait3A_387 = arith.constant 0 : i32
        %dma_wait3A_388 = tpu.memref_slice %arg6[%dma_wait3A_372, %dma_wait3A_386, %dma_wait3A_387] : memref<5x128x128xf32, #tpu.memory_space<vmem>> -> memref<1x128x128xf32, #tpu.memory_space<vmem>>
        %dma_wait3A_389 = tpu.memref_squeeze %dma_wait3A_388 : memref<1x128x128xf32, #tpu.memory_space<vmem>> -> memref<128x128xf32, #tpu.memory_space<vmem>>
        tpu.wait_dma2 semaphore(%dma_wait3A_382 : memref<!tpu.dma_semaphore, #tpu.memory_space<semaphore_mem>>) src(%dma_wait3A_389 : memref<128x128xf32, #tpu.memory_space<vmem>>) dst(%dma_wait3A_385 : memref<128x128xf32, #tpu.memory_space<hbm>>)
      } else {
      }
      %dma_start3A_132 = arith.constant 3 : i32
      %dma_start3A_133 = arith.constant 3 : i32
      %dma_start3A_134 = arith.constant 3 : i32
      %dma_start3A_135 = arith.constant 0 : i32
      %dma_start3A_136 = arith.constant 0 : i32
      %dma_start3A_137 = tpu.memref_slice %arg6[%dma_start3A_133, %dma_start3A_135, %dma_start3A_136] : memref<5x128x128xf32, #tpu.memory_space<vmem>> -> memref<1x128x128xf32, #tpu.memory_space<vmem>>
      %dma_start3A_138 = tpu.memref_squeeze %dma_start3A_137 : memref<1x128x128xf32, #tpu.memory_space<vmem>> -> memref<128x128xf32, #tpu.memory_space<vmem>>
      %dma_start3A_139 = arith.constant 0 : i32
      %dma_start3A_140 = tpu.memref_slice %arg5[%dma_start3A_132, %dma_start3A_139] : memref<5x128xi32, #tpu.memory_space<vmem>> -> memref<1x128xi32, #tpu.memory_space<vmem>>
      %dma_start3A_141 = tpu.memref_squeeze %dma_start3A_140 : memref<1x128xi32, #tpu.memory_space<vmem>> -> memref<128xi32, #tpu.memory_space<vmem>>
      %dma_start3A_142 = arith.constant 0 : i32
      %dma_start3A_143 = arith.constant 0 : i32
      %dma_start3A_144 = tpu.memref_slice %arg2[%dma_start3A_142, %dma_start3A_143] : memref<50000x128xf32, #tpu.memory_space<hbm>> -> memref<50000x128xf32, #tpu.memory_space<hbm>>
      %dma_start3A_145 = tpu.memref_slice %arg7[%dma_start3A_134] : memref<5x!tpu.dma_semaphore, #tpu.memory_space<semaphore_mem>> -> memref<1x!tpu.dma_semaphore, #tpu.memory_space<semaphore_mem>>
      %dma_start3A_146 = tpu.memref_squeeze %dma_start3A_145 : memref<1x!tpu.dma_semaphore, #tpu.memory_space<semaphore_mem>> -> memref<!tpu.dma_semaphore, #tpu.memory_space<semaphore_mem>>
      tpu.enqueue_indirect_dma source(%dma_start3A_144 : memref<50000x128xf32, #tpu.memory_space<hbm>>) target(%dma_start3A_138 : memref<128x128xf32, #tpu.memory_space<vmem>>) offsets(%dma_start3A_141 : memref<128xi32, #tpu.memory_space<vmem>>) semaphore(%dma_start3A_146 : memref<!tpu.dma_semaphore, #tpu.memory_space<semaphore_mem>>)
      %gt3A_147 = arith.constant 0 : i32
      %gt3A_148 = arith.cmpi sgt, %while3A_44, %gt3A_147 : i32
      %convert_element_type3A_149 = arith.extui %gt3A_148 : i1 to i32
      %cond3A_150 = arith.constant 0 : i32
      %cond3A_151 = arith.cmpi ne, %convert_element_type3A_149, %cond3A_150 : i32
      scf.if %cond3A_151 {
        %dma_wait3A_372 = arith.constant 4 : i32
        %dma_wait3A_373 = arith.constant 4 : i32
        %dma_wait3A_374 = arith.constant 0 : i32
        %dma_wait3A_375 = arith.constant 0 : i32
        %dma_wait3A_376 = tpu.memref_slice %arg6[%dma_wait3A_372, %dma_wait3A_374, %dma_wait3A_375] : memref<5x128x128xf32, #tpu.memory_space<vmem>> -> memref<1x128x128xf32, #tpu.memory_space<vmem>>
        %dma_wait3A_377 = tpu.memref_squeeze %dma_wait3A_376 : memref<1x128x128xf32, #tpu.memory_space<vmem>> -> memref<128x128xf32, #tpu.memory_space<vmem>>
        %dma_wait3A_378 = arith.constant 0 : i32
        %dma_wait3A_379 = arith.constant 0 : i32
        %dma_wait3A_380 = tpu.memref_slice %arg4[%dma_wait3A_378, %dma_wait3A_379] : memref<819200x128xf32, #tpu.memory_space<hbm>> -> memref<128x128xf32, #tpu.memory_space<hbm>>
        %dma_wait3A_381 = tpu.memref_slice %arg8[%dma_wait3A_373] : memref<5x!tpu.dma_semaphore, #tpu.memory_space<semaphore_mem>> -> memref<1x!tpu.dma_semaphore, #tpu.memory_space<semaphore_mem>>
        %dma_wait3A_382 = tpu.memref_squeeze %dma_wait3A_381 : memref<1x!tpu.dma_semaphore, #tpu.memory_space<semaphore_mem>> -> memref<!tpu.dma_semaphore, #tpu.memory_space<semaphore_mem>>
        %dma_wait3A_383 = arith.constant 0 : i32
        %dma_wait3A_384 = arith.constant 0 : i32
        %dma_wait3A_385 = tpu.memref_slice %arg4[%dma_wait3A_383, %dma_wait3A_384] : memref<819200x128xf32, #tpu.memory_space<hbm>> -> memref<128x128xf32, #tpu.memory_space<hbm>>
        %dma_wait3A_386 = arith.constant 0 : i32
        %dma_wait3A_387 = arith.constant 0 : i32
        %dma_wait3A_388 = tpu.memref_slice %arg6[%dma_wait3A_372, %dma_wait3A_386, %dma_wait3A_387] : memref<5x128x128xf32, #tpu.memory_space<vmem>> -> memref<1x128x128xf32, #tpu.memory_space<vmem>>
        %dma_wait3A_389 = tpu.memref_squeeze %dma_wait3A_388 : memref<1x128x128xf32, #tpu.memory_space<vmem>> -> memref<128x128xf32, #tpu.memory_space<vmem>>
        tpu.wait_dma2 semaphore(%dma_wait3A_382 : memref<!tpu.dma_semaphore, #tpu.memory_space<semaphore_mem>>) src(%dma_wait3A_389 : memref<128x128xf32, #tpu.memory_space<vmem>>) dst(%dma_wait3A_385 : memref<128x128xf32, #tpu.memory_space<hbm>>)
      } else {
      }
      %dma_start3A_152 = arith.constant 4 : i32
      %dma_start3A_153 = arith.constant 4 : i32
      %dma_start3A_154 = arith.constant 4 : i32
      %dma_start3A_155 = arith.constant 0 : i32
      %dma_start3A_156 = arith.constant 0 : i32
      %dma_start3A_157 = tpu.memref_slice %arg6[%dma_start3A_153, %dma_start3A_155, %dma_start3A_156] : memref<5x128x128xf32, #tpu.memory_space<vmem>> -> memref<1x128x128xf32, #tpu.memory_space<vmem>>
      %dma_start3A_158 = tpu.memref_squeeze %dma_start3A_157 : memref<1x128x128xf32, #tpu.memory_space<vmem>> -> memref<128x128xf32, #tpu.memory_space<vmem>>
      %dma_start3A_159 = arith.constant 0 : i32
      %dma_start3A_160 = tpu.memref_slice %arg5[%dma_start3A_152, %dma_start3A_159] : memref<5x128xi32, #tpu.memory_space<vmem>> -> memref<1x128xi32, #tpu.memory_space<vmem>>
      %dma_start3A_161 = tpu.memref_squeeze %dma_start3A_160 : memref<1x128xi32, #tpu.memory_space<vmem>> -> memref<128xi32, #tpu.memory_space<vmem>>
      %dma_start3A_162 = arith.constant 0 : i32
      %dma_start3A_163 = arith.constant 0 : i32
      %dma_start3A_164 = tpu.memref_slice %arg2[%dma_start3A_162, %dma_start3A_163] : memref<50000x128xf32, #tpu.memory_space<hbm>> -> memref<50000x128xf32, #tpu.memory_space<hbm>>
      %dma_start3A_165 = tpu.memref_slice %arg7[%dma_start3A_154] : memref<5x!tpu.dma_semaphore, #tpu.memory_space<semaphore_mem>> -> memref<1x!tpu.dma_semaphore, #tpu.memory_space<semaphore_mem>>
      %dma_start3A_166 = tpu.memref_squeeze %dma_start3A_165 : memref<1x!tpu.dma_semaphore, #tpu.memory_space<semaphore_mem>> -> memref<!tpu.dma_semaphore, #tpu.memory_space<semaphore_mem>>
      tpu.enqueue_indirect_dma source(%dma_start3A_164 : memref<50000x128xf32, #tpu.memory_space<hbm>>) target(%dma_start3A_158 : memref<128x128xf32, #tpu.memory_space<vmem>>) offsets(%dma_start3A_161 : memref<128xi32, #tpu.memory_space<vmem>>) semaphore(%dma_start3A_166 : memref<!tpu.dma_semaphore, #tpu.memory_space<semaphore_mem>>)
      %dma_wait3A = arith.constant 0 : i32
      %dma_wait3A_167 = arith.constant 0 : i32
      %dma_wait3A_168 = arith.constant 0 : i32
      %dma_wait3A_169 = arith.constant 0 : i32
      %dma_wait3A_170 = arith.constant 0 : i32
      %dma_wait3A_171 = tpu.memref_slice %arg6[%dma_wait3A_167, %dma_wait3A_169, %dma_wait3A_170] : memref<5x128x128xf32, #tpu.memory_space<vmem>> -> memref<1x128x128xf32, #tpu.memory_space<vmem>>
      %dma_wait3A_172 = tpu.memref_squeeze %dma_wait3A_171 : memref<1x128x128xf32, #tpu.memory_space<vmem>> -> memref<128x128xf32, #tpu.memory_space<vmem>>
      %dma_wait3A_173 = arith.constant 0 : i32
      %dma_wait3A_174 = tpu.memref_slice %arg5[%dma_wait3A, %dma_wait3A_173] : memref<5x128xi32, #tpu.memory_space<vmem>> -> memref<1x128xi32, #tpu.memory_space<vmem>>
      %dma_wait3A_175 = tpu.memref_squeeze %dma_wait3A_174 : memref<1x128xi32, #tpu.memory_space<vmem>> -> memref<128xi32, #tpu.memory_space<vmem>>
      %dma_wait3A_176 = arith.constant 0 : i32
      %dma_wait3A_177 = arith.constant 0 : i32
      %dma_wait3A_178 = tpu.memref_slice %arg2[%dma_wait3A_176, %dma_wait3A_177] : memref<50000x128xf32, #tpu.memory_space<hbm>> -> memref<50000x128xf32, #tpu.memory_space<hbm>>
      %dma_wait3A_179 = tpu.memref_slice %arg7[%dma_wait3A_168] : memref<5x!tpu.dma_semaphore, #tpu.memory_space<semaphore_mem>> -> memref<1x!tpu.dma_semaphore, #tpu.memory_space<semaphore_mem>>
      %dma_wait3A_180 = tpu.memref_squeeze %dma_wait3A_179 : memref<1x!tpu.dma_semaphore, #tpu.memory_space<semaphore_mem>> -> memref<!tpu.dma_semaphore, #tpu.memory_space<semaphore_mem>>
      tpu.wait_indirect_dma semaphore(%dma_wait3A_180 : memref<!tpu.dma_semaphore, #tpu.memory_space<semaphore_mem>>) src(%dma_wait3A_178 : memref<50000x128xf32, #tpu.memory_space<hbm>>) dst(%dma_wait3A_172 : memref<128x128xf32, #tpu.memory_space<vmem>>)
      %mul3A_181 = arith.constant 409600 : i32
      %mul3A_182 = arith.muli %select_n3A_62, %mul3A_181 : i32
      %mul3A_183 = arith.constant 5 : i32
      %mul3A_184 = arith.muli %sub3A_64, %mul3A_183 : i32
      %add3A_185 = arith.addi %select_n3A, %mul3A_184 : i32
      %add3A_186 = arith.constant 0 : i32
      %add3A_187 = arith.addi %add3A_185, %add3A_186 : i32
      %mul3A_188 = arith.constant 128 : i32
      %mul3A_189 = arith.muli %add3A_187, %mul3A_188 : i32
      %add3A_190 = arith.addi %mul3A_182, %mul3A_189 : i32
      %dma_start3A_191 = arith.constant 0 : i32
      %dma_start3A_192 = arith.constant 0 : i32
      %dma_start3A_193 = arith.constant 0 : i32
      %dma_start3A_194 = arith.constant 0 : i32
      %dma_start3A_195 = tpu.memref_slice %arg6[%dma_start3A_191, %dma_start3A_193, %dma_start3A_194] : memref<5x128x128xf32, #tpu.memory_space<vmem>> -> memref<1x128x128xf32, #tpu.memory_space<vmem>>
      %dma_start3A_196 = tpu.memref_squeeze %dma_start3A_195 : memref<1x128x128xf32, #tpu.memory_space<vmem>> -> memref<128x128xf32, #tpu.memory_space<vmem>>
      %dma_start3A_197 = arith.constant 0 : i32
      %dma_start3A_198 = tpu.memref_slice %arg4[%add3A_190, %dma_start3A_197] : memref<819200x128xf32, #tpu.memory_space<hbm>> -> memref<128x128xf32, #tpu.memory_space<hbm>>
      %dma_start3A_199 = tpu.memref_slice %arg8[%dma_start3A_192] : memref<5x!tpu.dma_semaphore, #tpu.memory_space<semaphore_mem>> -> memref<1x!tpu.dma_semaphore, #tpu.memory_space<semaphore_mem>>
      %dma_start3A_200 = tpu.memref_squeeze %dma_start3A_199 : memref<1x!tpu.dma_semaphore, #tpu.memory_space<semaphore_mem>> -> memref<!tpu.dma_semaphore, #tpu.memory_space<semaphore_mem>>
      %dma_start3A_201 = arith.constant 0 : i32
      %dma_start3A_202 = tpu.memref_slice %arg4[%add3A_190, %dma_start3A_201] : memref<819200x128xf32, #tpu.memory_space<hbm>> -> memref<128x128xf32, #tpu.memory_space<hbm>>
      %dma_start3A_203 = arith.constant 0 : i32
      %dma_start3A_204 = arith.constant 0 : i32
      %dma_start3A_205 = tpu.memref_slice %arg6[%dma_start3A_191, %dma_start3A_203, %dma_start3A_204] : memref<5x128x128xf32, #tpu.memory_space<vmem>> -> memref<1x128x128xf32, #tpu.memory_space<vmem>>
      %dma_start3A_206 = tpu.memref_squeeze %dma_start3A_205 : memref<1x128x128xf32, #tpu.memory_space<vmem>> -> memref<128x128xf32, #tpu.memory_space<vmem>>
      tpu.enqueue_dma source(%dma_start3A_206 : memref<128x128xf32, #tpu.memory_space<vmem>>) target(%dma_start3A_202 : memref<128x128xf32, #tpu.memory_space<hbm>>) target_semaphore(%dma_start3A_200 : memref<!tpu.dma_semaphore, #tpu.memory_space<semaphore_mem>>)
      %dma_wait3A_207 = arith.constant 1 : i32
      %dma_wait3A_208 = arith.constant 1 : i32
      %dma_wait3A_209 = arith.constant 1 : i32
      %dma_wait3A_210 = arith.constant 0 : i32
      %dma_wait3A_211 = arith.constant 0 : i32
      %dma_wait3A_212 = tpu.memref_slice %arg6[%dma_wait3A_208, %dma_wait3A_210, %dma_wait3A_211] : memref<5x128x128xf32, #tpu.memory_space<vmem>> -> memref<1x128x128xf32, #tpu.memory_space<vmem>>
      %dma_wait3A_213 = tpu.memref_squeeze %dma_wait3A_212 : memref<1x128x128xf32, #tpu.memory_space<vmem>> -> memref<128x128xf32, #tpu.memory_space<vmem>>
      %dma_wait3A_214 = arith.constant 0 : i32
      %dma_wait3A_215 = tpu.memref_slice %arg5[%dma_wait3A_207, %dma_wait3A_214] : memref<5x128xi32, #tpu.memory_space<vmem>> -> memref<1x128xi32, #tpu.memory_space<vmem>>
      %dma_wait3A_216 = tpu.memref_squeeze %dma_wait3A_215 : memref<1x128xi32, #tpu.memory_space<vmem>> -> memref<128xi32, #tpu.memory_space<vmem>>
      %dma_wait3A_217 = arith.constant 0 : i32
      %dma_wait3A_218 = arith.constant 0 : i32
      %dma_wait3A_219 = tpu.memref_slice %arg2[%dma_wait3A_217, %dma_wait3A_218] : memref<50000x128xf32, #tpu.memory_space<hbm>> -> memref<50000x128xf32, #tpu.memory_space<hbm>>
      %dma_wait3A_220 = tpu.memref_slice %arg7[%dma_wait3A_209] : memref<5x!tpu.dma_semaphore, #tpu.memory_space<semaphore_mem>> -> memref<1x!tpu.dma_semaphore, #tpu.memory_space<semaphore_mem>>
      %dma_wait3A_221 = tpu.memref_squeeze %dma_wait3A_220 : memref<1x!tpu.dma_semaphore, #tpu.memory_space<semaphore_mem>> -> memref<!tpu.dma_semaphore, #tpu.memory_space<semaphore_mem>>
      tpu.wait_indirect_dma semaphore(%dma_wait3A_221 : memref<!tpu.dma_semaphore, #tpu.memory_space<semaphore_mem>>) src(%dma_wait3A_219 : memref<50000x128xf32, #tpu.memory_space<hbm>>) dst(%dma_wait3A_213 : memref<128x128xf32, #tpu.memory_space<vmem>>)
      %mul3A_222 = arith.constant 409600 : i32
      %mul3A_223 = arith.muli %select_n3A_62, %mul3A_222 : i32
      %mul3A_224 = arith.constant 5 : i32
      %mul3A_225 = arith.muli %sub3A_64, %mul3A_224 : i32
      %add3A_226 = arith.addi %select_n3A, %mul3A_225 : i32
      %add3A_227 = arith.constant 1 : i32
      %add3A_228 = arith.addi %add3A_226, %add3A_227 : i32
      %mul3A_229 = arith.constant 128 : i32
      %mul3A_230 = arith.muli %add3A_228, %mul3A_229 : i32
      %add3A_231 = arith.addi %mul3A_223, %mul3A_230 : i32
      %dma_start3A_232 = arith.constant 1 : i32
      %dma_start3A_233 = arith.constant 1 : i32
      %dma_start3A_234 = arith.constant 0 : i32
      %dma_start3A_235 = arith.constant 0 : i32
      %dma_start3A_236 = tpu.memref_slice %arg6[%dma_start3A_232, %dma_start3A_234, %dma_start3A_235] : memref<5x128x128xf32, #tpu.memory_space<vmem>> -> memref<1x128x128xf32, #tpu.memory_space<vmem>>
      %dma_start3A_237 = tpu.memref_squeeze %dma_start3A_236 : memref<1x128x128xf32, #tpu.memory_space<vmem>> -> memref<128x128xf32, #tpu.memory_space<vmem>>
      %dma_start3A_238 = arith.constant 0 : i32
      %dma_start3A_239 = tpu.memref_slice %arg4[%add3A_231, %dma_start3A_238] : memref<819200x128xf32, #tpu.memory_space<hbm>> -> memref<128x128xf32, #tpu.memory_space<hbm>>
      %dma_start3A_240 = tpu.memref_slice %arg8[%dma_start3A_233] : memref<5x!tpu.dma_semaphore, #tpu.memory_space<semaphore_mem>> -> memref<1x!tpu.dma_semaphore, #tpu.memory_space<semaphore_mem>>
      %dma_start3A_241 = tpu.memref_squeeze %dma_start3A_240 : memref<1x!tpu.dma_semaphore, #tpu.memory_space<semaphore_mem>> -> memref<!tpu.dma_semaphore, #tpu.memory_space<semaphore_mem>>
      %dma_start3A_242 = arith.constant 0 : i32
      %dma_start3A_243 = tpu.memref_slice %arg4[%add3A_231, %dma_start3A_242] : memref<819200x128xf32, #tpu.memory_space<hbm>> -> memref<128x128xf32, #tpu.memory_space<hbm>>
      %dma_start3A_244 = arith.constant 0 : i32
      %dma_start3A_245 = arith.constant 0 : i32
      %dma_start3A_246 = tpu.memref_slice %arg6[%dma_start3A_232, %dma_start3A_244, %dma_start3A_245] : memref<5x128x128xf32, #tpu.memory_space<vmem>> -> memref<1x128x128xf32, #tpu.memory_space<vmem>>
      %dma_start3A_247 = tpu.memref_squeeze %dma_start3A_246 : memref<1x128x128xf32, #tpu.memory_space<vmem>> -> memref<128x128xf32, #tpu.memory_space<vmem>>
      tpu.enqueue_dma source(%dma_start3A_247 : memref<128x128xf32, #tpu.memory_space<vmem>>) target(%dma_start3A_243 : memref<128x128xf32, #tpu.memory_space<hbm>>) target_semaphore(%dma_start3A_241 : memref<!tpu.dma_semaphore, #tpu.memory_space<semaphore_mem>>)
      %dma_wait3A_248 = arith.constant 2 : i32
      %dma_wait3A_249 = arith.constant 2 : i32
      %dma_wait3A_250 = arith.constant 2 : i32
      %dma_wait3A_251 = arith.constant 0 : i32
      %dma_wait3A_252 = arith.constant 0 : i32
      %dma_wait3A_253 = tpu.memref_slice %arg6[%dma_wait3A_249, %dma_wait3A_251, %dma_wait3A_252] : memref<5x128x128xf32, #tpu.memory_space<vmem>> -> memref<1x128x128xf32, #tpu.memory_space<vmem>>
      %dma_wait3A_254 = tpu.memref_squeeze %dma_wait3A_253 : memref<1x128x128xf32, #tpu.memory_space<vmem>> -> memref<128x128xf32, #tpu.memory_space<vmem>>
      %dma_wait3A_255 = arith.constant 0 : i32
      %dma_wait3A_256 = tpu.memref_slice %arg5[%dma_wait3A_248, %dma_wait3A_255] : memref<5x128xi32, #tpu.memory_space<vmem>> -> memref<1x128xi32, #tpu.memory_space<vmem>>
      %dma_wait3A_257 = tpu.memref_squeeze %dma_wait3A_256 : memref<1x128xi32, #tpu.memory_space<vmem>> -> memref<128xi32, #tpu.memory_space<vmem>>
      %dma_wait3A_258 = arith.constant 0 : i32
      %dma_wait3A_259 = arith.constant 0 : i32
      %dma_wait3A_260 = tpu.memref_slice %arg2[%dma_wait3A_258, %dma_wait3A_259] : memref<50000x128xf32, #tpu.memory_space<hbm>> -> memref<50000x128xf32, #tpu.memory_space<hbm>>
      %dma_wait3A_261 = tpu.memref_slice %arg7[%dma_wait3A_250] : memref<5x!tpu.dma_semaphore, #tpu.memory_space<semaphore_mem>> -> memref<1x!tpu.dma_semaphore, #tpu.memory_space<semaphore_mem>>
      %dma_wait3A_262 = tpu.memref_squeeze %dma_wait3A_261 : memref<1x!tpu.dma_semaphore, #tpu.memory_space<semaphore_mem>> -> memref<!tpu.dma_semaphore, #tpu.memory_space<semaphore_mem>>
      tpu.wait_indirect_dma semaphore(%dma_wait3A_262 : memref<!tpu.dma_semaphore, #tpu.memory_space<semaphore_mem>>) src(%dma_wait3A_260 : memref<50000x128xf32, #tpu.memory_space<hbm>>) dst(%dma_wait3A_254 : memref<128x128xf32, #tpu.memory_space<vmem>>)
      %mul3A_263 = arith.constant 409600 : i32
      %mul3A_264 = arith.muli %select_n3A_62, %mul3A_263 : i32
      %mul3A_265 = arith.constant 5 : i32
      %mul3A_266 = arith.muli %sub3A_64, %mul3A_265 : i32
      %add3A_267 = arith.addi %select_n3A, %mul3A_266 : i32
      %add3A_268 = arith.constant 2 : i32
      %add3A_269 = arith.addi %add3A_267, %add3A_268 : i32
      %mul3A_270 = arith.constant 128 : i32
      %mul3A_271 = arith.muli %add3A_269, %mul3A_270 : i32
      %add3A_272 = arith.addi %mul3A_264, %mul3A_271 : i32
      %dma_start3A_273 = arith.constant 2 : i32
      %dma_start3A_274 = arith.constant 2 : i32
      %dma_start3A_275 = arith.constant 0 : i32
      %dma_start3A_276 = arith.constant 0 : i32
      %dma_start3A_277 = tpu.memref_slice %arg6[%dma_start3A_273, %dma_start3A_275, %dma_start3A_276] : memref<5x128x128xf32, #tpu.memory_space<vmem>> -> memref<1x128x128xf32, #tpu.memory_space<vmem>>
      %dma_start3A_278 = tpu.memref_squeeze %dma_start3A_277 : memref<1x128x128xf32, #tpu.memory_space<vmem>> -> memref<128x128xf32, #tpu.memory_space<vmem>>
      %dma_start3A_279 = arith.constant 0 : i32
      %dma_start3A_280 = tpu.memref_slice %arg4[%add3A_272, %dma_start3A_279] : memref<819200x128xf32, #tpu.memory_space<hbm>> -> memref<128x128xf32, #tpu.memory_space<hbm>>
      %dma_start3A_281 = tpu.memref_slice %arg8[%dma_start3A_274] : memref<5x!tpu.dma_semaphore, #tpu.memory_space<semaphore_mem>> -> memref<1x!tpu.dma_semaphore, #tpu.memory_space<semaphore_mem>>
      %dma_start3A_282 = tpu.memref_squeeze %dma_start3A_281 : memref<1x!tpu.dma_semaphore, #tpu.memory_space<semaphore_mem>> -> memref<!tpu.dma_semaphore, #tpu.memory_space<semaphore_mem>>
      %dma_start3A_283 = arith.constant 0 : i32
      %dma_start3A_284 = tpu.memref_slice %arg4[%add3A_272, %dma_start3A_283] : memref<819200x128xf32, #tpu.memory_space<hbm>> -> memref<128x128xf32, #tpu.memory_space<hbm>>
      %dma_start3A_285 = arith.constant 0 : i32
      %dma_start3A_286 = arith.constant 0 : i32
      %dma_start3A_287 = tpu.memref_slice %arg6[%dma_start3A_273, %dma_start3A_285, %dma_start3A_286] : memref<5x128x128xf32, #tpu.memory_space<vmem>> -> memref<1x128x128xf32, #tpu.memory_space<vmem>>
      %dma_start3A_288 = tpu.memref_squeeze %dma_start3A_287 : memref<1x128x128xf32, #tpu.memory_space<vmem>> -> memref<128x128xf32, #tpu.memory_space<vmem>>
      tpu.enqueue_dma source(%dma_start3A_288 : memref<128x128xf32, #tpu.memory_space<vmem>>) target(%dma_start3A_284 : memref<128x128xf32, #tpu.memory_space<hbm>>) target_semaphore(%dma_start3A_282 : memref<!tpu.dma_semaphore, #tpu.memory_space<semaphore_mem>>)
      %dma_wait3A_289 = arith.constant 3 : i32
      %dma_wait3A_290 = arith.constant 3 : i32
      %dma_wait3A_291 = arith.constant 3 : i32
      %dma_wait3A_292 = arith.constant 0 : i32
      %dma_wait3A_293 = arith.constant 0 : i32
      %dma_wait3A_294 = tpu.memref_slice %arg6[%dma_wait3A_290, %dma_wait3A_292, %dma_wait3A_293] : memref<5x128x128xf32, #tpu.memory_space<vmem>> -> memref<1x128x128xf32, #tpu.memory_space<vmem>>
      %dma_wait3A_295 = tpu.memref_squeeze %dma_wait3A_294 : memref<1x128x128xf32, #tpu.memory_space<vmem>> -> memref<128x128xf32, #tpu.memory_space<vmem>>
      %dma_wait3A_296 = arith.constant 0 : i32
      %dma_wait3A_297 = tpu.memref_slice %arg5[%dma_wait3A_289, %dma_wait3A_296] : memref<5x128xi32, #tpu.memory_space<vmem>> -> memref<1x128xi32, #tpu.memory_space<vmem>>
      %dma_wait3A_298 = tpu.memref_squeeze %dma_wait3A_297 : memref<1x128xi32, #tpu.memory_space<vmem>> -> memref<128xi32, #tpu.memory_space<vmem>>
      %dma_wait3A_299 = arith.constant 0 : i32
      %dma_wait3A_300 = arith.constant 0 : i32
      %dma_wait3A_301 = tpu.memref_slice %arg2[%dma_wait3A_299, %dma_wait3A_300] : memref<50000x128xf32, #tpu.memory_space<hbm>> -> memref<50000x128xf32, #tpu.memory_space<hbm>>
      %dma_wait3A_302 = tpu.memref_slice %arg7[%dma_wait3A_291] : memref<5x!tpu.dma_semaphore, #tpu.memory_space<semaphore_mem>> -> memref<1x!tpu.dma_semaphore, #tpu.memory_space<semaphore_mem>>
      %dma_wait3A_303 = tpu.memref_squeeze %dma_wait3A_302 : memref<1x!tpu.dma_semaphore, #tpu.memory_space<semaphore_mem>> -> memref<!tpu.dma_semaphore, #tpu.memory_space<semaphore_mem>>
      tpu.wait_indirect_dma semaphore(%dma_wait3A_303 : memref<!tpu.dma_semaphore, #tpu.memory_space<semaphore_mem>>) src(%dma_wait3A_301 : memref<50000x128xf32, #tpu.memory_space<hbm>>) dst(%dma_wait3A_295 : memref<128x128xf32, #tpu.memory_space<vmem>>)
      %mul3A_304 = arith.constant 409600 : i32
      %mul3A_305 = arith.muli %select_n3A_62, %mul3A_304 : i32
      %mul3A_306 = arith.constant 5 : i32
      %mul3A_307 = arith.muli %sub3A_64, %mul3A_306 : i32
      %add3A_308 = arith.addi %select_n3A, %mul3A_307 : i32
      %add3A_309 = arith.constant 3 : i32
      %add3A_310 = arith.addi %add3A_308, %add3A_309 : i32
      %mul3A_311 = arith.constant 128 : i32
      %mul3A_312 = arith.muli %add3A_310, %mul3A_311 : i32
      %add3A_313 = arith.addi %mul3A_305, %mul3A_312 : i32
      %dma_start3A_314 = arith.constant 3 : i32
      %dma_start3A_315 = arith.constant 3 : i32
      %dma_start3A_316 = arith.constant 0 : i32
      %dma_start3A_317 = arith.constant 0 : i32
      %dma_start3A_318 = tpu.memref_slice %arg6[%dma_start3A_314, %dma_start3A_316, %dma_start3A_317] : memref<5x128x128xf32, #tpu.memory_space<vmem>> -> memref<1x128x128xf32, #tpu.memory_space<vmem>>
      %dma_start3A_319 = tpu.memref_squeeze %dma_start3A_318 : memref<1x128x128xf32, #tpu.memory_space<vmem>> -> memref<128x128xf32, #tpu.memory_space<vmem>>
      %dma_start3A_320 = arith.constant 0 : i32
      %dma_start3A_321 = tpu.memref_slice %arg4[%add3A_313, %dma_start3A_320] : memref<819200x128xf32, #tpu.memory_space<hbm>> -> memref<128x128xf32, #tpu.memory_space<hbm>>
      %dma_start3A_322 = tpu.memref_slice %arg8[%dma_start3A_315] : memref<5x!tpu.dma_semaphore, #tpu.memory_space<semaphore_mem>> -> memref<1x!tpu.dma_semaphore, #tpu.memory_space<semaphore_mem>>
      %dma_start3A_323 = tpu.memref_squeeze %dma_start3A_322 : memref<1x!tpu.dma_semaphore, #tpu.memory_space<semaphore_mem>> -> memref<!tpu.dma_semaphore, #tpu.memory_space<semaphore_mem>>
      %dma_start3A_324 = arith.constant 0 : i32
      %dma_start3A_325 = tpu.memref_slice %arg4[%add3A_313, %dma_start3A_324] : memref<819200x128xf32, #tpu.memory_space<hbm>> -> memref<128x128xf32, #tpu.memory_space<hbm>>
      %dma_start3A_326 = arith.constant 0 : i32
      %dma_start3A_327 = arith.constant 0 : i32
      %dma_start3A_328 = tpu.memref_slice %arg6[%dma_start3A_314, %dma_start3A_326, %dma_start3A_327] : memref<5x128x128xf32, #tpu.memory_space<vmem>> -> memref<1x128x128xf32, #tpu.memory_space<vmem>>
      %dma_start3A_329 = tpu.memref_squeeze %dma_start3A_328 : memref<1x128x128xf32, #tpu.memory_space<vmem>> -> memref<128x128xf32, #tpu.memory_space<vmem>>
      tpu.enqueue_dma source(%dma_start3A_329 : memref<128x128xf32, #tpu.memory_space<vmem>>) target(%dma_start3A_325 : memref<128x128xf32, #tpu.memory_space<hbm>>) target_semaphore(%dma_start3A_323 : memref<!tpu.dma_semaphore, #tpu.memory_space<semaphore_mem>>)
      %dma_wait3A_330 = arith.constant 4 : i32
      %dma_wait3A_331 = arith.constant 4 : i32
      %dma_wait3A_332 = arith.constant 4 : i32
      %dma_wait3A_333 = arith.constant 0 : i32
      %dma_wait3A_334 = arith.constant 0 : i32
      %dma_wait3A_335 = tpu.memref_slice %arg6[%dma_wait3A_331, %dma_wait3A_333, %dma_wait3A_334] : memref<5x128x128xf32, #tpu.memory_space<vmem>> -> memref<1x128x128xf32, #tpu.memory_space<vmem>>
      %dma_wait3A_336 = tpu.memref_squeeze %dma_wait3A_335 : memref<1x128x128xf32, #tpu.memory_space<vmem>> -> memref<128x128xf32, #tpu.memory_space<vmem>>
      %dma_wait3A_337 = arith.constant 0 : i32
      %dma_wait3A_338 = tpu.memref_slice %arg5[%dma_wait3A_330, %dma_wait3A_337] : memref<5x128xi32, #tpu.memory_space<vmem>> -> memref<1x128xi32, #tpu.memory_space<vmem>>
      %dma_wait3A_339 = tpu.memref_squeeze %dma_wait3A_338 : memref<1x128xi32, #tpu.memory_space<vmem>> -> memref<128xi32, #tpu.memory_space<vmem>>
      %dma_wait3A_340 = arith.constant 0 : i32
      %dma_wait3A_341 = arith.constant 0 : i32
      %dma_wait3A_342 = tpu.memref_slice %arg2[%dma_wait3A_340, %dma_wait3A_341] : memref<50000x128xf32, #tpu.memory_space<hbm>> -> memref<50000x128xf32, #tpu.memory_space<hbm>>
      %dma_wait3A_343 = tpu.memref_slice %arg7[%dma_wait3A_332] : memref<5x!tpu.dma_semaphore, #tpu.memory_space<semaphore_mem>> -> memref<1x!tpu.dma_semaphore, #tpu.memory_space<semaphore_mem>>
      %dma_wait3A_344 = tpu.memref_squeeze %dma_wait3A_343 : memref<1x!tpu.dma_semaphore, #tpu.memory_space<semaphore_mem>> -> memref<!tpu.dma_semaphore, #tpu.memory_space<semaphore_mem>>
      tpu.wait_indirect_dma semaphore(%dma_wait3A_344 : memref<!tpu.dma_semaphore, #tpu.memory_space<semaphore_mem>>) src(%dma_wait3A_342 : memref<50000x128xf32, #tpu.memory_space<hbm>>) dst(%dma_wait3A_336 : memref<128x128xf32, #tpu.memory_space<vmem>>)
      %mul3A_345 = arith.constant 409600 : i32
      %mul3A_346 = arith.muli %select_n3A_62, %mul3A_345 : i32
      %mul3A_347 = arith.constant 5 : i32
      %mul3A_348 = arith.muli %sub3A_64, %mul3A_347 : i32
      %add3A_349 = arith.addi %select_n3A, %mul3A_348 : i32
      %add3A_350 = arith.constant 4 : i32
      %add3A_351 = arith.addi %add3A_349, %add3A_350 : i32
      %mul3A_352 = arith.constant 128 : i32
      %mul3A_353 = arith.muli %add3A_351, %mul3A_352 : i32
      %add3A_354 = arith.addi %mul3A_346, %mul3A_353 : i32
      %dma_start3A_355 = arith.constant 4 : i32
      %dma_start3A_356 = arith.constant 4 : i32
      %dma_start3A_357 = arith.constant 0 : i32
      %dma_start3A_358 = arith.constant 0 : i32
      %dma_start3A_359 = tpu.memref_slice %arg6[%dma_start3A_355, %dma_start3A_357, %dma_start3A_358] : memref<5x128x128xf32, #tpu.memory_space<vmem>> -> memref<1x128x128xf32, #tpu.memory_space<vmem>>
      %dma_start3A_360 = tpu.memref_squeeze %dma_start3A_359 : memref<1x128x128xf32, #tpu.memory_space<vmem>> -> memref<128x128xf32, #tpu.memory_space<vmem>>
      %dma_start3A_361 = arith.constant 0 : i32
      %dma_start3A_362 = tpu.memref_slice %arg4[%add3A_354, %dma_start3A_361] : memref<819200x128xf32, #tpu.memory_space<hbm>> -> memref<128x128xf32, #tpu.memory_space<hbm>>
      %dma_start3A_363 = tpu.memref_slice %arg8[%dma_start3A_356] : memref<5x!tpu.dma_semaphore, #tpu.memory_space<semaphore_mem>> -> memref<1x!tpu.dma_semaphore, #tpu.memory_space<semaphore_mem>>
      %dma_start3A_364 = tpu.memref_squeeze %dma_start3A_363 : memref<1x!tpu.dma_semaphore, #tpu.memory_space<semaphore_mem>> -> memref<!tpu.dma_semaphore, #tpu.memory_space<semaphore_mem>>
      %dma_start3A_365 = arith.constant 0 : i32
      %dma_start3A_366 = tpu.memref_slice %arg4[%add3A_354, %dma_start3A_365] : memref<819200x128xf32, #tpu.memory_space<hbm>> -> memref<128x128xf32, #tpu.memory_space<hbm>>
      %dma_start3A_367 = arith.constant 0 : i32
      %dma_start3A_368 = arith.constant 0 : i32
      %dma_start3A_369 = tpu.memref_slice %arg6[%dma_start3A_355, %dma_start3A_367, %dma_start3A_368] : memref<5x128x128xf32, #tpu.memory_space<vmem>> -> memref<1x128x128xf32, #tpu.memory_space<vmem>>
      %dma_start3A_370 = tpu.memref_squeeze %dma_start3A_369 : memref<1x128x128xf32, #tpu.memory_space<vmem>> -> memref<128x128xf32, #tpu.memory_space<vmem>>
      tpu.enqueue_dma source(%dma_start3A_370 : memref<128x128xf32, #tpu.memory_space<vmem>>) target(%dma_start3A_366 : memref<128x128xf32, #tpu.memory_space<hbm>>) target_semaphore(%dma_start3A_364 : memref<!tpu.dma_semaphore, #tpu.memory_space<semaphore_mem>>)
      %while3A_371 = arith.constant 0 : i32
      scf.yield %while3A_371 : i32
    }
    %while3A_20 = arith.constant 1 : i32
    %while3A_21 = scf.for %while3A_44 = %while3A_17 to %while3A_13 step %while3A_20 iter_args(%while3A_45 = %while3A_19) -> (i32)  : i32 {
      %div3A = arith.divsi %while3A_44, %select_n3A_8 : i32
      %sign3A = arith.constant 0 : i32
      %sign3A_46 = arith.cmpi sgt, %while3A_44, %sign3A : i32
      %sign3A_47 = arith.extui %sign3A_46 : i1 to i32
      %sign3A_48 = arith.constant 0 : i32
      %sign3A_49 = arith.cmpi slt, %while3A_44, %sign3A_48 : i32
      %sign3A_50 = arith.extui %sign3A_49 : i1 to i32
      %sign3A_51 = arith.subi %sign3A_47, %sign3A_50 : i32
      %sign3A_52 = arith.constant 0 : i32
      %sign3A_53 = arith.cmpi sgt, %select_n3A_8, %sign3A_52 : i32
      %sign3A_54 = arith.extui %sign3A_53 : i1 to i32
      %sign3A_55 = arith.constant 0 : i32
      %sign3A_56 = arith.cmpi slt, %select_n3A_8, %sign3A_55 : i32
      %sign3A_57 = arith.extui %sign3A_56 : i1 to i32
      %sign3A_58 = arith.subi %sign3A_54, %sign3A_57 : i32
      %ne3A = arith.cmpi ne, %sign3A_51, %sign3A_58 : i32
      %rem3A = arith.remsi %while3A_44, %select_n3A_8 : i32
      %ne3A_59 = arith.constant 0 : i32
      %ne3A_60 = arith.cmpi ne, %rem3A, %ne3A_59 : i32
      %and3A = arith.andi %ne3A, %ne3A_60 : i1
      %sub3A = arith.constant 1 : i32
      %sub3A_61 = arith.subi %div3A, %sub3A : i32
      %select_n3A_62 = arith.select %and3A, %sub3A_61, %div3A : i32
      %mul3A_63 = arith.muli %select_n3A_62, %select_n3A_8 : i32
      %sub3A_64 = arith.subi %while3A_44, %mul3A_63 : i32
      %mul3A_65 = arith.constant 5 : i32
      %mul3A_66 = arith.muli %sub3A_64, %mul3A_65 : i32
      %add3A_67 = arith.addi %select_n3A, %mul3A_66 : i32
      "tpu.region"() ({
        %run_scoped3A = tpu.sem_alloc : memref<!tpu.dma_semaphore, #tpu.memory_space<semaphore_mem>>
        %dma_start3A_372 = arith.constant 0 : i32
        %dma_start3A_373 = tpu.memref_slice %arg3[%select_n3A_62, %add3A_67, %dma_start3A_372] : memref<2x3200x128xi32, #tpu.memory_space<hbm>> -> memref<1x5x128xi32, #tpu.memory_space<hbm>>
        %dma_start3A_374 = tpu.memref_squeeze %dma_start3A_373 : memref<1x5x128xi32, #tpu.memory_space<hbm>> -> memref<5x128xi32, #tpu.memory_space<hbm>>
        %dma_start3A_375 = arith.constant 0 : i32
        %dma_start3A_376 = tpu.memref_slice %arg3[%select_n3A_62, %add3A_67, %dma_start3A_375] : memref<2x3200x128xi32, #tpu.memory_space<hbm>> -> memref<1x5x128xi32, #tpu.memory_space<hbm>>
        %dma_start3A_377 = tpu.memref_squeeze %dma_start3A_376 : memref<1x5x128xi32, #tpu.memory_space<hbm>> -> memref<5x128xi32, #tpu.memory_space<hbm>>
        tpu.enqueue_dma source(%dma_start3A_377 : memref<5x128xi32, #tpu.memory_space<hbm>>) target(%arg5 : memref<5x128xi32, #tpu.memory_space<vmem>>) target_semaphore(%run_scoped3A : memref<!tpu.dma_semaphore, #tpu.memory_space<semaphore_mem>>)
        %dma_wait3A_378 = arith.constant 0 : i32
        %dma_wait3A_379 = tpu.memref_slice %arg3[%select_n3A_62, %add3A_67, %dma_wait3A_378] : memref<2x3200x128xi32, #tpu.memory_space<hbm>> -> memref<1x5x128xi32, #tpu.memory_space<hbm>>
        %dma_wait3A_380 = tpu.memref_squeeze %dma_wait3A_379 : memref<1x5x128xi32, #tpu.memory_space<hbm>> -> memref<5x128xi32, #tpu.memory_space<hbm>>
        %dma_wait3A_381 = arith.constant 0 : i32
        %dma_wait3A_382 = tpu.memref_slice %arg3[%select_n3A_62, %add3A_67, %dma_wait3A_381] : memref<2x3200x128xi32, #tpu.memory_space<hbm>> -> memref<1x5x128xi32, #tpu.memory_space<hbm>>
        %dma_wait3A_383 = tpu.memref_squeeze %dma_wait3A_382 : memref<1x5x128xi32, #tpu.memory_space<hbm>> -> memref<5x128xi32, #tpu.memory_space<hbm>>
        tpu.wait_dma2 semaphore(%run_scoped3A : memref<!tpu.dma_semaphore, #tpu.memory_space<semaphore_mem>>) src(%dma_wait3A_383 : memref<5x128xi32, #tpu.memory_space<hbm>>) dst(%arg5 : memref<5x128xi32, #tpu.memory_space<vmem>>)
        tpu.yield
      }) : () -> ()
      %gt3A_68 = arith.constant 0 : i32
      %gt3A_69 = arith.cmpi sgt, %while3A_44, %gt3A_68 : i32
      %convert_element_type3A_70 = arith.extui %gt3A_69 : i1 to i32
      %cond3A_71 = arith.constant 0 : i32
      %cond3A_72 = arith.cmpi ne, %convert_element_type3A_70, %cond3A_71 : i32
      scf.if %cond3A_72 {
        %dma_wait3A_372 = arith.constant 0 : i32
        %dma_wait3A_373 = arith.constant 0 : i32
        %dma_wait3A_374 = arith.constant 0 : i32
        %dma_wait3A_375 = arith.constant 0 : i32
        %dma_wait3A_376 = tpu.memref_slice %arg6[%dma_wait3A_372, %dma_wait3A_374, %dma_wait3A_375] : memref<5x128x128xf32, #tpu.memory_space<vmem>> -> memref<1x128x128xf32, #tpu.memory_space<vmem>>
        %dma_wait3A_377 = tpu.memref_squeeze %dma_wait3A_376 : memref<1x128x128xf32, #tpu.memory_space<vmem>> -> memref<128x128xf32, #tpu.memory_space<vmem>>
        %dma_wait3A_378 = arith.constant 0 : i32
        %dma_wait3A_379 = arith.constant 0 : i32
        %dma_wait3A_380 = tpu.memref_slice %arg4[%dma_wait3A_378, %dma_wait3A_379] : memref<819200x128xf32, #tpu.memory_space<hbm>> -> memref<128x128xf32, #tpu.memory_space<hbm>>
        %dma_wait3A_381 = tpu.memref_slice %arg8[%dma_wait3A_373] : memref<5x!tpu.dma_semaphore, #tpu.memory_space<semaphore_mem>> -> memref<1x!tpu.dma_semaphore, #tpu.memory_space<semaphore_mem>>
        %dma_wait3A_382 = tpu.memref_squeeze %dma_wait3A_381 : memref<1x!tpu.dma_semaphore, #tpu.memory_space<semaphore_mem>> -> memref<!tpu.dma_semaphore, #tpu.memory_space<semaphore_mem>>
        %dma_wait3A_383 = arith.constant 0 : i32
        %dma_wait3A_384 = arith.constant 0 : i32
        %dma_wait3A_385 = tpu.memref_slice %arg4[%dma_wait3A_383, %dma_wait3A_384] : memref<819200x128xf32, #tpu.memory_space<hbm>> -> memref<128x128xf32, #tpu.memory_space<hbm>>
        %dma_wait3A_386 = arith.constant 0 : i32
        %dma_wait3A_387 = arith.constant 0 : i32
        %dma_wait3A_388 = tpu.memref_slice %arg6[%dma_wait3A_372, %dma_wait3A_386, %dma_wait3A_387] : memref<5x128x128xf32, #tpu.memory_space<vmem>> -> memref<1x128x128xf32, #tpu.memory_space<vmem>>
        %dma_wait3A_389 = tpu.memref_squeeze %dma_wait3A_388 : memref<1x128x128xf32, #tpu.memory_space<vmem>> -> memref<128x128xf32, #tpu.memory_space<vmem>>
        tpu.wait_dma2 semaphore(%dma_wait3A_382 : memref<!tpu.dma_semaphore, #tpu.memory_space<semaphore_mem>>) src(%dma_wait3A_389 : memref<128x128xf32, #tpu.memory_space<vmem>>) dst(%dma_wait3A_385 : memref<128x128xf32, #tpu.memory_space<hbm>>)
      } else {
      }
      %dma_start3A = arith.constant 0 : i32
      %dma_start3A_73 = arith.constant 0 : i32
      %dma_start3A_74 = arith.constant 0 : i32
      %dma_start3A_75 = arith.constant 0 : i32
      %dma_start3A_76 = arith.constant 0 : i32
      %dma_start3A_77 = tpu.memref_slice %arg6[%dma_start3A_73, %dma_start3A_75, %dma_start3A_76] : memref<5x128x128xf32, #tpu.memory_space<vmem>> -> memref<1x128x128xf32, #tpu.memory_space<vmem>>
      %dma_start3A_78 = tpu.memref_squeeze %dma_start3A_77 : memref<1x128x128xf32, #tpu.memory_space<vmem>> -> memref<128x128xf32, #tpu.memory_space<vmem>>
      %dma_start3A_79 = arith.constant 0 : i32
      %dma_start3A_80 = tpu.memref_slice %arg5[%dma_start3A, %dma_start3A_79] : memref<5x128xi32, #tpu.memory_space<vmem>> -> memref<1x128xi32, #tpu.memory_space<vmem>>
      %dma_start3A_81 = tpu.memref_squeeze %dma_start3A_80 : memref<1x128xi32, #tpu.memory_space<vmem>> -> memref<128xi32, #tpu.memory_space<vmem>>
      %dma_start3A_82 = arith.constant 0 : i32
      %dma_start3A_83 = arith.constant 0 : i32
      %dma_start3A_84 = tpu.memref_slice %arg2[%dma_start3A_82, %dma_start3A_83] : memref<50000x128xf32, #tpu.memory_space<hbm>> -> memref<50000x128xf32, #tpu.memory_space<hbm>>
      %dma_start3A_85 = tpu.memref_slice %arg7[%dma_start3A_74] : memref<5x!tpu.dma_semaphore, #tpu.memory_space<semaphore_mem>> -> memref<1x!tpu.dma_semaphore, #tpu.memory_space<semaphore_mem>>
      %dma_start3A_86 = tpu.memref_squeeze %dma_start3A_85 : memref<1x!tpu.dma_semaphore, #tpu.memory_space<semaphore_mem>> -> memref<!tpu.dma_semaphore, #tpu.memory_space<semaphore_mem>>
      tpu.enqueue_indirect_dma source(%dma_start3A_84 : memref<50000x128xf32, #tpu.memory_space<hbm>>) target(%dma_start3A_78 : memref<128x128xf32, #tpu.memory_space<vmem>>) offsets(%dma_start3A_81 : memref<128xi32, #tpu.memory_space<vmem>>) semaphore(%dma_start3A_86 : memref<!tpu.dma_semaphore, #tpu.memory_space<semaphore_mem>>)
      %gt3A_87 = arith.constant 0 : i32
      %gt3A_88 = arith.cmpi sgt, %while3A_44, %gt3A_87 : i32
      %convert_element_type3A_89 = arith.extui %gt3A_88 : i1 to i32
      %cond3A_90 = arith.constant 0 : i32
      %cond3A_91 = arith.cmpi ne, %convert_element_type3A_89, %cond3A_90 : i32
      scf.if %cond3A_91 {
        %dma_wait3A_372 = arith.constant 1 : i32
        %dma_wait3A_373 = arith.constant 1 : i32
        %dma_wait3A_374 = arith.constant 0 : i32
        %dma_wait3A_375 = arith.constant 0 : i32
        %dma_wait3A_376 = tpu.memref_slice %arg6[%dma_wait3A_372, %dma_wait3A_374, %dma_wait3A_375] : memref<5x128x128xf32, #tpu.memory_space<vmem>> -> memref<1x128x128xf32, #tpu.memory_space<vmem>>
        %dma_wait3A_377 = tpu.memref_squeeze %dma_wait3A_376 : memref<1x128x128xf32, #tpu.memory_space<vmem>> -> memref<128x128xf32, #tpu.memory_space<vmem>>
        %dma_wait3A_378 = arith.constant 0 : i32
        %dma_wait3A_379 = arith.constant 0 : i32
        %dma_wait3A_380 = tpu.memref_slice %arg4[%dma_wait3A_378, %dma_wait3A_379] : memref<819200x128xf32, #tpu.memory_space<hbm>> -> memref<128x128xf32, #tpu.memory_space<hbm>>
        %dma_wait3A_381 = tpu.memref_slice %arg8[%dma_wait3A_373] : memref<5x!tpu.dma_semaphore, #tpu.memory_space<semaphore_mem>> -> memref<1x!tpu.dma_semaphore, #tpu.memory_space<semaphore_mem>>
        %dma_wait3A_382 = tpu.memref_squeeze %dma_wait3A_381 : memref<1x!tpu.dma_semaphore, #tpu.memory_space<semaphore_mem>> -> memref<!tpu.dma_semaphore, #tpu.memory_space<semaphore_mem>>
        %dma_wait3A_383 = arith.constant 0 : i32
        %dma_wait3A_384 = arith.constant 0 : i32
        %dma_wait3A_385 = tpu.memref_slice %arg4[%dma_wait3A_383, %dma_wait3A_384] : memref<819200x128xf32, #tpu.memory_space<hbm>> -> memref<128x128xf32, #tpu.memory_space<hbm>>
        %dma_wait3A_386 = arith.constant 0 : i32
        %dma_wait3A_387 = arith.constant 0 : i32
        %dma_wait3A_388 = tpu.memref_slice %arg6[%dma_wait3A_372, %dma_wait3A_386, %dma_wait3A_387] : memref<5x128x128xf32, #tpu.memory_space<vmem>> -> memref<1x128x128xf32, #tpu.memory_space<vmem>>
        %dma_wait3A_389 = tpu.memref_squeeze %dma_wait3A_388 : memref<1x128x128xf32, #tpu.memory_space<vmem>> -> memref<128x128xf32, #tpu.memory_space<vmem>>
        tpu.wait_dma2 semaphore(%dma_wait3A_382 : memref<!tpu.dma_semaphore, #tpu.memory_space<semaphore_mem>>) src(%dma_wait3A_389 : memref<128x128xf32, #tpu.memory_space<vmem>>) dst(%dma_wait3A_385 : memref<128x128xf32, #tpu.memory_space<hbm>>)
      } else {
      }
      %dma_start3A_92 = arith.constant 1 : i32
      %dma_start3A_93 = arith.constant 1 : i32
      %dma_start3A_94 = arith.constant 1 : i32
      %dma_start3A_95 = arith.constant 0 : i32
      %dma_start3A_96 = arith.constant 0 : i32
      %dma_start3A_97 = tpu.memref_slice %arg6[%dma_start3A_93, %dma_start3A_95, %dma_start3A_96] : memref<5x128x128xf32, #tpu.memory_space<vmem>> -> memref<1x128x128xf32, #tpu.memory_space<vmem>>
      %dma_start3A_98 = tpu.memref_squeeze %dma_start3A_97 : memref<1x128x128xf32, #tpu.memory_space<vmem>> -> memref<128x128xf32, #tpu.memory_space<vmem>>
      %dma_start3A_99 = arith.constant 0 : i32
      %dma_start3A_100 = tpu.memref_slice %arg5[%dma_start3A_92, %dma_start3A_99] : memref<5x128xi32, #tpu.memory_space<vmem>> -> memref<1x128xi32, #tpu.memory_space<vmem>>
      %dma_start3A_101 = tpu.memref_squeeze %dma_start3A_100 : memref<1x128xi32, #tpu.memory_space<vmem>> -> memref<128xi32, #tpu.memory_space<vmem>>
      %dma_start3A_102 = arith.constant 0 : i32
      %dma_start3A_103 = arith.constant 0 : i32
      %dma_start3A_104 = tpu.memref_slice %arg2[%dma_start3A_102, %dma_start3A_103] : memref<50000x128xf32, #tpu.memory_space<hbm>> -> memref<50000x128xf32, #tpu.memory_space<hbm>>
      %dma_start3A_105 = tpu.memref_slice %arg7[%dma_start3A_94] : memref<5x!tpu.dma_semaphore, #tpu.memory_space<semaphore_mem>> -> memref<1x!tpu.dma_semaphore, #tpu.memory_space<semaphore_mem>>
      %dma_start3A_106 = tpu.memref_squeeze %dma_start3A_105 : memref<1x!tpu.dma_semaphore, #tpu.memory_space<semaphore_mem>> -> memref<!tpu.dma_semaphore, #tpu.memory_space<semaphore_mem>>
      tpu.enqueue_indirect_dma source(%dma_start3A_104 : memref<50000x128xf32, #tpu.memory_space<hbm>>) target(%dma_start3A_98 : memref<128x128xf32, #tpu.memory_space<vmem>>) offsets(%dma_start3A_101 : memref<128xi32, #tpu.memory_space<vmem>>) semaphore(%dma_start3A_106 : memref<!tpu.dma_semaphore, #tpu.memory_space<semaphore_mem>>)
      %gt3A_107 = arith.constant 0 : i32
      %gt3A_108 = arith.cmpi sgt, %while3A_44, %gt3A_107 : i32
      %convert_element_type3A_109 = arith.extui %gt3A_108 : i1 to i32
      %cond3A_110 = arith.constant 0 : i32
      %cond3A_111 = arith.cmpi ne, %convert_element_type3A_109, %cond3A_110 : i32
      scf.if %cond3A_111 {
        %dma_wait3A_372 = arith.constant 2 : i32
        %dma_wait3A_373 = arith.constant 2 : i32
        %dma_wait3A_374 = arith.constant 0 : i32
        %dma_wait3A_375 = arith.constant 0 : i32
        %dma_wait3A_376 = tpu.memref_slice %arg6[%dma_wait3A_372, %dma_wait3A_374, %dma_wait3A_375] : memref<5x128x128xf32, #tpu.memory_space<vmem>> -> memref<1x128x128xf32, #tpu.memory_space<vmem>>
        %dma_wait3A_377 = tpu.memref_squeeze %dma_wait3A_376 : memref<1x128x128xf32, #tpu.memory_space<vmem>> -> memref<128x128xf32, #tpu.memory_space<vmem>>
        %dma_wait3A_378 = arith.constant 0 : i32
        %dma_wait3A_379 = arith.constant 0 : i32
        %dma_wait3A_380 = tpu.memref_slice %arg4[%dma_wait3A_378, %dma_wait3A_379] : memref<819200x128xf32, #tpu.memory_space<hbm>> -> memref<128x128xf32, #tpu.memory_space<hbm>>
        %dma_wait3A_381 = tpu.memref_slice %arg8[%dma_wait3A_373] : memref<5x!tpu.dma_semaphore, #tpu.memory_space<semaphore_mem>> -> memref<1x!tpu.dma_semaphore, #tpu.memory_space<semaphore_mem>>
        %dma_wait3A_382 = tpu.memref_squeeze %dma_wait3A_381 : memref<1x!tpu.dma_semaphore, #tpu.memory_space<semaphore_mem>> -> memref<!tpu.dma_semaphore, #tpu.memory_space<semaphore_mem>>
        %dma_wait3A_383 = arith.constant 0 : i32
        %dma_wait3A_384 = arith.constant 0 : i32
        %dma_wait3A_385 = tpu.memref_slice %arg4[%dma_wait3A_383, %dma_wait3A_384] : memref<819200x128xf32, #tpu.memory_space<hbm>> -> memref<128x128xf32, #tpu.memory_space<hbm>>
        %dma_wait3A_386 = arith.constant 0 : i32
        %dma_wait3A_387 = arith.constant 0 : i32
        %dma_wait3A_388 = tpu.memref_slice %arg6[%dma_wait3A_372, %dma_wait3A_386, %dma_wait3A_387] : memref<5x128x128xf32, #tpu.memory_space<vmem>> -> memref<1x128x128xf32, #tpu.memory_space<vmem>>
        %dma_wait3A_389 = tpu.memref_squeeze %dma_wait3A_388 : memref<1x128x128xf32, #tpu.memory_space<vmem>> -> memref<128x128xf32, #tpu.memory_space<vmem>>
        tpu.wait_dma2 semaphore(%dma_wait3A_382 : memref<!tpu.dma_semaphore, #tpu.memory_space<semaphore_mem>>) src(%dma_wait3A_389 : memref<128x128xf32, #tpu.memory_space<vmem>>) dst(%dma_wait3A_385 : memref<128x128xf32, #tpu.memory_space<hbm>>)
      } else {
      }
      %dma_start3A_112 = arith.constant 2 : i32
      %dma_start3A_113 = arith.constant 2 : i32
      %dma_start3A_114 = arith.constant 2 : i32
      %dma_start3A_115 = arith.constant 0 : i32
      %dma_start3A_116 = arith.constant 0 : i32
      %dma_start3A_117 = tpu.memref_slice %arg6[%dma_start3A_113, %dma_start3A_115, %dma_start3A_116] : memref<5x128x128xf32, #tpu.memory_space<vmem>> -> memref<1x128x128xf32, #tpu.memory_space<vmem>>
      %dma_start3A_118 = tpu.memref_squeeze %dma_start3A_117 : memref<1x128x128xf32, #tpu.memory_space<vmem>> -> memref<128x128xf32, #tpu.memory_space<vmem>>
      %dma_start3A_119 = arith.constant 0 : i32
      %dma_start3A_120 = tpu.memref_slice %arg5[%dma_start3A_112, %dma_start3A_119] : memref<5x128xi32, #tpu.memory_space<vmem>> -> memref<1x128xi32, #tpu.memory_space<vmem>>
      %dma_start3A_121 = tpu.memref_squeeze %dma_start3A_120 : memref<1x128xi32, #tpu.memory_space<vmem>> -> memref<128xi32, #tpu.memory_space<vmem>>
      %dma_start3A_122 = arith.constant 0 : i32
      %dma_start3A_123 = arith.constant 0 : i32
      %dma_start3A_124 = tpu.memref_slice %arg2[%dma_start3A_122, %dma_start3A_123] : memref<50000x128xf32, #tpu.memory_space<hbm>> -> memref<50000x128xf32, #tpu.memory_space<hbm>>
      %dma_start3A_125 = tpu.memref_slice %arg7[%dma_start3A_114] : memref<5x!tpu.dma_semaphore, #tpu.memory_space<semaphore_mem>> -> memref<1x!tpu.dma_semaphore, #tpu.memory_space<semaphore_mem>>
      %dma_start3A_126 = tpu.memref_squeeze %dma_start3A_125 : memref<1x!tpu.dma_semaphore, #tpu.memory_space<semaphore_mem>> -> memref<!tpu.dma_semaphore, #tpu.memory_space<semaphore_mem>>
      tpu.enqueue_indirect_dma source(%dma_start3A_124 : memref<50000x128xf32, #tpu.memory_space<hbm>>) target(%dma_start3A_118 : memref<128x128xf32, #tpu.memory_space<vmem>>) offsets(%dma_start3A_121 : memref<128xi32, #tpu.memory_space<vmem>>) semaphore(%dma_start3A_126 : memref<!tpu.dma_semaphore, #tpu.memory_space<semaphore_mem>>)
      %gt3A_127 = arith.constant 0 : i32
      %gt3A_128 = arith.cmpi sgt, %while3A_44, %gt3A_127 : i32
      %convert_element_type3A_129 = arith.extui %gt3A_128 : i1 to i32
      %cond3A_130 = arith.constant 0 : i32
      %cond3A_131 = arith.cmpi ne, %convert_element_type3A_129, %cond3A_130 : i32
      scf.if %cond3A_131 {
        %dma_wait3A_372 = arith.constant 3 : i32
        %dma_wait3A_373 = arith.constant 3 : i32
        %dma_wait3A_374 = arith.constant 0 : i32
        %dma_wait3A_375 = arith.constant 0 : i32
        %dma_wait3A_376 = tpu.memref_slice %arg6[%dma_wait3A_372, %dma_wait3A_374, %dma_wait3A_375] : memref<5x128x128xf32, #tpu.memory_space<vmem>> -> memref<1x128x128xf32, #tpu.memory_space<vmem>>
        %dma_wait3A_377 = tpu.memref_squeeze %dma_wait3A_376 : memref<1x128x128xf32, #tpu.memory_space<vmem>> -> memref<128x128xf32, #tpu.memory_space<vmem>>
        %dma_wait3A_378 = arith.constant 0 : i32
        %dma_wait3A_379 = arith.constant 0 : i32
        %dma_wait3A_380 = tpu.memref_slice %arg4[%dma_wait3A_378, %dma_wait3A_379] : memref<819200x128xf32, #tpu.memory_space<hbm>> -> memref<128x128xf32, #tpu.memory_space<hbm>>
        %dma_wait3A_381 = tpu.memref_slice %arg8[%dma_wait3A_373] : memref<5x!tpu.dma_semaphore, #tpu.memory_space<semaphore_mem>> -> memref<1x!tpu.dma_semaphore, #tpu.memory_space<semaphore_mem>>
        %dma_wait3A_382 = tpu.memref_squeeze %dma_wait3A_381 : memref<1x!tpu.dma_semaphore, #tpu.memory_space<semaphore_mem>> -> memref<!tpu.dma_semaphore, #tpu.memory_space<semaphore_mem>>
        %dma_wait3A_383 = arith.constant 0 : i32
        %dma_wait3A_384 = arith.constant 0 : i32
        %dma_wait3A_385 = tpu.memref_slice %arg4[%dma_wait3A_383, %dma_wait3A_384] : memref<819200x128xf32, #tpu.memory_space<hbm>> -> memref<128x128xf32, #tpu.memory_space<hbm>>
        %dma_wait3A_386 = arith.constant 0 : i32
        %dma_wait3A_387 = arith.constant 0 : i32
        %dma_wait3A_388 = tpu.memref_slice %arg6[%dma_wait3A_372, %dma_wait3A_386, %dma_wait3A_387] : memref<5x128x128xf32, #tpu.memory_space<vmem>> -> memref<1x128x128xf32, #tpu.memory_space<vmem>>
        %dma_wait3A_389 = tpu.memref_squeeze %dma_wait3A_388 : memref<1x128x128xf32, #tpu.memory_space<vmem>> -> memref<128x128xf32, #tpu.memory_space<vmem>>
        tpu.wait_dma2 semaphore(%dma_wait3A_382 : memref<!tpu.dma_semaphore, #tpu.memory_space<semaphore_mem>>) src(%dma_wait3A_389 : memref<128x128xf32, #tpu.memory_space<vmem>>) dst(%dma_wait3A_385 : memref<128x128xf32, #tpu.memory_space<hbm>>)
      } else {
      }
      %dma_start3A_132 = arith.constant 3 : i32
      %dma_start3A_133 = arith.constant 3 : i32
      %dma_start3A_134 = arith.constant 3 : i32
      %dma_start3A_135 = arith.constant 0 : i32
      %dma_start3A_136 = arith.constant 0 : i32
      %dma_start3A_137 = tpu.memref_slice %arg6[%dma_start3A_133, %dma_start3A_135, %dma_start3A_136] : memref<5x128x128xf32, #tpu.memory_space<vmem>> -> memref<1x128x128xf32, #tpu.memory_space<vmem>>
      %dma_start3A_138 = tpu.memref_squeeze %dma_start3A_137 : memref<1x128x128xf32, #tpu.memory_space<vmem>> -> memref<128x128xf32, #tpu.memory_space<vmem>>
      %dma_start3A_139 = arith.constant 0 : i32
      %dma_start3A_140 = tpu.memref_slice %arg5[%dma_start3A_132, %dma_start3A_139] : memref<5x128xi32, #tpu.memory_space<vmem>> -> memref<1x128xi32, #tpu.memory_space<vmem>>
      %dma_start3A_141 = tpu.memref_squeeze %dma_start3A_140 : memref<1x128xi32, #tpu.memory_space<vmem>> -> memref<128xi32, #tpu.memory_space<vmem>>
      %dma_start3A_142 = arith.constant 0 : i32
      %dma_start3A_143 = arith.constant 0 : i32
      %dma_start3A_144 = tpu.memref_slice %arg2[%dma_start3A_142, %dma_start3A_143] : memref<50000x128xf32, #tpu.memory_space<hbm>> -> memref<50000x128xf32, #tpu.memory_space<hbm>>
      %dma_start3A_145 = tpu.memref_slice %arg7[%dma_start3A_134] : memref<5x!tpu.dma_semaphore, #tpu.memory_space<semaphore_mem>> -> memref<1x!tpu.dma_semaphore, #tpu.memory_space<semaphore_mem>>
      %dma_start3A_146 = tpu.memref_squeeze %dma_start3A_145 : memref<1x!tpu.dma_semaphore, #tpu.memory_space<semaphore_mem>> -> memref<!tpu.dma_semaphore, #tpu.memory_space<semaphore_mem>>
      tpu.enqueue_indirect_dma source(%dma_start3A_144 : memref<50000x128xf32, #tpu.memory_space<hbm>>) target(%dma_start3A_138 : memref<128x128xf32, #tpu.memory_space<vmem>>) offsets(%dma_start3A_141 : memref<128xi32, #tpu.memory_space<vmem>>) semaphore(%dma_start3A_146 : memref<!tpu.dma_semaphore, #tpu.memory_space<semaphore_mem>>)
      %gt3A_147 = arith.constant 0 : i32
      %gt3A_148 = arith.cmpi sgt, %while3A_44, %gt3A_147 : i32
      %convert_element_type3A_149 = arith.extui %gt3A_148 : i1 to i32
      %cond3A_150 = arith.constant 0 : i32
      %cond3A_151 = arith.cmpi ne, %convert_element_type3A_149, %cond3A_150 : i32
      scf.if %cond3A_151 {
        %dma_wait3A_372 = arith.constant 4 : i32
        %dma_wait3A_373 = arith.constant 4 : i32
        %dma_wait3A_374 = arith.constant 0 : i32
        %dma_wait3A_375 = arith.constant 0 : i32
        %dma_wait3A_376 = tpu.memref_slice %arg6[%dma_wait3A_372, %dma_wait3A_374, %dma_wait3A_375] : memref<5x128x128xf32, #tpu.memory_space<vmem>> -> memref<1x128x128xf32, #tpu.memory_space<vmem>>
        %dma_wait3A_377 = tpu.memref_squeeze %dma_wait3A_376 : memref<1x128x128xf32, #tpu.memory_space<vmem>> -> memref<128x128xf32, #tpu.memory_space<vmem>>
        %dma_wait3A_378 = arith.constant 0 : i32
        %dma_wait3A_379 = arith.constant 0 : i32
        %dma_wait3A_380 = tpu.memref_slice %arg4[%dma_wait3A_378, %dma_wait3A_379] : memref<819200x128xf32, #tpu.memory_space<hbm>> -> memref<128x128xf32, #tpu.memory_space<hbm>>
        %dma_wait3A_381 = tpu.memref_slice %arg8[%dma_wait3A_373] : memref<5x!tpu.dma_semaphore, #tpu.memory_space<semaphore_mem>> -> memref<1x!tpu.dma_semaphore, #tpu.memory_space<semaphore_mem>>
        %dma_wait3A_382 = tpu.memref_squeeze %dma_wait3A_381 : memref<1x!tpu.dma_semaphore, #tpu.memory_space<semaphore_mem>> -> memref<!tpu.dma_semaphore, #tpu.memory_space<semaphore_mem>>
        %dma_wait3A_383 = arith.constant 0 : i32
        %dma_wait3A_384 = arith.constant 0 : i32
        %dma_wait3A_385 = tpu.memref_slice %arg4[%dma_wait3A_383, %dma_wait3A_384] : memref<819200x128xf32, #tpu.memory_space<hbm>> -> memref<128x128xf32, #tpu.memory_space<hbm>>
        %dma_wait3A_386 = arith.constant 0 : i32
        %dma_wait3A_387 = arith.constant 0 : i32
        %dma_wait3A_388 = tpu.memref_slice %arg6[%dma_wait3A_372, %dma_wait3A_386, %dma_wait3A_387] : memref<5x128x128xf32, #tpu.memory_space<vmem>> -> memref<1x128x128xf32, #tpu.memory_space<vmem>>
        %dma_wait3A_389 = tpu.memref_squeeze %dma_wait3A_388 : memref<1x128x128xf32, #tpu.memory_space<vmem>> -> memref<128x128xf32, #tpu.memory_space<vmem>>
        tpu.wait_dma2 semaphore(%dma_wait3A_382 : memref<!tpu.dma_semaphore, #tpu.memory_space<semaphore_mem>>) src(%dma_wait3A_389 : memref<128x128xf32, #tpu.memory_space<vmem>>) dst(%dma_wait3A_385 : memref<128x128xf32, #tpu.memory_space<hbm>>)
      } else {
      }
      %dma_start3A_152 = arith.constant 4 : i32
      %dma_start3A_153 = arith.constant 4 : i32
      %dma_start3A_154 = arith.constant 4 : i32
      %dma_start3A_155 = arith.constant 0 : i32
      %dma_start3A_156 = arith.constant 0 : i32
      %dma_start3A_157 = tpu.memref_slice %arg6[%dma_start3A_153, %dma_start3A_155, %dma_start3A_156] : memref<5x128x128xf32, #tpu.memory_space<vmem>> -> memref<1x128x128xf32, #tpu.memory_space<vmem>>
      %dma_start3A_158 = tpu.memref_squeeze %dma_start3A_157 : memref<1x128x128xf32, #tpu.memory_space<vmem>> -> memref<128x128xf32, #tpu.memory_space<vmem>>
      %dma_start3A_159 = arith.constant 0 : i32
      %dma_start3A_160 = tpu.memref_slice %arg5[%dma_start3A_152, %dma_start3A_159] : memref<5x128xi32, #tpu.memory_space<vmem>> -> memref<1x128xi32, #tpu.memory_space<vmem>>
      %dma_start3A_161 = tpu.memref_squeeze %dma_start3A_160 : memref<1x128xi32, #tpu.memory_space<vmem>> -> memref<128xi32, #tpu.memory_space<vmem>>
      %dma_start3A_162 = arith.constant 0 : i32
      %dma_start3A_163 = arith.constant 0 : i32
      %dma_start3A_164 = tpu.memref_slice %arg2[%dma_start3A_162, %dma_start3A_163] : memref<50000x128xf32, #tpu.memory_space<hbm>> -> memref<50000x128xf32, #tpu.memory_space<hbm>>
      %dma_start3A_165 = tpu.memref_slice %arg7[%dma_start3A_154] : memref<5x!tpu.dma_semaphore, #tpu.memory_space<semaphore_mem>> -> memref<1x!tpu.dma_semaphore, #tpu.memory_space<semaphore_mem>>
      %dma_start3A_166 = tpu.memref_squeeze %dma_start3A_165 : memref<1x!tpu.dma_semaphore, #tpu.memory_space<semaphore_mem>> -> memref<!tpu.dma_semaphore, #tpu.memory_space<semaphore_mem>>
      tpu.enqueue_indirect_dma source(%dma_start3A_164 : memref<50000x128xf32, #tpu.memory_space<hbm>>) target(%dma_start3A_158 : memref<128x128xf32, #tpu.memory_space<vmem>>) offsets(%dma_start3A_161 : memref<128xi32, #tpu.memory_space<vmem>>) semaphore(%dma_start3A_166 : memref<!tpu.dma_semaphore, #tpu.memory_space<semaphore_mem>>)
      %dma_wait3A = arith.constant 0 : i32
      %dma_wait3A_167 = arith.constant 0 : i32
      %dma_wait3A_168 = arith.constant 0 : i32
      %dma_wait3A_169 = arith.constant 0 : i32
      %dma_wait3A_170 = arith.constant 0 : i32
      %dma_wait3A_171 = tpu.memref_slice %arg6[%dma_wait3A_167, %dma_wait3A_169, %dma_wait3A_170] : memref<5x128x128xf32, #tpu.memory_space<vmem>> -> memref<1x128x128xf32, #tpu.memory_space<vmem>>
      %dma_wait3A_172 = tpu.memref_squeeze %dma_wait3A_171 : memref<1x128x128xf32, #tpu.memory_space<vmem>> -> memref<128x128xf32, #tpu.memory_space<vmem>>
      %dma_wait3A_173 = arith.constant 0 : i32
      %dma_wait3A_174 = tpu.memref_slice %arg5[%dma_wait3A, %dma_wait3A_173] : memref<5x128xi32, #tpu.memory_space<vmem>> -> memref<1x128xi32, #tpu.memory_space<vmem>>
      %dma_wait3A_175 = tpu.memref_squeeze %dma_wait3A_174 : memref<1x128xi32, #tpu.memory_space<vmem>> -> memref<128xi32, #tpu.memory_space<vmem>>
      %dma_wait3A_176 = arith.constant 0 : i32
      %dma_wait3A_177 = arith.constant 0 : i32
      %dma_wait3A_178 = tpu.memref_slice %arg2[%dma_wait3A_176, %dma_wait3A_177] : memref<50000x128xf32, #tpu.memory_space<hbm>> -> memref<50000x128xf32, #tpu.memory_space<hbm>>
      %dma_wait3A_179 = tpu.memref_slice %arg7[%dma_wait3A_168] : memref<5x!tpu.dma_semaphore, #tpu.memory_space<semaphore_mem>> -> memref<1x!tpu.dma_semaphore, #tpu.memory_space<semaphore_mem>>
      %dma_wait3A_180 = tpu.memref_squeeze %dma_wait3A_179 : memref<1x!tpu.dma_semaphore, #tpu.memory_space<semaphore_mem>> -> memref<!tpu.dma_semaphore, #tpu.memory_space<semaphore_mem>>
      tpu.wait_indirect_dma semaphore(%dma_wait3A_180 : memref<!tpu.dma_semaphore, #tpu.memory_space<semaphore_mem>>) src(%dma_wait3A_178 : memref<50000x128xf32, #tpu.memory_space<hbm>>) dst(%dma_wait3A_172 : memref<128x128xf32, #tpu.memory_space<vmem>>)
      %mul3A_181 = arith.constant 409600 : i32
      %mul3A_182 = arith.muli %select_n3A_62, %mul3A_181 : i32
      %mul3A_183 = arith.constant 5 : i32
      %mul3A_184 = arith.muli %sub3A_64, %mul3A_183 : i32
      %add3A_185 = arith.addi %select_n3A, %mul3A_184 : i32
      %add3A_186 = arith.constant 0 : i32
      %add3A_187 = arith.addi %add3A_185, %add3A_186 : i32
      %mul3A_188 = arith.constant 128 : i32
      %mul3A_189 = arith.muli %add3A_187, %mul3A_188 : i32
      %add3A_190 = arith.addi %mul3A_182, %mul3A_189 : i32
      %dma_start3A_191 = arith.constant 0 : i32
      %dma_start3A_192 = arith.constant 0 : i32
      %dma_start3A_193 = arith.constant 0 : i32
      %dma_start3A_194 = arith.constant 0 : i32
      %dma_start3A_195 = tpu.memref_slice %arg6[%dma_start3A_191, %dma_start3A_193, %dma_start3A_194] : memref<5x128x128xf32, #tpu.memory_space<vmem>> -> memref<1x128x128xf32, #tpu.memory_space<vmem>>
      %dma_start3A_196 = tpu.memref_squeeze %dma_start3A_195 : memref<1x128x128xf32, #tpu.memory_space<vmem>> -> memref<128x128xf32, #tpu.memory_space<vmem>>
      %dma_start3A_197 = arith.constant 0 : i32
      %dma_start3A_198 = tpu.memref_slice %arg4[%add3A_190, %dma_start3A_197] : memref<819200x128xf32, #tpu.memory_space<hbm>> -> memref<128x128xf32, #tpu.memory_space<hbm>>
      %dma_start3A_199 = tpu.memref_slice %arg8[%dma_start3A_192] : memref<5x!tpu.dma_semaphore, #tpu.memory_space<semaphore_mem>> -> memref<1x!tpu.dma_semaphore, #tpu.memory_space<semaphore_mem>>
      %dma_start3A_200 = tpu.memref_squeeze %dma_start3A_199 : memref<1x!tpu.dma_semaphore, #tpu.memory_space<semaphore_mem>> -> memref<!tpu.dma_semaphore, #tpu.memory_space<semaphore_mem>>
      %dma_start3A_201 = arith.constant 0 : i32
      %dma_start3A_202 = tpu.memref_slice %arg4[%add3A_190, %dma_start3A_201] : memref<819200x128xf32, #tpu.memory_space<hbm>> -> memref<128x128xf32, #tpu.memory_space<hbm>>
      %dma_start3A_203 = arith.constant 0 : i32
      %dma_start3A_204 = arith.constant 0 : i32
      %dma_start3A_205 = tpu.memref_slice %arg6[%dma_start3A_191, %dma_start3A_203, %dma_start3A_204] : memref<5x128x128xf32, #tpu.memory_space<vmem>> -> memref<1x128x128xf32, #tpu.memory_space<vmem>>
      %dma_start3A_206 = tpu.memref_squeeze %dma_start3A_205 : memref<1x128x128xf32, #tpu.memory_space<vmem>> -> memref<128x128xf32, #tpu.memory_space<vmem>>
      tpu.enqueue_dma source(%dma_start3A_206 : memref<128x128xf32, #tpu.memory_space<vmem>>) target(%dma_start3A_202 : memref<128x128xf32, #tpu.memory_space<hbm>>) target_semaphore(%dma_start3A_200 : memref<!tpu.dma_semaphore, #tpu.memory_space<semaphore_mem>>)
      %dma_wait3A_207 = arith.constant 1 : i32
      %dma_wait3A_208 = arith.constant 1 : i32
      %dma_wait3A_209 = arith.constant 1 : i32
      %dma_wait3A_210 = arith.constant 0 : i32
      %dma_wait3A_211 = arith.constant 0 : i32
      %dma_wait3A_212 = tpu.memref_slice %arg6[%dma_wait3A_208, %dma_wait3A_210, %dma_wait3A_211] : memref<5x128x128xf32, #tpu.memory_space<vmem>> -> memref<1x128x128xf32, #tpu.memory_space<vmem>>
      %dma_wait3A_213 = tpu.memref_squeeze %dma_wait3A_212 : memref<1x128x128xf32, #tpu.memory_space<vmem>> -> memref<128x128xf32, #tpu.memory_space<vmem>>
      %dma_wait3A_214 = arith.constant 0 : i32
      %dma_wait3A_215 = tpu.memref_slice %arg5[%dma_wait3A_207, %dma_wait3A_214] : memref<5x128xi32, #tpu.memory_space<vmem>> -> memref<1x128xi32, #tpu.memory_space<vmem>>
      %dma_wait3A_216 = tpu.memref_squeeze %dma_wait3A_215 : memref<1x128xi32, #tpu.memory_space<vmem>> -> memref<128xi32, #tpu.memory_space<vmem>>
      %dma_wait3A_217 = arith.constant 0 : i32
      %dma_wait3A_218 = arith.constant 0 : i32
      %dma_wait3A_219 = tpu.memref_slice %arg2[%dma_wait3A_217, %dma_wait3A_218] : memref<50000x128xf32, #tpu.memory_space<hbm>> -> memref<50000x128xf32, #tpu.memory_space<hbm>>
      %dma_wait3A_220 = tpu.memref_slice %arg7[%dma_wait3A_209] : memref<5x!tpu.dma_semaphore, #tpu.memory_space<semaphore_mem>> -> memref<1x!tpu.dma_semaphore, #tpu.memory_space<semaphore_mem>>
      %dma_wait3A_221 = tpu.memref_squeeze %dma_wait3A_220 : memref<1x!tpu.dma_semaphore, #tpu.memory_space<semaphore_mem>> -> memref<!tpu.dma_semaphore, #tpu.memory_space<semaphore_mem>>
      tpu.wait_indirect_dma semaphore(%dma_wait3A_221 : memref<!tpu.dma_semaphore, #tpu.memory_space<semaphore_mem>>) src(%dma_wait3A_219 : memref<50000x128xf32, #tpu.memory_space<hbm>>) dst(%dma_wait3A_213 : memref<128x128xf32, #tpu.memory_space<vmem>>)
      %mul3A_222 = arith.constant 409600 : i32
      %mul3A_223 = arith.muli %select_n3A_62, %mul3A_222 : i32
      %mul3A_224 = arith.constant 5 : i32
      %mul3A_225 = arith.muli %sub3A_64, %mul3A_224 : i32
      %add3A_226 = arith.addi %select_n3A, %mul3A_225 : i32
      %add3A_227 = arith.constant 1 : i32
      %add3A_228 = arith.addi %add3A_226, %add3A_227 : i32
      %mul3A_229 = arith.constant 128 : i32
      %mul3A_230 = arith.muli %add3A_228, %mul3A_229 : i32
      %add3A_231 = arith.addi %mul3A_223, %mul3A_230 : i32
      %dma_start3A_232 = arith.constant 1 : i32
      %dma_start3A_233 = arith.constant 1 : i32
      %dma_start3A_234 = arith.constant 0 : i32
      %dma_start3A_235 = arith.constant 0 : i32
      %dma_start3A_236 = tpu.memref_slice %arg6[%dma_start3A_232, %dma_start3A_234, %dma_start3A_235] : memref<5x128x128xf32, #tpu.memory_space<vmem>> -> memref<1x128x128xf32, #tpu.memory_space<vmem>>
      %dma_start3A_237 = tpu.memref_squeeze %dma_start3A_236 : memref<1x128x128xf32, #tpu.memory_space<vmem>> -> memref<128x128xf32, #tpu.memory_space<vmem>>
      %dma_start3A_238 = arith.constant 0 : i32
      %dma_start3A_239 = tpu.memref_slice %arg4[%add3A_231, %dma_start3A_238] : memref<819200x128xf32, #tpu.memory_space<hbm>> -> memref<128x128xf32, #tpu.memory_space<hbm>>
      %dma_start3A_240 = tpu.memref_slice %arg8[%dma_start3A_233] : memref<5x!tpu.dma_semaphore, #tpu.memory_space<semaphore_mem>> -> memref<1x!tpu.dma_semaphore, #tpu.memory_space<semaphore_mem>>
      %dma_start3A_241 = tpu.memref_squeeze %dma_start3A_240 : memref<1x!tpu.dma_semaphore, #tpu.memory_space<semaphore_mem>> -> memref<!tpu.dma_semaphore, #tpu.memory_space<semaphore_mem>>
      %dma_start3A_242 = arith.constant 0 : i32
      %dma_start3A_243 = tpu.memref_slice %arg4[%add3A_231, %dma_start3A_242] : memref<819200x128xf32, #tpu.memory_space<hbm>> -> memref<128x128xf32, #tpu.memory_space<hbm>>
      %dma_start3A_244 = arith.constant 0 : i32
      %dma_start3A_245 = arith.constant 0 : i32
      %dma_start3A_246 = tpu.memref_slice %arg6[%dma_start3A_232, %dma_start3A_244, %dma_start3A_245] : memref<5x128x128xf32, #tpu.memory_space<vmem>> -> memref<1x128x128xf32, #tpu.memory_space<vmem>>
      %dma_start3A_247 = tpu.memref_squeeze %dma_start3A_246 : memref<1x128x128xf32, #tpu.memory_space<vmem>> -> memref<128x128xf32, #tpu.memory_space<vmem>>
      tpu.enqueue_dma source(%dma_start3A_247 : memref<128x128xf32, #tpu.memory_space<vmem>>) target(%dma_start3A_243 : memref<128x128xf32, #tpu.memory_space<hbm>>) target_semaphore(%dma_start3A_241 : memref<!tpu.dma_semaphore, #tpu.memory_space<semaphore_mem>>)
      %dma_wait3A_248 = arith.constant 2 : i32
      %dma_wait3A_249 = arith.constant 2 : i32
      %dma_wait3A_250 = arith.constant 2 : i32
      %dma_wait3A_251 = arith.constant 0 : i32
      %dma_wait3A_252 = arith.constant 0 : i32
      %dma_wait3A_253 = tpu.memref_slice %arg6[%dma_wait3A_249, %dma_wait3A_251, %dma_wait3A_252] : memref<5x128x128xf32, #tpu.memory_space<vmem>> -> memref<1x128x128xf32, #tpu.memory_space<vmem>>
      %dma_wait3A_254 = tpu.memref_squeeze %dma_wait3A_253 : memref<1x128x128xf32, #tpu.memory_space<vmem>> -> memref<128x128xf32, #tpu.memory_space<vmem>>
      %dma_wait3A_255 = arith.constant 0 : i32
      %dma_wait3A_256 = tpu.memref_slice %arg5[%dma_wait3A_248, %dma_wait3A_255] : memref<5x128xi32, #tpu.memory_space<vmem>> -> memref<1x128xi32, #tpu.memory_space<vmem>>
      %dma_wait3A_257 = tpu.memref_squeeze %dma_wait3A_256 : memref<1x128xi32, #tpu.memory_space<vmem>> -> memref<128xi32, #tpu.memory_space<vmem>>
      %dma_wait3A_258 = arith.constant 0 : i32
      %dma_wait3A_259 = arith.constant 0 : i32
      %dma_wait3A_260 = tpu.memref_slice %arg2[%dma_wait3A_258, %dma_wait3A_259] : memref<50000x128xf32, #tpu.memory_space<hbm>> -> memref<50000x128xf32, #tpu.memory_space<hbm>>
      %dma_wait3A_261 = tpu.memref_slice %arg7[%dma_wait3A_250] : memref<5x!tpu.dma_semaphore, #tpu.memory_space<semaphore_mem>> -> memref<1x!tpu.dma_semaphore, #tpu.memory_space<semaphore_mem>>
      %dma_wait3A_262 = tpu.memref_squeeze %dma_wait3A_261 : memref<1x!tpu.dma_semaphore, #tpu.memory_space<semaphore_mem>> -> memref<!tpu.dma_semaphore, #tpu.memory_space<semaphore_mem>>
      tpu.wait_indirect_dma semaphore(%dma_wait3A_262 : memref<!tpu.dma_semaphore, #tpu.memory_space<semaphore_mem>>) src(%dma_wait3A_260 : memref<50000x128xf32, #tpu.memory_space<hbm>>) dst(%dma_wait3A_254 : memref<128x128xf32, #tpu.memory_space<vmem>>)
      %mul3A_263 = arith.constant 409600 : i32
      %mul3A_264 = arith.muli %select_n3A_62, %mul3A_263 : i32
      %mul3A_265 = arith.constant 5 : i32
      %mul3A_266 = arith.muli %sub3A_64, %mul3A_265 : i32
      %add3A_267 = arith.addi %select_n3A, %mul3A_266 : i32
      %add3A_268 = arith.constant 2 : i32
      %add3A_269 = arith.addi %add3A_267, %add3A_268 : i32
      %mul3A_270 = arith.constant 128 : i32
      %mul3A_271 = arith.muli %add3A_269, %mul3A_270 : i32
      %add3A_272 = arith.addi %mul3A_264, %mul3A_271 : i32
      %dma_start3A_273 = arith.constant 2 : i32
      %dma_start3A_274 = arith.constant 2 : i32
      %dma_start3A_275 = arith.constant 0 : i32
      %dma_start3A_276 = arith.constant 0 : i32
      %dma_start3A_277 = tpu.memref_slice %arg6[%dma_start3A_273, %dma_start3A_275, %dma_start3A_276] : memref<5x128x128xf32, #tpu.memory_space<vmem>> -> memref<1x128x128xf32, #tpu.memory_space<vmem>>
      %dma_start3A_278 = tpu.memref_squeeze %dma_start3A_277 : memref<1x128x128xf32, #tpu.memory_space<vmem>> -> memref<128x128xf32, #tpu.memory_space<vmem>>
      %dma_start3A_279 = arith.constant 0 : i32
      %dma_start3A_280 = tpu.memref_slice %arg4[%add3A_272, %dma_start3A_279] : memref<819200x128xf32, #tpu.memory_space<hbm>> -> memref<128x128xf32, #tpu.memory_space<hbm>>
      %dma_start3A_281 = tpu.memref_slice %arg8[%dma_start3A_274] : memref<5x!tpu.dma_semaphore, #tpu.memory_space<semaphore_mem>> -> memref<1x!tpu.dma_semaphore, #tpu.memory_space<semaphore_mem>>
      %dma_start3A_282 = tpu.memref_squeeze %dma_start3A_281 : memref<1x!tpu.dma_semaphore, #tpu.memory_space<semaphore_mem>> -> memref<!tpu.dma_semaphore, #tpu.memory_space<semaphore_mem>>
      %dma_start3A_283 = arith.constant 0 : i32
      %dma_start3A_284 = tpu.memref_slice %arg4[%add3A_272, %dma_start3A_283] : memref<819200x128xf32, #tpu.memory_space<hbm>> -> memref<128x128xf32, #tpu.memory_space<hbm>>
      %dma_start3A_285 = arith.constant 0 : i32
      %dma_start3A_286 = arith.constant 0 : i32
      %dma_start3A_287 = tpu.memref_slice %arg6[%dma_start3A_273, %dma_start3A_285, %dma_start3A_286] : memref<5x128x128xf32, #tpu.memory_space<vmem>> -> memref<1x128x128xf32, #tpu.memory_space<vmem>>
      %dma_start3A_288 = tpu.memref_squeeze %dma_start3A_287 : memref<1x128x128xf32, #tpu.memory_space<vmem>> -> memref<128x128xf32, #tpu.memory_space<vmem>>
      tpu.enqueue_dma source(%dma_start3A_288 : memref<128x128xf32, #tpu.memory_space<vmem>>) target(%dma_start3A_284 : memref<128x128xf32, #tpu.memory_space<hbm>>) target_semaphore(%dma_start3A_282 : memref<!tpu.dma_semaphore, #tpu.memory_space<semaphore_mem>>)
      %dma_wait3A_289 = arith.constant 3 : i32
      %dma_wait3A_290 = arith.constant 3 : i32
      %dma_wait3A_291 = arith.constant 3 : i32
      %dma_wait3A_292 = arith.constant 0 : i32
      %dma_wait3A_293 = arith.constant 0 : i32
      %dma_wait3A_294 = tpu.memref_slice %arg6[%dma_wait3A_290, %dma_wait3A_292, %dma_wait3A_293] : memref<5x128x128xf32, #tpu.memory_space<vmem>> -> memref<1x128x128xf32, #tpu.memory_space<vmem>>
      %dma_wait3A_295 = tpu.memref_squeeze %dma_wait3A_294 : memref<1x128x128xf32, #tpu.memory_space<vmem>> -> memref<128x128xf32, #tpu.memory_space<vmem>>
      %dma_wait3A_296 = arith.constant 0 : i32
      %dma_wait3A_297 = tpu.memref_slice %arg5[%dma_wait3A_289, %dma_wait3A_296] : memref<5x128xi32, #tpu.memory_space<vmem>> -> memref<1x128xi32, #tpu.memory_space<vmem>>
      %dma_wait3A_298 = tpu.memref_squeeze %dma_wait3A_297 : memref<1x128xi32, #tpu.memory_space<vmem>> -> memref<128xi32, #tpu.memory_space<vmem>>
      %dma_wait3A_299 = arith.constant 0 : i32
      %dma_wait3A_300 = arith.constant 0 : i32
      %dma_wait3A_301 = tpu.memref_slice %arg2[%dma_wait3A_299, %dma_wait3A_300] : memref<50000x128xf32, #tpu.memory_space<hbm>> -> memref<50000x128xf32, #tpu.memory_space<hbm>>
      %dma_wait3A_302 = tpu.memref_slice %arg7[%dma_wait3A_291] : memref<5x!tpu.dma_semaphore, #tpu.memory_space<semaphore_mem>> -> memref<1x!tpu.dma_semaphore, #tpu.memory_space<semaphore_mem>>
      %dma_wait3A_303 = tpu.memref_squeeze %dma_wait3A_302 : memref<1x!tpu.dma_semaphore, #tpu.memory_space<semaphore_mem>> -> memref<!tpu.dma_semaphore, #tpu.memory_space<semaphore_mem>>
      tpu.wait_indirect_dma semaphore(%dma_wait3A_303 : memref<!tpu.dma_semaphore, #tpu.memory_space<semaphore_mem>>) src(%dma_wait3A_301 : memref<50000x128xf32, #tpu.memory_space<hbm>>) dst(%dma_wait3A_295 : memref<128x128xf32, #tpu.memory_space<vmem>>)
      %mul3A_304 = arith.constant 409600 : i32
      %mul3A_305 = arith.muli %select_n3A_62, %mul3A_304 : i32
      %mul3A_306 = arith.constant 5 : i32
      %mul3A_307 = arith.muli %sub3A_64, %mul3A_306 : i32
      %add3A_308 = arith.addi %select_n3A, %mul3A_307 : i32
      %add3A_309 = arith.constant 3 : i32
      %add3A_310 = arith.addi %add3A_308, %add3A_309 : i32
      %mul3A_311 = arith.constant 128 : i32
      %mul3A_312 = arith.muli %add3A_310, %mul3A_311 : i32
      %add3A_313 = arith.addi %mul3A_305, %mul3A_312 : i32
      %dma_start3A_314 = arith.constant 3 : i32
      %dma_start3A_315 = arith.constant 3 : i32
      %dma_start3A_316 = arith.constant 0 : i32
      %dma_start3A_317 = arith.constant 0 : i32
      %dma_start3A_318 = tpu.memref_slice %arg6[%dma_start3A_314, %dma_start3A_316, %dma_start3A_317] : memref<5x128x128xf32, #tpu.memory_space<vmem>> -> memref<1x128x128xf32, #tpu.memory_space<vmem>>
      %dma_start3A_319 = tpu.memref_squeeze %dma_start3A_318 : memref<1x128x128xf32, #tpu.memory_space<vmem>> -> memref<128x128xf32, #tpu.memory_space<vmem>>
      %dma_start3A_320 = arith.constant 0 : i32
      %dma_start3A_321 = tpu.memref_slice %arg4[%add3A_313, %dma_start3A_320] : memref<819200x128xf32, #tpu.memory_space<hbm>> -> memref<128x128xf32, #tpu.memory_space<hbm>>
      %dma_start3A_322 = tpu.memref_slice %arg8[%dma_start3A_315] : memref<5x!tpu.dma_semaphore, #tpu.memory_space<semaphore_mem>> -> memref<1x!tpu.dma_semaphore, #tpu.memory_space<semaphore_mem>>
      %dma_start3A_323 = tpu.memref_squeeze %dma_start3A_322 : memref<1x!tpu.dma_semaphore, #tpu.memory_space<semaphore_mem>> -> memref<!tpu.dma_semaphore, #tpu.memory_space<semaphore_mem>>
      %dma_start3A_324 = arith.constant 0 : i32
      %dma_start3A_325 = tpu.memref_slice %arg4[%add3A_313, %dma_start3A_324] : memref<819200x128xf32, #tpu.memory_space<hbm>> -> memref<128x128xf32, #tpu.memory_space<hbm>>
      %dma_start3A_326 = arith.constant 0 : i32
      %dma_start3A_327 = arith.constant 0 : i32
      %dma_start3A_328 = tpu.memref_slice %arg6[%dma_start3A_314, %dma_start3A_326, %dma_start3A_327] : memref<5x128x128xf32, #tpu.memory_space<vmem>> -> memref<1x128x128xf32, #tpu.memory_space<vmem>>
      %dma_start3A_329 = tpu.memref_squeeze %dma_start3A_328 : memref<1x128x128xf32, #tpu.memory_space<vmem>> -> memref<128x128xf32, #tpu.memory_space<vmem>>
      tpu.enqueue_dma source(%dma_start3A_329 : memref<128x128xf32, #tpu.memory_space<vmem>>) target(%dma_start3A_325 : memref<128x128xf32, #tpu.memory_space<hbm>>) target_semaphore(%dma_start3A_323 : memref<!tpu.dma_semaphore, #tpu.memory_space<semaphore_mem>>)
      %dma_wait3A_330 = arith.constant 4 : i32
      %dma_wait3A_331 = arith.constant 4 : i32
      %dma_wait3A_332 = arith.constant 4 : i32
      %dma_wait3A_333 = arith.constant 0 : i32
      %dma_wait3A_334 = arith.constant 0 : i32
      %dma_wait3A_335 = tpu.memref_slice %arg6[%dma_wait3A_331, %dma_wait3A_333, %dma_wait3A_334] : memref<5x128x128xf32, #tpu.memory_space<vmem>> -> memref<1x128x128xf32, #tpu.memory_space<vmem>>
      %dma_wait3A_336 = tpu.memref_squeeze %dma_wait3A_335 : memref<1x128x128xf32, #tpu.memory_space<vmem>> -> memref<128x128xf32, #tpu.memory_space<vmem>>
      %dma_wait3A_337 = arith.constant 0 : i32
      %dma_wait3A_338 = tpu.memref_slice %arg5[%dma_wait3A_330, %dma_wait3A_337] : memref<5x128xi32, #tpu.memory_space<vmem>> -> memref<1x128xi32, #tpu.memory_space<vmem>>
      %dma_wait3A_339 = tpu.memref_squeeze %dma_wait3A_338 : memref<1x128xi32, #tpu.memory_space<vmem>> -> memref<128xi32, #tpu.memory_space<vmem>>
      %dma_wait3A_340 = arith.constant 0 : i32
      %dma_wait3A_341 = arith.constant 0 : i32
      %dma_wait3A_342 = tpu.memref_slice %arg2[%dma_wait3A_340, %dma_wait3A_341] : memref<50000x128xf32, #tpu.memory_space<hbm>> -> memref<50000x128xf32, #tpu.memory_space<hbm>>
      %dma_wait3A_343 = tpu.memref_slice %arg7[%dma_wait3A_332] : memref<5x!tpu.dma_semaphore, #tpu.memory_space<semaphore_mem>> -> memref<1x!tpu.dma_semaphore, #tpu.memory_space<semaphore_mem>>
      %dma_wait3A_344 = tpu.memref_squeeze %dma_wait3A_343 : memref<1x!tpu.dma_semaphore, #tpu.memory_space<semaphore_mem>> -> memref<!tpu.dma_semaphore, #tpu.memory_space<semaphore_mem>>
      tpu.wait_indirect_dma semaphore(%dma_wait3A_344 : memref<!tpu.dma_semaphore, #tpu.memory_space<semaphore_mem>>) src(%dma_wait3A_342 : memref<50000x128xf32, #tpu.memory_space<hbm>>) dst(%dma_wait3A_336 : memref<128x128xf32, #tpu.memory_space<vmem>>)
      %mul3A_345 = arith.constant 409600 : i32
      %mul3A_346 = arith.muli %select_n3A_62, %mul3A_345 : i32
      %mul3A_347 = arith.constant 5 : i32
      %mul3A_348 = arith.muli %sub3A_64, %mul3A_347 : i32
      %add3A_349 = arith.addi %select_n3A, %mul3A_348 : i32
      %add3A_350 = arith.constant 4 : i32
      %add3A_351 = arith.addi %add3A_349, %add3A_350 : i32
      %mul3A_352 = arith.constant 128 : i32
      %mul3A_353 = arith.muli %add3A_351, %mul3A_352 : i32
      %add3A_354 = arith.addi %mul3A_346, %mul3A_353 : i32
      %dma_start3A_355 = arith.constant 4 : i32
      %dma_start3A_356 = arith.constant 4 : i32
      %dma_start3A_357 = arith.constant 0 : i32
      %dma_start3A_358 = arith.constant 0 : i32
      %dma_start3A_359 = tpu.memref_slice %arg6[%dma_start3A_355, %dma_start3A_357, %dma_start3A_358] : memref<5x128x128xf32, #tpu.memory_space<vmem>> -> memref<1x128x128xf32, #tpu.memory_space<vmem>>
      %dma_start3A_360 = tpu.memref_squeeze %dma_start3A_359 : memref<1x128x128xf32, #tpu.memory_space<vmem>> -> memref<128x128xf32, #tpu.memory_space<vmem>>
      %dma_start3A_361 = arith.constant 0 : i32
      %dma_start3A_362 = tpu.memref_slice %arg4[%add3A_354, %dma_start3A_361] : memref<819200x128xf32, #tpu.memory_space<hbm>> -> memref<128x128xf32, #tpu.memory_space<hbm>>
      %dma_start3A_363 = tpu.memref_slice %arg8[%dma_start3A_356] : memref<5x!tpu.dma_semaphore, #tpu.memory_space<semaphore_mem>> -> memref<1x!tpu.dma_semaphore, #tpu.memory_space<semaphore_mem>>
      %dma_start3A_364 = tpu.memref_squeeze %dma_start3A_363 : memref<1x!tpu.dma_semaphore, #tpu.memory_space<semaphore_mem>> -> memref<!tpu.dma_semaphore, #tpu.memory_space<semaphore_mem>>
      %dma_start3A_365 = arith.constant 0 : i32
      %dma_start3A_366 = tpu.memref_slice %arg4[%add3A_354, %dma_start3A_365] : memref<819200x128xf32, #tpu.memory_space<hbm>> -> memref<128x128xf32, #tpu.memory_space<hbm>>
      %dma_start3A_367 = arith.constant 0 : i32
      %dma_start3A_368 = arith.constant 0 : i32
      %dma_start3A_369 = tpu.memref_slice %arg6[%dma_start3A_355, %dma_start3A_367, %dma_start3A_368] : memref<5x128x128xf32, #tpu.memory_space<vmem>> -> memref<1x128x128xf32, #tpu.memory_space<vmem>>
      %dma_start3A_370 = tpu.memref_squeeze %dma_start3A_369 : memref<1x128x128xf32, #tpu.memory_space<vmem>> -> memref<128x128xf32, #tpu.memory_space<vmem>>
      tpu.enqueue_dma source(%dma_start3A_370 : memref<128x128xf32, #tpu.memory_space<vmem>>) target(%dma_start3A_366 : memref<128x128xf32, #tpu.memory_space<hbm>>) target_semaphore(%dma_start3A_364 : memref<!tpu.dma_semaphore, #tpu.memory_space<semaphore_mem>>)
      %while3A_371 = arith.constant 0 : i32
      scf.yield %while3A_371 : i32
    }
    %gt3A = arith.constant 0 : i32
    %gt3A_22 = arith.cmpi sgt, %select_n3A_8, %gt3A : i32
    %convert_element_type3A = arith.extui %gt3A_22 : i1 to i32
    %cond3A = arith.constant 0 : i32
    %cond3A_23 = arith.cmpi ne, %convert_element_type3A, %cond3A : i32
    scf.if %cond3A_23 {
      %dma_wait3A = arith.constant 0 : i32
      %dma_wait3A_44 = arith.constant 0 : i32
      %dma_wait3A_45 = arith.constant 0 : i32
      %dma_wait3A_46 = arith.constant 0 : i32
      %dma_wait3A_47 = tpu.memref_slice %arg6[%dma_wait3A, %dma_wait3A_45, %dma_wait3A_46] : memref<5x128x128xf32, #tpu.memory_space<vmem>> -> memref<1x128x128xf32, #tpu.memory_space<vmem>>
      %dma_wait3A_48 = tpu.memref_squeeze %dma_wait3A_47 : memref<1x128x128xf32, #tpu.memory_space<vmem>> -> memref<128x128xf32, #tpu.memory_space<vmem>>
      %dma_wait3A_49 = arith.constant 0 : i32
      %dma_wait3A_50 = arith.constant 0 : i32
      %dma_wait3A_51 = tpu.memref_slice %arg4[%dma_wait3A_49, %dma_wait3A_50] : memref<819200x128xf32, #tpu.memory_space<hbm>> -> memref<128x128xf32, #tpu.memory_space<hbm>>
      %dma_wait3A_52 = tpu.memref_slice %arg8[%dma_wait3A_44] : memref<5x!tpu.dma_semaphore, #tpu.memory_space<semaphore_mem>> -> memref<1x!tpu.dma_semaphore, #tpu.memory_space<semaphore_mem>>
      %dma_wait3A_53 = tpu.memref_squeeze %dma_wait3A_52 : memref<1x!tpu.dma_semaphore, #tpu.memory_space<semaphore_mem>> -> memref<!tpu.dma_semaphore, #tpu.memory_space<semaphore_mem>>
      %dma_wait3A_54 = arith.constant 0 : i32
      %dma_wait3A_55 = arith.constant 0 : i32
      %dma_wait3A_56 = tpu.memref_slice %arg4[%dma_wait3A_54, %dma_wait3A_55] : memref<819200x128xf32, #tpu.memory_space<hbm>> -> memref<128x128xf32, #tpu.memory_space<hbm>>
      %dma_wait3A_57 = arith.constant 0 : i32
      %dma_wait3A_58 = arith.constant 0 : i32
      %dma_wait3A_59 = tpu.memref_slice %arg6[%dma_wait3A, %dma_wait3A_57, %dma_wait3A_58] : memref<5x128x128xf32, #tpu.memory_space<vmem>> -> memref<1x128x128xf32, #tpu.memory_space<vmem>>
      %dma_wait3A_60 = tpu.memref_squeeze %dma_wait3A_59 : memref<1x128x128xf32, #tpu.memory_space<vmem>> -> memref<128x128xf32, #tpu.memory_space<vmem>>
      tpu.wait_dma2 semaphore(%dma_wait3A_53 : memref<!tpu.dma_semaphore, #tpu.memory_space<semaphore_mem>>) src(%dma_wait3A_60 : memref<128x128xf32, #tpu.memory_space<vmem>>) dst(%dma_wait3A_56 : memref<128x128xf32, #tpu.memory_space<hbm>>)
    } else {
    }
    %gt3A_24 = arith.constant 0 : i32
    %gt3A_25 = arith.cmpi sgt, %select_n3A_8, %gt3A_24 : i32
    %convert_element_type3A_26 = arith.extui %gt3A_25 : i1 to i32
    %cond3A_27 = arith.constant 0 : i32
    %cond3A_28 = arith.cmpi ne, %convert_element_type3A_26, %cond3A_27 : i32
    scf.if %cond3A_28 {
      %dma_wait3A = arith.constant 1 : i32
      %dma_wait3A_44 = arith.constant 1 : i32
      %dma_wait3A_45 = arith.constant 0 : i32
      %dma_wait3A_46 = arith.constant 0 : i32
      %dma_wait3A_47 = tpu.memref_slice %arg6[%dma_wait3A, %dma_wait3A_45, %dma_wait3A_46] : memref<5x128x128xf32, #tpu.memory_space<vmem>> -> memref<1x128x128xf32, #tpu.memory_space<vmem>>
      %dma_wait3A_48 = tpu.memref_squeeze %dma_wait3A_47 : memref<1x128x128xf32, #tpu.memory_space<vmem>> -> memref<128x128xf32, #tpu.memory_space<vmem>>
      %dma_wait3A_49 = arith.constant 0 : i32
      %dma_wait3A_50 = arith.constant 0 : i32
      %dma_wait3A_51 = tpu.memref_slice %arg4[%dma_wait3A_49, %dma_wait3A_50] : memref<819200x128xf32, #tpu.memory_space<hbm>> -> memref<128x128xf32, #tpu.memory_space<hbm>>
      %dma_wait3A_52 = tpu.memref_slice %arg8[%dma_wait3A_44] : memref<5x!tpu.dma_semaphore, #tpu.memory_space<semaphore_mem>> -> memref<1x!tpu.dma_semaphore, #tpu.memory_space<semaphore_mem>>
      %dma_wait3A_53 = tpu.memref_squeeze %dma_wait3A_52 : memref<1x!tpu.dma_semaphore, #tpu.memory_space<semaphore_mem>> -> memref<!tpu.dma_semaphore, #tpu.memory_space<semaphore_mem>>
      %dma_wait3A_54 = arith.constant 0 : i32
      %dma_wait3A_55 = arith.constant 0 : i32
      %dma_wait3A_56 = tpu.memref_slice %arg4[%dma_wait3A_54, %dma_wait3A_55] : memref<819200x128xf32, #tpu.memory_space<hbm>> -> memref<128x128xf32, #tpu.memory_space<hbm>>
      %dma_wait3A_57 = arith.constant 0 : i32
      %dma_wait3A_58 = arith.constant 0 : i32
      %dma_wait3A_59 = tpu.memref_slice %arg6[%dma_wait3A, %dma_wait3A_57, %dma_wait3A_58] : memref<5x128x128xf32, #tpu.memory_space<vmem>> -> memref<1x128x128xf32, #tpu.memory_space<vmem>>
      %dma_wait3A_60 = tpu.memref_squeeze %dma_wait3A_59 : memref<1x128x128xf32, #tpu.memory_space<vmem>> -> memref<128x128xf32, #tpu.memory_space<vmem>>
      tpu.wait_dma2 semaphore(%dma_wait3A_53 : memref<!tpu.dma_semaphore, #tpu.memory_space<semaphore_mem>>) src(%dma_wait3A_60 : memref<128x128xf32, #tpu.memory_space<vmem>>) dst(%dma_wait3A_56 : memref<128x128xf32, #tpu.memory_space<hbm>>)
    } else {
    }
    %gt3A_29 = arith.constant 0 : i32
    %gt3A_30 = arith.cmpi sgt, %select_n3A_8, %gt3A_29 : i32
    %convert_element_type3A_31 = arith.extui %gt3A_30 : i1 to i32
    %cond3A_32 = arith.constant 0 : i32
    %cond3A_33 = arith.cmpi ne, %convert_element_type3A_31, %cond3A_32 : i32
    scf.if %cond3A_33 {
      %dma_wait3A = arith.constant 2 : i32
      %dma_wait3A_44 = arith.constant 2 : i32
      %dma_wait3A_45 = arith.constant 0 : i32
      %dma_wait3A_46 = arith.constant 0 : i32
      %dma_wait3A_47 = tpu.memref_slice %arg6[%dma_wait3A, %dma_wait3A_45, %dma_wait3A_46] : memref<5x128x128xf32, #tpu.memory_space<vmem>> -> memref<1x128x128xf32, #tpu.memory_space<vmem>>
      %dma_wait3A_48 = tpu.memref_squeeze %dma_wait3A_47 : memref<1x128x128xf32, #tpu.memory_space<vmem>> -> memref<128x128xf32, #tpu.memory_space<vmem>>
      %dma_wait3A_49 = arith.constant 0 : i32
      %dma_wait3A_50 = arith.constant 0 : i32
      %dma_wait3A_51 = tpu.memref_slice %arg4[%dma_wait3A_49, %dma_wait3A_50] : memref<819200x128xf32, #tpu.memory_space<hbm>> -> memref<128x128xf32, #tpu.memory_space<hbm>>
      %dma_wait3A_52 = tpu.memref_slice %arg8[%dma_wait3A_44] : memref<5x!tpu.dma_semaphore, #tpu.memory_space<semaphore_mem>> -> memref<1x!tpu.dma_semaphore, #tpu.memory_space<semaphore_mem>>
      %dma_wait3A_53 = tpu.memref_squeeze %dma_wait3A_52 : memref<1x!tpu.dma_semaphore, #tpu.memory_space<semaphore_mem>> -> memref<!tpu.dma_semaphore, #tpu.memory_space<semaphore_mem>>
      %dma_wait3A_54 = arith.constant 0 : i32
      %dma_wait3A_55 = arith.constant 0 : i32
      %dma_wait3A_56 = tpu.memref_slice %arg4[%dma_wait3A_54, %dma_wait3A_55] : memref<819200x128xf32, #tpu.memory_space<hbm>> -> memref<128x128xf32, #tpu.memory_space<hbm>>
      %dma_wait3A_57 = arith.constant 0 : i32
      %dma_wait3A_58 = arith.constant 0 : i32
      %dma_wait3A_59 = tpu.memref_slice %arg6[%dma_wait3A, %dma_wait3A_57, %dma_wait3A_58] : memref<5x128x128xf32, #tpu.memory_space<vmem>> -> memref<1x128x128xf32, #tpu.memory_space<vmem>>
      %dma_wait3A_60 = tpu.memref_squeeze %dma_wait3A_59 : memref<1x128x128xf32, #tpu.memory_space<vmem>> -> memref<128x128xf32, #tpu.memory_space<vmem>>
      tpu.wait_dma2 semaphore(%dma_wait3A_53 : memref<!tpu.dma_semaphore, #tpu.memory_space<semaphore_mem>>) src(%dma_wait3A_60 : memref<128x128xf32, #tpu.memory_space<vmem>>) dst(%dma_wait3A_56 : memref<128x128xf32, #tpu.memory_space<hbm>>)
    } else {
    }
    %gt3A_34 = arith.constant 0 : i32
    %gt3A_35 = arith.cmpi sgt, %select_n3A_8, %gt3A_34 : i32
    %convert_element_type3A_36 = arith.extui %gt3A_35 : i1 to i32
    %cond3A_37 = arith.constant 0 : i32
    %cond3A_38 = arith.cmpi ne, %convert_element_type3A_36, %cond3A_37 : i32
    scf.if %cond3A_38 {
      %dma_wait3A = arith.constant 3 : i32
      %dma_wait3A_44 = arith.constant 3 : i32
      %dma_wait3A_45 = arith.constant 0 : i32
      %dma_wait3A_46 = arith.constant 0 : i32
      %dma_wait3A_47 = tpu.memref_slice %arg6[%dma_wait3A, %dma_wait3A_45, %dma_wait3A_46] : memref<5x128x128xf32, #tpu.memory_space<vmem>> -> memref<1x128x128xf32, #tpu.memory_space<vmem>>
      %dma_wait3A_48 = tpu.memref_squeeze %dma_wait3A_47 : memref<1x128x128xf32, #tpu.memory_space<vmem>> -> memref<128x128xf32, #tpu.memory_space<vmem>>
      %dma_wait3A_49 = arith.constant 0 : i32
      %dma_wait3A_50 = arith.constant 0 : i32
      %dma_wait3A_51 = tpu.memref_slice %arg4[%dma_wait3A_49, %dma_wait3A_50] : memref<819200x128xf32, #tpu.memory_space<hbm>> -> memref<128x128xf32, #tpu.memory_space<hbm>>
      %dma_wait3A_52 = tpu.memref_slice %arg8[%dma_wait3A_44] : memref<5x!tpu.dma_semaphore, #tpu.memory_space<semaphore_mem>> -> memref<1x!tpu.dma_semaphore, #tpu.memory_space<semaphore_mem>>
      %dma_wait3A_53 = tpu.memref_squeeze %dma_wait3A_52 : memref<1x!tpu.dma_semaphore, #tpu.memory_space<semaphore_mem>> -> memref<!tpu.dma_semaphore, #tpu.memory_space<semaphore_mem>>
      %dma_wait3A_54 = arith.constant 0 : i32
      %dma_wait3A_55 = arith.constant 0 : i32
      %dma_wait3A_56 = tpu.memref_slice %arg4[%dma_wait3A_54, %dma_wait3A_55] : memref<819200x128xf32, #tpu.memory_space<hbm>> -> memref<128x128xf32, #tpu.memory_space<hbm>>
      %dma_wait3A_57 = arith.constant 0 : i32
      %dma_wait3A_58 = arith.constant 0 : i32
      %dma_wait3A_59 = tpu.memref_slice %arg6[%dma_wait3A, %dma_wait3A_57, %dma_wait3A_58] : memref<5x128x128xf32, #tpu.memory_space<vmem>> -> memref<1x128x128xf32, #tpu.memory_space<vmem>>
      %dma_wait3A_60 = tpu.memref_squeeze %dma_wait3A_59 : memref<1x128x128xf32, #tpu.memory_space<vmem>> -> memref<128x128xf32, #tpu.memory_space<vmem>>
      tpu.wait_dma2 semaphore(%dma_wait3A_53 : memref<!tpu.dma_semaphore, #tpu.memory_space<semaphore_mem>>) src(%dma_wait3A_60 : memref<128x128xf32, #tpu.memory_space<vmem>>) dst(%dma_wait3A_56 : memref<128x128xf32, #tpu.memory_space<hbm>>)
    } else {
    }
    %gt3A_39 = arith.constant 0 : i32
    %gt3A_40 = arith.cmpi sgt, %select_n3A_8, %gt3A_39 : i32
    %convert_element_type3A_41 = arith.extui %gt3A_40 : i1 to i32
    %cond3A_42 = arith.constant 0 : i32
    %cond3A_43 = arith.cmpi ne, %convert_element_type3A_41, %cond3A_42 : i32
    scf.if %cond3A_43 {
      %dma_wait3A = arith.constant 4 : i32
      %dma_wait3A_44 = arith.constant 4 : i32
      %dma_wait3A_45 = arith.constant 0 : i32
      %dma_wait3A_46 = arith.constant 0 : i32
      %dma_wait3A_47 = tpu.memref_slice %arg6[%dma_wait3A, %dma_wait3A_45, %dma_wait3A_46] : memref<5x128x128xf32, #tpu.memory_space<vmem>> -> memref<1x128x128xf32, #tpu.memory_space<vmem>>
      %dma_wait3A_48 = tpu.memref_squeeze %dma_wait3A_47 : memref<1x128x128xf32, #tpu.memory_space<vmem>> -> memref<128x128xf32, #tpu.memory_space<vmem>>
      %dma_wait3A_49 = arith.constant 0 : i32
      %dma_wait3A_50 = arith.constant 0 : i32
      %dma_wait3A_51 = tpu.memref_slice %arg4[%dma_wait3A_49, %dma_wait3A_50] : memref<819200x128xf32, #tpu.memory_space<hbm>> -> memref<128x128xf32, #tpu.memory_space<hbm>>
      %dma_wait3A_52 = tpu.memref_slice %arg8[%dma_wait3A_44] : memref<5x!tpu.dma_semaphore, #tpu.memory_space<semaphore_mem>> -> memref<1x!tpu.dma_semaphore, #tpu.memory_space<semaphore_mem>>
      %dma_wait3A_53 = tpu.memref_squeeze %dma_wait3A_52 : memref<1x!tpu.dma_semaphore, #tpu.memory_space<semaphore_mem>> -> memref<!tpu.dma_semaphore, #tpu.memory_space<semaphore_mem>>
      %dma_wait3A_54 = arith.constant 0 : i32
      %dma_wait3A_55 = arith.constant 0 : i32
      %dma_wait3A_56 = tpu.memref_slice %arg4[%dma_wait3A_54, %dma_wait3A_55] : memref<819200x128xf32, #tpu.memory_space<hbm>> -> memref<128x128xf32, #tpu.memory_space<hbm>>
      %dma_wait3A_57 = arith.constant 0 : i32
      %dma_wait3A_58 = arith.constant 0 : i32
      %dma_wait3A_59 = tpu.memref_slice %arg6[%dma_wait3A, %dma_wait3A_57, %dma_wait3A_58] : memref<5x128x128xf32, #tpu.memory_space<vmem>> -> memref<1x128x128xf32, #tpu.memory_space<vmem>>
      %dma_wait3A_60 = tpu.memref_squeeze %dma_wait3A_59 : memref<1x128x128xf32, #tpu.memory_space<vmem>> -> memref<128x128xf32, #tpu.memory_space<vmem>>
      tpu.wait_dma2 semaphore(%dma_wait3A_53 : memref<!tpu.dma_semaphore, #tpu.memory_space<semaphore_mem>>) src(%dma_wait3A_60 : memref<128x128xf32, #tpu.memory_space<vmem>>) dst(%dma_wait3A_56 : memref<128x128xf32, #tpu.memory_space<hbm>>)
    } else {
    }
    return
  }
}

#map = affine_map<(d0, d1) -> (0, 0)>
#map1 = affine_map<(d0, d1) -> (0, 0, 0)>
module attributes {stable_mosaic.version = 14 : i64} {
  func.func @k(%arg0: i32, %arg1: i32, %arg2: memref<819200x4xf32, #tpu.memory_space<hbm>>, %arg3: memref<6400x128xi32, #tpu.memory_space<hbm>>, %arg4: memref<51200x4xf32, #tpu.memory_space<hbm>>, %arg5: memref<2x51200x4xf32, #tpu.memory_space<hbm>>, %arg6: memref<8x128xi32, #tpu.memory_space<vmem>>, %arg7: memref<1024x4xf32, #tpu.memory_space<vmem>>, %arg8: memref<51200x4xf32, #tpu.memory_space<vmem_shared>>, %arg9: memref<8x!tpu.dma_semaphore, #tpu.memory_space<semaphore_mem>>) attributes {dimension_semantics = [#tpu.dimension_semantics<core_parallel>, #tpu.dimension_semantics<subcore_parallel>], iteration_bounds = array<i64: 2, 16>, scalar_prefetch = 0 : i64, scratch_operands = 4 : i64, tpu.core_type = #tpu.core_type<sc_vector_subcore>, window_params = [{transform_indices = #map}, {transform_indices = #map}, {transform_indices = #map}, {transform_indices = #map1}]} {
    %mul3A = arith.constant 2 : i32
    %mul3A_0 = arith.muli %arg1, %mul3A : i32
    %add3A = arith.addi %mul3A_0, %arg0 : i32
    %mul3A_1 = arith.constant 3200 : i32
    %mul3A_2 = arith.muli %arg1, %mul3A_1 : i32
    %mul3A_3 = arith.constant 3200 : i32
    %mul3A_4 = arith.muli %arg1, %mul3A_3 : i32
    "tpu.region"() ({
      %run_scoped3A = tpu.sem_alloc : memref<!tpu.dma_semaphore, #tpu.memory_space<semaphore_mem>>
      %dma_start3A = arith.constant 0 : i32
      %dma_start3A_16 = tpu.memref_slice %arg8[%mul3A_4, %dma_start3A] : memref<51200x4xf32, #tpu.memory_space<vmem_shared>> -> memref<3200x4xf32, #tpu.memory_space<vmem_shared>>
      %dma_start3A_17 = arith.constant 0 : i32
      %dma_start3A_18 = tpu.memref_slice %arg4[%mul3A_2, %dma_start3A_17] : memref<51200x4xf32, #tpu.memory_space<hbm>> -> memref<3200x4xf32, #tpu.memory_space<hbm>>
      tpu.enqueue_dma source(%dma_start3A_18 : memref<3200x4xf32, #tpu.memory_space<hbm>>) target(%dma_start3A_16 : memref<3200x4xf32, #tpu.memory_space<vmem_shared>>) target_semaphore(%run_scoped3A : memref<!tpu.dma_semaphore, #tpu.memory_space<semaphore_mem>>)
      %dma_wait3A = arith.constant 0 : i32
      %dma_wait3A_19 = tpu.memref_slice %arg8[%mul3A_4, %dma_wait3A] : memref<51200x4xf32, #tpu.memory_space<vmem_shared>> -> memref<3200x4xf32, #tpu.memory_space<vmem_shared>>
      %dma_wait3A_20 = arith.constant 0 : i32
      %dma_wait3A_21 = tpu.memref_slice %arg4[%mul3A_2, %dma_wait3A_20] : memref<51200x4xf32, #tpu.memory_space<hbm>> -> memref<3200x4xf32, #tpu.memory_space<hbm>>
      tpu.wait_dma2 semaphore(%run_scoped3A : memref<!tpu.dma_semaphore, #tpu.memory_space<semaphore_mem>>) src(%dma_wait3A_21 : memref<3200x4xf32, #tpu.memory_space<hbm>>) dst(%dma_wait3A_19 : memref<3200x4xf32, #tpu.memory_space<vmem_shared>>)
      tpu.yield
    }) : () -> ()
    %barrier3A = arith.constant 0 : index
    tpu.barrier barrier_id(%barrier3A)
    %scan3A = arith.constant 0 : i32
    %scan3A_5 = arith.constant 0 : i32
    %scan3A_6 = arith.constant 25 : i32
    %scan3A_7 = arith.addi %scan3A_5, %scan3A_6 : i32
    %scan3A_8 = arith.constant 1 : i32
    %scan3A_9 = scf.for %scan3A_16 = %scan3A_5 to %scan3A_7 step %scan3A_8 iter_args(%scan3A_17 = %scan3A) -> (i32)  : i32 {
      %mul3A_18 = arith.constant 200 : i32
      %mul3A_19 = arith.muli %add3A, %mul3A_18 : i32
      %mul3A_20 = arith.constant 8 : i32
      %mul3A_21 = arith.muli %scan3A_16, %mul3A_20 : i32
      %add3A_22 = arith.addi %mul3A_19, %mul3A_21 : i32
      "tpu.region"() ({
        %run_scoped3A = tpu.sem_alloc : memref<!tpu.dma_semaphore, #tpu.memory_space<semaphore_mem>>
        %dma_start3A_237 = arith.constant 0 : i32
        %dma_start3A_238 = tpu.memref_slice %arg3[%add3A_22, %dma_start3A_237] : memref<6400x128xi32, #tpu.memory_space<hbm>> -> memref<8x128xi32, #tpu.memory_space<hbm>>
        %dma_start3A_239 = arith.constant 0 : i32
        %dma_start3A_240 = tpu.memref_slice %arg3[%add3A_22, %dma_start3A_239] : memref<6400x128xi32, #tpu.memory_space<hbm>> -> memref<8x128xi32, #tpu.memory_space<hbm>>
        tpu.enqueue_dma source(%dma_start3A_240 : memref<8x128xi32, #tpu.memory_space<hbm>>) target(%arg6 : memref<8x128xi32, #tpu.memory_space<vmem>>) target_semaphore(%run_scoped3A : memref<!tpu.dma_semaphore, #tpu.memory_space<semaphore_mem>>)
        %dma_wait3A_241 = arith.constant 0 : i32
        %dma_wait3A_242 = tpu.memref_slice %arg3[%add3A_22, %dma_wait3A_241] : memref<6400x128xi32, #tpu.memory_space<hbm>> -> memref<8x128xi32, #tpu.memory_space<hbm>>
        %dma_wait3A_243 = arith.constant 0 : i32
        %dma_wait3A_244 = tpu.memref_slice %arg3[%add3A_22, %dma_wait3A_243] : memref<6400x128xi32, #tpu.memory_space<hbm>> -> memref<8x128xi32, #tpu.memory_space<hbm>>
        tpu.wait_dma2 semaphore(%run_scoped3A : memref<!tpu.dma_semaphore, #tpu.memory_space<semaphore_mem>>) src(%dma_wait3A_244 : memref<8x128xi32, #tpu.memory_space<hbm>>) dst(%arg6 : memref<8x128xi32, #tpu.memory_space<vmem>>)
        tpu.yield
      }) : () -> ()
      %mul3A_23 = arith.constant 25600 : i32
      %mul3A_24 = arith.muli %add3A, %mul3A_23 : i32
      %mul3A_25 = arith.constant 8 : i32
      %mul3A_26 = arith.muli %scan3A_16, %mul3A_25 : i32
      %mul3A_27 = arith.constant 128 : i32
      %mul3A_28 = arith.muli %mul3A_26, %mul3A_27 : i32
      %add3A_29 = arith.addi %mul3A_24, %mul3A_28 : i32
      "tpu.region"() ({
        %run_scoped3A = tpu.sem_alloc : memref<!tpu.dma_semaphore, #tpu.memory_space<semaphore_mem>>
        %dma_start3A_237 = arith.constant 0 : i32
        %dma_start3A_238 = tpu.memref_slice %arg2[%add3A_29, %dma_start3A_237] : memref<819200x4xf32, #tpu.memory_space<hbm>> -> memref<1024x4xf32, #tpu.memory_space<hbm>>
        %dma_start3A_239 = arith.constant 0 : i32
        %dma_start3A_240 = tpu.memref_slice %arg2[%add3A_29, %dma_start3A_239] : memref<819200x4xf32, #tpu.memory_space<hbm>> -> memref<1024x4xf32, #tpu.memory_space<hbm>>
        tpu.enqueue_dma source(%dma_start3A_240 : memref<1024x4xf32, #tpu.memory_space<hbm>>) target(%arg7 : memref<1024x4xf32, #tpu.memory_space<vmem>>) target_semaphore(%run_scoped3A : memref<!tpu.dma_semaphore, #tpu.memory_space<semaphore_mem>>)
        %dma_wait3A_241 = arith.constant 0 : i32
        %dma_wait3A_242 = tpu.memref_slice %arg2[%add3A_29, %dma_wait3A_241] : memref<819200x4xf32, #tpu.memory_space<hbm>> -> memref<1024x4xf32, #tpu.memory_space<hbm>>
        %dma_wait3A_243 = arith.constant 0 : i32
        %dma_wait3A_244 = tpu.memref_slice %arg2[%add3A_29, %dma_wait3A_243] : memref<819200x4xf32, #tpu.memory_space<hbm>> -> memref<1024x4xf32, #tpu.memory_space<hbm>>
        tpu.wait_dma2 semaphore(%run_scoped3A : memref<!tpu.dma_semaphore, #tpu.memory_space<semaphore_mem>>) src(%dma_wait3A_244 : memref<1024x4xf32, #tpu.memory_space<hbm>>) dst(%arg7 : memref<1024x4xf32, #tpu.memory_space<vmem>>)
        tpu.yield
      }) : () -> ()
      %dma_start3A = arith.constant 0 : i32
      %dma_start3A_30 = arith.constant 0 : i32
      %dma_start3A_31 = arith.constant 0 : i32
      %dma_start3A_32 = arith.constant 0 : i32
      %dma_start3A_33 = tpu.memref_slice %arg7[%dma_start3A_31, %dma_start3A_32] : memref<1024x4xf32, #tpu.memory_space<vmem>> -> memref<128x4xf32, #tpu.memory_space<vmem>>
      %dma_start3A_34 = arith.constant 0 : i32
      %dma_start3A_35 = tpu.memref_slice %arg6[%dma_start3A, %dma_start3A_34] : memref<8x128xi32, #tpu.memory_space<vmem>> -> memref<1x128xi32, #tpu.memory_space<vmem>>
      %dma_start3A_36 = tpu.memref_squeeze %dma_start3A_35 : memref<1x128xi32, #tpu.memory_space<vmem>> -> memref<128xi32, #tpu.memory_space<vmem>>
      %dma_start3A_37 = arith.constant 0 : i32
      %dma_start3A_38 = arith.constant 0 : i32
      %dma_start3A_39 = tpu.memref_slice %arg8[%dma_start3A_37, %dma_start3A_38] : memref<51200x4xf32, #tpu.memory_space<vmem_shared>> -> memref<51200x4xf32, #tpu.memory_space<vmem_shared>>
      %dma_start3A_40 = tpu.memref_slice %arg9[%dma_start3A_30] : memref<8x!tpu.dma_semaphore, #tpu.memory_space<semaphore_mem>> -> memref<1x!tpu.dma_semaphore, #tpu.memory_space<semaphore_mem>>
      %dma_start3A_41 = tpu.memref_squeeze %dma_start3A_40 : memref<1x!tpu.dma_semaphore, #tpu.memory_space<semaphore_mem>> -> memref<!tpu.dma_semaphore, #tpu.memory_space<semaphore_mem>>
      tpu.enqueue_indirect_dma source(%dma_start3A_33 : memref<128x4xf32, #tpu.memory_space<vmem>>) target(%dma_start3A_39 : memref<51200x4xf32, #tpu.memory_space<vmem_shared>>) offsets(%dma_start3A_36 : memref<128xi32, #tpu.memory_space<vmem>>) semaphore(%dma_start3A_41 : memref<!tpu.dma_semaphore, #tpu.memory_space<semaphore_mem>>) {add = true}
      %dma_start3A_42 = arith.constant 1 : i32
      %dma_start3A_43 = arith.constant 1 : i32
      %dma_start3A_44 = arith.constant 128 : i32
      %dma_start3A_45 = arith.constant 0 : i32
      %dma_start3A_46 = tpu.memref_slice %arg7[%dma_start3A_44, %dma_start3A_45] : memref<1024x4xf32, #tpu.memory_space<vmem>> -> memref<128x4xf32, #tpu.memory_space<vmem>>
      %dma_start3A_47 = arith.constant 0 : i32
      %dma_start3A_48 = tpu.memref_slice %arg6[%dma_start3A_42, %dma_start3A_47] : memref<8x128xi32, #tpu.memory_space<vmem>> -> memref<1x128xi32, #tpu.memory_space<vmem>>
      %dma_start3A_49 = tpu.memref_squeeze %dma_start3A_48 : memref<1x128xi32, #tpu.memory_space<vmem>> -> memref<128xi32, #tpu.memory_space<vmem>>
      %dma_start3A_50 = arith.constant 0 : i32
      %dma_start3A_51 = arith.constant 0 : i32
      %dma_start3A_52 = tpu.memref_slice %arg8[%dma_start3A_50, %dma_start3A_51] : memref<51200x4xf32, #tpu.memory_space<vmem_shared>> -> memref<51200x4xf32, #tpu.memory_space<vmem_shared>>
      %dma_start3A_53 = tpu.memref_slice %arg9[%dma_start3A_43] : memref<8x!tpu.dma_semaphore, #tpu.memory_space<semaphore_mem>> -> memref<1x!tpu.dma_semaphore, #tpu.memory_space<semaphore_mem>>
      %dma_start3A_54 = tpu.memref_squeeze %dma_start3A_53 : memref<1x!tpu.dma_semaphore, #tpu.memory_space<semaphore_mem>> -> memref<!tpu.dma_semaphore, #tpu.memory_space<semaphore_mem>>
      tpu.enqueue_indirect_dma source(%dma_start3A_46 : memref<128x4xf32, #tpu.memory_space<vmem>>) target(%dma_start3A_52 : memref<51200x4xf32, #tpu.memory_space<vmem_shared>>) offsets(%dma_start3A_49 : memref<128xi32, #tpu.memory_space<vmem>>) semaphore(%dma_start3A_54 : memref<!tpu.dma_semaphore, #tpu.memory_space<semaphore_mem>>) {add = true}
      %dma_start3A_55 = arith.constant 2 : i32
      %dma_start3A_56 = arith.constant 2 : i32
      %dma_start3A_57 = arith.constant 256 : i32
      %dma_start3A_58 = arith.constant 0 : i32
      %dma_start3A_59 = tpu.memref_slice %arg7[%dma_start3A_57, %dma_start3A_58] : memref<1024x4xf32, #tpu.memory_space<vmem>> -> memref<128x4xf32, #tpu.memory_space<vmem>>
      %dma_start3A_60 = arith.constant 0 : i32
      %dma_start3A_61 = tpu.memref_slice %arg6[%dma_start3A_55, %dma_start3A_60] : memref<8x128xi32, #tpu.memory_space<vmem>> -> memref<1x128xi32, #tpu.memory_space<vmem>>
      %dma_start3A_62 = tpu.memref_squeeze %dma_start3A_61 : memref<1x128xi32, #tpu.memory_space<vmem>> -> memref<128xi32, #tpu.memory_space<vmem>>
      %dma_start3A_63 = arith.constant 0 : i32
      %dma_start3A_64 = arith.constant 0 : i32
      %dma_start3A_65 = tpu.memref_slice %arg8[%dma_start3A_63, %dma_start3A_64] : memref<51200x4xf32, #tpu.memory_space<vmem_shared>> -> memref<51200x4xf32, #tpu.memory_space<vmem_shared>>
      %dma_start3A_66 = tpu.memref_slice %arg9[%dma_start3A_56] : memref<8x!tpu.dma_semaphore, #tpu.memory_space<semaphore_mem>> -> memref<1x!tpu.dma_semaphore, #tpu.memory_space<semaphore_mem>>
      %dma_start3A_67 = tpu.memref_squeeze %dma_start3A_66 : memref<1x!tpu.dma_semaphore, #tpu.memory_space<semaphore_mem>> -> memref<!tpu.dma_semaphore, #tpu.memory_space<semaphore_mem>>
      tpu.enqueue_indirect_dma source(%dma_start3A_59 : memref<128x4xf32, #tpu.memory_space<vmem>>) target(%dma_start3A_65 : memref<51200x4xf32, #tpu.memory_space<vmem_shared>>) offsets(%dma_start3A_62 : memref<128xi32, #tpu.memory_space<vmem>>) semaphore(%dma_start3A_67 : memref<!tpu.dma_semaphore, #tpu.memory_space<semaphore_mem>>) {add = true}
      %dma_start3A_68 = arith.constant 3 : i32
      %dma_start3A_69 = arith.constant 3 : i32
      %dma_start3A_70 = arith.constant 384 : i32
      %dma_start3A_71 = arith.constant 0 : i32
      %dma_start3A_72 = tpu.memref_slice %arg7[%dma_start3A_70, %dma_start3A_71] : memref<1024x4xf32, #tpu.memory_space<vmem>> -> memref<128x4xf32, #tpu.memory_space<vmem>>
      %dma_start3A_73 = arith.constant 0 : i32
      %dma_start3A_74 = tpu.memref_slice %arg6[%dma_start3A_68, %dma_start3A_73] : memref<8x128xi32, #tpu.memory_space<vmem>> -> memref<1x128xi32, #tpu.memory_space<vmem>>
      %dma_start3A_75 = tpu.memref_squeeze %dma_start3A_74 : memref<1x128xi32, #tpu.memory_space<vmem>> -> memref<128xi32, #tpu.memory_space<vmem>>
      %dma_start3A_76 = arith.constant 0 : i32
      %dma_start3A_77 = arith.constant 0 : i32
      %dma_start3A_78 = tpu.memref_slice %arg8[%dma_start3A_76, %dma_start3A_77] : memref<51200x4xf32, #tpu.memory_space<vmem_shared>> -> memref<51200x4xf32, #tpu.memory_space<vmem_shared>>
      %dma_start3A_79 = tpu.memref_slice %arg9[%dma_start3A_69] : memref<8x!tpu.dma_semaphore, #tpu.memory_space<semaphore_mem>> -> memref<1x!tpu.dma_semaphore, #tpu.memory_space<semaphore_mem>>
      %dma_start3A_80 = tpu.memref_squeeze %dma_start3A_79 : memref<1x!tpu.dma_semaphore, #tpu.memory_space<semaphore_mem>> -> memref<!tpu.dma_semaphore, #tpu.memory_space<semaphore_mem>>
      tpu.enqueue_indirect_dma source(%dma_start3A_72 : memref<128x4xf32, #tpu.memory_space<vmem>>) target(%dma_start3A_78 : memref<51200x4xf32, #tpu.memory_space<vmem_shared>>) offsets(%dma_start3A_75 : memref<128xi32, #tpu.memory_space<vmem>>) semaphore(%dma_start3A_80 : memref<!tpu.dma_semaphore, #tpu.memory_space<semaphore_mem>>) {add = true}
      %dma_start3A_81 = arith.constant 4 : i32
      %dma_start3A_82 = arith.constant 4 : i32
      %dma_start3A_83 = arith.constant 512 : i32
      %dma_start3A_84 = arith.constant 0 : i32
      %dma_start3A_85 = tpu.memref_slice %arg7[%dma_start3A_83, %dma_start3A_84] : memref<1024x4xf32, #tpu.memory_space<vmem>> -> memref<128x4xf32, #tpu.memory_space<vmem>>
      %dma_start3A_86 = arith.constant 0 : i32
      %dma_start3A_87 = tpu.memref_slice %arg6[%dma_start3A_81, %dma_start3A_86] : memref<8x128xi32, #tpu.memory_space<vmem>> -> memref<1x128xi32, #tpu.memory_space<vmem>>
      %dma_start3A_88 = tpu.memref_squeeze %dma_start3A_87 : memref<1x128xi32, #tpu.memory_space<vmem>> -> memref<128xi32, #tpu.memory_space<vmem>>
      %dma_start3A_89 = arith.constant 0 : i32
      %dma_start3A_90 = arith.constant 0 : i32
      %dma_start3A_91 = tpu.memref_slice %arg8[%dma_start3A_89, %dma_start3A_90] : memref<51200x4xf32, #tpu.memory_space<vmem_shared>> -> memref<51200x4xf32, #tpu.memory_space<vmem_shared>>
      %dma_start3A_92 = tpu.memref_slice %arg9[%dma_start3A_82] : memref<8x!tpu.dma_semaphore, #tpu.memory_space<semaphore_mem>> -> memref<1x!tpu.dma_semaphore, #tpu.memory_space<semaphore_mem>>
      %dma_start3A_93 = tpu.memref_squeeze %dma_start3A_92 : memref<1x!tpu.dma_semaphore, #tpu.memory_space<semaphore_mem>> -> memref<!tpu.dma_semaphore, #tpu.memory_space<semaphore_mem>>
      tpu.enqueue_indirect_dma source(%dma_start3A_85 : memref<128x4xf32, #tpu.memory_space<vmem>>) target(%dma_start3A_91 : memref<51200x4xf32, #tpu.memory_space<vmem_shared>>) offsets(%dma_start3A_88 : memref<128xi32, #tpu.memory_space<vmem>>) semaphore(%dma_start3A_93 : memref<!tpu.dma_semaphore, #tpu.memory_space<semaphore_mem>>) {add = true}
      %dma_start3A_94 = arith.constant 5 : i32
      %dma_start3A_95 = arith.constant 5 : i32
      %dma_start3A_96 = arith.constant 640 : i32
      %dma_start3A_97 = arith.constant 0 : i32
      %dma_start3A_98 = tpu.memref_slice %arg7[%dma_start3A_96, %dma_start3A_97] : memref<1024x4xf32, #tpu.memory_space<vmem>> -> memref<128x4xf32, #tpu.memory_space<vmem>>
      %dma_start3A_99 = arith.constant 0 : i32
      %dma_start3A_100 = tpu.memref_slice %arg6[%dma_start3A_94, %dma_start3A_99] : memref<8x128xi32, #tpu.memory_space<vmem>> -> memref<1x128xi32, #tpu.memory_space<vmem>>
      %dma_start3A_101 = tpu.memref_squeeze %dma_start3A_100 : memref<1x128xi32, #tpu.memory_space<vmem>> -> memref<128xi32, #tpu.memory_space<vmem>>
      %dma_start3A_102 = arith.constant 0 : i32
      %dma_start3A_103 = arith.constant 0 : i32
      %dma_start3A_104 = tpu.memref_slice %arg8[%dma_start3A_102, %dma_start3A_103] : memref<51200x4xf32, #tpu.memory_space<vmem_shared>> -> memref<51200x4xf32, #tpu.memory_space<vmem_shared>>
      %dma_start3A_105 = tpu.memref_slice %arg9[%dma_start3A_95] : memref<8x!tpu.dma_semaphore, #tpu.memory_space<semaphore_mem>> -> memref<1x!tpu.dma_semaphore, #tpu.memory_space<semaphore_mem>>
      %dma_start3A_106 = tpu.memref_squeeze %dma_start3A_105 : memref<1x!tpu.dma_semaphore, #tpu.memory_space<semaphore_mem>> -> memref<!tpu.dma_semaphore, #tpu.memory_space<semaphore_mem>>
      tpu.enqueue_indirect_dma source(%dma_start3A_98 : memref<128x4xf32, #tpu.memory_space<vmem>>) target(%dma_start3A_104 : memref<51200x4xf32, #tpu.memory_space<vmem_shared>>) offsets(%dma_start3A_101 : memref<128xi32, #tpu.memory_space<vmem>>) semaphore(%dma_start3A_106 : memref<!tpu.dma_semaphore, #tpu.memory_space<semaphore_mem>>) {add = true}
      %dma_start3A_107 = arith.constant 6 : i32
      %dma_start3A_108 = arith.constant 6 : i32
      %dma_start3A_109 = arith.constant 768 : i32
      %dma_start3A_110 = arith.constant 0 : i32
      %dma_start3A_111 = tpu.memref_slice %arg7[%dma_start3A_109, %dma_start3A_110] : memref<1024x4xf32, #tpu.memory_space<vmem>> -> memref<128x4xf32, #tpu.memory_space<vmem>>
      %dma_start3A_112 = arith.constant 0 : i32
      %dma_start3A_113 = tpu.memref_slice %arg6[%dma_start3A_107, %dma_start3A_112] : memref<8x128xi32, #tpu.memory_space<vmem>> -> memref<1x128xi32, #tpu.memory_space<vmem>>
      %dma_start3A_114 = tpu.memref_squeeze %dma_start3A_113 : memref<1x128xi32, #tpu.memory_space<vmem>> -> memref<128xi32, #tpu.memory_space<vmem>>
      %dma_start3A_115 = arith.constant 0 : i32
      %dma_start3A_116 = arith.constant 0 : i32
      %dma_start3A_117 = tpu.memref_slice %arg8[%dma_start3A_115, %dma_start3A_116] : memref<51200x4xf32, #tpu.memory_space<vmem_shared>> -> memref<51200x4xf32, #tpu.memory_space<vmem_shared>>
      %dma_start3A_118 = tpu.memref_slice %arg9[%dma_start3A_108] : memref<8x!tpu.dma_semaphore, #tpu.memory_space<semaphore_mem>> -> memref<1x!tpu.dma_semaphore, #tpu.memory_space<semaphore_mem>>
      %dma_start3A_119 = tpu.memref_squeeze %dma_start3A_118 : memref<1x!tpu.dma_semaphore, #tpu.memory_space<semaphore_mem>> -> memref<!tpu.dma_semaphore, #tpu.memory_space<semaphore_mem>>
      tpu.enqueue_indirect_dma source(%dma_start3A_111 : memref<128x4xf32, #tpu.memory_space<vmem>>) target(%dma_start3A_117 : memref<51200x4xf32, #tpu.memory_space<vmem_shared>>) offsets(%dma_start3A_114 : memref<128xi32, #tpu.memory_space<vmem>>) semaphore(%dma_start3A_119 : memref<!tpu.dma_semaphore, #tpu.memory_space<semaphore_mem>>) {add = true}
      %dma_start3A_120 = arith.constant 7 : i32
      %dma_start3A_121 = arith.constant 7 : i32
      %dma_start3A_122 = arith.constant 896 : i32
      %dma_start3A_123 = arith.constant 0 : i32
      %dma_start3A_124 = tpu.memref_slice %arg7[%dma_start3A_122, %dma_start3A_123] : memref<1024x4xf32, #tpu.memory_space<vmem>> -> memref<128x4xf32, #tpu.memory_space<vmem>>
      %dma_start3A_125 = arith.constant 0 : i32
      %dma_start3A_126 = tpu.memref_slice %arg6[%dma_start3A_120, %dma_start3A_125] : memref<8x128xi32, #tpu.memory_space<vmem>> -> memref<1x128xi32, #tpu.memory_space<vmem>>
      %dma_start3A_127 = tpu.memref_squeeze %dma_start3A_126 : memref<1x128xi32, #tpu.memory_space<vmem>> -> memref<128xi32, #tpu.memory_space<vmem>>
      %dma_start3A_128 = arith.constant 0 : i32
      %dma_start3A_129 = arith.constant 0 : i32
      %dma_start3A_130 = tpu.memref_slice %arg8[%dma_start3A_128, %dma_start3A_129] : memref<51200x4xf32, #tpu.memory_space<vmem_shared>> -> memref<51200x4xf32, #tpu.memory_space<vmem_shared>>
      %dma_start3A_131 = tpu.memref_slice %arg9[%dma_start3A_121] : memref<8x!tpu.dma_semaphore, #tpu.memory_space<semaphore_mem>> -> memref<1x!tpu.dma_semaphore, #tpu.memory_space<semaphore_mem>>
      %dma_start3A_132 = tpu.memref_squeeze %dma_start3A_131 : memref<1x!tpu.dma_semaphore, #tpu.memory_space<semaphore_mem>> -> memref<!tpu.dma_semaphore, #tpu.memory_space<semaphore_mem>>
      tpu.enqueue_indirect_dma source(%dma_start3A_124 : memref<128x4xf32, #tpu.memory_space<vmem>>) target(%dma_start3A_130 : memref<51200x4xf32, #tpu.memory_space<vmem_shared>>) offsets(%dma_start3A_127 : memref<128xi32, #tpu.memory_space<vmem>>) semaphore(%dma_start3A_132 : memref<!tpu.dma_semaphore, #tpu.memory_space<semaphore_mem>>) {add = true}
      %dma_wait3A = arith.constant 0 : i32
      %dma_wait3A_133 = arith.constant 0 : i32
      %dma_wait3A_134 = arith.constant 0 : i32
      %dma_wait3A_135 = arith.constant 0 : i32
      %dma_wait3A_136 = tpu.memref_slice %arg7[%dma_wait3A_134, %dma_wait3A_135] : memref<1024x4xf32, #tpu.memory_space<vmem>> -> memref<128x4xf32, #tpu.memory_space<vmem>>
      %dma_wait3A_137 = arith.constant 0 : i32
      %dma_wait3A_138 = tpu.memref_slice %arg6[%dma_wait3A, %dma_wait3A_137] : memref<8x128xi32, #tpu.memory_space<vmem>> -> memref<1x128xi32, #tpu.memory_space<vmem>>
      %dma_wait3A_139 = tpu.memref_squeeze %dma_wait3A_138 : memref<1x128xi32, #tpu.memory_space<vmem>> -> memref<128xi32, #tpu.memory_space<vmem>>
      %dma_wait3A_140 = arith.constant 0 : i32
      %dma_wait3A_141 = arith.constant 0 : i32
      %dma_wait3A_142 = tpu.memref_slice %arg8[%dma_wait3A_140, %dma_wait3A_141] : memref<51200x4xf32, #tpu.memory_space<vmem_shared>> -> memref<51200x4xf32, #tpu.memory_space<vmem_shared>>
      %dma_wait3A_143 = tpu.memref_slice %arg9[%dma_wait3A_133] : memref<8x!tpu.dma_semaphore, #tpu.memory_space<semaphore_mem>> -> memref<1x!tpu.dma_semaphore, #tpu.memory_space<semaphore_mem>>
      %dma_wait3A_144 = tpu.memref_squeeze %dma_wait3A_143 : memref<1x!tpu.dma_semaphore, #tpu.memory_space<semaphore_mem>> -> memref<!tpu.dma_semaphore, #tpu.memory_space<semaphore_mem>>
      tpu.wait_indirect_dma semaphore(%dma_wait3A_144 : memref<!tpu.dma_semaphore, #tpu.memory_space<semaphore_mem>>) src(%dma_wait3A_136 : memref<128x4xf32, #tpu.memory_space<vmem>>) dst(%dma_wait3A_142 : memref<51200x4xf32, #tpu.memory_space<vmem_shared>>)
      %dma_wait3A_145 = arith.constant 1 : i32
      %dma_wait3A_146 = arith.constant 1 : i32
      %dma_wait3A_147 = arith.constant 128 : i32
      %dma_wait3A_148 = arith.constant 0 : i32
      %dma_wait3A_149 = tpu.memref_slice %arg7[%dma_wait3A_147, %dma_wait3A_148] : memref<1024x4xf32, #tpu.memory_space<vmem>> -> memref<128x4xf32, #tpu.memory_space<vmem>>
      %dma_wait3A_150 = arith.constant 0 : i32
      %dma_wait3A_151 = tpu.memref_slice %arg6[%dma_wait3A_145, %dma_wait3A_150] : memref<8x128xi32, #tpu.memory_space<vmem>> -> memref<1x128xi32, #tpu.memory_space<vmem>>
      %dma_wait3A_152 = tpu.memref_squeeze %dma_wait3A_151 : memref<1x128xi32, #tpu.memory_space<vmem>> -> memref<128xi32, #tpu.memory_space<vmem>>
      %dma_wait3A_153 = arith.constant 0 : i32
      %dma_wait3A_154 = arith.constant 0 : i32
      %dma_wait3A_155 = tpu.memref_slice %arg8[%dma_wait3A_153, %dma_wait3A_154] : memref<51200x4xf32, #tpu.memory_space<vmem_shared>> -> memref<51200x4xf32, #tpu.memory_space<vmem_shared>>
      %dma_wait3A_156 = tpu.memref_slice %arg9[%dma_wait3A_146] : memref<8x!tpu.dma_semaphore, #tpu.memory_space<semaphore_mem>> -> memref<1x!tpu.dma_semaphore, #tpu.memory_space<semaphore_mem>>
      %dma_wait3A_157 = tpu.memref_squeeze %dma_wait3A_156 : memref<1x!tpu.dma_semaphore, #tpu.memory_space<semaphore_mem>> -> memref<!tpu.dma_semaphore, #tpu.memory_space<semaphore_mem>>
      tpu.wait_indirect_dma semaphore(%dma_wait3A_157 : memref<!tpu.dma_semaphore, #tpu.memory_space<semaphore_mem>>) src(%dma_wait3A_149 : memref<128x4xf32, #tpu.memory_space<vmem>>) dst(%dma_wait3A_155 : memref<51200x4xf32, #tpu.memory_space<vmem_shared>>)
      %dma_wait3A_158 = arith.constant 2 : i32
      %dma_wait3A_159 = arith.constant 2 : i32
      %dma_wait3A_160 = arith.constant 256 : i32
      %dma_wait3A_161 = arith.constant 0 : i32
      %dma_wait3A_162 = tpu.memref_slice %arg7[%dma_wait3A_160, %dma_wait3A_161] : memref<1024x4xf32, #tpu.memory_space<vmem>> -> memref<128x4xf32, #tpu.memory_space<vmem>>
      %dma_wait3A_163 = arith.constant 0 : i32
      %dma_wait3A_164 = tpu.memref_slice %arg6[%dma_wait3A_158, %dma_wait3A_163] : memref<8x128xi32, #tpu.memory_space<vmem>> -> memref<1x128xi32, #tpu.memory_space<vmem>>
      %dma_wait3A_165 = tpu.memref_squeeze %dma_wait3A_164 : memref<1x128xi32, #tpu.memory_space<vmem>> -> memref<128xi32, #tpu.memory_space<vmem>>
      %dma_wait3A_166 = arith.constant 0 : i32
      %dma_wait3A_167 = arith.constant 0 : i32
      %dma_wait3A_168 = tpu.memref_slice %arg8[%dma_wait3A_166, %dma_wait3A_167] : memref<51200x4xf32, #tpu.memory_space<vmem_shared>> -> memref<51200x4xf32, #tpu.memory_space<vmem_shared>>
      %dma_wait3A_169 = tpu.memref_slice %arg9[%dma_wait3A_159] : memref<8x!tpu.dma_semaphore, #tpu.memory_space<semaphore_mem>> -> memref<1x!tpu.dma_semaphore, #tpu.memory_space<semaphore_mem>>
      %dma_wait3A_170 = tpu.memref_squeeze %dma_wait3A_169 : memref<1x!tpu.dma_semaphore, #tpu.memory_space<semaphore_mem>> -> memref<!tpu.dma_semaphore, #tpu.memory_space<semaphore_mem>>
      tpu.wait_indirect_dma semaphore(%dma_wait3A_170 : memref<!tpu.dma_semaphore, #tpu.memory_space<semaphore_mem>>) src(%dma_wait3A_162 : memref<128x4xf32, #tpu.memory_space<vmem>>) dst(%dma_wait3A_168 : memref<51200x4xf32, #tpu.memory_space<vmem_shared>>)
      %dma_wait3A_171 = arith.constant 3 : i32
      %dma_wait3A_172 = arith.constant 3 : i32
      %dma_wait3A_173 = arith.constant 384 : i32
      %dma_wait3A_174 = arith.constant 0 : i32
      %dma_wait3A_175 = tpu.memref_slice %arg7[%dma_wait3A_173, %dma_wait3A_174] : memref<1024x4xf32, #tpu.memory_space<vmem>> -> memref<128x4xf32, #tpu.memory_space<vmem>>
      %dma_wait3A_176 = arith.constant 0 : i32
      %dma_wait3A_177 = tpu.memref_slice %arg6[%dma_wait3A_171, %dma_wait3A_176] : memref<8x128xi32, #tpu.memory_space<vmem>> -> memref<1x128xi32, #tpu.memory_space<vmem>>
      %dma_wait3A_178 = tpu.memref_squeeze %dma_wait3A_177 : memref<1x128xi32, #tpu.memory_space<vmem>> -> memref<128xi32, #tpu.memory_space<vmem>>
      %dma_wait3A_179 = arith.constant 0 : i32
      %dma_wait3A_180 = arith.constant 0 : i32
      %dma_wait3A_181 = tpu.memref_slice %arg8[%dma_wait3A_179, %dma_wait3A_180] : memref<51200x4xf32, #tpu.memory_space<vmem_shared>> -> memref<51200x4xf32, #tpu.memory_space<vmem_shared>>
      %dma_wait3A_182 = tpu.memref_slice %arg9[%dma_wait3A_172] : memref<8x!tpu.dma_semaphore, #tpu.memory_space<semaphore_mem>> -> memref<1x!tpu.dma_semaphore, #tpu.memory_space<semaphore_mem>>
      %dma_wait3A_183 = tpu.memref_squeeze %dma_wait3A_182 : memref<1x!tpu.dma_semaphore, #tpu.memory_space<semaphore_mem>> -> memref<!tpu.dma_semaphore, #tpu.memory_space<semaphore_mem>>
      tpu.wait_indirect_dma semaphore(%dma_wait3A_183 : memref<!tpu.dma_semaphore, #tpu.memory_space<semaphore_mem>>) src(%dma_wait3A_175 : memref<128x4xf32, #tpu.memory_space<vmem>>) dst(%dma_wait3A_181 : memref<51200x4xf32, #tpu.memory_space<vmem_shared>>)
      %dma_wait3A_184 = arith.constant 4 : i32
      %dma_wait3A_185 = arith.constant 4 : i32
      %dma_wait3A_186 = arith.constant 512 : i32
      %dma_wait3A_187 = arith.constant 0 : i32
      %dma_wait3A_188 = tpu.memref_slice %arg7[%dma_wait3A_186, %dma_wait3A_187] : memref<1024x4xf32, #tpu.memory_space<vmem>> -> memref<128x4xf32, #tpu.memory_space<vmem>>
      %dma_wait3A_189 = arith.constant 0 : i32
      %dma_wait3A_190 = tpu.memref_slice %arg6[%dma_wait3A_184, %dma_wait3A_189] : memref<8x128xi32, #tpu.memory_space<vmem>> -> memref<1x128xi32, #tpu.memory_space<vmem>>
      %dma_wait3A_191 = tpu.memref_squeeze %dma_wait3A_190 : memref<1x128xi32, #tpu.memory_space<vmem>> -> memref<128xi32, #tpu.memory_space<vmem>>
      %dma_wait3A_192 = arith.constant 0 : i32
      %dma_wait3A_193 = arith.constant 0 : i32
      %dma_wait3A_194 = tpu.memref_slice %arg8[%dma_wait3A_192, %dma_wait3A_193] : memref<51200x4xf32, #tpu.memory_space<vmem_shared>> -> memref<51200x4xf32, #tpu.memory_space<vmem_shared>>
      %dma_wait3A_195 = tpu.memref_slice %arg9[%dma_wait3A_185] : memref<8x!tpu.dma_semaphore, #tpu.memory_space<semaphore_mem>> -> memref<1x!tpu.dma_semaphore, #tpu.memory_space<semaphore_mem>>
      %dma_wait3A_196 = tpu.memref_squeeze %dma_wait3A_195 : memref<1x!tpu.dma_semaphore, #tpu.memory_space<semaphore_mem>> -> memref<!tpu.dma_semaphore, #tpu.memory_space<semaphore_mem>>
      tpu.wait_indirect_dma semaphore(%dma_wait3A_196 : memref<!tpu.dma_semaphore, #tpu.memory_space<semaphore_mem>>) src(%dma_wait3A_188 : memref<128x4xf32, #tpu.memory_space<vmem>>) dst(%dma_wait3A_194 : memref<51200x4xf32, #tpu.memory_space<vmem_shared>>)
      %dma_wait3A_197 = arith.constant 5 : i32
      %dma_wait3A_198 = arith.constant 5 : i32
      %dma_wait3A_199 = arith.constant 640 : i32
      %dma_wait3A_200 = arith.constant 0 : i32
      %dma_wait3A_201 = tpu.memref_slice %arg7[%dma_wait3A_199, %dma_wait3A_200] : memref<1024x4xf32, #tpu.memory_space<vmem>> -> memref<128x4xf32, #tpu.memory_space<vmem>>
      %dma_wait3A_202 = arith.constant 0 : i32
      %dma_wait3A_203 = tpu.memref_slice %arg6[%dma_wait3A_197, %dma_wait3A_202] : memref<8x128xi32, #tpu.memory_space<vmem>> -> memref<1x128xi32, #tpu.memory_space<vmem>>
      %dma_wait3A_204 = tpu.memref_squeeze %dma_wait3A_203 : memref<1x128xi32, #tpu.memory_space<vmem>> -> memref<128xi32, #tpu.memory_space<vmem>>
      %dma_wait3A_205 = arith.constant 0 : i32
      %dma_wait3A_206 = arith.constant 0 : i32
      %dma_wait3A_207 = tpu.memref_slice %arg8[%dma_wait3A_205, %dma_wait3A_206] : memref<51200x4xf32, #tpu.memory_space<vmem_shared>> -> memref<51200x4xf32, #tpu.memory_space<vmem_shared>>
      %dma_wait3A_208 = tpu.memref_slice %arg9[%dma_wait3A_198] : memref<8x!tpu.dma_semaphore, #tpu.memory_space<semaphore_mem>> -> memref<1x!tpu.dma_semaphore, #tpu.memory_space<semaphore_mem>>
      %dma_wait3A_209 = tpu.memref_squeeze %dma_wait3A_208 : memref<1x!tpu.dma_semaphore, #tpu.memory_space<semaphore_mem>> -> memref<!tpu.dma_semaphore, #tpu.memory_space<semaphore_mem>>
      tpu.wait_indirect_dma semaphore(%dma_wait3A_209 : memref<!tpu.dma_semaphore, #tpu.memory_space<semaphore_mem>>) src(%dma_wait3A_201 : memref<128x4xf32, #tpu.memory_space<vmem>>) dst(%dma_wait3A_207 : memref<51200x4xf32, #tpu.memory_space<vmem_shared>>)
      %dma_wait3A_210 = arith.constant 6 : i32
      %dma_wait3A_211 = arith.constant 6 : i32
      %dma_wait3A_212 = arith.constant 768 : i32
      %dma_wait3A_213 = arith.constant 0 : i32
      %dma_wait3A_214 = tpu.memref_slice %arg7[%dma_wait3A_212, %dma_wait3A_213] : memref<1024x4xf32, #tpu.memory_space<vmem>> -> memref<128x4xf32, #tpu.memory_space<vmem>>
      %dma_wait3A_215 = arith.constant 0 : i32
      %dma_wait3A_216 = tpu.memref_slice %arg6[%dma_wait3A_210, %dma_wait3A_215] : memref<8x128xi32, #tpu.memory_space<vmem>> -> memref<1x128xi32, #tpu.memory_space<vmem>>
      %dma_wait3A_217 = tpu.memref_squeeze %dma_wait3A_216 : memref<1x128xi32, #tpu.memory_space<vmem>> -> memref<128xi32, #tpu.memory_space<vmem>>
      %dma_wait3A_218 = arith.constant 0 : i32
      %dma_wait3A_219 = arith.constant 0 : i32
      %dma_wait3A_220 = tpu.memref_slice %arg8[%dma_wait3A_218, %dma_wait3A_219] : memref<51200x4xf32, #tpu.memory_space<vmem_shared>> -> memref<51200x4xf32, #tpu.memory_space<vmem_shared>>
      %dma_wait3A_221 = tpu.memref_slice %arg9[%dma_wait3A_211] : memref<8x!tpu.dma_semaphore, #tpu.memory_space<semaphore_mem>> -> memref<1x!tpu.dma_semaphore, #tpu.memory_space<semaphore_mem>>
      %dma_wait3A_222 = tpu.memref_squeeze %dma_wait3A_221 : memref<1x!tpu.dma_semaphore, #tpu.memory_space<semaphore_mem>> -> memref<!tpu.dma_semaphore, #tpu.memory_space<semaphore_mem>>
      tpu.wait_indirect_dma semaphore(%dma_wait3A_222 : memref<!tpu.dma_semaphore, #tpu.memory_space<semaphore_mem>>) src(%dma_wait3A_214 : memref<128x4xf32, #tpu.memory_space<vmem>>) dst(%dma_wait3A_220 : memref<51200x4xf32, #tpu.memory_space<vmem_shared>>)
      %dma_wait3A_223 = arith.constant 7 : i32
      %dma_wait3A_224 = arith.constant 7 : i32
      %dma_wait3A_225 = arith.constant 896 : i32
      %dma_wait3A_226 = arith.constant 0 : i32
      %dma_wait3A_227 = tpu.memref_slice %arg7[%dma_wait3A_225, %dma_wait3A_226] : memref<1024x4xf32, #tpu.memory_space<vmem>> -> memref<128x4xf32, #tpu.memory_space<vmem>>
      %dma_wait3A_228 = arith.constant 0 : i32
      %dma_wait3A_229 = tpu.memref_slice %arg6[%dma_wait3A_223, %dma_wait3A_228] : memref<8x128xi32, #tpu.memory_space<vmem>> -> memref<1x128xi32, #tpu.memory_space<vmem>>
      %dma_wait3A_230 = tpu.memref_squeeze %dma_wait3A_229 : memref<1x128xi32, #tpu.memory_space<vmem>> -> memref<128xi32, #tpu.memory_space<vmem>>
      %dma_wait3A_231 = arith.constant 0 : i32
      %dma_wait3A_232 = arith.constant 0 : i32
      %dma_wait3A_233 = tpu.memref_slice %arg8[%dma_wait3A_231, %dma_wait3A_232] : memref<51200x4xf32, #tpu.memory_space<vmem_shared>> -> memref<51200x4xf32, #tpu.memory_space<vmem_shared>>
      %dma_wait3A_234 = tpu.memref_slice %arg9[%dma_wait3A_224] : memref<8x!tpu.dma_semaphore, #tpu.memory_space<semaphore_mem>> -> memref<1x!tpu.dma_semaphore, #tpu.memory_space<semaphore_mem>>
      %dma_wait3A_235 = tpu.memref_squeeze %dma_wait3A_234 : memref<1x!tpu.dma_semaphore, #tpu.memory_space<semaphore_mem>> -> memref<!tpu.dma_semaphore, #tpu.memory_space<semaphore_mem>>
      tpu.wait_indirect_dma semaphore(%dma_wait3A_235 : memref<!tpu.dma_semaphore, #tpu.memory_space<semaphore_mem>>) src(%dma_wait3A_227 : memref<128x4xf32, #tpu.memory_space<vmem>>) dst(%dma_wait3A_233 : memref<51200x4xf32, #tpu.memory_space<vmem_shared>>)
      %scan3A_236 = arith.constant 0 : i32
      scf.yield %scan3A_236 : i32
    }
    %scan3A_10 = arith.constant 25 : i32
    %barrier3A_11 = arith.constant 0 : index
    tpu.barrier barrier_id(%barrier3A_11)
    %mul3A_12 = arith.constant 3200 : i32
    %mul3A_13 = arith.muli %arg1, %mul3A_12 : i32
    %mul3A_14 = arith.constant 3200 : i32
    %mul3A_15 = arith.muli %arg1, %mul3A_14 : i32
    "tpu.region"() ({
      %run_scoped3A = tpu.sem_alloc : memref<!tpu.dma_semaphore, #tpu.memory_space<semaphore_mem>>
      %dma_start3A = arith.constant 0 : i32
      %dma_start3A_16 = tpu.memref_slice %arg5[%arg0, %mul3A_15, %dma_start3A] : memref<2x51200x4xf32, #tpu.memory_space<hbm>> -> memref<1x3200x4xf32, #tpu.memory_space<hbm>>
      %dma_start3A_17 = tpu.memref_squeeze %dma_start3A_16 : memref<1x3200x4xf32, #tpu.memory_space<hbm>> -> memref<3200x4xf32, #tpu.memory_space<hbm>>
      %dma_start3A_18 = arith.constant 0 : i32
      %dma_start3A_19 = tpu.memref_slice %arg8[%mul3A_13, %dma_start3A_18] : memref<51200x4xf32, #tpu.memory_space<vmem_shared>> -> memref<3200x4xf32, #tpu.memory_space<vmem_shared>>
      tpu.enqueue_dma source(%dma_start3A_19 : memref<3200x4xf32, #tpu.memory_space<vmem_shared>>) target(%dma_start3A_17 : memref<3200x4xf32, #tpu.memory_space<hbm>>) target_semaphore(%run_scoped3A : memref<!tpu.dma_semaphore, #tpu.memory_space<semaphore_mem>>)
      %dma_wait3A = arith.constant 0 : i32
      %dma_wait3A_20 = tpu.memref_slice %arg5[%arg0, %mul3A_15, %dma_wait3A] : memref<2x51200x4xf32, #tpu.memory_space<hbm>> -> memref<1x3200x4xf32, #tpu.memory_space<hbm>>
      %dma_wait3A_21 = tpu.memref_squeeze %dma_wait3A_20 : memref<1x3200x4xf32, #tpu.memory_space<hbm>> -> memref<3200x4xf32, #tpu.memory_space<hbm>>
      %dma_wait3A_22 = arith.constant 0 : i32
      %dma_wait3A_23 = tpu.memref_slice %arg8[%mul3A_13, %dma_wait3A_22] : memref<51200x4xf32, #tpu.memory_space<vmem_shared>> -> memref<3200x4xf32, #tpu.memory_space<vmem_shared>>
      tpu.wait_dma2 semaphore(%run_scoped3A : memref<!tpu.dma_semaphore, #tpu.memory_space<semaphore_mem>>) src(%dma_wait3A_23 : memref<3200x4xf32, #tpu.memory_space<vmem_shared>>) dst(%dma_wait3A_21 : memref<3200x4xf32, #tpu.memory_space<hbm>>)
      tpu.yield
    }) : () -> ()
    return
  }
}

#map = affine_map<(d0, d1) -> (0, 0)>
#map1 = affine_map<(d0, d1) -> (0, 0, 0)>
module attributes {stable_mosaic.version = 14 : i64} {
  func.func @k(%arg0: i32, %arg1: i32, %arg2: memref<50000x128xf32, #tpu.memory_space<hbm>>, %arg3: memref<2x3200x128xi32, #tpu.memory_space<hbm>>, %arg4: memref<819200x128xf32, #tpu.memory_space<hbm>>, %arg5: memref<5x128xi32, #tpu.memory_space<vmem>>, %arg6: memref<5x128x128xf32, #tpu.memory_space<vmem>>, %arg7: memref<5x!tpu.dma_semaphore, #tpu.memory_space<semaphore_mem>>, %arg8: memref<5x!tpu.dma_semaphore, #tpu.memory_space<semaphore_mem>>) attributes {dimension_semantics = [#tpu.dimension_semantics<core_parallel>, #tpu.dimension_semantics<subcore_parallel>], iteration_bounds = array<i64: 2, 16>, scalar_prefetch = 0 : i64, scratch_operands = 4 : i64, tpu.core_type = #tpu.core_type<sc_vector_subcore>, window_params = [{transform_indices = #map}, {transform_indices = #map1}, {transform_indices = #map}]} {
    %eq3A = arith.constant 0 : i32
    %eq3A_0 = arith.cmpi eq, %arg0, %eq3A : i32
    %mul3A = arith.constant 190 : i32
    %mul3A_1 = arith.muli %arg1, %mul3A : i32
    %mul3A_2 = arith.constant 10 : i32
    %mul3A_3 = arith.muli %arg1, %mul3A_2 : i32
    %add3A = arith.constant 3040 : i32
    %add3A_4 = arith.addi %add3A, %mul3A_3 : i32
    %select_n3A = arith.select %eq3A_0, %mul3A_1, %add3A_4 : i32
    %eq3A_5 = arith.constant 0 : i32
    %eq3A_6 = arith.cmpi eq, %arg0, %eq3A_5 : i32
    %jit3A = arith.constant 38 : i32
    %jit3A_7 = arith.constant 2 : i32
    %select_n3A_8 = arith.select %eq3A_6, %jit3A, %jit3A_7 : i32
    %mul3A_9 = arith.constant 2 : i32
    %mul3A_10 = arith.muli %mul3A_9, %select_n3A_8 : i32
    %while3A = arith.constant 0 : i32
    %while3A_11 = arith.constant 0 : i32
    %while3A_12 = arith.subi %mul3A_10, %while3A : i32
    %while3A_13 = arith.addi %while3A, %while3A_12 : i32
    %while3A_14 = arith.constant 1 : i32
    %while3A_15 = arith.divsi %while3A_12, %while3A_14 : i32
    %while3A_16 = arith.muli %while3A_15, %while3A_14 : i32
    %while3A_17 = arith.addi %while3A, %while3A_16 : i32
    %while3A_18 = arith.constant 1 : i32
    %while3A_19 = scf.for %while3A_44 = %while3A to %while3A_17 step %while3A_18 iter_args(%while3A_45 = %while3A_11) -> (i32)  : i32 {
      %div3A = arith.divsi %while3A_44, %select_n3A_8 : i32
      %sign3A = arith.constant 0 : i32
      %sign3A_46 = arith.cmpi sgt, %while3A_44, %sign3A : i32
      %sign3A_47 = arith.extui %sign3A_46 : i1 to i32
      %sign3A_48 = arith.constant 0 : i32
      %sign3A_49 = arith.cmpi slt, %while3A_44, %sign3A_48 : i32
      %sign3A_50 = arith.extui %sign3A_49 : i1 to i32
      %sign3A_51 = arith.subi %sign3A_47, %sign3A_50 : i32
      %sign3A_52 = arith.constant 0 : i32
      %sign3A_53 = arith.cmpi sgt, %select_n3A_8, %sign3A_52 : i32
      %sign3A_54 = arith.extui %sign3A_53 : i1 to i32
      %sign3A_55 = arith.constant 0 : i32
      %sign3A_56 = arith.cmpi slt, %select_n3A_8, %sign3A_55 : i32
      %sign3A_57 = arith.extui %sign3A_56 : i1 to i32
      %sign3A_58 = arith.subi %sign3A_54, %sign3A_57 : i32
      %ne3A = arith.cmpi ne, %sign3A_51, %sign3A_58 : i32
      %rem3A = arith.remsi %while3A_44, %select_n3A_8 : i32
      %ne3A_59 = arith.constant 0 : i32
      %ne3A_60 = arith.cmpi ne, %rem3A, %ne3A_59 : i32
      %and3A = arith.andi %ne3A, %ne3A_60 : i1
      %sub3A = arith.constant 1 : i32
      %sub3A_61 = arith.subi %div3A, %sub3A : i32
      %select_n3A_62 = arith.select %and3A, %sub3A_61, %div3A : i32
      %mul3A_63 = arith.muli %select_n3A_62, %select_n3A_8 : i32
      %sub3A_64 = arith.subi %while3A_44, %mul3A_63 : i32
      %mul3A_65 = arith.constant 5 : i32
      %mul3A_66 = arith.muli %sub3A_64, %mul3A_65 : i32
      %add3A_67 = arith.addi %select_n3A, %mul3A_66 : i32
      "tpu.region"() ({
        %run_scoped3A = tpu.sem_alloc : memref<!tpu.dma_semaphore, #tpu.memory_space<semaphore_mem>>
        %dma_start3A_372 = arith.constant 0 : i32
        %dma_start3A_373 = tpu.memref_slice %arg3[%select_n3A_62, %add3A_67, %dma_start3A_372] : memref<2x3200x128xi32, #tpu.memory_space<hbm>> -> memref<1x5x128xi32, #tpu.memory_space<hbm>>
        %dma_start3A_374 = tpu.memref_squeeze %dma_start3A_373 : memref<1x5x128xi32, #tpu.memory_space<hbm>> -> memref<5x128xi32, #tpu.memory_space<hbm>>
        %dma_start3A_375 = arith.constant 0 : i32
        %dma_start3A_376 = tpu.memref_slice %arg3[%select_n3A_62, %add3A_67, %dma_start3A_375] : memref<2x3200x128xi32, #tpu.memory_space<hbm>> -> memref<1x5x128xi32, #tpu.memory_space<hbm>>
        %dma_start3A_377 = tpu.memref_squeeze %dma_start3A_376 : memref<1x5x128xi32, #tpu.memory_space<hbm>> -> memref<5x128xi32, #tpu.memory_space<hbm>>
        tpu.enqueue_dma source(%dma_start3A_377 : memref<5x128xi32, #tpu.memory_space<hbm>>) target(%arg5 : memref<5x128xi32, #tpu.memory_space<vmem>>) target_semaphore(%run_scoped3A : memref<!tpu.dma_semaphore, #tpu.memory_space<semaphore_mem>>)
        %dma_wait3A_378 = arith.constant 0 : i32
        %dma_wait3A_379 = tpu.memref_slice %arg3[%select_n3A_62, %add3A_67, %dma_wait3A_378] : memref<2x3200x128xi32, #tpu.memory_space<hbm>> -> memref<1x5x128xi32, #tpu.memory_space<hbm>>
        %dma_wait3A_380 = tpu.memref_squeeze %dma_wait3A_379 : memref<1x5x128xi32, #tpu.memory_space<hbm>> -> memref<5x128xi32, #tpu.memory_space<hbm>>
        %dma_wait3A_381 = arith.constant 0 : i32
        %dma_wait3A_382 = tpu.memref_slice %arg3[%select_n3A_62, %add3A_67, %dma_wait3A_381] : memref<2x3200x128xi32, #tpu.memory_space<hbm>> -> memref<1x5x128xi32, #tpu.memory_space<hbm>>
        %dma_wait3A_383 = tpu.memref_squeeze %dma_wait3A_382 : memref<1x5x128xi32, #tpu.memory_space<hbm>> -> memref<5x128xi32, #tpu.memory_space<hbm>>
        tpu.wait_dma2 semaphore(%run_scoped3A : memref<!tpu.dma_semaphore, #tpu.memory_space<semaphore_mem>>) src(%dma_wait3A_383 : memref<5x128xi32, #tpu.memory_space<hbm>>) dst(%arg5 : memref<5x128xi32, #tpu.memory_space<vmem>>)
        tpu.yield
      }) : () -> ()
      %gt3A_68 = arith.constant 0 : i32
      %gt3A_69 = arith.cmpi sgt, %while3A_44, %gt3A_68 : i32
      %convert_element_type3A_70 = arith.extui %gt3A_69 : i1 to i32
      %cond3A_71 = arith.constant 0 : i32
      %cond3A_72 = arith.cmpi ne, %convert_element_type3A_70, %cond3A_71 : i32
      scf.if %cond3A_72 {
        %dma_wait3A_372 = arith.constant 0 : i32
        %dma_wait3A_373 = arith.constant 0 : i32
        %dma_wait3A_374 = arith.constant 0 : i32
        %dma_wait3A_375 = arith.constant 0 : i32
        %dma_wait3A_376 = tpu.memref_slice %arg6[%dma_wait3A_372, %dma_wait3A_374, %dma_wait3A_375] : memref<5x128x128xf32, #tpu.memory_space<vmem>> -> memref<1x128x128xf32, #tpu.memory_space<vmem>>
        %dma_wait3A_377 = tpu.memref_squeeze %dma_wait3A_376 : memref<1x128x128xf32, #tpu.memory_space<vmem>> -> memref<128x128xf32, #tpu.memory_space<vmem>>
        %dma_wait3A_378 = arith.constant 0 : i32
        %dma_wait3A_379 = arith.constant 0 : i32
        %dma_wait3A_380 = tpu.memref_slice %arg4[%dma_wait3A_378, %dma_wait3A_379] : memref<819200x128xf32, #tpu.memory_space<hbm>> -> memref<128x128xf32, #tpu.memory_space<hbm>>
        %dma_wait3A_381 = tpu.memref_slice %arg8[%dma_wait3A_373] : memref<5x!tpu.dma_semaphore, #tpu.memory_space<semaphore_mem>> -> memref<1x!tpu.dma_semaphore, #tpu.memory_space<semaphore_mem>>
        %dma_wait3A_382 = tpu.memref_squeeze %dma_wait3A_381 : memref<1x!tpu.dma_semaphore, #tpu.memory_space<semaphore_mem>> -> memref<!tpu.dma_semaphore, #tpu.memory_space<semaphore_mem>>
        %dma_wait3A_383 = arith.constant 0 : i32
        %dma_wait3A_384 = arith.constant 0 : i32
        %dma_wait3A_385 = tpu.memref_slice %arg4[%dma_wait3A_383, %dma_wait3A_384] : memref<819200x128xf32, #tpu.memory_space<hbm>> -> memref<128x128xf32, #tpu.memory_space<hbm>>
        %dma_wait3A_386 = arith.constant 0 : i32
        %dma_wait3A_387 = arith.constant 0 : i32
        %dma_wait3A_388 = tpu.memref_slice %arg6[%dma_wait3A_372, %dma_wait3A_386, %dma_wait3A_387] : memref<5x128x128xf32, #tpu.memory_space<vmem>> -> memref<1x128x128xf32, #tpu.memory_space<vmem>>
        %dma_wait3A_389 = tpu.memref_squeeze %dma_wait3A_388 : memref<1x128x128xf32, #tpu.memory_space<vmem>> -> memref<128x128xf32, #tpu.memory_space<vmem>>
        tpu.wait_dma2 semaphore(%dma_wait3A_382 : memref<!tpu.dma_semaphore, #tpu.memory_space<semaphore_mem>>) src(%dma_wait3A_389 : memref<128x128xf32, #tpu.memory_space<vmem>>) dst(%dma_wait3A_385 : memref<128x128xf32, #tpu.memory_space<hbm>>)
      } else {
      }
      %dma_start3A = arith.constant 0 : i32
      %dma_start3A_73 = arith.constant 0 : i32
      %dma_start3A_74 = arith.constant 0 : i32
      %dma_start3A_75 = arith.constant 0 : i32
      %dma_start3A_76 = arith.constant 0 : i32
      %dma_start3A_77 = tpu.memref_slice %arg6[%dma_start3A_73, %dma_start3A_75, %dma_start3A_76] : memref<5x128x128xf32, #tpu.memory_space<vmem>> -> memref<1x128x128xf32, #tpu.memory_space<vmem>>
      %dma_start3A_78 = tpu.memref_squeeze %dma_start3A_77 : memref<1x128x128xf32, #tpu.memory_space<vmem>> -> memref<128x128xf32, #tpu.memory_space<vmem>>
      %dma_start3A_79 = arith.constant 0 : i32
      %dma_start3A_80 = tpu.memref_slice %arg5[%dma_start3A, %dma_start3A_79] : memref<5x128xi32, #tpu.memory_space<vmem>> -> memref<1x128xi32, #tpu.memory_space<vmem>>
      %dma_start3A_81 = tpu.memref_squeeze %dma_start3A_80 : memref<1x128xi32, #tpu.memory_space<vmem>> -> memref<128xi32, #tpu.memory_space<vmem>>
      %dma_start3A_82 = arith.constant 0 : i32
      %dma_start3A_83 = arith.constant 0 : i32
      %dma_start3A_84 = tpu.memref_slice %arg2[%dma_start3A_82, %dma_start3A_83] : memref<50000x128xf32, #tpu.memory_space<hbm>> -> memref<50000x128xf32, #tpu.memory_space<hbm>>
      %dma_start3A_85 = tpu.memref_slice %arg7[%dma_start3A_74] : memref<5x!tpu.dma_semaphore, #tpu.memory_space<semaphore_mem>> -> memref<1x!tpu.dma_semaphore, #tpu.memory_space<semaphore_mem>>
      %dma_start3A_86 = tpu.memref_squeeze %dma_start3A_85 : memref<1x!tpu.dma_semaphore, #tpu.memory_space<semaphore_mem>> -> memref<!tpu.dma_semaphore, #tpu.memory_space<semaphore_mem>>
      tpu.enqueue_indirect_dma source(%dma_start3A_84 : memref<50000x128xf32, #tpu.memory_space<hbm>>) target(%dma_start3A_78 : memref<128x128xf32, #tpu.memory_space<vmem>>) offsets(%dma_start3A_81 : memref<128xi32, #tpu.memory_space<vmem>>) semaphore(%dma_start3A_86 : memref<!tpu.dma_semaphore, #tpu.memory_space<semaphore_mem>>)
      %gt3A_87 = arith.constant 0 : i32
      %gt3A_88 = arith.cmpi sgt, %while3A_44, %gt3A_87 : i32
      %convert_element_type3A_89 = arith.extui %gt3A_88 : i1 to i32
      %cond3A_90 = arith.constant 0 : i32
      %cond3A_91 = arith.cmpi ne, %convert_element_type3A_89, %cond3A_90 : i32
      scf.if %cond3A_91 {
        %dma_wait3A_372 = arith.constant 1 : i32
        %dma_wait3A_373 = arith.constant 1 : i32
        %dma_wait3A_374 = arith.constant 0 : i32
        %dma_wait3A_375 = arith.constant 0 : i32
        %dma_wait3A_376 = tpu.memref_slice %arg6[%dma_wait3A_372, %dma_wait3A_374, %dma_wait3A_375] : memref<5x128x128xf32, #tpu.memory_space<vmem>> -> memref<1x128x128xf32, #tpu.memory_space<vmem>>
        %dma_wait3A_377 = tpu.memref_squeeze %dma_wait3A_376 : memref<1x128x128xf32, #tpu.memory_space<vmem>> -> memref<128x128xf32, #tpu.memory_space<vmem>>
        %dma_wait3A_378 = arith.constant 0 : i32
        %dma_wait3A_379 = arith.constant 0 : i32
        %dma_wait3A_380 = tpu.memref_slice %arg4[%dma_wait3A_378, %dma_wait3A_379] : memref<819200x128xf32, #tpu.memory_space<hbm>> -> memref<128x128xf32, #tpu.memory_space<hbm>>
        %dma_wait3A_381 = tpu.memref_slice %arg8[%dma_wait3A_373] : memref<5x!tpu.dma_semaphore, #tpu.memory_space<semaphore_mem>> -> memref<1x!tpu.dma_semaphore, #tpu.memory_space<semaphore_mem>>
        %dma_wait3A_382 = tpu.memref_squeeze %dma_wait3A_381 : memref<1x!tpu.dma_semaphore, #tpu.memory_space<semaphore_mem>> -> memref<!tpu.dma_semaphore, #tpu.memory_space<semaphore_mem>>
        %dma_wait3A_383 = arith.constant 0 : i32
        %dma_wait3A_384 = arith.constant 0 : i32
        %dma_wait3A_385 = tpu.memref_slice %arg4[%dma_wait3A_383, %dma_wait3A_384] : memref<819200x128xf32, #tpu.memory_space<hbm>> -> memref<128x128xf32, #tpu.memory_space<hbm>>
        %dma_wait3A_386 = arith.constant 0 : i32
        %dma_wait3A_387 = arith.constant 0 : i32
        %dma_wait3A_388 = tpu.memref_slice %arg6[%dma_wait3A_372, %dma_wait3A_386, %dma_wait3A_387] : memref<5x128x128xf32, #tpu.memory_space<vmem>> -> memref<1x128x128xf32, #tpu.memory_space<vmem>>
        %dma_wait3A_389 = tpu.memref_squeeze %dma_wait3A_388 : memref<1x128x128xf32, #tpu.memory_space<vmem>> -> memref<128x128xf32, #tpu.memory_space<vmem>>
        tpu.wait_dma2 semaphore(%dma_wait3A_382 : memref<!tpu.dma_semaphore, #tpu.memory_space<semaphore_mem>>) src(%dma_wait3A_389 : memref<128x128xf32, #tpu.memory_space<vmem>>) dst(%dma_wait3A_385 : memref<128x128xf32, #tpu.memory_space<hbm>>)
      } else {
      }
      %dma_start3A_92 = arith.constant 1 : i32
      %dma_start3A_93 = arith.constant 1 : i32
      %dma_start3A_94 = arith.constant 1 : i32
      %dma_start3A_95 = arith.constant 0 : i32
      %dma_start3A_96 = arith.constant 0 : i32
      %dma_start3A_97 = tpu.memref_slice %arg6[%dma_start3A_93, %dma_start3A_95, %dma_start3A_96] : memref<5x128x128xf32, #tpu.memory_space<vmem>> -> memref<1x128x128xf32, #tpu.memory_space<vmem>>
      %dma_start3A_98 = tpu.memref_squeeze %dma_start3A_97 : memref<1x128x128xf32, #tpu.memory_space<vmem>> -> memref<128x128xf32, #tpu.memory_space<vmem>>
      %dma_start3A_99 = arith.constant 0 : i32
      %dma_start3A_100 = tpu.memref_slice %arg5[%dma_start3A_92, %dma_start3A_99] : memref<5x128xi32, #tpu.memory_space<vmem>> -> memref<1x128xi32, #tpu.memory_space<vmem>>
      %dma_start3A_101 = tpu.memref_squeeze %dma_start3A_100 : memref<1x128xi32, #tpu.memory_space<vmem>> -> memref<128xi32, #tpu.memory_space<vmem>>
      %dma_start3A_102 = arith.constant 0 : i32
      %dma_start3A_103 = arith.constant 0 : i32
      %dma_start3A_104 = tpu.memref_slice %arg2[%dma_start3A_102, %dma_start3A_103] : memref<50000x128xf32, #tpu.memory_space<hbm>> -> memref<50000x128xf32, #tpu.memory_space<hbm>>
      %dma_start3A_105 = tpu.memref_slice %arg7[%dma_start3A_94] : memref<5x!tpu.dma_semaphore, #tpu.memory_space<semaphore_mem>> -> memref<1x!tpu.dma_semaphore, #tpu.memory_space<semaphore_mem>>
      %dma_start3A_106 = tpu.memref_squeeze %dma_start3A_105 : memref<1x!tpu.dma_semaphore, #tpu.memory_space<semaphore_mem>> -> memref<!tpu.dma_semaphore, #tpu.memory_space<semaphore_mem>>
      tpu.enqueue_indirect_dma source(%dma_start3A_104 : memref<50000x128xf32, #tpu.memory_space<hbm>>) target(%dma_start3A_98 : memref<128x128xf32, #tpu.memory_space<vmem>>) offsets(%dma_start3A_101 : memref<128xi32, #tpu.memory_space<vmem>>) semaphore(%dma_start3A_106 : memref<!tpu.dma_semaphore, #tpu.memory_space<semaphore_mem>>)
      %gt3A_107 = arith.constant 0 : i32
      %gt3A_108 = arith.cmpi sgt, %while3A_44, %gt3A_107 : i32
      %convert_element_type3A_109 = arith.extui %gt3A_108 : i1 to i32
      %cond3A_110 = arith.constant 0 : i32
      %cond3A_111 = arith.cmpi ne, %convert_element_type3A_109, %cond3A_110 : i32
      scf.if %cond3A_111 {
        %dma_wait3A_372 = arith.constant 2 : i32
        %dma_wait3A_373 = arith.constant 2 : i32
        %dma_wait3A_374 = arith.constant 0 : i32
        %dma_wait3A_375 = arith.constant 0 : i32
        %dma_wait3A_376 = tpu.memref_slice %arg6[%dma_wait3A_372, %dma_wait3A_374, %dma_wait3A_375] : memref<5x128x128xf32, #tpu.memory_space<vmem>> -> memref<1x128x128xf32, #tpu.memory_space<vmem>>
        %dma_wait3A_377 = tpu.memref_squeeze %dma_wait3A_376 : memref<1x128x128xf32, #tpu.memory_space<vmem>> -> memref<128x128xf32, #tpu.memory_space<vmem>>
        %dma_wait3A_378 = arith.constant 0 : i32
        %dma_wait3A_379 = arith.constant 0 : i32
        %dma_wait3A_380 = tpu.memref_slice %arg4[%dma_wait3A_378, %dma_wait3A_379] : memref<819200x128xf32, #tpu.memory_space<hbm>> -> memref<128x128xf32, #tpu.memory_space<hbm>>
        %dma_wait3A_381 = tpu.memref_slice %arg8[%dma_wait3A_373] : memref<5x!tpu.dma_semaphore, #tpu.memory_space<semaphore_mem>> -> memref<1x!tpu.dma_semaphore, #tpu.memory_space<semaphore_mem>>
        %dma_wait3A_382 = tpu.memref_squeeze %dma_wait3A_381 : memref<1x!tpu.dma_semaphore, #tpu.memory_space<semaphore_mem>> -> memref<!tpu.dma_semaphore, #tpu.memory_space<semaphore_mem>>
        %dma_wait3A_383 = arith.constant 0 : i32
        %dma_wait3A_384 = arith.constant 0 : i32
        %dma_wait3A_385 = tpu.memref_slice %arg4[%dma_wait3A_383, %dma_wait3A_384] : memref<819200x128xf32, #tpu.memory_space<hbm>> -> memref<128x128xf32, #tpu.memory_space<hbm>>
        %dma_wait3A_386 = arith.constant 0 : i32
        %dma_wait3A_387 = arith.constant 0 : i32
        %dma_wait3A_388 = tpu.memref_slice %arg6[%dma_wait3A_372, %dma_wait3A_386, %dma_wait3A_387] : memref<5x128x128xf32, #tpu.memory_space<vmem>> -> memref<1x128x128xf32, #tpu.memory_space<vmem>>
        %dma_wait3A_389 = tpu.memref_squeeze %dma_wait3A_388 : memref<1x128x128xf32, #tpu.memory_space<vmem>> -> memref<128x128xf32, #tpu.memory_space<vmem>>
        tpu.wait_dma2 semaphore(%dma_wait3A_382 : memref<!tpu.dma_semaphore, #tpu.memory_space<semaphore_mem>>) src(%dma_wait3A_389 : memref<128x128xf32, #tpu.memory_space<vmem>>) dst(%dma_wait3A_385 : memref<128x128xf32, #tpu.memory_space<hbm>>)
      } else {
      }
      %dma_start3A_112 = arith.constant 2 : i32
      %dma_start3A_113 = arith.constant 2 : i32
      %dma_start3A_114 = arith.constant 2 : i32
      %dma_start3A_115 = arith.constant 0 : i32
      %dma_start3A_116 = arith.constant 0 : i32
      %dma_start3A_117 = tpu.memref_slice %arg6[%dma_start3A_113, %dma_start3A_115, %dma_start3A_116] : memref<5x128x128xf32, #tpu.memory_space<vmem>> -> memref<1x128x128xf32, #tpu.memory_space<vmem>>
      %dma_start3A_118 = tpu.memref_squeeze %dma_start3A_117 : memref<1x128x128xf32, #tpu.memory_space<vmem>> -> memref<128x128xf32, #tpu.memory_space<vmem>>
      %dma_start3A_119 = arith.constant 0 : i32
      %dma_start3A_120 = tpu.memref_slice %arg5[%dma_start3A_112, %dma_start3A_119] : memref<5x128xi32, #tpu.memory_space<vmem>> -> memref<1x128xi32, #tpu.memory_space<vmem>>
      %dma_start3A_121 = tpu.memref_squeeze %dma_start3A_120 : memref<1x128xi32, #tpu.memory_space<vmem>> -> memref<128xi32, #tpu.memory_space<vmem>>
      %dma_start3A_122 = arith.constant 0 : i32
      %dma_start3A_123 = arith.constant 0 : i32
      %dma_start3A_124 = tpu.memref_slice %arg2[%dma_start3A_122, %dma_start3A_123] : memref<50000x128xf32, #tpu.memory_space<hbm>> -> memref<50000x128xf32, #tpu.memory_space<hbm>>
      %dma_start3A_125 = tpu.memref_slice %arg7[%dma_start3A_114] : memref<5x!tpu.dma_semaphore, #tpu.memory_space<semaphore_mem>> -> memref<1x!tpu.dma_semaphore, #tpu.memory_space<semaphore_mem>>
      %dma_start3A_126 = tpu.memref_squeeze %dma_start3A_125 : memref<1x!tpu.dma_semaphore, #tpu.memory_space<semaphore_mem>> -> memref<!tpu.dma_semaphore, #tpu.memory_space<semaphore_mem>>
      tpu.enqueue_indirect_dma source(%dma_start3A_124 : memref<50000x128xf32, #tpu.memory_space<hbm>>) target(%dma_start3A_118 : memref<128x128xf32, #tpu.memory_space<vmem>>) offsets(%dma_start3A_121 : memref<128xi32, #tpu.memory_space<vmem>>) semaphore(%dma_start3A_126 : memref<!tpu.dma_semaphore, #tpu.memory_space<semaphore_mem>>)
      %gt3A_127 = arith.constant 0 : i32
      %gt3A_128 = arith.cmpi sgt, %while3A_44, %gt3A_127 : i32
      %convert_element_type3A_129 = arith.extui %gt3A_128 : i1 to i32
      %cond3A_130 = arith.constant 0 : i32
      %cond3A_131 = arith.cmpi ne, %convert_element_type3A_129, %cond3A_130 : i32
      scf.if %cond3A_131 {
        %dma_wait3A_372 = arith.constant 3 : i32
        %dma_wait3A_373 = arith.constant 3 : i32
        %dma_wait3A_374 = arith.constant 0 : i32
        %dma_wait3A_375 = arith.constant 0 : i32
        %dma_wait3A_376 = tpu.memref_slice %arg6[%dma_wait3A_372, %dma_wait3A_374, %dma_wait3A_375] : memref<5x128x128xf32, #tpu.memory_space<vmem>> -> memref<1x128x128xf32, #tpu.memory_space<vmem>>
        %dma_wait3A_377 = tpu.memref_squeeze %dma_wait3A_376 : memref<1x128x128xf32, #tpu.memory_space<vmem>> -> memref<128x128xf32, #tpu.memory_space<vmem>>
        %dma_wait3A_378 = arith.constant 0 : i32
        %dma_wait3A_379 = arith.constant 0 : i32
        %dma_wait3A_380 = tpu.memref_slice %arg4[%dma_wait3A_378, %dma_wait3A_379] : memref<819200x128xf32, #tpu.memory_space<hbm>> -> memref<128x128xf32, #tpu.memory_space<hbm>>
        %dma_wait3A_381 = tpu.memref_slice %arg8[%dma_wait3A_373] : memref<5x!tpu.dma_semaphore, #tpu.memory_space<semaphore_mem>> -> memref<1x!tpu.dma_semaphore, #tpu.memory_space<semaphore_mem>>
        %dma_wait3A_382 = tpu.memref_squeeze %dma_wait3A_381 : memref<1x!tpu.dma_semaphore, #tpu.memory_space<semaphore_mem>> -> memref<!tpu.dma_semaphore, #tpu.memory_space<semaphore_mem>>
        %dma_wait3A_383 = arith.constant 0 : i32
        %dma_wait3A_384 = arith.constant 0 : i32
        %dma_wait3A_385 = tpu.memref_slice %arg4[%dma_wait3A_383, %dma_wait3A_384] : memref<819200x128xf32, #tpu.memory_space<hbm>> -> memref<128x128xf32, #tpu.memory_space<hbm>>
        %dma_wait3A_386 = arith.constant 0 : i32
        %dma_wait3A_387 = arith.constant 0 : i32
        %dma_wait3A_388 = tpu.memref_slice %arg6[%dma_wait3A_372, %dma_wait3A_386, %dma_wait3A_387] : memref<5x128x128xf32, #tpu.memory_space<vmem>> -> memref<1x128x128xf32, #tpu.memory_space<vmem>>
        %dma_wait3A_389 = tpu.memref_squeeze %dma_wait3A_388 : memref<1x128x128xf32, #tpu.memory_space<vmem>> -> memref<128x128xf32, #tpu.memory_space<vmem>>
        tpu.wait_dma2 semaphore(%dma_wait3A_382 : memref<!tpu.dma_semaphore, #tpu.memory_space<semaphore_mem>>) src(%dma_wait3A_389 : memref<128x128xf32, #tpu.memory_space<vmem>>) dst(%dma_wait3A_385 : memref<128x128xf32, #tpu.memory_space<hbm>>)
      } else {
      }
      %dma_start3A_132 = arith.constant 3 : i32
      %dma_start3A_133 = arith.constant 3 : i32
      %dma_start3A_134 = arith.constant 3 : i32
      %dma_start3A_135 = arith.constant 0 : i32
      %dma_start3A_136 = arith.constant 0 : i32
      %dma_start3A_137 = tpu.memref_slice %arg6[%dma_start3A_133, %dma_start3A_135, %dma_start3A_136] : memref<5x128x128xf32, #tpu.memory_space<vmem>> -> memref<1x128x128xf32, #tpu.memory_space<vmem>>
      %dma_start3A_138 = tpu.memref_squeeze %dma_start3A_137 : memref<1x128x128xf32, #tpu.memory_space<vmem>> -> memref<128x128xf32, #tpu.memory_space<vmem>>
      %dma_start3A_139 = arith.constant 0 : i32
      %dma_start3A_140 = tpu.memref_slice %arg5[%dma_start3A_132, %dma_start3A_139] : memref<5x128xi32, #tpu.memory_space<vmem>> -> memref<1x128xi32, #tpu.memory_space<vmem>>
      %dma_start3A_141 = tpu.memref_squeeze %dma_start3A_140 : memref<1x128xi32, #tpu.memory_space<vmem>> -> memref<128xi32, #tpu.memory_space<vmem>>
      %dma_start3A_142 = arith.constant 0 : i32
      %dma_start3A_143 = arith.constant 0 : i32
      %dma_start3A_144 = tpu.memref_slice %arg2[%dma_start3A_142, %dma_start3A_143] : memref<50000x128xf32, #tpu.memory_space<hbm>> -> memref<50000x128xf32, #tpu.memory_space<hbm>>
      %dma_start3A_145 = tpu.memref_slice %arg7[%dma_start3A_134] : memref<5x!tpu.dma_semaphore, #tpu.memory_space<semaphore_mem>> -> memref<1x!tpu.dma_semaphore, #tpu.memory_space<semaphore_mem>>
      %dma_start3A_146 = tpu.memref_squeeze %dma_start3A_145 : memref<1x!tpu.dma_semaphore, #tpu.memory_space<semaphore_mem>> -> memref<!tpu.dma_semaphore, #tpu.memory_space<semaphore_mem>>
      tpu.enqueue_indirect_dma source(%dma_start3A_144 : memref<50000x128xf32, #tpu.memory_space<hbm>>) target(%dma_start3A_138 : memref<128x128xf32, #tpu.memory_space<vmem>>) offsets(%dma_start3A_141 : memref<128xi32, #tpu.memory_space<vmem>>) semaphore(%dma_start3A_146 : memref<!tpu.dma_semaphore, #tpu.memory_space<semaphore_mem>>)
      %gt3A_147 = arith.constant 0 : i32
      %gt3A_148 = arith.cmpi sgt, %while3A_44, %gt3A_147 : i32
      %convert_element_type3A_149 = arith.extui %gt3A_148 : i1 to i32
      %cond3A_150 = arith.constant 0 : i32
      %cond3A_151 = arith.cmpi ne, %convert_element_type3A_149, %cond3A_150 : i32
      scf.if %cond3A_151 {
        %dma_wait3A_372 = arith.constant 4 : i32
        %dma_wait3A_373 = arith.constant 4 : i32
        %dma_wait3A_374 = arith.constant 0 : i32
        %dma_wait3A_375 = arith.constant 0 : i32
        %dma_wait3A_376 = tpu.memref_slice %arg6[%dma_wait3A_372, %dma_wait3A_374, %dma_wait3A_375] : memref<5x128x128xf32, #tpu.memory_space<vmem>> -> memref<1x128x128xf32, #tpu.memory_space<vmem>>
        %dma_wait3A_377 = tpu.memref_squeeze %dma_wait3A_376 : memref<1x128x128xf32, #tpu.memory_space<vmem>> -> memref<128x128xf32, #tpu.memory_space<vmem>>
        %dma_wait3A_378 = arith.constant 0 : i32
        %dma_wait3A_379 = arith.constant 0 : i32
        %dma_wait3A_380 = tpu.memref_slice %arg4[%dma_wait3A_378, %dma_wait3A_379] : memref<819200x128xf32, #tpu.memory_space<hbm>> -> memref<128x128xf32, #tpu.memory_space<hbm>>
        %dma_wait3A_381 = tpu.memref_slice %arg8[%dma_wait3A_373] : memref<5x!tpu.dma_semaphore, #tpu.memory_space<semaphore_mem>> -> memref<1x!tpu.dma_semaphore, #tpu.memory_space<semaphore_mem>>
        %dma_wait3A_382 = tpu.memref_squeeze %dma_wait3A_381 : memref<1x!tpu.dma_semaphore, #tpu.memory_space<semaphore_mem>> -> memref<!tpu.dma_semaphore, #tpu.memory_space<semaphore_mem>>
        %dma_wait3A_383 = arith.constant 0 : i32
        %dma_wait3A_384 = arith.constant 0 : i32
        %dma_wait3A_385 = tpu.memref_slice %arg4[%dma_wait3A_383, %dma_wait3A_384] : memref<819200x128xf32, #tpu.memory_space<hbm>> -> memref<128x128xf32, #tpu.memory_space<hbm>>
        %dma_wait3A_386 = arith.constant 0 : i32
        %dma_wait3A_387 = arith.constant 0 : i32
        %dma_wait3A_388 = tpu.memref_slice %arg6[%dma_wait3A_372, %dma_wait3A_386, %dma_wait3A_387] : memref<5x128x128xf32, #tpu.memory_space<vmem>> -> memref<1x128x128xf32, #tpu.memory_space<vmem>>
        %dma_wait3A_389 = tpu.memref_squeeze %dma_wait3A_388 : memref<1x128x128xf32, #tpu.memory_space<vmem>> -> memref<128x128xf32, #tpu.memory_space<vmem>>
        tpu.wait_dma2 semaphore(%dma_wait3A_382 : memref<!tpu.dma_semaphore, #tpu.memory_space<semaphore_mem>>) src(%dma_wait3A_389 : memref<128x128xf32, #tpu.memory_space<vmem>>) dst(%dma_wait3A_385 : memref<128x128xf32, #tpu.memory_space<hbm>>)
      } else {
      }
      %dma_start3A_152 = arith.constant 4 : i32
      %dma_start3A_153 = arith.constant 4 : i32
      %dma_start3A_154 = arith.constant 4 : i32
      %dma_start3A_155 = arith.constant 0 : i32
      %dma_start3A_156 = arith.constant 0 : i32
      %dma_start3A_157 = tpu.memref_slice %arg6[%dma_start3A_153, %dma_start3A_155, %dma_start3A_156] : memref<5x128x128xf32, #tpu.memory_space<vmem>> -> memref<1x128x128xf32, #tpu.memory_space<vmem>>
      %dma_start3A_158 = tpu.memref_squeeze %dma_start3A_157 : memref<1x128x128xf32, #tpu.memory_space<vmem>> -> memref<128x128xf32, #tpu.memory_space<vmem>>
      %dma_start3A_159 = arith.constant 0 : i32
      %dma_start3A_160 = tpu.memref_slice %arg5[%dma_start3A_152, %dma_start3A_159] : memref<5x128xi32, #tpu.memory_space<vmem>> -> memref<1x128xi32, #tpu.memory_space<vmem>>
      %dma_start3A_161 = tpu.memref_squeeze %dma_start3A_160 : memref<1x128xi32, #tpu.memory_space<vmem>> -> memref<128xi32, #tpu.memory_space<vmem>>
      %dma_start3A_162 = arith.constant 0 : i32
      %dma_start3A_163 = arith.constant 0 : i32
      %dma_start3A_164 = tpu.memref_slice %arg2[%dma_start3A_162, %dma_start3A_163] : memref<50000x128xf32, #tpu.memory_space<hbm>> -> memref<50000x128xf32, #tpu.memory_space<hbm>>
      %dma_start3A_165 = tpu.memref_slice %arg7[%dma_start3A_154] : memref<5x!tpu.dma_semaphore, #tpu.memory_space<semaphore_mem>> -> memref<1x!tpu.dma_semaphore, #tpu.memory_space<semaphore_mem>>
      %dma_start3A_166 = tpu.memref_squeeze %dma_start3A_165 : memref<1x!tpu.dma_semaphore, #tpu.memory_space<semaphore_mem>> -> memref<!tpu.dma_semaphore, #tpu.memory_space<semaphore_mem>>
      tpu.enqueue_indirect_dma source(%dma_start3A_164 : memref<50000x128xf32, #tpu.memory_space<hbm>>) target(%dma_start3A_158 : memref<128x128xf32, #tpu.memory_space<vmem>>) offsets(%dma_start3A_161 : memref<128xi32, #tpu.memory_space<vmem>>) semaphore(%dma_start3A_166 : memref<!tpu.dma_semaphore, #tpu.memory_space<semaphore_mem>>)
      %dma_wait3A = arith.constant 0 : i32
      %dma_wait3A_167 = arith.constant 0 : i32
      %dma_wait3A_168 = arith.constant 0 : i32
      %dma_wait3A_169 = arith.constant 0 : i32
      %dma_wait3A_170 = arith.constant 0 : i32
      %dma_wait3A_171 = tpu.memref_slice %arg6[%dma_wait3A_167, %dma_wait3A_169, %dma_wait3A_170] : memref<5x128x128xf32, #tpu.memory_space<vmem>> -> memref<1x128x128xf32, #tpu.memory_space<vmem>>
      %dma_wait3A_172 = tpu.memref_squeeze %dma_wait3A_171 : memref<1x128x128xf32, #tpu.memory_space<vmem>> -> memref<128x128xf32, #tpu.memory_space<vmem>>
      %dma_wait3A_173 = arith.constant 0 : i32
      %dma_wait3A_174 = tpu.memref_slice %arg5[%dma_wait3A, %dma_wait3A_173] : memref<5x128xi32, #tpu.memory_space<vmem>> -> memref<1x128xi32, #tpu.memory_space<vmem>>
      %dma_wait3A_175 = tpu.memref_squeeze %dma_wait3A_174 : memref<1x128xi32, #tpu.memory_space<vmem>> -> memref<128xi32, #tpu.memory_space<vmem>>
      %dma_wait3A_176 = arith.constant 0 : i32
      %dma_wait3A_177 = arith.constant 0 : i32
      %dma_wait3A_178 = tpu.memref_slice %arg2[%dma_wait3A_176, %dma_wait3A_177] : memref<50000x128xf32, #tpu.memory_space<hbm>> -> memref<50000x128xf32, #tpu.memory_space<hbm>>
      %dma_wait3A_179 = tpu.memref_slice %arg7[%dma_wait3A_168] : memref<5x!tpu.dma_semaphore, #tpu.memory_space<semaphore_mem>> -> memref<1x!tpu.dma_semaphore, #tpu.memory_space<semaphore_mem>>
      %dma_wait3A_180 = tpu.memref_squeeze %dma_wait3A_179 : memref<1x!tpu.dma_semaphore, #tpu.memory_space<semaphore_mem>> -> memref<!tpu.dma_semaphore, #tpu.memory_space<semaphore_mem>>
      tpu.wait_indirect_dma semaphore(%dma_wait3A_180 : memref<!tpu.dma_semaphore, #tpu.memory_space<semaphore_mem>>) src(%dma_wait3A_178 : memref<50000x128xf32, #tpu.memory_space<hbm>>) dst(%dma_wait3A_172 : memref<128x128xf32, #tpu.memory_space<vmem>>)
      %mul3A_181 = arith.constant 409600 : i32
      %mul3A_182 = arith.muli %select_n3A_62, %mul3A_181 : i32
      %mul3A_183 = arith.constant 5 : i32
      %mul3A_184 = arith.muli %sub3A_64, %mul3A_183 : i32
      %add3A_185 = arith.addi %select_n3A, %mul3A_184 : i32
      %add3A_186 = arith.constant 0 : i32
      %add3A_187 = arith.addi %add3A_185, %add3A_186 : i32
      %mul3A_188 = arith.constant 128 : i32
      %mul3A_189 = arith.muli %add3A_187, %mul3A_188 : i32
      %add3A_190 = arith.addi %mul3A_182, %mul3A_189 : i32
      %dma_start3A_191 = arith.constant 0 : i32
      %dma_start3A_192 = arith.constant 0 : i32
      %dma_start3A_193 = arith.constant 0 : i32
      %dma_start3A_194 = arith.constant 0 : i32
      %dma_start3A_195 = tpu.memref_slice %arg6[%dma_start3A_191, %dma_start3A_193, %dma_start3A_194] : memref<5x128x128xf32, #tpu.memory_space<vmem>> -> memref<1x128x128xf32, #tpu.memory_space<vmem>>
      %dma_start3A_196 = tpu.memref_squeeze %dma_start3A_195 : memref<1x128x128xf32, #tpu.memory_space<vmem>> -> memref<128x128xf32, #tpu.memory_space<vmem>>
      %dma_start3A_197 = arith.constant 0 : i32
      %dma_start3A_198 = tpu.memref_slice %arg4[%add3A_190, %dma_start3A_197] : memref<819200x128xf32, #tpu.memory_space<hbm>> -> memref<128x128xf32, #tpu.memory_space<hbm>>
      %dma_start3A_199 = tpu.memref_slice %arg8[%dma_start3A_192] : memref<5x!tpu.dma_semaphore, #tpu.memory_space<semaphore_mem>> -> memref<1x!tpu.dma_semaphore, #tpu.memory_space<semaphore_mem>>
      %dma_start3A_200 = tpu.memref_squeeze %dma_start3A_199 : memref<1x!tpu.dma_semaphore, #tpu.memory_space<semaphore_mem>> -> memref<!tpu.dma_semaphore, #tpu.memory_space<semaphore_mem>>
      %dma_start3A_201 = arith.constant 0 : i32
      %dma_start3A_202 = tpu.memref_slice %arg4[%add3A_190, %dma_start3A_201] : memref<819200x128xf32, #tpu.memory_space<hbm>> -> memref<128x128xf32, #tpu.memory_space<hbm>>
      %dma_start3A_203 = arith.constant 0 : i32
      %dma_start3A_204 = arith.constant 0 : i32
      %dma_start3A_205 = tpu.memref_slice %arg6[%dma_start3A_191, %dma_start3A_203, %dma_start3A_204] : memref<5x128x128xf32, #tpu.memory_space<vmem>> -> memref<1x128x128xf32, #tpu.memory_space<vmem>>
      %dma_start3A_206 = tpu.memref_squeeze %dma_start3A_205 : memref<1x128x128xf32, #tpu.memory_space<vmem>> -> memref<128x128xf32, #tpu.memory_space<vmem>>
      tpu.enqueue_dma source(%dma_start3A_206 : memref<128x128xf32, #tpu.memory_space<vmem>>) target(%dma_start3A_202 : memref<128x128xf32, #tpu.memory_space<hbm>>) target_semaphore(%dma_start3A_200 : memref<!tpu.dma_semaphore, #tpu.memory_space<semaphore_mem>>)
      %dma_wait3A_207 = arith.constant 1 : i32
      %dma_wait3A_208 = arith.constant 1 : i32
      %dma_wait3A_209 = arith.constant 1 : i32
      %dma_wait3A_210 = arith.constant 0 : i32
      %dma_wait3A_211 = arith.constant 0 : i32
      %dma_wait3A_212 = tpu.memref_slice %arg6[%dma_wait3A_208, %dma_wait3A_210, %dma_wait3A_211] : memref<5x128x128xf32, #tpu.memory_space<vmem>> -> memref<1x128x128xf32, #tpu.memory_space<vmem>>
      %dma_wait3A_213 = tpu.memref_squeeze %dma_wait3A_212 : memref<1x128x128xf32, #tpu.memory_space<vmem>> -> memref<128x128xf32, #tpu.memory_space<vmem>>
      %dma_wait3A_214 = arith.constant 0 : i32
      %dma_wait3A_215 = tpu.memref_slice %arg5[%dma_wait3A_207, %dma_wait3A_214] : memref<5x128xi32, #tpu.memory_space<vmem>> -> memref<1x128xi32, #tpu.memory_space<vmem>>
      %dma_wait3A_216 = tpu.memref_squeeze %dma_wait3A_215 : memref<1x128xi32, #tpu.memory_space<vmem>> -> memref<128xi32, #tpu.memory_space<vmem>>
      %dma_wait3A_217 = arith.constant 0 : i32
      %dma_wait3A_218 = arith.constant 0 : i32
      %dma_wait3A_219 = tpu.memref_slice %arg2[%dma_wait3A_217, %dma_wait3A_218] : memref<50000x128xf32, #tpu.memory_space<hbm>> -> memref<50000x128xf32, #tpu.memory_space<hbm>>
      %dma_wait3A_220 = tpu.memref_slice %arg7[%dma_wait3A_209] : memref<5x!tpu.dma_semaphore, #tpu.memory_space<semaphore_mem>> -> memref<1x!tpu.dma_semaphore, #tpu.memory_space<semaphore_mem>>
      %dma_wait3A_221 = tpu.memref_squeeze %dma_wait3A_220 : memref<1x!tpu.dma_semaphore, #tpu.memory_space<semaphore_mem>> -> memref<!tpu.dma_semaphore, #tpu.memory_space<semaphore_mem>>
      tpu.wait_indirect_dma semaphore(%dma_wait3A_221 : memref<!tpu.dma_semaphore, #tpu.memory_space<semaphore_mem>>) src(%dma_wait3A_219 : memref<50000x128xf32, #tpu.memory_space<hbm>>) dst(%dma_wait3A_213 : memref<128x128xf32, #tpu.memory_space<vmem>>)
      %mul3A_222 = arith.constant 409600 : i32
      %mul3A_223 = arith.muli %select_n3A_62, %mul3A_222 : i32
      %mul3A_224 = arith.constant 5 : i32
      %mul3A_225 = arith.muli %sub3A_64, %mul3A_224 : i32
      %add3A_226 = arith.addi %select_n3A, %mul3A_225 : i32
      %add3A_227 = arith.constant 1 : i32
      %add3A_228 = arith.addi %add3A_226, %add3A_227 : i32
      %mul3A_229 = arith.constant 128 : i32
      %mul3A_230 = arith.muli %add3A_228, %mul3A_229 : i32
      %add3A_231 = arith.addi %mul3A_223, %mul3A_230 : i32
      %dma_start3A_232 = arith.constant 1 : i32
      %dma_start3A_233 = arith.constant 1 : i32
      %dma_start3A_234 = arith.constant 0 : i32
      %dma_start3A_235 = arith.constant 0 : i32
      %dma_start3A_236 = tpu.memref_slice %arg6[%dma_start3A_232, %dma_start3A_234, %dma_start3A_235] : memref<5x128x128xf32, #tpu.memory_space<vmem>> -> memref<1x128x128xf32, #tpu.memory_space<vmem>>
      %dma_start3A_237 = tpu.memref_squeeze %dma_start3A_236 : memref<1x128x128xf32, #tpu.memory_space<vmem>> -> memref<128x128xf32, #tpu.memory_space<vmem>>
      %dma_start3A_238 = arith.constant 0 : i32
      %dma_start3A_239 = tpu.memref_slice %arg4[%add3A_231, %dma_start3A_238] : memref<819200x128xf32, #tpu.memory_space<hbm>> -> memref<128x128xf32, #tpu.memory_space<hbm>>
      %dma_start3A_240 = tpu.memref_slice %arg8[%dma_start3A_233] : memref<5x!tpu.dma_semaphore, #tpu.memory_space<semaphore_mem>> -> memref<1x!tpu.dma_semaphore, #tpu.memory_space<semaphore_mem>>
      %dma_start3A_241 = tpu.memref_squeeze %dma_start3A_240 : memref<1x!tpu.dma_semaphore, #tpu.memory_space<semaphore_mem>> -> memref<!tpu.dma_semaphore, #tpu.memory_space<semaphore_mem>>
      %dma_start3A_242 = arith.constant 0 : i32
      %dma_start3A_243 = tpu.memref_slice %arg4[%add3A_231, %dma_start3A_242] : memref<819200x128xf32, #tpu.memory_space<hbm>> -> memref<128x128xf32, #tpu.memory_space<hbm>>
      %dma_start3A_244 = arith.constant 0 : i32
      %dma_start3A_245 = arith.constant 0 : i32
      %dma_start3A_246 = tpu.memref_slice %arg6[%dma_start3A_232, %dma_start3A_244, %dma_start3A_245] : memref<5x128x128xf32, #tpu.memory_space<vmem>> -> memref<1x128x128xf32, #tpu.memory_space<vmem>>
      %dma_start3A_247 = tpu.memref_squeeze %dma_start3A_246 : memref<1x128x128xf32, #tpu.memory_space<vmem>> -> memref<128x128xf32, #tpu.memory_space<vmem>>
      tpu.enqueue_dma source(%dma_start3A_247 : memref<128x128xf32, #tpu.memory_space<vmem>>) target(%dma_start3A_243 : memref<128x128xf32, #tpu.memory_space<hbm>>) target_semaphore(%dma_start3A_241 : memref<!tpu.dma_semaphore, #tpu.memory_space<semaphore_mem>>)
      %dma_wait3A_248 = arith.constant 2 : i32
      %dma_wait3A_249 = arith.constant 2 : i32
      %dma_wait3A_250 = arith.constant 2 : i32
      %dma_wait3A_251 = arith.constant 0 : i32
      %dma_wait3A_252 = arith.constant 0 : i32
      %dma_wait3A_253 = tpu.memref_slice %arg6[%dma_wait3A_249, %dma_wait3A_251, %dma_wait3A_252] : memref<5x128x128xf32, #tpu.memory_space<vmem>> -> memref<1x128x128xf32, #tpu.memory_space<vmem>>
      %dma_wait3A_254 = tpu.memref_squeeze %dma_wait3A_253 : memref<1x128x128xf32, #tpu.memory_space<vmem>> -> memref<128x128xf32, #tpu.memory_space<vmem>>
      %dma_wait3A_255 = arith.constant 0 : i32
      %dma_wait3A_256 = tpu.memref_slice %arg5[%dma_wait3A_248, %dma_wait3A_255] : memref<5x128xi32, #tpu.memory_space<vmem>> -> memref<1x128xi32, #tpu.memory_space<vmem>>
      %dma_wait3A_257 = tpu.memref_squeeze %dma_wait3A_256 : memref<1x128xi32, #tpu.memory_space<vmem>> -> memref<128xi32, #tpu.memory_space<vmem>>
      %dma_wait3A_258 = arith.constant 0 : i32
      %dma_wait3A_259 = arith.constant 0 : i32
      %dma_wait3A_260 = tpu.memref_slice %arg2[%dma_wait3A_258, %dma_wait3A_259] : memref<50000x128xf32, #tpu.memory_space<hbm>> -> memref<50000x128xf32, #tpu.memory_space<hbm>>
      %dma_wait3A_261 = tpu.memref_slice %arg7[%dma_wait3A_250] : memref<5x!tpu.dma_semaphore, #tpu.memory_space<semaphore_mem>> -> memref<1x!tpu.dma_semaphore, #tpu.memory_space<semaphore_mem>>
      %dma_wait3A_262 = tpu.memref_squeeze %dma_wait3A_261 : memref<1x!tpu.dma_semaphore, #tpu.memory_space<semaphore_mem>> -> memref<!tpu.dma_semaphore, #tpu.memory_space<semaphore_mem>>
      tpu.wait_indirect_dma semaphore(%dma_wait3A_262 : memref<!tpu.dma_semaphore, #tpu.memory_space<semaphore_mem>>) src(%dma_wait3A_260 : memref<50000x128xf32, #tpu.memory_space<hbm>>) dst(%dma_wait3A_254 : memref<128x128xf32, #tpu.memory_space<vmem>>)
      %mul3A_263 = arith.constant 409600 : i32
      %mul3A_264 = arith.muli %select_n3A_62, %mul3A_263 : i32
      %mul3A_265 = arith.constant 5 : i32
      %mul3A_266 = arith.muli %sub3A_64, %mul3A_265 : i32
      %add3A_267 = arith.addi %select_n3A, %mul3A_266 : i32
      %add3A_268 = arith.constant 2 : i32
      %add3A_269 = arith.addi %add3A_267, %add3A_268 : i32
      %mul3A_270 = arith.constant 128 : i32
      %mul3A_271 = arith.muli %add3A_269, %mul3A_270 : i32
      %add3A_272 = arith.addi %mul3A_264, %mul3A_271 : i32
      %dma_start3A_273 = arith.constant 2 : i32
      %dma_start3A_274 = arith.constant 2 : i32
      %dma_start3A_275 = arith.constant 0 : i32
      %dma_start3A_276 = arith.constant 0 : i32
      %dma_start3A_277 = tpu.memref_slice %arg6[%dma_start3A_273, %dma_start3A_275, %dma_start3A_276] : memref<5x128x128xf32, #tpu.memory_space<vmem>> -> memref<1x128x128xf32, #tpu.memory_space<vmem>>
      %dma_start3A_278 = tpu.memref_squeeze %dma_start3A_277 : memref<1x128x128xf32, #tpu.memory_space<vmem>> -> memref<128x128xf32, #tpu.memory_space<vmem>>
      %dma_start3A_279 = arith.constant 0 : i32
      %dma_start3A_280 = tpu.memref_slice %arg4[%add3A_272, %dma_start3A_279] : memref<819200x128xf32, #tpu.memory_space<hbm>> -> memref<128x128xf32, #tpu.memory_space<hbm>>
      %dma_start3A_281 = tpu.memref_slice %arg8[%dma_start3A_274] : memref<5x!tpu.dma_semaphore, #tpu.memory_space<semaphore_mem>> -> memref<1x!tpu.dma_semaphore, #tpu.memory_space<semaphore_mem>>
      %dma_start3A_282 = tpu.memref_squeeze %dma_start3A_281 : memref<1x!tpu.dma_semaphore, #tpu.memory_space<semaphore_mem>> -> memref<!tpu.dma_semaphore, #tpu.memory_space<semaphore_mem>>
      %dma_start3A_283 = arith.constant 0 : i32
      %dma_start3A_284 = tpu.memref_slice %arg4[%add3A_272, %dma_start3A_283] : memref<819200x128xf32, #tpu.memory_space<hbm>> -> memref<128x128xf32, #tpu.memory_space<hbm>>
      %dma_start3A_285 = arith.constant 0 : i32
      %dma_start3A_286 = arith.constant 0 : i32
      %dma_start3A_287 = tpu.memref_slice %arg6[%dma_start3A_273, %dma_start3A_285, %dma_start3A_286] : memref<5x128x128xf32, #tpu.memory_space<vmem>> -> memref<1x128x128xf32, #tpu.memory_space<vmem>>
      %dma_start3A_288 = tpu.memref_squeeze %dma_start3A_287 : memref<1x128x128xf32, #tpu.memory_space<vmem>> -> memref<128x128xf32, #tpu.memory_space<vmem>>
      tpu.enqueue_dma source(%dma_start3A_288 : memref<128x128xf32, #tpu.memory_space<vmem>>) target(%dma_start3A_284 : memref<128x128xf32, #tpu.memory_space<hbm>>) target_semaphore(%dma_start3A_282 : memref<!tpu.dma_semaphore, #tpu.memory_space<semaphore_mem>>)
      %dma_wait3A_289 = arith.constant 3 : i32
      %dma_wait3A_290 = arith.constant 3 : i32
      %dma_wait3A_291 = arith.constant 3 : i32
      %dma_wait3A_292 = arith.constant 0 : i32
      %dma_wait3A_293 = arith.constant 0 : i32
      %dma_wait3A_294 = tpu.memref_slice %arg6[%dma_wait3A_290, %dma_wait3A_292, %dma_wait3A_293] : memref<5x128x128xf32, #tpu.memory_space<vmem>> -> memref<1x128x128xf32, #tpu.memory_space<vmem>>
      %dma_wait3A_295 = tpu.memref_squeeze %dma_wait3A_294 : memref<1x128x128xf32, #tpu.memory_space<vmem>> -> memref<128x128xf32, #tpu.memory_space<vmem>>
      %dma_wait3A_296 = arith.constant 0 : i32
      %dma_wait3A_297 = tpu.memref_slice %arg5[%dma_wait3A_289, %dma_wait3A_296] : memref<5x128xi32, #tpu.memory_space<vmem>> -> memref<1x128xi32, #tpu.memory_space<vmem>>
      %dma_wait3A_298 = tpu.memref_squeeze %dma_wait3A_297 : memref<1x128xi32, #tpu.memory_space<vmem>> -> memref<128xi32, #tpu.memory_space<vmem>>
      %dma_wait3A_299 = arith.constant 0 : i32
      %dma_wait3A_300 = arith.constant 0 : i32
      %dma_wait3A_301 = tpu.memref_slice %arg2[%dma_wait3A_299, %dma_wait3A_300] : memref<50000x128xf32, #tpu.memory_space<hbm>> -> memref<50000x128xf32, #tpu.memory_space<hbm>>
      %dma_wait3A_302 = tpu.memref_slice %arg7[%dma_wait3A_291] : memref<5x!tpu.dma_semaphore, #tpu.memory_space<semaphore_mem>> -> memref<1x!tpu.dma_semaphore, #tpu.memory_space<semaphore_mem>>
      %dma_wait3A_303 = tpu.memref_squeeze %dma_wait3A_302 : memref<1x!tpu.dma_semaphore, #tpu.memory_space<semaphore_mem>> -> memref<!tpu.dma_semaphore, #tpu.memory_space<semaphore_mem>>
      tpu.wait_indirect_dma semaphore(%dma_wait3A_303 : memref<!tpu.dma_semaphore, #tpu.memory_space<semaphore_mem>>) src(%dma_wait3A_301 : memref<50000x128xf32, #tpu.memory_space<hbm>>) dst(%dma_wait3A_295 : memref<128x128xf32, #tpu.memory_space<vmem>>)
      %mul3A_304 = arith.constant 409600 : i32
      %mul3A_305 = arith.muli %select_n3A_62, %mul3A_304 : i32
      %mul3A_306 = arith.constant 5 : i32
      %mul3A_307 = arith.muli %sub3A_64, %mul3A_306 : i32
      %add3A_308 = arith.addi %select_n3A, %mul3A_307 : i32
      %add3A_309 = arith.constant 3 : i32
      %add3A_310 = arith.addi %add3A_308, %add3A_309 : i32
      %mul3A_311 = arith.constant 128 : i32
      %mul3A_312 = arith.muli %add3A_310, %mul3A_311 : i32
      %add3A_313 = arith.addi %mul3A_305, %mul3A_312 : i32
      %dma_start3A_314 = arith.constant 3 : i32
      %dma_start3A_315 = arith.constant 3 : i32
      %dma_start3A_316 = arith.constant 0 : i32
      %dma_start3A_317 = arith.constant 0 : i32
      %dma_start3A_318 = tpu.memref_slice %arg6[%dma_start3A_314, %dma_start3A_316, %dma_start3A_317] : memref<5x128x128xf32, #tpu.memory_space<vmem>> -> memref<1x128x128xf32, #tpu.memory_space<vmem>>
      %dma_start3A_319 = tpu.memref_squeeze %dma_start3A_318 : memref<1x128x128xf32, #tpu.memory_space<vmem>> -> memref<128x128xf32, #tpu.memory_space<vmem>>
      %dma_start3A_320 = arith.constant 0 : i32
      %dma_start3A_321 = tpu.memref_slice %arg4[%add3A_313, %dma_start3A_320] : memref<819200x128xf32, #tpu.memory_space<hbm>> -> memref<128x128xf32, #tpu.memory_space<hbm>>
      %dma_start3A_322 = tpu.memref_slice %arg8[%dma_start3A_315] : memref<5x!tpu.dma_semaphore, #tpu.memory_space<semaphore_mem>> -> memref<1x!tpu.dma_semaphore, #tpu.memory_space<semaphore_mem>>
      %dma_start3A_323 = tpu.memref_squeeze %dma_start3A_322 : memref<1x!tpu.dma_semaphore, #tpu.memory_space<semaphore_mem>> -> memref<!tpu.dma_semaphore, #tpu.memory_space<semaphore_mem>>
      %dma_start3A_324 = arith.constant 0 : i32
      %dma_start3A_325 = tpu.memref_slice %arg4[%add3A_313, %dma_start3A_324] : memref<819200x128xf32, #tpu.memory_space<hbm>> -> memref<128x128xf32, #tpu.memory_space<hbm>>
      %dma_start3A_326 = arith.constant 0 : i32
      %dma_start3A_327 = arith.constant 0 : i32
      %dma_start3A_328 = tpu.memref_slice %arg6[%dma_start3A_314, %dma_start3A_326, %dma_start3A_327] : memref<5x128x128xf32, #tpu.memory_space<vmem>> -> memref<1x128x128xf32, #tpu.memory_space<vmem>>
      %dma_start3A_329 = tpu.memref_squeeze %dma_start3A_328 : memref<1x128x128xf32, #tpu.memory_space<vmem>> -> memref<128x128xf32, #tpu.memory_space<vmem>>
      tpu.enqueue_dma source(%dma_start3A_329 : memref<128x128xf32, #tpu.memory_space<vmem>>) target(%dma_start3A_325 : memref<128x128xf32, #tpu.memory_space<hbm>>) target_semaphore(%dma_start3A_323 : memref<!tpu.dma_semaphore, #tpu.memory_space<semaphore_mem>>)
      %dma_wait3A_330 = arith.constant 4 : i32
      %dma_wait3A_331 = arith.constant 4 : i32
      %dma_wait3A_332 = arith.constant 4 : i32
      %dma_wait3A_333 = arith.constant 0 : i32
      %dma_wait3A_334 = arith.constant 0 : i32
      %dma_wait3A_335 = tpu.memref_slice %arg6[%dma_wait3A_331, %dma_wait3A_333, %dma_wait3A_334] : memref<5x128x128xf32, #tpu.memory_space<vmem>> -> memref<1x128x128xf32, #tpu.memory_space<vmem>>
      %dma_wait3A_336 = tpu.memref_squeeze %dma_wait3A_335 : memref<1x128x128xf32, #tpu.memory_space<vmem>> -> memref<128x128xf32, #tpu.memory_space<vmem>>
      %dma_wait3A_337 = arith.constant 0 : i32
      %dma_wait3A_338 = tpu.memref_slice %arg5[%dma_wait3A_330, %dma_wait3A_337] : memref<5x128xi32, #tpu.memory_space<vmem>> -> memref<1x128xi32, #tpu.memory_space<vmem>>
      %dma_wait3A_339 = tpu.memref_squeeze %dma_wait3A_338 : memref<1x128xi32, #tpu.memory_space<vmem>> -> memref<128xi32, #tpu.memory_space<vmem>>
      %dma_wait3A_340 = arith.constant 0 : i32
      %dma_wait3A_341 = arith.constant 0 : i32
      %dma_wait3A_342 = tpu.memref_slice %arg2[%dma_wait3A_340, %dma_wait3A_341] : memref<50000x128xf32, #tpu.memory_space<hbm>> -> memref<50000x128xf32, #tpu.memory_space<hbm>>
      %dma_wait3A_343 = tpu.memref_slice %arg7[%dma_wait3A_332] : memref<5x!tpu.dma_semaphore, #tpu.memory_space<semaphore_mem>> -> memref<1x!tpu.dma_semaphore, #tpu.memory_space<semaphore_mem>>
      %dma_wait3A_344 = tpu.memref_squeeze %dma_wait3A_343 : memref<1x!tpu.dma_semaphore, #tpu.memory_space<semaphore_mem>> -> memref<!tpu.dma_semaphore, #tpu.memory_space<semaphore_mem>>
      tpu.wait_indirect_dma semaphore(%dma_wait3A_344 : memref<!tpu.dma_semaphore, #tpu.memory_space<semaphore_mem>>) src(%dma_wait3A_342 : memref<50000x128xf32, #tpu.memory_space<hbm>>) dst(%dma_wait3A_336 : memref<128x128xf32, #tpu.memory_space<vmem>>)
      %mul3A_345 = arith.constant 409600 : i32
      %mul3A_346 = arith.muli %select_n3A_62, %mul3A_345 : i32
      %mul3A_347 = arith.constant 5 : i32
      %mul3A_348 = arith.muli %sub3A_64, %mul3A_347 : i32
      %add3A_349 = arith.addi %select_n3A, %mul3A_348 : i32
      %add3A_350 = arith.constant 4 : i32
      %add3A_351 = arith.addi %add3A_349, %add3A_350 : i32
      %mul3A_352 = arith.constant 128 : i32
      %mul3A_353 = arith.muli %add3A_351, %mul3A_352 : i32
      %add3A_354 = arith.addi %mul3A_346, %mul3A_353 : i32
      %dma_start3A_355 = arith.constant 4 : i32
      %dma_start3A_356 = arith.constant 4 : i32
      %dma_start3A_357 = arith.constant 0 : i32
      %dma_start3A_358 = arith.constant 0 : i32
      %dma_start3A_359 = tpu.memref_slice %arg6[%dma_start3A_355, %dma_start3A_357, %dma_start3A_358] : memref<5x128x128xf32, #tpu.memory_space<vmem>> -> memref<1x128x128xf32, #tpu.memory_space<vmem>>
      %dma_start3A_360 = tpu.memref_squeeze %dma_start3A_359 : memref<1x128x128xf32, #tpu.memory_space<vmem>> -> memref<128x128xf32, #tpu.memory_space<vmem>>
      %dma_start3A_361 = arith.constant 0 : i32
      %dma_start3A_362 = tpu.memref_slice %arg4[%add3A_354, %dma_start3A_361] : memref<819200x128xf32, #tpu.memory_space<hbm>> -> memref<128x128xf32, #tpu.memory_space<hbm>>
      %dma_start3A_363 = tpu.memref_slice %arg8[%dma_start3A_356] : memref<5x!tpu.dma_semaphore, #tpu.memory_space<semaphore_mem>> -> memref<1x!tpu.dma_semaphore, #tpu.memory_space<semaphore_mem>>
      %dma_start3A_364 = tpu.memref_squeeze %dma_start3A_363 : memref<1x!tpu.dma_semaphore, #tpu.memory_space<semaphore_mem>> -> memref<!tpu.dma_semaphore, #tpu.memory_space<semaphore_mem>>
      %dma_start3A_365 = arith.constant 0 : i32
      %dma_start3A_366 = tpu.memref_slice %arg4[%add3A_354, %dma_start3A_365] : memref<819200x128xf32, #tpu.memory_space<hbm>> -> memref<128x128xf32, #tpu.memory_space<hbm>>
      %dma_start3A_367 = arith.constant 0 : i32
      %dma_start3A_368 = arith.constant 0 : i32
      %dma_start3A_369 = tpu.memref_slice %arg6[%dma_start3A_355, %dma_start3A_367, %dma_start3A_368] : memref<5x128x128xf32, #tpu.memory_space<vmem>> -> memref<1x128x128xf32, #tpu.memory_space<vmem>>
      %dma_start3A_370 = tpu.memref_squeeze %dma_start3A_369 : memref<1x128x128xf32, #tpu.memory_space<vmem>> -> memref<128x128xf32, #tpu.memory_space<vmem>>
      tpu.enqueue_dma source(%dma_start3A_370 : memref<128x128xf32, #tpu.memory_space<vmem>>) target(%dma_start3A_366 : memref<128x128xf32, #tpu.memory_space<hbm>>) target_semaphore(%dma_start3A_364 : memref<!tpu.dma_semaphore, #tpu.memory_space<semaphore_mem>>)
      %while3A_371 = arith.constant 0 : i32
      scf.yield %while3A_371 : i32
    }
    %while3A_20 = arith.constant 1 : i32
    %while3A_21 = scf.for %while3A_44 = %while3A_17 to %while3A_13 step %while3A_20 iter_args(%while3A_45 = %while3A_19) -> (i32)  : i32 {
      %div3A = arith.divsi %while3A_44, %select_n3A_8 : i32
      %sign3A = arith.constant 0 : i32
      %sign3A_46 = arith.cmpi sgt, %while3A_44, %sign3A : i32
      %sign3A_47 = arith.extui %sign3A_46 : i1 to i32
      %sign3A_48 = arith.constant 0 : i32
      %sign3A_49 = arith.cmpi slt, %while3A_44, %sign3A_48 : i32
      %sign3A_50 = arith.extui %sign3A_49 : i1 to i32
      %sign3A_51 = arith.subi %sign3A_47, %sign3A_50 : i32
      %sign3A_52 = arith.constant 0 : i32
      %sign3A_53 = arith.cmpi sgt, %select_n3A_8, %sign3A_52 : i32
      %sign3A_54 = arith.extui %sign3A_53 : i1 to i32
      %sign3A_55 = arith.constant 0 : i32
      %sign3A_56 = arith.cmpi slt, %select_n3A_8, %sign3A_55 : i32
      %sign3A_57 = arith.extui %sign3A_56 : i1 to i32
      %sign3A_58 = arith.subi %sign3A_54, %sign3A_57 : i32
      %ne3A = arith.cmpi ne, %sign3A_51, %sign3A_58 : i32
      %rem3A = arith.remsi %while3A_44, %select_n3A_8 : i32
      %ne3A_59 = arith.constant 0 : i32
      %ne3A_60 = arith.cmpi ne, %rem3A, %ne3A_59 : i32
      %and3A = arith.andi %ne3A, %ne3A_60 : i1
      %sub3A = arith.constant 1 : i32
      %sub3A_61 = arith.subi %div3A, %sub3A : i32
      %select_n3A_62 = arith.select %and3A, %sub3A_61, %div3A : i32
      %mul3A_63 = arith.muli %select_n3A_62, %select_n3A_8 : i32
      %sub3A_64 = arith.subi %while3A_44, %mul3A_63 : i32
      %mul3A_65 = arith.constant 5 : i32
      %mul3A_66 = arith.muli %sub3A_64, %mul3A_65 : i32
      %add3A_67 = arith.addi %select_n3A, %mul3A_66 : i32
      "tpu.region"() ({
        %run_scoped3A = tpu.sem_alloc : memref<!tpu.dma_semaphore, #tpu.memory_space<semaphore_mem>>
        %dma_start3A_372 = arith.constant 0 : i32
        %dma_start3A_373 = tpu.memref_slice %arg3[%select_n3A_62, %add3A_67, %dma_start3A_372] : memref<2x3200x128xi32, #tpu.memory_space<hbm>> -> memref<1x5x128xi32, #tpu.memory_space<hbm>>
        %dma_start3A_374 = tpu.memref_squeeze %dma_start3A_373 : memref<1x5x128xi32, #tpu.memory_space<hbm>> -> memref<5x128xi32, #tpu.memory_space<hbm>>
        %dma_start3A_375 = arith.constant 0 : i32
        %dma_start3A_376 = tpu.memref_slice %arg3[%select_n3A_62, %add3A_67, %dma_start3A_375] : memref<2x3200x128xi32, #tpu.memory_space<hbm>> -> memref<1x5x128xi32, #tpu.memory_space<hbm>>
        %dma_start3A_377 = tpu.memref_squeeze %dma_start3A_376 : memref<1x5x128xi32, #tpu.memory_space<hbm>> -> memref<5x128xi32, #tpu.memory_space<hbm>>
        tpu.enqueue_dma source(%dma_start3A_377 : memref<5x128xi32, #tpu.memory_space<hbm>>) target(%arg5 : memref<5x128xi32, #tpu.memory_space<vmem>>) target_semaphore(%run_scoped3A : memref<!tpu.dma_semaphore, #tpu.memory_space<semaphore_mem>>)
        %dma_wait3A_378 = arith.constant 0 : i32
        %dma_wait3A_379 = tpu.memref_slice %arg3[%select_n3A_62, %add3A_67, %dma_wait3A_378] : memref<2x3200x128xi32, #tpu.memory_space<hbm>> -> memref<1x5x128xi32, #tpu.memory_space<hbm>>
        %dma_wait3A_380 = tpu.memref_squeeze %dma_wait3A_379 : memref<1x5x128xi32, #tpu.memory_space<hbm>> -> memref<5x128xi32, #tpu.memory_space<hbm>>
        %dma_wait3A_381 = arith.constant 0 : i32
        %dma_wait3A_382 = tpu.memref_slice %arg3[%select_n3A_62, %add3A_67, %dma_wait3A_381] : memref<2x3200x128xi32, #tpu.memory_space<hbm>> -> memref<1x5x128xi32, #tpu.memory_space<hbm>>
        %dma_wait3A_383 = tpu.memref_squeeze %dma_wait3A_382 : memref<1x5x128xi32, #tpu.memory_space<hbm>> -> memref<5x128xi32, #tpu.memory_space<hbm>>
        tpu.wait_dma2 semaphore(%run_scoped3A : memref<!tpu.dma_semaphore, #tpu.memory_space<semaphore_mem>>) src(%dma_wait3A_383 : memref<5x128xi32, #tpu.memory_space<hbm>>) dst(%arg5 : memref<5x128xi32, #tpu.memory_space<vmem>>)
        tpu.yield
      }) : () -> ()
      %gt3A_68 = arith.constant 0 : i32
      %gt3A_69 = arith.cmpi sgt, %while3A_44, %gt3A_68 : i32
      %convert_element_type3A_70 = arith.extui %gt3A_69 : i1 to i32
      %cond3A_71 = arith.constant 0 : i32
      %cond3A_72 = arith.cmpi ne, %convert_element_type3A_70, %cond3A_71 : i32
      scf.if %cond3A_72 {
        %dma_wait3A_372 = arith.constant 0 : i32
        %dma_wait3A_373 = arith.constant 0 : i32
        %dma_wait3A_374 = arith.constant 0 : i32
        %dma_wait3A_375 = arith.constant 0 : i32
        %dma_wait3A_376 = tpu.memref_slice %arg6[%dma_wait3A_372, %dma_wait3A_374, %dma_wait3A_375] : memref<5x128x128xf32, #tpu.memory_space<vmem>> -> memref<1x128x128xf32, #tpu.memory_space<vmem>>
        %dma_wait3A_377 = tpu.memref_squeeze %dma_wait3A_376 : memref<1x128x128xf32, #tpu.memory_space<vmem>> -> memref<128x128xf32, #tpu.memory_space<vmem>>
        %dma_wait3A_378 = arith.constant 0 : i32
        %dma_wait3A_379 = arith.constant 0 : i32
        %dma_wait3A_380 = tpu.memref_slice %arg4[%dma_wait3A_378, %dma_wait3A_379] : memref<819200x128xf32, #tpu.memory_space<hbm>> -> memref<128x128xf32, #tpu.memory_space<hbm>>
        %dma_wait3A_381 = tpu.memref_slice %arg8[%dma_wait3A_373] : memref<5x!tpu.dma_semaphore, #tpu.memory_space<semaphore_mem>> -> memref<1x!tpu.dma_semaphore, #tpu.memory_space<semaphore_mem>>
        %dma_wait3A_382 = tpu.memref_squeeze %dma_wait3A_381 : memref<1x!tpu.dma_semaphore, #tpu.memory_space<semaphore_mem>> -> memref<!tpu.dma_semaphore, #tpu.memory_space<semaphore_mem>>
        %dma_wait3A_383 = arith.constant 0 : i32
        %dma_wait3A_384 = arith.constant 0 : i32
        %dma_wait3A_385 = tpu.memref_slice %arg4[%dma_wait3A_383, %dma_wait3A_384] : memref<819200x128xf32, #tpu.memory_space<hbm>> -> memref<128x128xf32, #tpu.memory_space<hbm>>
        %dma_wait3A_386 = arith.constant 0 : i32
        %dma_wait3A_387 = arith.constant 0 : i32
        %dma_wait3A_388 = tpu.memref_slice %arg6[%dma_wait3A_372, %dma_wait3A_386, %dma_wait3A_387] : memref<5x128x128xf32, #tpu.memory_space<vmem>> -> memref<1x128x128xf32, #tpu.memory_space<vmem>>
        %dma_wait3A_389 = tpu.memref_squeeze %dma_wait3A_388 : memref<1x128x128xf32, #tpu.memory_space<vmem>> -> memref<128x128xf32, #tpu.memory_space<vmem>>
        tpu.wait_dma2 semaphore(%dma_wait3A_382 : memref<!tpu.dma_semaphore, #tpu.memory_space<semaphore_mem>>) src(%dma_wait3A_389 : memref<128x128xf32, #tpu.memory_space<vmem>>) dst(%dma_wait3A_385 : memref<128x128xf32, #tpu.memory_space<hbm>>)
      } else {
      }
      %dma_start3A = arith.constant 0 : i32
      %dma_start3A_73 = arith.constant 0 : i32
      %dma_start3A_74 = arith.constant 0 : i32
      %dma_start3A_75 = arith.constant 0 : i32
      %dma_start3A_76 = arith.constant 0 : i32
      %dma_start3A_77 = tpu.memref_slice %arg6[%dma_start3A_73, %dma_start3A_75, %dma_start3A_76] : memref<5x128x128xf32, #tpu.memory_space<vmem>> -> memref<1x128x128xf32, #tpu.memory_space<vmem>>
      %dma_start3A_78 = tpu.memref_squeeze %dma_start3A_77 : memref<1x128x128xf32, #tpu.memory_space<vmem>> -> memref<128x128xf32, #tpu.memory_space<vmem>>
      %dma_start3A_79 = arith.constant 0 : i32
      %dma_start3A_80 = tpu.memref_slice %arg5[%dma_start3A, %dma_start3A_79] : memref<5x128xi32, #tpu.memory_space<vmem>> -> memref<1x128xi32, #tpu.memory_space<vmem>>
      %dma_start3A_81 = tpu.memref_squeeze %dma_start3A_80 : memref<1x128xi32, #tpu.memory_space<vmem>> -> memref<128xi32, #tpu.memory_space<vmem>>
      %dma_start3A_82 = arith.constant 0 : i32
      %dma_start3A_83 = arith.constant 0 : i32
      %dma_start3A_84 = tpu.memref_slice %arg2[%dma_start3A_82, %dma_start3A_83] : memref<50000x128xf32, #tpu.memory_space<hbm>> -> memref<50000x128xf32, #tpu.memory_space<hbm>>
      %dma_start3A_85 = tpu.memref_slice %arg7[%dma_start3A_74] : memref<5x!tpu.dma_semaphore, #tpu.memory_space<semaphore_mem>> -> memref<1x!tpu.dma_semaphore, #tpu.memory_space<semaphore_mem>>
      %dma_start3A_86 = tpu.memref_squeeze %dma_start3A_85 : memref<1x!tpu.dma_semaphore, #tpu.memory_space<semaphore_mem>> -> memref<!tpu.dma_semaphore, #tpu.memory_space<semaphore_mem>>
      tpu.enqueue_indirect_dma source(%dma_start3A_84 : memref<50000x128xf32, #tpu.memory_space<hbm>>) target(%dma_start3A_78 : memref<128x128xf32, #tpu.memory_space<vmem>>) offsets(%dma_start3A_81 : memref<128xi32, #tpu.memory_space<vmem>>) semaphore(%dma_start3A_86 : memref<!tpu.dma_semaphore, #tpu.memory_space<semaphore_mem>>)
      %gt3A_87 = arith.constant 0 : i32
      %gt3A_88 = arith.cmpi sgt, %while3A_44, %gt3A_87 : i32
      %convert_element_type3A_89 = arith.extui %gt3A_88 : i1 to i32
      %cond3A_90 = arith.constant 0 : i32
      %cond3A_91 = arith.cmpi ne, %convert_element_type3A_89, %cond3A_90 : i32
      scf.if %cond3A_91 {
        %dma_wait3A_372 = arith.constant 1 : i32
        %dma_wait3A_373 = arith.constant 1 : i32
        %dma_wait3A_374 = arith.constant 0 : i32
        %dma_wait3A_375 = arith.constant 0 : i32
        %dma_wait3A_376 = tpu.memref_slice %arg6[%dma_wait3A_372, %dma_wait3A_374, %dma_wait3A_375] : memref<5x128x128xf32, #tpu.memory_space<vmem>> -> memref<1x128x128xf32, #tpu.memory_space<vmem>>
        %dma_wait3A_377 = tpu.memref_squeeze %dma_wait3A_376 : memref<1x128x128xf32, #tpu.memory_space<vmem>> -> memref<128x128xf32, #tpu.memory_space<vmem>>
        %dma_wait3A_378 = arith.constant 0 : i32
        %dma_wait3A_379 = arith.constant 0 : i32
        %dma_wait3A_380 = tpu.memref_slice %arg4[%dma_wait3A_378, %dma_wait3A_379] : memref<819200x128xf32, #tpu.memory_space<hbm>> -> memref<128x128xf32, #tpu.memory_space<hbm>>
        %dma_wait3A_381 = tpu.memref_slice %arg8[%dma_wait3A_373] : memref<5x!tpu.dma_semaphore, #tpu.memory_space<semaphore_mem>> -> memref<1x!tpu.dma_semaphore, #tpu.memory_space<semaphore_mem>>
        %dma_wait3A_382 = tpu.memref_squeeze %dma_wait3A_381 : memref<1x!tpu.dma_semaphore, #tpu.memory_space<semaphore_mem>> -> memref<!tpu.dma_semaphore, #tpu.memory_space<semaphore_mem>>
        %dma_wait3A_383 = arith.constant 0 : i32
        %dma_wait3A_384 = arith.constant 0 : i32
        %dma_wait3A_385 = tpu.memref_slice %arg4[%dma_wait3A_383, %dma_wait3A_384] : memref<819200x128xf32, #tpu.memory_space<hbm>> -> memref<128x128xf32, #tpu.memory_space<hbm>>
        %dma_wait3A_386 = arith.constant 0 : i32
        %dma_wait3A_387 = arith.constant 0 : i32
        %dma_wait3A_388 = tpu.memref_slice %arg6[%dma_wait3A_372, %dma_wait3A_386, %dma_wait3A_387] : memref<5x128x128xf32, #tpu.memory_space<vmem>> -> memref<1x128x128xf32, #tpu.memory_space<vmem>>
        %dma_wait3A_389 = tpu.memref_squeeze %dma_wait3A_388 : memref<1x128x128xf32, #tpu.memory_space<vmem>> -> memref<128x128xf32, #tpu.memory_space<vmem>>
        tpu.wait_dma2 semaphore(%dma_wait3A_382 : memref<!tpu.dma_semaphore, #tpu.memory_space<semaphore_mem>>) src(%dma_wait3A_389 : memref<128x128xf32, #tpu.memory_space<vmem>>) dst(%dma_wait3A_385 : memref<128x128xf32, #tpu.memory_space<hbm>>)
      } else {
      }
      %dma_start3A_92 = arith.constant 1 : i32
      %dma_start3A_93 = arith.constant 1 : i32
      %dma_start3A_94 = arith.constant 1 : i32
      %dma_start3A_95 = arith.constant 0 : i32
      %dma_start3A_96 = arith.constant 0 : i32
      %dma_start3A_97 = tpu.memref_slice %arg6[%dma_start3A_93, %dma_start3A_95, %dma_start3A_96] : memref<5x128x128xf32, #tpu.memory_space<vmem>> -> memref<1x128x128xf32, #tpu.memory_space<vmem>>
      %dma_start3A_98 = tpu.memref_squeeze %dma_start3A_97 : memref<1x128x128xf32, #tpu.memory_space<vmem>> -> memref<128x128xf32, #tpu.memory_space<vmem>>
      %dma_start3A_99 = arith.constant 0 : i32
      %dma_start3A_100 = tpu.memref_slice %arg5[%dma_start3A_92, %dma_start3A_99] : memref<5x128xi32, #tpu.memory_space<vmem>> -> memref<1x128xi32, #tpu.memory_space<vmem>>
      %dma_start3A_101 = tpu.memref_squeeze %dma_start3A_100 : memref<1x128xi32, #tpu.memory_space<vmem>> -> memref<128xi32, #tpu.memory_space<vmem>>
      %dma_start3A_102 = arith.constant 0 : i32
      %dma_start3A_103 = arith.constant 0 : i32
      %dma_start3A_104 = tpu.memref_slice %arg2[%dma_start3A_102, %dma_start3A_103] : memref<50000x128xf32, #tpu.memory_space<hbm>> -> memref<50000x128xf32, #tpu.memory_space<hbm>>
      %dma_start3A_105 = tpu.memref_slice %arg7[%dma_start3A_94] : memref<5x!tpu.dma_semaphore, #tpu.memory_space<semaphore_mem>> -> memref<1x!tpu.dma_semaphore, #tpu.memory_space<semaphore_mem>>
      %dma_start3A_106 = tpu.memref_squeeze %dma_start3A_105 : memref<1x!tpu.dma_semaphore, #tpu.memory_space<semaphore_mem>> -> memref<!tpu.dma_semaphore, #tpu.memory_space<semaphore_mem>>
      tpu.enqueue_indirect_dma source(%dma_start3A_104 : memref<50000x128xf32, #tpu.memory_space<hbm>>) target(%dma_start3A_98 : memref<128x128xf32, #tpu.memory_space<vmem>>) offsets(%dma_start3A_101 : memref<128xi32, #tpu.memory_space<vmem>>) semaphore(%dma_start3A_106 : memref<!tpu.dma_semaphore, #tpu.memory_space<semaphore_mem>>)
      %gt3A_107 = arith.constant 0 : i32
      %gt3A_108 = arith.cmpi sgt, %while3A_44, %gt3A_107 : i32
      %convert_element_type3A_109 = arith.extui %gt3A_108 : i1 to i32
      %cond3A_110 = arith.constant 0 : i32
      %cond3A_111 = arith.cmpi ne, %convert_element_type3A_109, %cond3A_110 : i32
      scf.if %cond3A_111 {
        %dma_wait3A_372 = arith.constant 2 : i32
        %dma_wait3A_373 = arith.constant 2 : i32
        %dma_wait3A_374 = arith.constant 0 : i32
        %dma_wait3A_375 = arith.constant 0 : i32
        %dma_wait3A_376 = tpu.memref_slice %arg6[%dma_wait3A_372, %dma_wait3A_374, %dma_wait3A_375] : memref<5x128x128xf32, #tpu.memory_space<vmem>> -> memref<1x128x128xf32, #tpu.memory_space<vmem>>
        %dma_wait3A_377 = tpu.memref_squeeze %dma_wait3A_376 : memref<1x128x128xf32, #tpu.memory_space<vmem>> -> memref<128x128xf32, #tpu.memory_space<vmem>>
        %dma_wait3A_378 = arith.constant 0 : i32
        %dma_wait3A_379 = arith.constant 0 : i32
        %dma_wait3A_380 = tpu.memref_slice %arg4[%dma_wait3A_378, %dma_wait3A_379] : memref<819200x128xf32, #tpu.memory_space<hbm>> -> memref<128x128xf32, #tpu.memory_space<hbm>>
        %dma_wait3A_381 = tpu.memref_slice %arg8[%dma_wait3A_373] : memref<5x!tpu.dma_semaphore, #tpu.memory_space<semaphore_mem>> -> memref<1x!tpu.dma_semaphore, #tpu.memory_space<semaphore_mem>>
        %dma_wait3A_382 = tpu.memref_squeeze %dma_wait3A_381 : memref<1x!tpu.dma_semaphore, #tpu.memory_space<semaphore_mem>> -> memref<!tpu.dma_semaphore, #tpu.memory_space<semaphore_mem>>
        %dma_wait3A_383 = arith.constant 0 : i32
        %dma_wait3A_384 = arith.constant 0 : i32
        %dma_wait3A_385 = tpu.memref_slice %arg4[%dma_wait3A_383, %dma_wait3A_384] : memref<819200x128xf32, #tpu.memory_space<hbm>> -> memref<128x128xf32, #tpu.memory_space<hbm>>
        %dma_wait3A_386 = arith.constant 0 : i32
        %dma_wait3A_387 = arith.constant 0 : i32
        %dma_wait3A_388 = tpu.memref_slice %arg6[%dma_wait3A_372, %dma_wait3A_386, %dma_wait3A_387] : memref<5x128x128xf32, #tpu.memory_space<vmem>> -> memref<1x128x128xf32, #tpu.memory_space<vmem>>
        %dma_wait3A_389 = tpu.memref_squeeze %dma_wait3A_388 : memref<1x128x128xf32, #tpu.memory_space<vmem>> -> memref<128x128xf32, #tpu.memory_space<vmem>>
        tpu.wait_dma2 semaphore(%dma_wait3A_382 : memref<!tpu.dma_semaphore, #tpu.memory_space<semaphore_mem>>) src(%dma_wait3A_389 : memref<128x128xf32, #tpu.memory_space<vmem>>) dst(%dma_wait3A_385 : memref<128x128xf32, #tpu.memory_space<hbm>>)
      } else {
      }
      %dma_start3A_112 = arith.constant 2 : i32
      %dma_start3A_113 = arith.constant 2 : i32
      %dma_start3A_114 = arith.constant 2 : i32
      %dma_start3A_115 = arith.constant 0 : i32
      %dma_start3A_116 = arith.constant 0 : i32
      %dma_start3A_117 = tpu.memref_slice %arg6[%dma_start3A_113, %dma_start3A_115, %dma_start3A_116] : memref<5x128x128xf32, #tpu.memory_space<vmem>> -> memref<1x128x128xf32, #tpu.memory_space<vmem>>
      %dma_start3A_118 = tpu.memref_squeeze %dma_start3A_117 : memref<1x128x128xf32, #tpu.memory_space<vmem>> -> memref<128x128xf32, #tpu.memory_space<vmem>>
      %dma_start3A_119 = arith.constant 0 : i32
      %dma_start3A_120 = tpu.memref_slice %arg5[%dma_start3A_112, %dma_start3A_119] : memref<5x128xi32, #tpu.memory_space<vmem>> -> memref<1x128xi32, #tpu.memory_space<vmem>>
      %dma_start3A_121 = tpu.memref_squeeze %dma_start3A_120 : memref<1x128xi32, #tpu.memory_space<vmem>> -> memref<128xi32, #tpu.memory_space<vmem>>
      %dma_start3A_122 = arith.constant 0 : i32
      %dma_start3A_123 = arith.constant 0 : i32
      %dma_start3A_124 = tpu.memref_slice %arg2[%dma_start3A_122, %dma_start3A_123] : memref<50000x128xf32, #tpu.memory_space<hbm>> -> memref<50000x128xf32, #tpu.memory_space<hbm>>
      %dma_start3A_125 = tpu.memref_slice %arg7[%dma_start3A_114] : memref<5x!tpu.dma_semaphore, #tpu.memory_space<semaphore_mem>> -> memref<1x!tpu.dma_semaphore, #tpu.memory_space<semaphore_mem>>
      %dma_start3A_126 = tpu.memref_squeeze %dma_start3A_125 : memref<1x!tpu.dma_semaphore, #tpu.memory_space<semaphore_mem>> -> memref<!tpu.dma_semaphore, #tpu.memory_space<semaphore_mem>>
      tpu.enqueue_indirect_dma source(%dma_start3A_124 : memref<50000x128xf32, #tpu.memory_space<hbm>>) target(%dma_start3A_118 : memref<128x128xf32, #tpu.memory_space<vmem>>) offsets(%dma_start3A_121 : memref<128xi32, #tpu.memory_space<vmem>>) semaphore(%dma_start3A_126 : memref<!tpu.dma_semaphore, #tpu.memory_space<semaphore_mem>>)
      %gt3A_127 = arith.constant 0 : i32
      %gt3A_128 = arith.cmpi sgt, %while3A_44, %gt3A_127 : i32
      %convert_element_type3A_129 = arith.extui %gt3A_128 : i1 to i32
      %cond3A_130 = arith.constant 0 : i32
      %cond3A_131 = arith.cmpi ne, %convert_element_type3A_129, %cond3A_130 : i32
      scf.if %cond3A_131 {
        %dma_wait3A_372 = arith.constant 3 : i32
        %dma_wait3A_373 = arith.constant 3 : i32
        %dma_wait3A_374 = arith.constant 0 : i32
        %dma_wait3A_375 = arith.constant 0 : i32
        %dma_wait3A_376 = tpu.memref_slice %arg6[%dma_wait3A_372, %dma_wait3A_374, %dma_wait3A_375] : memref<5x128x128xf32, #tpu.memory_space<vmem>> -> memref<1x128x128xf32, #tpu.memory_space<vmem>>
        %dma_wait3A_377 = tpu.memref_squeeze %dma_wait3A_376 : memref<1x128x128xf32, #tpu.memory_space<vmem>> -> memref<128x128xf32, #tpu.memory_space<vmem>>
        %dma_wait3A_378 = arith.constant 0 : i32
        %dma_wait3A_379 = arith.constant 0 : i32
        %dma_wait3A_380 = tpu.memref_slice %arg4[%dma_wait3A_378, %dma_wait3A_379] : memref<819200x128xf32, #tpu.memory_space<hbm>> -> memref<128x128xf32, #tpu.memory_space<hbm>>
        %dma_wait3A_381 = tpu.memref_slice %arg8[%dma_wait3A_373] : memref<5x!tpu.dma_semaphore, #tpu.memory_space<semaphore_mem>> -> memref<1x!tpu.dma_semaphore, #tpu.memory_space<semaphore_mem>>
        %dma_wait3A_382 = tpu.memref_squeeze %dma_wait3A_381 : memref<1x!tpu.dma_semaphore, #tpu.memory_space<semaphore_mem>> -> memref<!tpu.dma_semaphore, #tpu.memory_space<semaphore_mem>>
        %dma_wait3A_383 = arith.constant 0 : i32
        %dma_wait3A_384 = arith.constant 0 : i32
        %dma_wait3A_385 = tpu.memref_slice %arg4[%dma_wait3A_383, %dma_wait3A_384] : memref<819200x128xf32, #tpu.memory_space<hbm>> -> memref<128x128xf32, #tpu.memory_space<hbm>>
        %dma_wait3A_386 = arith.constant 0 : i32
        %dma_wait3A_387 = arith.constant 0 : i32
        %dma_wait3A_388 = tpu.memref_slice %arg6[%dma_wait3A_372, %dma_wait3A_386, %dma_wait3A_387] : memref<5x128x128xf32, #tpu.memory_space<vmem>> -> memref<1x128x128xf32, #tpu.memory_space<vmem>>
        %dma_wait3A_389 = tpu.memref_squeeze %dma_wait3A_388 : memref<1x128x128xf32, #tpu.memory_space<vmem>> -> memref<128x128xf32, #tpu.memory_space<vmem>>
        tpu.wait_dma2 semaphore(%dma_wait3A_382 : memref<!tpu.dma_semaphore, #tpu.memory_space<semaphore_mem>>) src(%dma_wait3A_389 : memref<128x128xf32, #tpu.memory_space<vmem>>) dst(%dma_wait3A_385 : memref<128x128xf32, #tpu.memory_space<hbm>>)
      } else {
      }
      %dma_start3A_132 = arith.constant 3 : i32
      %dma_start3A_133 = arith.constant 3 : i32
      %dma_start3A_134 = arith.constant 3 : i32
      %dma_start3A_135 = arith.constant 0 : i32
      %dma_start3A_136 = arith.constant 0 : i32
      %dma_start3A_137 = tpu.memref_slice %arg6[%dma_start3A_133, %dma_start3A_135, %dma_start3A_136] : memref<5x128x128xf32, #tpu.memory_space<vmem>> -> memref<1x128x128xf32, #tpu.memory_space<vmem>>
      %dma_start3A_138 = tpu.memref_squeeze %dma_start3A_137 : memref<1x128x128xf32, #tpu.memory_space<vmem>> -> memref<128x128xf32, #tpu.memory_space<vmem>>
      %dma_start3A_139 = arith.constant 0 : i32
      %dma_start3A_140 = tpu.memref_slice %arg5[%dma_start3A_132, %dma_start3A_139] : memref<5x128xi32, #tpu.memory_space<vmem>> -> memref<1x128xi32, #tpu.memory_space<vmem>>
      %dma_start3A_141 = tpu.memref_squeeze %dma_start3A_140 : memref<1x128xi32, #tpu.memory_space<vmem>> -> memref<128xi32, #tpu.memory_space<vmem>>
      %dma_start3A_142 = arith.constant 0 : i32
      %dma_start3A_143 = arith.constant 0 : i32
      %dma_start3A_144 = tpu.memref_slice %arg2[%dma_start3A_142, %dma_start3A_143] : memref<50000x128xf32, #tpu.memory_space<hbm>> -> memref<50000x128xf32, #tpu.memory_space<hbm>>
      %dma_start3A_145 = tpu.memref_slice %arg7[%dma_start3A_134] : memref<5x!tpu.dma_semaphore, #tpu.memory_space<semaphore_mem>> -> memref<1x!tpu.dma_semaphore, #tpu.memory_space<semaphore_mem>>
      %dma_start3A_146 = tpu.memref_squeeze %dma_start3A_145 : memref<1x!tpu.dma_semaphore, #tpu.memory_space<semaphore_mem>> -> memref<!tpu.dma_semaphore, #tpu.memory_space<semaphore_mem>>
      tpu.enqueue_indirect_dma source(%dma_start3A_144 : memref<50000x128xf32, #tpu.memory_space<hbm>>) target(%dma_start3A_138 : memref<128x128xf32, #tpu.memory_space<vmem>>) offsets(%dma_start3A_141 : memref<128xi32, #tpu.memory_space<vmem>>) semaphore(%dma_start3A_146 : memref<!tpu.dma_semaphore, #tpu.memory_space<semaphore_mem>>)
      %gt3A_147 = arith.constant 0 : i32
      %gt3A_148 = arith.cmpi sgt, %while3A_44, %gt3A_147 : i32
      %convert_element_type3A_149 = arith.extui %gt3A_148 : i1 to i32
      %cond3A_150 = arith.constant 0 : i32
      %cond3A_151 = arith.cmpi ne, %convert_element_type3A_149, %cond3A_150 : i32
      scf.if %cond3A_151 {
        %dma_wait3A_372 = arith.constant 4 : i32
        %dma_wait3A_373 = arith.constant 4 : i32
        %dma_wait3A_374 = arith.constant 0 : i32
        %dma_wait3A_375 = arith.constant 0 : i32
        %dma_wait3A_376 = tpu.memref_slice %arg6[%dma_wait3A_372, %dma_wait3A_374, %dma_wait3A_375] : memref<5x128x128xf32, #tpu.memory_space<vmem>> -> memref<1x128x128xf32, #tpu.memory_space<vmem>>
        %dma_wait3A_377 = tpu.memref_squeeze %dma_wait3A_376 : memref<1x128x128xf32, #tpu.memory_space<vmem>> -> memref<128x128xf32, #tpu.memory_space<vmem>>
        %dma_wait3A_378 = arith.constant 0 : i32
        %dma_wait3A_379 = arith.constant 0 : i32
        %dma_wait3A_380 = tpu.memref_slice %arg4[%dma_wait3A_378, %dma_wait3A_379] : memref<819200x128xf32, #tpu.memory_space<hbm>> -> memref<128x128xf32, #tpu.memory_space<hbm>>
        %dma_wait3A_381 = tpu.memref_slice %arg8[%dma_wait3A_373] : memref<5x!tpu.dma_semaphore, #tpu.memory_space<semaphore_mem>> -> memref<1x!tpu.dma_semaphore, #tpu.memory_space<semaphore_mem>>
        %dma_wait3A_382 = tpu.memref_squeeze %dma_wait3A_381 : memref<1x!tpu.dma_semaphore, #tpu.memory_space<semaphore_mem>> -> memref<!tpu.dma_semaphore, #tpu.memory_space<semaphore_mem>>
        %dma_wait3A_383 = arith.constant 0 : i32
        %dma_wait3A_384 = arith.constant 0 : i32
        %dma_wait3A_385 = tpu.memref_slice %arg4[%dma_wait3A_383, %dma_wait3A_384] : memref<819200x128xf32, #tpu.memory_space<hbm>> -> memref<128x128xf32, #tpu.memory_space<hbm>>
        %dma_wait3A_386 = arith.constant 0 : i32
        %dma_wait3A_387 = arith.constant 0 : i32
        %dma_wait3A_388 = tpu.memref_slice %arg6[%dma_wait3A_372, %dma_wait3A_386, %dma_wait3A_387] : memref<5x128x128xf32, #tpu.memory_space<vmem>> -> memref<1x128x128xf32, #tpu.memory_space<vmem>>
        %dma_wait3A_389 = tpu.memref_squeeze %dma_wait3A_388 : memref<1x128x128xf32, #tpu.memory_space<vmem>> -> memref<128x128xf32, #tpu.memory_space<vmem>>
        tpu.wait_dma2 semaphore(%dma_wait3A_382 : memref<!tpu.dma_semaphore, #tpu.memory_space<semaphore_mem>>) src(%dma_wait3A_389 : memref<128x128xf32, #tpu.memory_space<vmem>>) dst(%dma_wait3A_385 : memref<128x128xf32, #tpu.memory_space<hbm>>)
      } else {
      }
      %dma_start3A_152 = arith.constant 4 : i32
      %dma_start3A_153 = arith.constant 4 : i32
      %dma_start3A_154 = arith.constant 4 : i32
      %dma_start3A_155 = arith.constant 0 : i32
      %dma_start3A_156 = arith.constant 0 : i32
      %dma_start3A_157 = tpu.memref_slice %arg6[%dma_start3A_153, %dma_start3A_155, %dma_start3A_156] : memref<5x128x128xf32, #tpu.memory_space<vmem>> -> memref<1x128x128xf32, #tpu.memory_space<vmem>>
      %dma_start3A_158 = tpu.memref_squeeze %dma_start3A_157 : memref<1x128x128xf32, #tpu.memory_space<vmem>> -> memref<128x128xf32, #tpu.memory_space<vmem>>
      %dma_start3A_159 = arith.constant 0 : i32
      %dma_start3A_160 = tpu.memref_slice %arg5[%dma_start3A_152, %dma_start3A_159] : memref<5x128xi32, #tpu.memory_space<vmem>> -> memref<1x128xi32, #tpu.memory_space<vmem>>
      %dma_start3A_161 = tpu.memref_squeeze %dma_start3A_160 : memref<1x128xi32, #tpu.memory_space<vmem>> -> memref<128xi32, #tpu.memory_space<vmem>>
      %dma_start3A_162 = arith.constant 0 : i32
      %dma_start3A_163 = arith.constant 0 : i32
      %dma_start3A_164 = tpu.memref_slice %arg2[%dma_start3A_162, %dma_start3A_163] : memref<50000x128xf32, #tpu.memory_space<hbm>> -> memref<50000x128xf32, #tpu.memory_space<hbm>>
      %dma_start3A_165 = tpu.memref_slice %arg7[%dma_start3A_154] : memref<5x!tpu.dma_semaphore, #tpu.memory_space<semaphore_mem>> -> memref<1x!tpu.dma_semaphore, #tpu.memory_space<semaphore_mem>>
      %dma_start3A_166 = tpu.memref_squeeze %dma_start3A_165 : memref<1x!tpu.dma_semaphore, #tpu.memory_space<semaphore_mem>> -> memref<!tpu.dma_semaphore, #tpu.memory_space<semaphore_mem>>
      tpu.enqueue_indirect_dma source(%dma_start3A_164 : memref<50000x128xf32, #tpu.memory_space<hbm>>) target(%dma_start3A_158 : memref<128x128xf32, #tpu.memory_space<vmem>>) offsets(%dma_start3A_161 : memref<128xi32, #tpu.memory_space<vmem>>) semaphore(%dma_start3A_166 : memref<!tpu.dma_semaphore, #tpu.memory_space<semaphore_mem>>)
      %dma_wait3A = arith.constant 0 : i32
      %dma_wait3A_167 = arith.constant 0 : i32
      %dma_wait3A_168 = arith.constant 0 : i32
      %dma_wait3A_169 = arith.constant 0 : i32
      %dma_wait3A_170 = arith.constant 0 : i32
      %dma_wait3A_171 = tpu.memref_slice %arg6[%dma_wait3A_167, %dma_wait3A_169, %dma_wait3A_170] : memref<5x128x128xf32, #tpu.memory_space<vmem>> -> memref<1x128x128xf32, #tpu.memory_space<vmem>>
      %dma_wait3A_172 = tpu.memref_squeeze %dma_wait3A_171 : memref<1x128x128xf32, #tpu.memory_space<vmem>> -> memref<128x128xf32, #tpu.memory_space<vmem>>
      %dma_wait3A_173 = arith.constant 0 : i32
      %dma_wait3A_174 = tpu.memref_slice %arg5[%dma_wait3A, %dma_wait3A_173] : memref<5x128xi32, #tpu.memory_space<vmem>> -> memref<1x128xi32, #tpu.memory_space<vmem>>
      %dma_wait3A_175 = tpu.memref_squeeze %dma_wait3A_174 : memref<1x128xi32, #tpu.memory_space<vmem>> -> memref<128xi32, #tpu.memory_space<vmem>>
      %dma_wait3A_176 = arith.constant 0 : i32
      %dma_wait3A_177 = arith.constant 0 : i32
      %dma_wait3A_178 = tpu.memref_slice %arg2[%dma_wait3A_176, %dma_wait3A_177] : memref<50000x128xf32, #tpu.memory_space<hbm>> -> memref<50000x128xf32, #tpu.memory_space<hbm>>
      %dma_wait3A_179 = tpu.memref_slice %arg7[%dma_wait3A_168] : memref<5x!tpu.dma_semaphore, #tpu.memory_space<semaphore_mem>> -> memref<1x!tpu.dma_semaphore, #tpu.memory_space<semaphore_mem>>
      %dma_wait3A_180 = tpu.memref_squeeze %dma_wait3A_179 : memref<1x!tpu.dma_semaphore, #tpu.memory_space<semaphore_mem>> -> memref<!tpu.dma_semaphore, #tpu.memory_space<semaphore_mem>>
      tpu.wait_indirect_dma semaphore(%dma_wait3A_180 : memref<!tpu.dma_semaphore, #tpu.memory_space<semaphore_mem>>) src(%dma_wait3A_178 : memref<50000x128xf32, #tpu.memory_space<hbm>>) dst(%dma_wait3A_172 : memref<128x128xf32, #tpu.memory_space<vmem>>)
      %mul3A_181 = arith.constant 409600 : i32
      %mul3A_182 = arith.muli %select_n3A_62, %mul3A_181 : i32
      %mul3A_183 = arith.constant 5 : i32
      %mul3A_184 = arith.muli %sub3A_64, %mul3A_183 : i32
      %add3A_185 = arith.addi %select_n3A, %mul3A_184 : i32
      %add3A_186 = arith.constant 0 : i32
      %add3A_187 = arith.addi %add3A_185, %add3A_186 : i32
      %mul3A_188 = arith.constant 128 : i32
      %mul3A_189 = arith.muli %add3A_187, %mul3A_188 : i32
      %add3A_190 = arith.addi %mul3A_182, %mul3A_189 : i32
      %dma_start3A_191 = arith.constant 0 : i32
      %dma_start3A_192 = arith.constant 0 : i32
      %dma_start3A_193 = arith.constant 0 : i32
      %dma_start3A_194 = arith.constant 0 : i32
      %dma_start3A_195 = tpu.memref_slice %arg6[%dma_start3A_191, %dma_start3A_193, %dma_start3A_194] : memref<5x128x128xf32, #tpu.memory_space<vmem>> -> memref<1x128x128xf32, #tpu.memory_space<vmem>>
      %dma_start3A_196 = tpu.memref_squeeze %dma_start3A_195 : memref<1x128x128xf32, #tpu.memory_space<vmem>> -> memref<128x128xf32, #tpu.memory_space<vmem>>
      %dma_start3A_197 = arith.constant 0 : i32
      %dma_start3A_198 = tpu.memref_slice %arg4[%add3A_190, %dma_start3A_197] : memref<819200x128xf32, #tpu.memory_space<hbm>> -> memref<128x128xf32, #tpu.memory_space<hbm>>
      %dma_start3A_199 = tpu.memref_slice %arg8[%dma_start3A_192] : memref<5x!tpu.dma_semaphore, #tpu.memory_space<semaphore_mem>> -> memref<1x!tpu.dma_semaphore, #tpu.memory_space<semaphore_mem>>
      %dma_start3A_200 = tpu.memref_squeeze %dma_start3A_199 : memref<1x!tpu.dma_semaphore, #tpu.memory_space<semaphore_mem>> -> memref<!tpu.dma_semaphore, #tpu.memory_space<semaphore_mem>>
      %dma_start3A_201 = arith.constant 0 : i32
      %dma_start3A_202 = tpu.memref_slice %arg4[%add3A_190, %dma_start3A_201] : memref<819200x128xf32, #tpu.memory_space<hbm>> -> memref<128x128xf32, #tpu.memory_space<hbm>>
      %dma_start3A_203 = arith.constant 0 : i32
      %dma_start3A_204 = arith.constant 0 : i32
      %dma_start3A_205 = tpu.memref_slice %arg6[%dma_start3A_191, %dma_start3A_203, %dma_start3A_204] : memref<5x128x128xf32, #tpu.memory_space<vmem>> -> memref<1x128x128xf32, #tpu.memory_space<vmem>>
      %dma_start3A_206 = tpu.memref_squeeze %dma_start3A_205 : memref<1x128x128xf32, #tpu.memory_space<vmem>> -> memref<128x128xf32, #tpu.memory_space<vmem>>
      tpu.enqueue_dma source(%dma_start3A_206 : memref<128x128xf32, #tpu.memory_space<vmem>>) target(%dma_start3A_202 : memref<128x128xf32, #tpu.memory_space<hbm>>) target_semaphore(%dma_start3A_200 : memref<!tpu.dma_semaphore, #tpu.memory_space<semaphore_mem>>)
      %dma_wait3A_207 = arith.constant 1 : i32
      %dma_wait3A_208 = arith.constant 1 : i32
      %dma_wait3A_209 = arith.constant 1 : i32
      %dma_wait3A_210 = arith.constant 0 : i32
      %dma_wait3A_211 = arith.constant 0 : i32
      %dma_wait3A_212 = tpu.memref_slice %arg6[%dma_wait3A_208, %dma_wait3A_210, %dma_wait3A_211] : memref<5x128x128xf32, #tpu.memory_space<vmem>> -> memref<1x128x128xf32, #tpu.memory_space<vmem>>
      %dma_wait3A_213 = tpu.memref_squeeze %dma_wait3A_212 : memref<1x128x128xf32, #tpu.memory_space<vmem>> -> memref<128x128xf32, #tpu.memory_space<vmem>>
      %dma_wait3A_214 = arith.constant 0 : i32
      %dma_wait3A_215 = tpu.memref_slice %arg5[%dma_wait3A_207, %dma_wait3A_214] : memref<5x128xi32, #tpu.memory_space<vmem>> -> memref<1x128xi32, #tpu.memory_space<vmem>>
      %dma_wait3A_216 = tpu.memref_squeeze %dma_wait3A_215 : memref<1x128xi32, #tpu.memory_space<vmem>> -> memref<128xi32, #tpu.memory_space<vmem>>
      %dma_wait3A_217 = arith.constant 0 : i32
      %dma_wait3A_218 = arith.constant 0 : i32
      %dma_wait3A_219 = tpu.memref_slice %arg2[%dma_wait3A_217, %dma_wait3A_218] : memref<50000x128xf32, #tpu.memory_space<hbm>> -> memref<50000x128xf32, #tpu.memory_space<hbm>>
      %dma_wait3A_220 = tpu.memref_slice %arg7[%dma_wait3A_209] : memref<5x!tpu.dma_semaphore, #tpu.memory_space<semaphore_mem>> -> memref<1x!tpu.dma_semaphore, #tpu.memory_space<semaphore_mem>>
      %dma_wait3A_221 = tpu.memref_squeeze %dma_wait3A_220 : memref<1x!tpu.dma_semaphore, #tpu.memory_space<semaphore_mem>> -> memref<!tpu.dma_semaphore, #tpu.memory_space<semaphore_mem>>
      tpu.wait_indirect_dma semaphore(%dma_wait3A_221 : memref<!tpu.dma_semaphore, #tpu.memory_space<semaphore_mem>>) src(%dma_wait3A_219 : memref<50000x128xf32, #tpu.memory_space<hbm>>) dst(%dma_wait3A_213 : memref<128x128xf32, #tpu.memory_space<vmem>>)
      %mul3A_222 = arith.constant 409600 : i32
      %mul3A_223 = arith.muli %select_n3A_62, %mul3A_222 : i32
      %mul3A_224 = arith.constant 5 : i32
      %mul3A_225 = arith.muli %sub3A_64, %mul3A_224 : i32
      %add3A_226 = arith.addi %select_n3A, %mul3A_225 : i32
      %add3A_227 = arith.constant 1 : i32
      %add3A_228 = arith.addi %add3A_226, %add3A_227 : i32
      %mul3A_229 = arith.constant 128 : i32
      %mul3A_230 = arith.muli %add3A_228, %mul3A_229 : i32
      %add3A_231 = arith.addi %mul3A_223, %mul3A_230 : i32
      %dma_start3A_232 = arith.constant 1 : i32
      %dma_start3A_233 = arith.constant 1 : i32
      %dma_start3A_234 = arith.constant 0 : i32
      %dma_start3A_235 = arith.constant 0 : i32
      %dma_start3A_236 = tpu.memref_slice %arg6[%dma_start3A_232, %dma_start3A_234, %dma_start3A_235] : memref<5x128x128xf32, #tpu.memory_space<vmem>> -> memref<1x128x128xf32, #tpu.memory_space<vmem>>
      %dma_start3A_237 = tpu.memref_squeeze %dma_start3A_236 : memref<1x128x128xf32, #tpu.memory_space<vmem>> -> memref<128x128xf32, #tpu.memory_space<vmem>>
      %dma_start3A_238 = arith.constant 0 : i32
      %dma_start3A_239 = tpu.memref_slice %arg4[%add3A_231, %dma_start3A_238] : memref<819200x128xf32, #tpu.memory_space<hbm>> -> memref<128x128xf32, #tpu.memory_space<hbm>>
      %dma_start3A_240 = tpu.memref_slice %arg8[%dma_start3A_233] : memref<5x!tpu.dma_semaphore, #tpu.memory_space<semaphore_mem>> -> memref<1x!tpu.dma_semaphore, #tpu.memory_space<semaphore_mem>>
      %dma_start3A_241 = tpu.memref_squeeze %dma_start3A_240 : memref<1x!tpu.dma_semaphore, #tpu.memory_space<semaphore_mem>> -> memref<!tpu.dma_semaphore, #tpu.memory_space<semaphore_mem>>
      %dma_start3A_242 = arith.constant 0 : i32
      %dma_start3A_243 = tpu.memref_slice %arg4[%add3A_231, %dma_start3A_242] : memref<819200x128xf32, #tpu.memory_space<hbm>> -> memref<128x128xf32, #tpu.memory_space<hbm>>
      %dma_start3A_244 = arith.constant 0 : i32
      %dma_start3A_245 = arith.constant 0 : i32
      %dma_start3A_246 = tpu.memref_slice %arg6[%dma_start3A_232, %dma_start3A_244, %dma_start3A_245] : memref<5x128x128xf32, #tpu.memory_space<vmem>> -> memref<1x128x128xf32, #tpu.memory_space<vmem>>
      %dma_start3A_247 = tpu.memref_squeeze %dma_start3A_246 : memref<1x128x128xf32, #tpu.memory_space<vmem>> -> memref<128x128xf32, #tpu.memory_space<vmem>>
      tpu.enqueue_dma source(%dma_start3A_247 : memref<128x128xf32, #tpu.memory_space<vmem>>) target(%dma_start3A_243 : memref<128x128xf32, #tpu.memory_space<hbm>>) target_semaphore(%dma_start3A_241 : memref<!tpu.dma_semaphore, #tpu.memory_space<semaphore_mem>>)
      %dma_wait3A_248 = arith.constant 2 : i32
      %dma_wait3A_249 = arith.constant 2 : i32
      %dma_wait3A_250 = arith.constant 2 : i32
      %dma_wait3A_251 = arith.constant 0 : i32
      %dma_wait3A_252 = arith.constant 0 : i32
      %dma_wait3A_253 = tpu.memref_slice %arg6[%dma_wait3A_249, %dma_wait3A_251, %dma_wait3A_252] : memref<5x128x128xf32, #tpu.memory_space<vmem>> -> memref<1x128x128xf32, #tpu.memory_space<vmem>>
      %dma_wait3A_254 = tpu.memref_squeeze %dma_wait3A_253 : memref<1x128x128xf32, #tpu.memory_space<vmem>> -> memref<128x128xf32, #tpu.memory_space<vmem>>
      %dma_wait3A_255 = arith.constant 0 : i32
      %dma_wait3A_256 = tpu.memref_slice %arg5[%dma_wait3A_248, %dma_wait3A_255] : memref<5x128xi32, #tpu.memory_space<vmem>> -> memref<1x128xi32, #tpu.memory_space<vmem>>
      %dma_wait3A_257 = tpu.memref_squeeze %dma_wait3A_256 : memref<1x128xi32, #tpu.memory_space<vmem>> -> memref<128xi32, #tpu.memory_space<vmem>>
      %dma_wait3A_258 = arith.constant 0 : i32
      %dma_wait3A_259 = arith.constant 0 : i32
      %dma_wait3A_260 = tpu.memref_slice %arg2[%dma_wait3A_258, %dma_wait3A_259] : memref<50000x128xf32, #tpu.memory_space<hbm>> -> memref<50000x128xf32, #tpu.memory_space<hbm>>
      %dma_wait3A_261 = tpu.memref_slice %arg7[%dma_wait3A_250] : memref<5x!tpu.dma_semaphore, #tpu.memory_space<semaphore_mem>> -> memref<1x!tpu.dma_semaphore, #tpu.memory_space<semaphore_mem>>
      %dma_wait3A_262 = tpu.memref_squeeze %dma_wait3A_261 : memref<1x!tpu.dma_semaphore, #tpu.memory_space<semaphore_mem>> -> memref<!tpu.dma_semaphore, #tpu.memory_space<semaphore_mem>>
      tpu.wait_indirect_dma semaphore(%dma_wait3A_262 : memref<!tpu.dma_semaphore, #tpu.memory_space<semaphore_mem>>) src(%dma_wait3A_260 : memref<50000x128xf32, #tpu.memory_space<hbm>>) dst(%dma_wait3A_254 : memref<128x128xf32, #tpu.memory_space<vmem>>)
      %mul3A_263 = arith.constant 409600 : i32
      %mul3A_264 = arith.muli %select_n3A_62, %mul3A_263 : i32
      %mul3A_265 = arith.constant 5 : i32
      %mul3A_266 = arith.muli %sub3A_64, %mul3A_265 : i32
      %add3A_267 = arith.addi %select_n3A, %mul3A_266 : i32
      %add3A_268 = arith.constant 2 : i32
      %add3A_269 = arith.addi %add3A_267, %add3A_268 : i32
      %mul3A_270 = arith.constant 128 : i32
      %mul3A_271 = arith.muli %add3A_269, %mul3A_270 : i32
      %add3A_272 = arith.addi %mul3A_264, %mul3A_271 : i32
      %dma_start3A_273 = arith.constant 2 : i32
      %dma_start3A_274 = arith.constant 2 : i32
      %dma_start3A_275 = arith.constant 0 : i32
      %dma_start3A_276 = arith.constant 0 : i32
      %dma_start3A_277 = tpu.memref_slice %arg6[%dma_start3A_273, %dma_start3A_275, %dma_start3A_276] : memref<5x128x128xf32, #tpu.memory_space<vmem>> -> memref<1x128x128xf32, #tpu.memory_space<vmem>>
      %dma_start3A_278 = tpu.memref_squeeze %dma_start3A_277 : memref<1x128x128xf32, #tpu.memory_space<vmem>> -> memref<128x128xf32, #tpu.memory_space<vmem>>
      %dma_start3A_279 = arith.constant 0 : i32
      %dma_start3A_280 = tpu.memref_slice %arg4[%add3A_272, %dma_start3A_279] : memref<819200x128xf32, #tpu.memory_space<hbm>> -> memref<128x128xf32, #tpu.memory_space<hbm>>
      %dma_start3A_281 = tpu.memref_slice %arg8[%dma_start3A_274] : memref<5x!tpu.dma_semaphore, #tpu.memory_space<semaphore_mem>> -> memref<1x!tpu.dma_semaphore, #tpu.memory_space<semaphore_mem>>
      %dma_start3A_282 = tpu.memref_squeeze %dma_start3A_281 : memref<1x!tpu.dma_semaphore, #tpu.memory_space<semaphore_mem>> -> memref<!tpu.dma_semaphore, #tpu.memory_space<semaphore_mem>>
      %dma_start3A_283 = arith.constant 0 : i32
      %dma_start3A_284 = tpu.memref_slice %arg4[%add3A_272, %dma_start3A_283] : memref<819200x128xf32, #tpu.memory_space<hbm>> -> memref<128x128xf32, #tpu.memory_space<hbm>>
      %dma_start3A_285 = arith.constant 0 : i32
      %dma_start3A_286 = arith.constant 0 : i32
      %dma_start3A_287 = tpu.memref_slice %arg6[%dma_start3A_273, %dma_start3A_285, %dma_start3A_286] : memref<5x128x128xf32, #tpu.memory_space<vmem>> -> memref<1x128x128xf32, #tpu.memory_space<vmem>>
      %dma_start3A_288 = tpu.memref_squeeze %dma_start3A_287 : memref<1x128x128xf32, #tpu.memory_space<vmem>> -> memref<128x128xf32, #tpu.memory_space<vmem>>
      tpu.enqueue_dma source(%dma_start3A_288 : memref<128x128xf32, #tpu.memory_space<vmem>>) target(%dma_start3A_284 : memref<128x128xf32, #tpu.memory_space<hbm>>) target_semaphore(%dma_start3A_282 : memref<!tpu.dma_semaphore, #tpu.memory_space<semaphore_mem>>)
      %dma_wait3A_289 = arith.constant 3 : i32
      %dma_wait3A_290 = arith.constant 3 : i32
      %dma_wait3A_291 = arith.constant 3 : i32
      %dma_wait3A_292 = arith.constant 0 : i32
      %dma_wait3A_293 = arith.constant 0 : i32
      %dma_wait3A_294 = tpu.memref_slice %arg6[%dma_wait3A_290, %dma_wait3A_292, %dma_wait3A_293] : memref<5x128x128xf32, #tpu.memory_space<vmem>> -> memref<1x128x128xf32, #tpu.memory_space<vmem>>
      %dma_wait3A_295 = tpu.memref_squeeze %dma_wait3A_294 : memref<1x128x128xf32, #tpu.memory_space<vmem>> -> memref<128x128xf32, #tpu.memory_space<vmem>>
      %dma_wait3A_296 = arith.constant 0 : i32
      %dma_wait3A_297 = tpu.memref_slice %arg5[%dma_wait3A_289, %dma_wait3A_296] : memref<5x128xi32, #tpu.memory_space<vmem>> -> memref<1x128xi32, #tpu.memory_space<vmem>>
      %dma_wait3A_298 = tpu.memref_squeeze %dma_wait3A_297 : memref<1x128xi32, #tpu.memory_space<vmem>> -> memref<128xi32, #tpu.memory_space<vmem>>
      %dma_wait3A_299 = arith.constant 0 : i32
      %dma_wait3A_300 = arith.constant 0 : i32
      %dma_wait3A_301 = tpu.memref_slice %arg2[%dma_wait3A_299, %dma_wait3A_300] : memref<50000x128xf32, #tpu.memory_space<hbm>> -> memref<50000x128xf32, #tpu.memory_space<hbm>>
      %dma_wait3A_302 = tpu.memref_slice %arg7[%dma_wait3A_291] : memref<5x!tpu.dma_semaphore, #tpu.memory_space<semaphore_mem>> -> memref<1x!tpu.dma_semaphore, #tpu.memory_space<semaphore_mem>>
      %dma_wait3A_303 = tpu.memref_squeeze %dma_wait3A_302 : memref<1x!tpu.dma_semaphore, #tpu.memory_space<semaphore_mem>> -> memref<!tpu.dma_semaphore, #tpu.memory_space<semaphore_mem>>
      tpu.wait_indirect_dma semaphore(%dma_wait3A_303 : memref<!tpu.dma_semaphore, #tpu.memory_space<semaphore_mem>>) src(%dma_wait3A_301 : memref<50000x128xf32, #tpu.memory_space<hbm>>) dst(%dma_wait3A_295 : memref<128x128xf32, #tpu.memory_space<vmem>>)
      %mul3A_304 = arith.constant 409600 : i32
      %mul3A_305 = arith.muli %select_n3A_62, %mul3A_304 : i32
      %mul3A_306 = arith.constant 5 : i32
      %mul3A_307 = arith.muli %sub3A_64, %mul3A_306 : i32
      %add3A_308 = arith.addi %select_n3A, %mul3A_307 : i32
      %add3A_309 = arith.constant 3 : i32
      %add3A_310 = arith.addi %add3A_308, %add3A_309 : i32
      %mul3A_311 = arith.constant 128 : i32
      %mul3A_312 = arith.muli %add3A_310, %mul3A_311 : i32
      %add3A_313 = arith.addi %mul3A_305, %mul3A_312 : i32
      %dma_start3A_314 = arith.constant 3 : i32
      %dma_start3A_315 = arith.constant 3 : i32
      %dma_start3A_316 = arith.constant 0 : i32
      %dma_start3A_317 = arith.constant 0 : i32
      %dma_start3A_318 = tpu.memref_slice %arg6[%dma_start3A_314, %dma_start3A_316, %dma_start3A_317] : memref<5x128x128xf32, #tpu.memory_space<vmem>> -> memref<1x128x128xf32, #tpu.memory_space<vmem>>
      %dma_start3A_319 = tpu.memref_squeeze %dma_start3A_318 : memref<1x128x128xf32, #tpu.memory_space<vmem>> -> memref<128x128xf32, #tpu.memory_space<vmem>>
      %dma_start3A_320 = arith.constant 0 : i32
      %dma_start3A_321 = tpu.memref_slice %arg4[%add3A_313, %dma_start3A_320] : memref<819200x128xf32, #tpu.memory_space<hbm>> -> memref<128x128xf32, #tpu.memory_space<hbm>>
      %dma_start3A_322 = tpu.memref_slice %arg8[%dma_start3A_315] : memref<5x!tpu.dma_semaphore, #tpu.memory_space<semaphore_mem>> -> memref<1x!tpu.dma_semaphore, #tpu.memory_space<semaphore_mem>>
      %dma_start3A_323 = tpu.memref_squeeze %dma_start3A_322 : memref<1x!tpu.dma_semaphore, #tpu.memory_space<semaphore_mem>> -> memref<!tpu.dma_semaphore, #tpu.memory_space<semaphore_mem>>
      %dma_start3A_324 = arith.constant 0 : i32
      %dma_start3A_325 = tpu.memref_slice %arg4[%add3A_313, %dma_start3A_324] : memref<819200x128xf32, #tpu.memory_space<hbm>> -> memref<128x128xf32, #tpu.memory_space<hbm>>
      %dma_start3A_326 = arith.constant 0 : i32
      %dma_start3A_327 = arith.constant 0 : i32
      %dma_start3A_328 = tpu.memref_slice %arg6[%dma_start3A_314, %dma_start3A_326, %dma_start3A_327] : memref<5x128x128xf32, #tpu.memory_space<vmem>> -> memref<1x128x128xf32, #tpu.memory_space<vmem>>
      %dma_start3A_329 = tpu.memref_squeeze %dma_start3A_328 : memref<1x128x128xf32, #tpu.memory_space<vmem>> -> memref<128x128xf32, #tpu.memory_space<vmem>>
      tpu.enqueue_dma source(%dma_start3A_329 : memref<128x128xf32, #tpu.memory_space<vmem>>) target(%dma_start3A_325 : memref<128x128xf32, #tpu.memory_space<hbm>>) target_semaphore(%dma_start3A_323 : memref<!tpu.dma_semaphore, #tpu.memory_space<semaphore_mem>>)
      %dma_wait3A_330 = arith.constant 4 : i32
      %dma_wait3A_331 = arith.constant 4 : i32
      %dma_wait3A_332 = arith.constant 4 : i32
      %dma_wait3A_333 = arith.constant 0 : i32
      %dma_wait3A_334 = arith.constant 0 : i32
      %dma_wait3A_335 = tpu.memref_slice %arg6[%dma_wait3A_331, %dma_wait3A_333, %dma_wait3A_334] : memref<5x128x128xf32, #tpu.memory_space<vmem>> -> memref<1x128x128xf32, #tpu.memory_space<vmem>>
      %dma_wait3A_336 = tpu.memref_squeeze %dma_wait3A_335 : memref<1x128x128xf32, #tpu.memory_space<vmem>> -> memref<128x128xf32, #tpu.memory_space<vmem>>
      %dma_wait3A_337 = arith.constant 0 : i32
      %dma_wait3A_338 = tpu.memref_slice %arg5[%dma_wait3A_330, %dma_wait3A_337] : memref<5x128xi32, #tpu.memory_space<vmem>> -> memref<1x128xi32, #tpu.memory_space<vmem>>
      %dma_wait3A_339 = tpu.memref_squeeze %dma_wait3A_338 : memref<1x128xi32, #tpu.memory_space<vmem>> -> memref<128xi32, #tpu.memory_space<vmem>>
      %dma_wait3A_340 = arith.constant 0 : i32
      %dma_wait3A_341 = arith.constant 0 : i32
      %dma_wait3A_342 = tpu.memref_slice %arg2[%dma_wait3A_340, %dma_wait3A_341] : memref<50000x128xf32, #tpu.memory_space<hbm>> -> memref<50000x128xf32, #tpu.memory_space<hbm>>
      %dma_wait3A_343 = tpu.memref_slice %arg7[%dma_wait3A_332] : memref<5x!tpu.dma_semaphore, #tpu.memory_space<semaphore_mem>> -> memref<1x!tpu.dma_semaphore, #tpu.memory_space<semaphore_mem>>
      %dma_wait3A_344 = tpu.memref_squeeze %dma_wait3A_343 : memref<1x!tpu.dma_semaphore, #tpu.memory_space<semaphore_mem>> -> memref<!tpu.dma_semaphore, #tpu.memory_space<semaphore_mem>>
      tpu.wait_indirect_dma semaphore(%dma_wait3A_344 : memref<!tpu.dma_semaphore, #tpu.memory_space<semaphore_mem>>) src(%dma_wait3A_342 : memref<50000x128xf32, #tpu.memory_space<hbm>>) dst(%dma_wait3A_336 : memref<128x128xf32, #tpu.memory_space<vmem>>)
      %mul3A_345 = arith.constant 409600 : i32
      %mul3A_346 = arith.muli %select_n3A_62, %mul3A_345 : i32
      %mul3A_347 = arith.constant 5 : i32
      %mul3A_348 = arith.muli %sub3A_64, %mul3A_347 : i32
      %add3A_349 = arith.addi %select_n3A, %mul3A_348 : i32
      %add3A_350 = arith.constant 4 : i32
      %add3A_351 = arith.addi %add3A_349, %add3A_350 : i32
      %mul3A_352 = arith.constant 128 : i32
      %mul3A_353 = arith.muli %add3A_351, %mul3A_352 : i32
      %add3A_354 = arith.addi %mul3A_346, %mul3A_353 : i32
      %dma_start3A_355 = arith.constant 4 : i32
      %dma_start3A_356 = arith.constant 4 : i32
      %dma_start3A_357 = arith.constant 0 : i32
      %dma_start3A_358 = arith.constant 0 : i32
      %dma_start3A_359 = tpu.memref_slice %arg6[%dma_start3A_355, %dma_start3A_357, %dma_start3A_358] : memref<5x128x128xf32, #tpu.memory_space<vmem>> -> memref<1x128x128xf32, #tpu.memory_space<vmem>>
      %dma_start3A_360 = tpu.memref_squeeze %dma_start3A_359 : memref<1x128x128xf32, #tpu.memory_space<vmem>> -> memref<128x128xf32, #tpu.memory_space<vmem>>
      %dma_start3A_361 = arith.constant 0 : i32
      %dma_start3A_362 = tpu.memref_slice %arg4[%add3A_354, %dma_start3A_361] : memref<819200x128xf32, #tpu.memory_space<hbm>> -> memref<128x128xf32, #tpu.memory_space<hbm>>
      %dma_start3A_363 = tpu.memref_slice %arg8[%dma_start3A_356] : memref<5x!tpu.dma_semaphore, #tpu.memory_space<semaphore_mem>> -> memref<1x!tpu.dma_semaphore, #tpu.memory_space<semaphore_mem>>
      %dma_start3A_364 = tpu.memref_squeeze %dma_start3A_363 : memref<1x!tpu.dma_semaphore, #tpu.memory_space<semaphore_mem>> -> memref<!tpu.dma_semaphore, #tpu.memory_space<semaphore_mem>>
      %dma_start3A_365 = arith.constant 0 : i32
      %dma_start3A_366 = tpu.memref_slice %arg4[%add3A_354, %dma_start3A_365] : memref<819200x128xf32, #tpu.memory_space<hbm>> -> memref<128x128xf32, #tpu.memory_space<hbm>>
      %dma_start3A_367 = arith.constant 0 : i32
      %dma_start3A_368 = arith.constant 0 : i32
      %dma_start3A_369 = tpu.memref_slice %arg6[%dma_start3A_355, %dma_start3A_367, %dma_start3A_368] : memref<5x128x128xf32, #tpu.memory_space<vmem>> -> memref<1x128x128xf32, #tpu.memory_space<vmem>>
      %dma_start3A_370 = tpu.memref_squeeze %dma_start3A_369 : memref<1x128x128xf32, #tpu.memory_space<vmem>> -> memref<128x128xf32, #tpu.memory_space<vmem>>
      tpu.enqueue_dma source(%dma_start3A_370 : memref<128x128xf32, #tpu.memory_space<vmem>>) target(%dma_start3A_366 : memref<128x128xf32, #tpu.memory_space<hbm>>) target_semaphore(%dma_start3A_364 : memref<!tpu.dma_semaphore, #tpu.memory_space<semaphore_mem>>)
      %while3A_371 = arith.constant 0 : i32
      scf.yield %while3A_371 : i32
    }
    %gt3A = arith.constant 0 : i32
    %gt3A_22 = arith.cmpi sgt, %select_n3A_8, %gt3A : i32
    %convert_element_type3A = arith.extui %gt3A_22 : i1 to i32
    %cond3A = arith.constant 0 : i32
    %cond3A_23 = arith.cmpi ne, %convert_element_type3A, %cond3A : i32
    scf.if %cond3A_23 {
      %dma_wait3A = arith.constant 0 : i32
      %dma_wait3A_44 = arith.constant 0 : i32
      %dma_wait3A_45 = arith.constant 0 : i32
      %dma_wait3A_46 = arith.constant 0 : i32
      %dma_wait3A_47 = tpu.memref_slice %arg6[%dma_wait3A, %dma_wait3A_45, %dma_wait3A_46] : memref<5x128x128xf32, #tpu.memory_space<vmem>> -> memref<1x128x128xf32, #tpu.memory_space<vmem>>
      %dma_wait3A_48 = tpu.memref_squeeze %dma_wait3A_47 : memref<1x128x128xf32, #tpu.memory_space<vmem>> -> memref<128x128xf32, #tpu.memory_space<vmem>>
      %dma_wait3A_49 = arith.constant 0 : i32
      %dma_wait3A_50 = arith.constant 0 : i32
      %dma_wait3A_51 = tpu.memref_slice %arg4[%dma_wait3A_49, %dma_wait3A_50] : memref<819200x128xf32, #tpu.memory_space<hbm>> -> memref<128x128xf32, #tpu.memory_space<hbm>>
      %dma_wait3A_52 = tpu.memref_slice %arg8[%dma_wait3A_44] : memref<5x!tpu.dma_semaphore, #tpu.memory_space<semaphore_mem>> -> memref<1x!tpu.dma_semaphore, #tpu.memory_space<semaphore_mem>>
      %dma_wait3A_53 = tpu.memref_squeeze %dma_wait3A_52 : memref<1x!tpu.dma_semaphore, #tpu.memory_space<semaphore_mem>> -> memref<!tpu.dma_semaphore, #tpu.memory_space<semaphore_mem>>
      %dma_wait3A_54 = arith.constant 0 : i32
      %dma_wait3A_55 = arith.constant 0 : i32
      %dma_wait3A_56 = tpu.memref_slice %arg4[%dma_wait3A_54, %dma_wait3A_55] : memref<819200x128xf32, #tpu.memory_space<hbm>> -> memref<128x128xf32, #tpu.memory_space<hbm>>
      %dma_wait3A_57 = arith.constant 0 : i32
      %dma_wait3A_58 = arith.constant 0 : i32
      %dma_wait3A_59 = tpu.memref_slice %arg6[%dma_wait3A, %dma_wait3A_57, %dma_wait3A_58] : memref<5x128x128xf32, #tpu.memory_space<vmem>> -> memref<1x128x128xf32, #tpu.memory_space<vmem>>
      %dma_wait3A_60 = tpu.memref_squeeze %dma_wait3A_59 : memref<1x128x128xf32, #tpu.memory_space<vmem>> -> memref<128x128xf32, #tpu.memory_space<vmem>>
      tpu.wait_dma2 semaphore(%dma_wait3A_53 : memref<!tpu.dma_semaphore, #tpu.memory_space<semaphore_mem>>) src(%dma_wait3A_60 : memref<128x128xf32, #tpu.memory_space<vmem>>) dst(%dma_wait3A_56 : memref<128x128xf32, #tpu.memory_space<hbm>>)
    } else {
    }
    %gt3A_24 = arith.constant 0 : i32
    %gt3A_25 = arith.cmpi sgt, %select_n3A_8, %gt3A_24 : i32
    %convert_element_type3A_26 = arith.extui %gt3A_25 : i1 to i32
    %cond3A_27 = arith.constant 0 : i32
    %cond3A_28 = arith.cmpi ne, %convert_element_type3A_26, %cond3A_27 : i32
    scf.if %cond3A_28 {
      %dma_wait3A = arith.constant 1 : i32
      %dma_wait3A_44 = arith.constant 1 : i32
      %dma_wait3A_45 = arith.constant 0 : i32
      %dma_wait3A_46 = arith.constant 0 : i32
      %dma_wait3A_47 = tpu.memref_slice %arg6[%dma_wait3A, %dma_wait3A_45, %dma_wait3A_46] : memref<5x128x128xf32, #tpu.memory_space<vmem>> -> memref<1x128x128xf32, #tpu.memory_space<vmem>>
      %dma_wait3A_48 = tpu.memref_squeeze %dma_wait3A_47 : memref<1x128x128xf32, #tpu.memory_space<vmem>> -> memref<128x128xf32, #tpu.memory_space<vmem>>
      %dma_wait3A_49 = arith.constant 0 : i32
      %dma_wait3A_50 = arith.constant 0 : i32
      %dma_wait3A_51 = tpu.memref_slice %arg4[%dma_wait3A_49, %dma_wait3A_50] : memref<819200x128xf32, #tpu.memory_space<hbm>> -> memref<128x128xf32, #tpu.memory_space<hbm>>
      %dma_wait3A_52 = tpu.memref_slice %arg8[%dma_wait3A_44] : memref<5x!tpu.dma_semaphore, #tpu.memory_space<semaphore_mem>> -> memref<1x!tpu.dma_semaphore, #tpu.memory_space<semaphore_mem>>
      %dma_wait3A_53 = tpu.memref_squeeze %dma_wait3A_52 : memref<1x!tpu.dma_semaphore, #tpu.memory_space<semaphore_mem>> -> memref<!tpu.dma_semaphore, #tpu.memory_space<semaphore_mem>>
      %dma_wait3A_54 = arith.constant 0 : i32
      %dma_wait3A_55 = arith.constant 0 : i32
      %dma_wait3A_56 = tpu.memref_slice %arg4[%dma_wait3A_54, %dma_wait3A_55] : memref<819200x128xf32, #tpu.memory_space<hbm>> -> memref<128x128xf32, #tpu.memory_space<hbm>>
      %dma_wait3A_57 = arith.constant 0 : i32
      %dma_wait3A_58 = arith.constant 0 : i32
      %dma_wait3A_59 = tpu.memref_slice %arg6[%dma_wait3A, %dma_wait3A_57, %dma_wait3A_58] : memref<5x128x128xf32, #tpu.memory_space<vmem>> -> memref<1x128x128xf32, #tpu.memory_space<vmem>>
      %dma_wait3A_60 = tpu.memref_squeeze %dma_wait3A_59 : memref<1x128x128xf32, #tpu.memory_space<vmem>> -> memref<128x128xf32, #tpu.memory_space<vmem>>
      tpu.wait_dma2 semaphore(%dma_wait3A_53 : memref<!tpu.dma_semaphore, #tpu.memory_space<semaphore_mem>>) src(%dma_wait3A_60 : memref<128x128xf32, #tpu.memory_space<vmem>>) dst(%dma_wait3A_56 : memref<128x128xf32, #tpu.memory_space<hbm>>)
    } else {
    }
    %gt3A_29 = arith.constant 0 : i32
    %gt3A_30 = arith.cmpi sgt, %select_n3A_8, %gt3A_29 : i32
    %convert_element_type3A_31 = arith.extui %gt3A_30 : i1 to i32
    %cond3A_32 = arith.constant 0 : i32
    %cond3A_33 = arith.cmpi ne, %convert_element_type3A_31, %cond3A_32 : i32
    scf.if %cond3A_33 {
      %dma_wait3A = arith.constant 2 : i32
      %dma_wait3A_44 = arith.constant 2 : i32
      %dma_wait3A_45 = arith.constant 0 : i32
      %dma_wait3A_46 = arith.constant 0 : i32
      %dma_wait3A_47 = tpu.memref_slice %arg6[%dma_wait3A, %dma_wait3A_45, %dma_wait3A_46] : memref<5x128x128xf32, #tpu.memory_space<vmem>> -> memref<1x128x128xf32, #tpu.memory_space<vmem>>
      %dma_wait3A_48 = tpu.memref_squeeze %dma_wait3A_47 : memref<1x128x128xf32, #tpu.memory_space<vmem>> -> memref<128x128xf32, #tpu.memory_space<vmem>>
      %dma_wait3A_49 = arith.constant 0 : i32
      %dma_wait3A_50 = arith.constant 0 : i32
      %dma_wait3A_51 = tpu.memref_slice %arg4[%dma_wait3A_49, %dma_wait3A_50] : memref<819200x128xf32, #tpu.memory_space<hbm>> -> memref<128x128xf32, #tpu.memory_space<hbm>>
      %dma_wait3A_52 = tpu.memref_slice %arg8[%dma_wait3A_44] : memref<5x!tpu.dma_semaphore, #tpu.memory_space<semaphore_mem>> -> memref<1x!tpu.dma_semaphore, #tpu.memory_space<semaphore_mem>>
      %dma_wait3A_53 = tpu.memref_squeeze %dma_wait3A_52 : memref<1x!tpu.dma_semaphore, #tpu.memory_space<semaphore_mem>> -> memref<!tpu.dma_semaphore, #tpu.memory_space<semaphore_mem>>
      %dma_wait3A_54 = arith.constant 0 : i32
      %dma_wait3A_55 = arith.constant 0 : i32
      %dma_wait3A_56 = tpu.memref_slice %arg4[%dma_wait3A_54, %dma_wait3A_55] : memref<819200x128xf32, #tpu.memory_space<hbm>> -> memref<128x128xf32, #tpu.memory_space<hbm>>
      %dma_wait3A_57 = arith.constant 0 : i32
      %dma_wait3A_58 = arith.constant 0 : i32
      %dma_wait3A_59 = tpu.memref_slice %arg6[%dma_wait3A, %dma_wait3A_57, %dma_wait3A_58] : memref<5x128x128xf32, #tpu.memory_space<vmem>> -> memref<1x128x128xf32, #tpu.memory_space<vmem>>
      %dma_wait3A_60 = tpu.memref_squeeze %dma_wait3A_59 : memref<1x128x128xf32, #tpu.memory_space<vmem>> -> memref<128x128xf32, #tpu.memory_space<vmem>>
      tpu.wait_dma2 semaphore(%dma_wait3A_53 : memref<!tpu.dma_semaphore, #tpu.memory_space<semaphore_mem>>) src(%dma_wait3A_60 : memref<128x128xf32, #tpu.memory_space<vmem>>) dst(%dma_wait3A_56 : memref<128x128xf32, #tpu.memory_space<hbm>>)
    } else {
    }
    %gt3A_34 = arith.constant 0 : i32
    %gt3A_35 = arith.cmpi sgt, %select_n3A_8, %gt3A_34 : i32
    %convert_element_type3A_36 = arith.extui %gt3A_35 : i1 to i32
    %cond3A_37 = arith.constant 0 : i32
    %cond3A_38 = arith.cmpi ne, %convert_element_type3A_36, %cond3A_37 : i32
    scf.if %cond3A_38 {
      %dma_wait3A = arith.constant 3 : i32
      %dma_wait3A_44 = arith.constant 3 : i32
      %dma_wait3A_45 = arith.constant 0 : i32
      %dma_wait3A_46 = arith.constant 0 : i32
      %dma_wait3A_47 = tpu.memref_slice %arg6[%dma_wait3A, %dma_wait3A_45, %dma_wait3A_46] : memref<5x128x128xf32, #tpu.memory_space<vmem>> -> memref<1x128x128xf32, #tpu.memory_space<vmem>>
      %dma_wait3A_48 = tpu.memref_squeeze %dma_wait3A_47 : memref<1x128x128xf32, #tpu.memory_space<vmem>> -> memref<128x128xf32, #tpu.memory_space<vmem>>
      %dma_wait3A_49 = arith.constant 0 : i32
      %dma_wait3A_50 = arith.constant 0 : i32
      %dma_wait3A_51 = tpu.memref_slice %arg4[%dma_wait3A_49, %dma_wait3A_50] : memref<819200x128xf32, #tpu.memory_space<hbm>> -> memref<128x128xf32, #tpu.memory_space<hbm>>
      %dma_wait3A_52 = tpu.memref_slice %arg8[%dma_wait3A_44] : memref<5x!tpu.dma_semaphore, #tpu.memory_space<semaphore_mem>> -> memref<1x!tpu.dma_semaphore, #tpu.memory_space<semaphore_mem>>
      %dma_wait3A_53 = tpu.memref_squeeze %dma_wait3A_52 : memref<1x!tpu.dma_semaphore, #tpu.memory_space<semaphore_mem>> -> memref<!tpu.dma_semaphore, #tpu.memory_space<semaphore_mem>>
      %dma_wait3A_54 = arith.constant 0 : i32
      %dma_wait3A_55 = arith.constant 0 : i32
      %dma_wait3A_56 = tpu.memref_slice %arg4[%dma_wait3A_54, %dma_wait3A_55] : memref<819200x128xf32, #tpu.memory_space<hbm>> -> memref<128x128xf32, #tpu.memory_space<hbm>>
      %dma_wait3A_57 = arith.constant 0 : i32
      %dma_wait3A_58 = arith.constant 0 : i32
      %dma_wait3A_59 = tpu.memref_slice %arg6[%dma_wait3A, %dma_wait3A_57, %dma_wait3A_58] : memref<5x128x128xf32, #tpu.memory_space<vmem>> -> memref<1x128x128xf32, #tpu.memory_space<vmem>>
      %dma_wait3A_60 = tpu.memref_squeeze %dma_wait3A_59 : memref<1x128x128xf32, #tpu.memory_space<vmem>> -> memref<128x128xf32, #tpu.memory_space<vmem>>
      tpu.wait_dma2 semaphore(%dma_wait3A_53 : memref<!tpu.dma_semaphore, #tpu.memory_space<semaphore_mem>>) src(%dma_wait3A_60 : memref<128x128xf32, #tpu.memory_space<vmem>>) dst(%dma_wait3A_56 : memref<128x128xf32, #tpu.memory_space<hbm>>)
    } else {
    }
    %gt3A_39 = arith.constant 0 : i32
    %gt3A_40 = arith.cmpi sgt, %select_n3A_8, %gt3A_39 : i32
    %convert_element_type3A_41 = arith.extui %gt3A_40 : i1 to i32
    %cond3A_42 = arith.constant 0 : i32
    %cond3A_43 = arith.cmpi ne, %convert_element_type3A_41, %cond3A_42 : i32
    scf.if %cond3A_43 {
      %dma_wait3A = arith.constant 4 : i32
      %dma_wait3A_44 = arith.constant 4 : i32
      %dma_wait3A_45 = arith.constant 0 : i32
      %dma_wait3A_46 = arith.constant 0 : i32
      %dma_wait3A_47 = tpu.memref_slice %arg6[%dma_wait3A, %dma_wait3A_45, %dma_wait3A_46] : memref<5x128x128xf32, #tpu.memory_space<vmem>> -> memref<1x128x128xf32, #tpu.memory_space<vmem>>
      %dma_wait3A_48 = tpu.memref_squeeze %dma_wait3A_47 : memref<1x128x128xf32, #tpu.memory_space<vmem>> -> memref<128x128xf32, #tpu.memory_space<vmem>>
      %dma_wait3A_49 = arith.constant 0 : i32
      %dma_wait3A_50 = arith.constant 0 : i32
      %dma_wait3A_51 = tpu.memref_slice %arg4[%dma_wait3A_49, %dma_wait3A_50] : memref<819200x128xf32, #tpu.memory_space<hbm>> -> memref<128x128xf32, #tpu.memory_space<hbm>>
      %dma_wait3A_52 = tpu.memref_slice %arg8[%dma_wait3A_44] : memref<5x!tpu.dma_semaphore, #tpu.memory_space<semaphore_mem>> -> memref<1x!tpu.dma_semaphore, #tpu.memory_space<semaphore_mem>>
      %dma_wait3A_53 = tpu.memref_squeeze %dma_wait3A_52 : memref<1x!tpu.dma_semaphore, #tpu.memory_space<semaphore_mem>> -> memref<!tpu.dma_semaphore, #tpu.memory_space<semaphore_mem>>
      %dma_wait3A_54 = arith.constant 0 : i32
      %dma_wait3A_55 = arith.constant 0 : i32
      %dma_wait3A_56 = tpu.memref_slice %arg4[%dma_wait3A_54, %dma_wait3A_55] : memref<819200x128xf32, #tpu.memory_space<hbm>> -> memref<128x128xf32, #tpu.memory_space<hbm>>
      %dma_wait3A_57 = arith.constant 0 : i32
      %dma_wait3A_58 = arith.constant 0 : i32
      %dma_wait3A_59 = tpu.memref_slice %arg6[%dma_wait3A, %dma_wait3A_57, %dma_wait3A_58] : memref<5x128x128xf32, #tpu.memory_space<vmem>> -> memref<1x128x128xf32, #tpu.memory_space<vmem>>
      %dma_wait3A_60 = tpu.memref_squeeze %dma_wait3A_59 : memref<1x128x128xf32, #tpu.memory_space<vmem>> -> memref<128x128xf32, #tpu.memory_space<vmem>>
      tpu.wait_dma2 semaphore(%dma_wait3A_53 : memref<!tpu.dma_semaphore, #tpu.memory_space<semaphore_mem>>) src(%dma_wait3A_60 : memref<128x128xf32, #tpu.memory_space<vmem>>) dst(%dma_wait3A_56 : memref<128x128xf32, #tpu.memory_space<hbm>>)
    } else {
    }
    return
  }
}

module attributes {stable_mosaic.version = 14 : i64} {
  func.func @_edge_body(%arg0: i32, %arg1: memref<3200x128xf32, #tpu.memory_space<vmem>>, %arg2: memref<3200x128xf32, #tpu.memory_space<vmem>>, %arg3: memref<3200x16xf32, #tpu.memory_space<vmem>>, %arg4: memref<128x3xf32, #tpu.memory_space<vmem>>, %arg5: memref<128x64xf32, #tpu.memory_space<vmem>>, %arg6: memref<128x64xf32, #tpu.memory_space<vmem>>, %arg7: memref<16x64xf32, #tpu.memory_space<vmem>>, %arg8: memref<3x64xf32, #tpu.memory_space<vmem>>, %arg9: memref<1x64xf32, #tpu.memory_space<vmem>>, %arg10: memref<64x64xf32, #tpu.memory_space<vmem>>, %arg11: memref<1x64xf32, #tpu.memory_space<vmem>>, %arg12: memref<64x64xf32, #tpu.memory_space<vmem>>, %arg13: memref<1x1xf32, #tpu.memory_space<vmem>>, %arg14: memref<128x64xf32, #tpu.memory_space<vmem>>, %arg15: memref<64x64xf32, #tpu.memory_space<vmem>>, %arg16: memref<1x64xf32, #tpu.memory_space<vmem>>, %arg17: memref<64x4xf32, #tpu.memory_space<vmem>>, %arg18: memref<1x4xf32, #tpu.memory_space<vmem>>, %arg19: memref<3200x64xf32, #tpu.memory_space<vmem>>, %arg20: memref<3200x4xf32, #tpu.memory_space<vmem>>) attributes {dimension_semantics = [#tpu.dimension_semantics<arbitrary>], iteration_bounds = array<i64: 128>, scalar_prefetch = 0 : i64, scratch_operands = 0 : i64, tpu.core_type = #tpu.core_type<tc>, window_params = [{transform_indices = @transform_0, window_bounds = array<i64: 3200, 128>}, {transform_indices = @transform_1, window_bounds = array<i64: 3200, 128>}, {transform_indices = @transform_2, window_bounds = array<i64: 3200, 16>}, {pipeline_mode = #tpu.pipeline_mode<synchronous>, transform_indices = @transform_3, window_bounds = array<i64: 128, 3>}, {pipeline_mode = #tpu.pipeline_mode<synchronous>, transform_indices = @transform_4, window_bounds = array<i64: 128, 64>}, {pipeline_mode = #tpu.pipeline_mode<synchronous>, transform_indices = @transform_5, window_bounds = array<i64: 128, 64>}, {pipeline_mode = #tpu.pipeline_mode<synchronous>, transform_indices = @transform_6, window_bounds = array<i64: 16, 64>}, {pipeline_mode = #tpu.pipeline_mode<synchronous>, transform_indices = @transform_7, window_bounds = array<i64: 3, 64>}, {pipeline_mode = #tpu.pipeline_mode<synchronous>, transform_indices = @transform_8, window_bounds = array<i64: 1, 64>}, {pipeline_mode = #tpu.pipeline_mode<synchronous>, transform_indices = @transform_9, window_bounds = array<i64: 64, 64>}, {pipeline_mode = #tpu.pipeline_mode<synchronous>, transform_indices = @transform_10, window_bounds = array<i64: 1, 64>}, {pipeline_mode = #tpu.pipeline_mode<synchronous>, transform_indices = @transform_11, window_bounds = array<i64: 64, 64>}, {pipeline_mode = #tpu.pipeline_mode<synchronous>, transform_indices = @transform_12, window_bounds = array<i64: 1, 1>}, {pipeline_mode = #tpu.pipeline_mode<synchronous>, transform_indices = @transform_13, window_bounds = array<i64: 128, 64>}, {pipeline_mode = #tpu.pipeline_mode<synchronous>, transform_indices = @transform_14, window_bounds = array<i64: 64, 64>}, {pipeline_mode = #tpu.pipeline_mode<synchronous>, transform_indices = @transform_15, window_bounds = array<i64: 1, 64>}, {pipeline_mode = #tpu.pipeline_mode<synchronous>, transform_indices = @transform_16, window_bounds = array<i64: 64, 4>}, {pipeline_mode = #tpu.pipeline_mode<synchronous>, transform_indices = @transform_17, window_bounds = array<i64: 1, 4>}, {transform_indices = @transform_18, window_bounds = array<i64: 3200, 64>}, {transform_indices = @transform_19, window_bounds = array<i64: 3200, 4>}]} {
    %get3A = arith.constant 0 : index
    %get3A_0 = arith.constant 0 : index
    %get3A_1 = vector.load %arg1[%get3A, %get3A_0] : memref<3200x128xf32, #tpu.memory_space<vmem>>, vector<3200x128xf32>
    %get3A_2 = arith.constant 0 : index
    %get3A_3 = arith.constant 0 : index
    %get3A_4 = vector.load %arg2[%get3A_2, %get3A_3] : memref<3200x128xf32, #tpu.memory_space<vmem>>, vector<3200x128xf32>
    %sub3A = arith.subf %get3A_1, %get3A_4 : vector<3200x128xf32>
    %mul3A = arith.mulf %sub3A, %sub3A : vector<3200x128xf32>
    %get3A_5 = arith.constant 0 : index
    %get3A_6 = arith.constant 0 : index
    %get3A_7 = vector.load %arg4[%get3A_5, %get3A_6] : memref<128x3xf32, #tpu.memory_space<vmem>>, vector<128x3xf32>
    %dot_general3A = arith.constant dense<0.000000e+00> : vector<3200x3xf32>
    %dot_general3A_8 = tpu.matmul %mul3A, %get3A_7, %dot_general3A {dimension_numbers = #tpu.dot_dimension_numbers<[1], [0], [0], [1], [0, 0, 1, 1], [], []>, transpose_lhs_hint = false} : vector<3200x128xf32>, vector<128x3xf32>, vector<3200x3xf32> -> vector<3200x3xf32>
    %iota3A = tpu.iota {dimensions = array<i32: 1>} : vector<1x3xi32>
    %lt3A = arith.constant 2 : i32
    %lt3A_9 = vector.broadcast %lt3A : i32 to vector<1x3xi32>
    %lt3A_10 = arith.cmpi slt, %iota3A, %lt3A_9 : vector<1x3xi32>
    %max3A = arith.constant 0.000000e+00 : f32
    %max3A_11 = vector.broadcast %max3A : f32 to vector<3200x3xf32>
    %max3A_12 = arith.maximumf %dot_general3A_8, %max3A_11 : vector<3200x3xf32>
    %sqrt3A = math.sqrt %max3A_12 : vector<3200x3xf32>
    %broadcast_in_dim3A = vector.shape_cast %lt3A_10 : vector<1x3xi1> to vector<1x3xi1>
    %broadcast_in_dim3A_13 = vector.broadcast %broadcast_in_dim3A : vector<1x3xi1> to vector<3200x3xi1>
    %select_n3A = arith.select %broadcast_in_dim3A_13, %sqrt3A, %dot_general3A_8 : vector<3200x3xi1>, vector<3200x3xf32>
    %get3A_14 = arith.constant 0 : index
    %get3A_15 = arith.constant 0 : index
    %get3A_16 = vector.load %arg5[%get3A_14, %get3A_15] : memref<128x64xf32, #tpu.memory_space<vmem>>, vector<128x64xf32>
    %dot_general3A_17 = arith.constant dense<0.000000e+00> : vector<3200x64xf32>
    %dot_general3A_18 = tpu.matmul %get3A_1, %get3A_16, %dot_general3A_17 {dimension_numbers = #tpu.dot_dimension_numbers<[1], [0], [0], [1], [0, 0, 1, 1], [], []>, transpose_lhs_hint = false} : vector<3200x128xf32>, vector<128x64xf32>, vector<3200x64xf32> -> vector<3200x64xf32>
    %get3A_19 = arith.constant 0 : index
    %get3A_20 = arith.constant 0 : index
    %get3A_21 = vector.load %arg6[%get3A_19, %get3A_20] : memref<128x64xf32, #tpu.memory_space<vmem>>, vector<128x64xf32>
    %dot_general3A_22 = arith.constant dense<0.000000e+00> : vector<3200x64xf32>
    %dot_general3A_23 = tpu.matmul %get3A_4, %get3A_21, %dot_general3A_22 {dimension_numbers = #tpu.dot_dimension_numbers<[1], [0], [0], [1], [0, 0, 1, 1], [], []>, transpose_lhs_hint = false} : vector<3200x128xf32>, vector<128x64xf32>, vector<3200x64xf32> -> vector<3200x64xf32>
    %add3A = arith.addf %dot_general3A_18, %dot_general3A_23 : vector<3200x64xf32>
    %get3A_24 = arith.constant 0 : index
    %get3A_25 = arith.constant 0 : index
    %get3A_26 = vector.load %arg3[%get3A_24, %get3A_25] : memref<3200x16xf32, #tpu.memory_space<vmem>>, vector<3200x16xf32>
    %get3A_27 = arith.constant 0 : index
    %get3A_28 = arith.constant 0 : index
    %get3A_29 = vector.load %arg7[%get3A_27, %get3A_28] : memref<16x64xf32, #tpu.memory_space<vmem>>, vector<16x64xf32>
    %dot_general3A_30 = arith.constant dense<0.000000e+00> : vector<3200x64xf32>
    %dot_general3A_31 = tpu.matmul %get3A_26, %get3A_29, %dot_general3A_30 {dimension_numbers = #tpu.dot_dimension_numbers<[1], [0], [0], [1], [0, 0, 1, 1], [], []>, transpose_lhs_hint = false} : vector<3200x16xf32>, vector<16x64xf32>, vector<3200x64xf32> -> vector<3200x64xf32>
    %add3A_32 = arith.addf %add3A, %dot_general3A_31 : vector<3200x64xf32>
    %get3A_33 = arith.constant 0 : index
    %get3A_34 = arith.constant 0 : index
    %get3A_35 = vector.load %arg8[%get3A_33, %get3A_34] : memref<3x64xf32, #tpu.memory_space<vmem>>, vector<3x64xf32>
    %dot_general3A_36 = arith.constant dense<0.000000e+00> : vector<3200x64xf32>
    %dot_general3A_37 = tpu.matmul %select_n3A, %get3A_35, %dot_general3A_36 {dimension_numbers = #tpu.dot_dimension_numbers<[1], [0], [0], [1], [0, 0, 1, 1], [], []>, transpose_lhs_hint = false} : vector<3200x3xf32>, vector<3x64xf32>, vector<3200x64xf32> -> vector<3200x64xf32>
    %add3A_38 = arith.addf %add3A_32, %dot_general3A_37 : vector<3200x64xf32>
    %get3A_39 = arith.constant 0 : index
    %get3A_40 = arith.constant 0 : index
    %get3A_41 = vector.load %arg9[%get3A_39, %get3A_40] : memref<1x64xf32, #tpu.memory_space<vmem>>, vector<1x64xf32>
    %add3A_42 = vector.broadcast %get3A_41 : vector<1x64xf32> to vector<3200x64xf32>
    %add3A_43 = arith.addf %add3A_38, %add3A_42 : vector<3200x64xf32>
    %max3A_44 = arith.constant 0.000000e+00 : f32
    %max3A_45 = vector.broadcast %max3A_44 : f32 to vector<3200x64xf32>
    %max3A_46 = arith.maximumf %add3A_43, %max3A_45 : vector<3200x64xf32>
    %get3A_47 = arith.constant 0 : index
    %get3A_48 = arith.constant 0 : index
    %get3A_49 = vector.load %arg10[%get3A_47, %get3A_48] : memref<64x64xf32, #tpu.memory_space<vmem>>, vector<64x64xf32>
    %dot_general3A_50 = arith.constant dense<0.000000e+00> : vector<3200x64xf32>
    %dot_general3A_51 = tpu.matmul %max3A_46, %get3A_49, %dot_general3A_50 {dimension_numbers = #tpu.dot_dimension_numbers<[1], [0], [0], [1], [0, 0, 1, 1], [], []>, transpose_lhs_hint = false} : vector<3200x64xf32>, vector<64x64xf32>, vector<3200x64xf32> -> vector<3200x64xf32>
    %get3A_52 = arith.constant 0 : index
    %get3A_53 = arith.constant 0 : index
    %get3A_54 = vector.load %arg11[%get3A_52, %get3A_53] : memref<1x64xf32, #tpu.memory_space<vmem>>, vector<1x64xf32>
    %add3A_55 = vector.broadcast %get3A_54 : vector<1x64xf32> to vector<3200x64xf32>
    %add3A_56 = arith.addf %dot_general3A_51, %add3A_55 : vector<3200x64xf32>
    %get3A_57 = arith.constant 0 : index
    %get3A_58 = arith.constant 0 : index
    %get3A_59 = vector.load %arg12[%get3A_57, %get3A_58] : memref<64x64xf32, #tpu.memory_space<vmem>>, vector<64x64xf32>
    %dot_general3A_60 = arith.constant dense<0.000000e+00> : vector<3200x64xf32>
    %dot_general3A_61 = tpu.matmul %max3A_46, %get3A_59, %dot_general3A_60 {dimension_numbers = #tpu.dot_dimension_numbers<[1], [0], [0], [1], [0, 0, 1, 1], [], []>, transpose_lhs_hint = false} : vector<3200x64xf32>, vector<64x64xf32>, vector<3200x64xf32> -> vector<3200x64xf32>
    %get3A_62 = arith.constant 0 : index
    %get3A_63 = arith.constant 0 : index
    %get3A_64 = vector.load %arg13[%get3A_62, %get3A_63] : memref<1x1xf32, #tpu.memory_space<vmem>>, vector<1x1xf32>
    %add3A_65 = vector.broadcast %get3A_64 : vector<1x1xf32> to vector<3200x64xf32>
    %add3A_66 = arith.addf %dot_general3A_61, %add3A_65 : vector<3200x64xf32>
    %logistic3A = arith.negf %add3A_66 : vector<3200x64xf32>
    %logistic3A_67 = math.exp %logistic3A : vector<3200x64xf32>
    %logistic3A_68 = arith.constant 1.000000e+00 : f32
    %logistic3A_69 = vector.broadcast %logistic3A_68 : f32 to vector<3200x64xf32>
    %logistic3A_70 = arith.addf %logistic3A_69, %logistic3A_67 : vector<3200x64xf32>
    %logistic3A_71 = arith.divf %logistic3A_69, %logistic3A_70 : vector<3200x64xf32>
    %mul3A_72 = arith.mulf %add3A_56, %logistic3A_71 : vector<3200x64xf32>
    %lt3A_73 = arith.constant 125 : i32
    %lt3A_74 = arith.cmpi slt, %arg0, %lt3A_73 : i32
    %convert_element_type3A = arith.extui %lt3A_74 : i1 to i32
    %cond3A = arith.constant 0 : i32
    %cond3A_75 = arith.cmpi ne, %convert_element_type3A, %cond3A : i32
    scf.if %cond3A_75 {
      %swap3A_119 = arith.constant 0 : index
      %swap3A_120 = arith.constant 0 : index
      %swap3A_121 = vector.load %arg19[%swap3A_119, %swap3A_120] : memref<3200x64xf32, #tpu.memory_space<vmem>>, vector<3200x64xf32>
      tpu.vector_store %arg19[%swap3A_119, %swap3A_120], %mul3A_72 {strides = array<i32>} : memref<3200x64xf32, #tpu.memory_space<vmem>>, vector<3200x64xf32>,
    } else {
    }
    %get3A_76 = arith.constant 0 : index
    %get3A_77 = arith.constant 0 : index
    %get3A_78 = vector.load %arg14[%get3A_76, %get3A_77] : memref<128x64xf32, #tpu.memory_space<vmem>>, vector<128x64xf32>
    %dot_general3A_79 = arith.constant dense<0.000000e+00> : vector<3200x64xf32>
    %dot_general3A_80 = tpu.matmul %get3A_1, %get3A_78, %dot_general3A_79 {dimension_numbers = #tpu.dot_dimension_numbers<[1], [0], [0], [1], [0, 0, 1, 1], [], []>, transpose_lhs_hint = false} : vector<3200x128xf32>, vector<128x64xf32>, vector<3200x64xf32> -> vector<3200x64xf32>
    %get3A_81 = arith.constant 0 : index
    %get3A_82 = arith.constant 0 : index
    %get3A_83 = vector.load %arg15[%get3A_81, %get3A_82] : memref<64x64xf32, #tpu.memory_space<vmem>>, vector<64x64xf32>
    %dot_general3A_84 = arith.constant dense<0.000000e+00> : vector<3200x64xf32>
    %dot_general3A_85 = tpu.matmul %mul3A_72, %get3A_83, %dot_general3A_84 {dimension_numbers = #tpu.dot_dimension_numbers<[1], [0], [0], [1], [0, 0, 1, 1], [], []>, transpose_lhs_hint = false} : vector<3200x64xf32>, vector<64x64xf32>, vector<3200x64xf32> -> vector<3200x64xf32>
    %add3A_86 = arith.addf %dot_general3A_80, %dot_general3A_85 : vector<3200x64xf32>
    %get3A_87 = arith.constant 0 : index
    %get3A_88 = arith.constant 0 : index
    %get3A_89 = vector.load %arg16[%get3A_87, %get3A_88] : memref<1x64xf32, #tpu.memory_space<vmem>>, vector<1x64xf32>
    %add3A_90 = vector.broadcast %get3A_89 : vector<1x64xf32> to vector<3200x64xf32>
    %add3A_91 = arith.addf %add3A_86, %add3A_90 : vector<3200x64xf32>
    %max3A_92 = arith.constant 0.000000e+00 : f32
    %max3A_93 = vector.broadcast %max3A_92 : f32 to vector<3200x64xf32>
    %max3A_94 = arith.maximumf %add3A_91, %max3A_93 : vector<3200x64xf32>
    %get3A_95 = arith.constant 0 : index
    %get3A_96 = arith.constant 0 : index
    %get3A_97 = vector.load %arg17[%get3A_95, %get3A_96] : memref<64x4xf32, #tpu.memory_space<vmem>>, vector<64x4xf32>
    %dot_general3A_98 = arith.constant dense<0.000000e+00> : vector<3200x4xf32>
    %dot_general3A_99 = tpu.matmul %max3A_94, %get3A_97, %dot_general3A_98 {dimension_numbers = #tpu.dot_dimension_numbers<[1], [0], [0], [1], [0, 0, 1, 1], [], []>, transpose_lhs_hint = false} : vector<3200x64xf32>, vector<64x4xf32>, vector<3200x4xf32> -> vector<3200x4xf32>
    %get3A_100 = arith.constant 0 : index
    %get3A_101 = arith.constant 0 : index
    %get3A_102 = vector.load %arg18[%get3A_100, %get3A_101] : memref<1x4xf32, #tpu.memory_space<vmem>>, vector<1x4xf32>
    %add3A_103 = vector.broadcast %get3A_102 : vector<1x4xf32> to vector<3200x4xf32>
    %add3A_104 = arith.addf %dot_general3A_99, %add3A_103 : vector<3200x4xf32>
    %iota3A_105 = tpu.iota {dimensions = array<i32: 1>} : vector<1x4xi32>
    %slice3A = vector.extract_strided_slice %sub3A {offsets = [0, 80], sizes = [3200, 4], strides = [1, 1]} : vector<3200x128xf32> to vector<3200x4xf32>
    %mul3A_106 = arith.mulf %add3A_104, %slice3A : vector<3200x4xf32>
    %eq3A = arith.constant 3 : i32
    %eq3A_107 = vector.broadcast %eq3A : i32 to vector<1x4xi32>
    %eq3A_108 = arith.cmpi eq, %iota3A_105, %eq3A_107 : vector<1x4xi32>
    %convert_element_type3A_109 = arith.extui %eq3A_108 : vector<1x4xi1> to vector<1x4xi32>
    %convert_element_type3A_110 = arith.sitofp %convert_element_type3A_109 : vector<1x4xi32> to vector<1x4xf32>
    %add3A_111 = vector.broadcast %convert_element_type3A_110 : vector<1x4xf32> to vector<3200x4xf32>
    %add3A_112 = arith.addf %mul3A_106, %add3A_111 : vector<3200x4xf32>
    %lt3A_113 = arith.constant 125 : i32
    %lt3A_114 = arith.cmpi slt, %arg0, %lt3A_113 : i32
    %jit3A = arith.constant 0.000000e+00 : f32
    %broadcast_in_dim3A_115 = vector.broadcast %jit3A : f32 to vector<3200x4xf32>
    %select_n3A_116 = arith.select %lt3A_114, %add3A_112, %broadcast_in_dim3A_115 : vector<3200x4xf32>
    %swap3A = arith.constant 0 : index
    %swap3A_117 = arith.constant 0 : index
    %swap3A_118 = vector.load %arg20[%swap3A, %swap3A_117] : memref<3200x4xf32, #tpu.memory_space<vmem>>, vector<3200x4xf32>
    tpu.vector_store %arg20[%swap3A, %swap3A_117], %select_n3A_116 {strides = array<i32>} : memref<3200x4xf32, #tpu.memory_space<vmem>>, vector<3200x4xf32>,
    return
  }
  func.func @transform_0(%arg0: i32) -> (i32, i32) {
    %c0_i32 = arith.constant 0 : i32
    %c0_i32_0 = arith.constant 0 : i32
    return %arg0, %c0_i32 : i32, i32
  }
  func.func @transform_1(%arg0: i32) -> (i32, i32) {
    %add3A = arith.constant 128 : i32
    %add3A_0 = arith.addi %add3A, %arg0 : i32
    %c0_i32 = arith.constant 0 : i32
    %c0_i32_1 = arith.constant 0 : i32
    return %add3A_0, %c0_i32 : i32, i32
  }
  func.func @transform_2(%arg0: i32) -> (i32, i32) {
    %min3A = arith.constant 124 : i32
    %min3A_0 = arith.minsi %arg0, %min3A : i32
    %add3A = arith.constant 0 : i32
    %add3A_1 = arith.addi %add3A, %min3A_0 : i32
    %c0_i32 = arith.constant 0 : i32
    %c0_i32_2 = arith.constant 0 : i32
    return %add3A_1, %c0_i32 : i32, i32
  }
  func.func @transform_3(%arg0: i32) -> (i32, i32) {
    %c0_i32 = arith.constant 0 : i32
    %c0_i32_0 = arith.constant 0 : i32
    %c0_i32_1 = arith.constant 0 : i32
    return %c0_i32, %c0_i32_0 : i32, i32
  }
  func.func @transform_4(%arg0: i32) -> (i32, i32) {
    %c0_i32 = arith.constant 0 : i32
    %c0_i32_0 = arith.constant 0 : i32
    %c0_i32_1 = arith.constant 0 : i32
    return %c0_i32, %c0_i32_0 : i32, i32
  }
  func.func @transform_5(%arg0: i32) -> (i32, i32) {
    %c0_i32 = arith.constant 0 : i32
    %c0_i32_0 = arith.constant 0 : i32
    %c0_i32_1 = arith.constant 0 : i32
    return %c0_i32, %c0_i32_0 : i32, i32
  }
  func.func @transform_6(%arg0: i32) -> (i32, i32) {
    %c0_i32 = arith.constant 0 : i32
    %c0_i32_0 = arith.constant 0 : i32
    %c0_i32_1 = arith.constant 0 : i32
    return %c0_i32, %c0_i32_0 : i32, i32
  }
  func.func @transform_7(%arg0: i32) -> (i32, i32) {
    %c0_i32 = arith.constant 0 : i32
    %c0_i32_0 = arith.constant 0 : i32
    %c0_i32_1 = arith.constant 0 : i32
    return %c0_i32, %c0_i32_0 : i32, i32
  }
  func.func @transform_8(%arg0: i32) -> (i32, i32) {
    %c0_i32 = arith.constant 0 : i32
    %c0_i32_0 = arith.constant 0 : i32
    %c0_i32_1 = arith.constant 0 : i32
    return %c0_i32, %c0_i32_0 : i32, i32
  }
  func.func @transform_9(%arg0: i32) -> (i32, i32) {
    %c0_i32 = arith.constant 0 : i32
    %c0_i32_0 = arith.constant 0 : i32
    %c0_i32_1 = arith.constant 0 : i32
    return %c0_i32, %c0_i32_0 : i32, i32
  }
  func.func @transform_10(%arg0: i32) -> (i32, i32) {
    %c0_i32 = arith.constant 0 : i32
    %c0_i32_0 = arith.constant 0 : i32
    %c0_i32_1 = arith.constant 0 : i32
    return %c0_i32, %c0_i32_0 : i32, i32
  }
  func.func @transform_11(%arg0: i32) -> (i32, i32) {
    %c0_i32 = arith.constant 0 : i32
    %c0_i32_0 = arith.constant 0 : i32
    %c0_i32_1 = arith.constant 0 : i32
    return %c0_i32, %c0_i32_0 : i32, i32
  }
  func.func @transform_12(%arg0: i32) -> (i32, i32) {
    %c0_i32 = arith.constant 0 : i32
    %c0_i32_0 = arith.constant 0 : i32
    %c0_i32_1 = arith.constant 0 : i32
    return %c0_i32, %c0_i32_0 : i32, i32
  }
  func.func @transform_13(%arg0: i32) -> (i32, i32) {
    %c0_i32 = arith.constant 0 : i32
    %c0_i32_0 = arith.constant 0 : i32
    %c0_i32_1 = arith.constant 0 : i32
    return %c0_i32, %c0_i32_0 : i32, i32
  }
  func.func @transform_14(%arg0: i32) -> (i32, i32) {
    %c0_i32 = arith.constant 0 : i32
    %c0_i32_0 = arith.constant 0 : i32
    %c0_i32_1 = arith.constant 0 : i32
    return %c0_i32, %c0_i32_0 : i32, i32
  }
  func.func @transform_15(%arg0: i32) -> (i32, i32) {
    %c0_i32 = arith.constant 0 : i32
    %c0_i32_0 = arith.constant 0 : i32
    %c0_i32_1 = arith.constant 0 : i32
    return %c0_i32, %c0_i32_0 : i32, i32
  }
  func.func @transform_16(%arg0: i32) -> (i32, i32) {
    %c0_i32 = arith.constant 0 : i32
    %c0_i32_0 = arith.constant 0 : i32
    %c0_i32_1 = arith.constant 0 : i32
    return %c0_i32, %c0_i32_0 : i32, i32
  }
  func.func @transform_17(%arg0: i32) -> (i32, i32) {
    %c0_i32 = arith.constant 0 : i32
    %c0_i32_0 = arith.constant 0 : i32
    %c0_i32_1 = arith.constant 0 : i32
    return %c0_i32, %c0_i32_0 : i32, i32
  }
  func.func @transform_18(%arg0: i32) -> (i32, i32) {
    %min3A = arith.constant 124 : i32
    %min3A_0 = arith.minsi %arg0, %min3A : i32
    %add3A = arith.constant 0 : i32
    %add3A_1 = arith.addi %add3A, %min3A_0 : i32
    %c0_i32 = arith.constant 0 : i32
    %c0_i32_2 = arith.constant 0 : i32
    return %add3A_1, %c0_i32 : i32, i32
  }
  func.func @transform_19(%arg0: i32) -> (i32, i32) {
    %add3A = arith.constant 0 : i32
    %add3A_0 = arith.addi %add3A, %arg0 : i32
    %c0_i32 = arith.constant 0 : i32
    %c0_i32_1 = arith.constant 0 : i32
    return %add3A_0, %c0_i32 : i32, i32
  }
}

module attributes {stable_mosaic.version = 14 : i64} {
  func.func @_edge_body(%arg0: i32, %arg1: memref<3200x128xf32, #tpu.memory_space<vmem>>, %arg2: memref<3200x128xf32, #tpu.memory_space<vmem>>, %arg3: memref<3200x16xf32, #tpu.memory_space<vmem>>, %arg4: memref<128x3xf32, #tpu.memory_space<vmem>>, %arg5: memref<128x64xf32, #tpu.memory_space<vmem>>, %arg6: memref<128x64xf32, #tpu.memory_space<vmem>>, %arg7: memref<16x64xf32, #tpu.memory_space<vmem>>, %arg8: memref<3x64xf32, #tpu.memory_space<vmem>>, %arg9: memref<1x64xf32, #tpu.memory_space<vmem>>, %arg10: memref<64x64xf32, #tpu.memory_space<vmem>>, %arg11: memref<1x64xf32, #tpu.memory_space<vmem>>, %arg12: memref<64x64xf32, #tpu.memory_space<vmem>>, %arg13: memref<1x1xf32, #tpu.memory_space<vmem>>, %arg14: memref<128x64xf32, #tpu.memory_space<vmem>>, %arg15: memref<64x64xf32, #tpu.memory_space<vmem>>, %arg16: memref<1x64xf32, #tpu.memory_space<vmem>>, %arg17: memref<64x4xf32, #tpu.memory_space<vmem>>, %arg18: memref<1x4xf32, #tpu.memory_space<vmem>>, %arg19: memref<800000x64xf32, #tpu.memory_space<any>>, %arg20: memref<819200x4xf32, #tpu.memory_space<any>>, %arg21: memref<3200x64xf32, #tpu.memory_space<vmem>>, %arg22: memref<3200x4xf32, #tpu.memory_space<vmem>>) attributes {dimension_semantics = [#tpu.dimension_semantics<arbitrary>], iteration_bounds = array<i64: 128>, scalar_prefetch = 0 : i64, scratch_operands = 0 : i64, tpu.core_type = #tpu.core_type<tc>, window_params = [{transform_indices = @transform_0, window_bounds = array<i64: 3200, 128>}, {transform_indices = @transform_1, window_bounds = array<i64: 3200, 128>}, {transform_indices = @transform_2, window_bounds = array<i64: 3200, 16>}, {pipeline_mode = #tpu.pipeline_mode<synchronous>, transform_indices = @transform_3, window_bounds = array<i64: 128, 3>}, {pipeline_mode = #tpu.pipeline_mode<synchronous>, transform_indices = @transform_4, window_bounds = array<i64: 128, 64>}, {pipeline_mode = #tpu.pipeline_mode<synchronous>, transform_indices = @transform_5, window_bounds = array<i64: 128, 64>}, {pipeline_mode = #tpu.pipeline_mode<synchronous>, transform_indices = @transform_6, window_bounds = array<i64: 16, 64>}, {pipeline_mode = #tpu.pipeline_mode<synchronous>, transform_indices = @transform_7, window_bounds = array<i64: 3, 64>}, {pipeline_mode = #tpu.pipeline_mode<synchronous>, transform_indices = @transform_8, window_bounds = array<i64: 1, 64>}, {pipeline_mode = #tpu.pipeline_mode<synchronous>, transform_indices = @transform_9, window_bounds = array<i64: 64, 64>}, {pipeline_mode = #tpu.pipeline_mode<synchronous>, transform_indices = @transform_10, window_bounds = array<i64: 1, 64>}, {pipeline_mode = #tpu.pipeline_mode<synchronous>, transform_indices = @transform_11, window_bounds = array<i64: 64, 64>}, {pipeline_mode = #tpu.pipeline_mode<synchronous>, transform_indices = @transform_12, window_bounds = array<i64: 1, 1>}, {pipeline_mode = #tpu.pipeline_mode<synchronous>, transform_indices = @transform_13, window_bounds = array<i64: 128, 64>}, {pipeline_mode = #tpu.pipeline_mode<synchronous>, transform_indices = @transform_14, window_bounds = array<i64: 64, 64>}, {pipeline_mode = #tpu.pipeline_mode<synchronous>, transform_indices = @transform_15, window_bounds = array<i64: 1, 64>}, {pipeline_mode = #tpu.pipeline_mode<synchronous>, transform_indices = @transform_16, window_bounds = array<i64: 64, 4>}, {pipeline_mode = #tpu.pipeline_mode<synchronous>, transform_indices = @transform_17, window_bounds = array<i64: 1, 4>}, {}, {}, {transform_indices = @transform_20, window_bounds = array<i64: 3200, 64>}, {transform_indices = @transform_21, window_bounds = array<i64: 3200, 4>}]} {
    %get3A = arith.constant 0 : index
    %get3A_0 = arith.constant 0 : index
    %get3A_1 = vector.load %arg1[%get3A, %get3A_0] : memref<3200x128xf32, #tpu.memory_space<vmem>>, vector<3200x128xf32>
    %get3A_2 = arith.constant 0 : index
    %get3A_3 = arith.constant 0 : index
    %get3A_4 = vector.load %arg2[%get3A_2, %get3A_3] : memref<3200x128xf32, #tpu.memory_space<vmem>>, vector<3200x128xf32>
    %sub3A = arith.subf %get3A_1, %get3A_4 : vector<3200x128xf32>
    %mul3A = arith.mulf %sub3A, %sub3A : vector<3200x128xf32>
    %get3A_5 = arith.constant 0 : index
    %get3A_6 = arith.constant 0 : index
    %get3A_7 = vector.load %arg4[%get3A_5, %get3A_6] : memref<128x3xf32, #tpu.memory_space<vmem>>, vector<128x3xf32>
    %dot_general3A = arith.constant dense<0.000000e+00> : vector<3200x3xf32>
    %dot_general3A_8 = tpu.matmul %mul3A, %get3A_7, %dot_general3A {dimension_numbers = #tpu.dot_dimension_numbers<[1], [0], [0], [1], [0, 0, 1, 1], [], []>, transpose_lhs_hint = false} : vector<3200x128xf32>, vector<128x3xf32>, vector<3200x3xf32> -> vector<3200x3xf32>
    %iota3A = tpu.iota {dimensions = array<i32: 1>} : vector<1x3xi32>
    %lt3A = arith.constant 2 : i32
    %lt3A_9 = vector.broadcast %lt3A : i32 to vector<1x3xi32>
    %lt3A_10 = arith.cmpi slt, %iota3A, %lt3A_9 : vector<1x3xi32>
    %max3A = arith.constant 0.000000e+00 : f32
    %max3A_11 = vector.broadcast %max3A : f32 to vector<3200x3xf32>
    %max3A_12 = arith.maximumf %dot_general3A_8, %max3A_11 : vector<3200x3xf32>
    %sqrt3A = math.sqrt %max3A_12 : vector<3200x3xf32>
    %broadcast_in_dim3A = vector.shape_cast %lt3A_10 : vector<1x3xi1> to vector<1x3xi1>
    %broadcast_in_dim3A_13 = vector.broadcast %broadcast_in_dim3A : vector<1x3xi1> to vector<3200x3xi1>
    %select_n3A = arith.select %broadcast_in_dim3A_13, %sqrt3A, %dot_general3A_8 : vector<3200x3xi1>, vector<3200x3xf32>
    %get3A_14 = arith.constant 0 : index
    %get3A_15 = arith.constant 0 : index
    %get3A_16 = vector.load %arg5[%get3A_14, %get3A_15] : memref<128x64xf32, #tpu.memory_space<vmem>>, vector<128x64xf32>
    %dot_general3A_17 = arith.constant dense<0.000000e+00> : vector<3200x64xf32>
    %dot_general3A_18 = tpu.matmul %get3A_1, %get3A_16, %dot_general3A_17 {dimension_numbers = #tpu.dot_dimension_numbers<[1], [0], [0], [1], [0, 0, 1, 1], [], []>, transpose_lhs_hint = false} : vector<3200x128xf32>, vector<128x64xf32>, vector<3200x64xf32> -> vector<3200x64xf32>
    %get3A_19 = arith.constant 0 : index
    %get3A_20 = arith.constant 0 : index
    %get3A_21 = vector.load %arg6[%get3A_19, %get3A_20] : memref<128x64xf32, #tpu.memory_space<vmem>>, vector<128x64xf32>
    %dot_general3A_22 = arith.constant dense<0.000000e+00> : vector<3200x64xf32>
    %dot_general3A_23 = tpu.matmul %get3A_4, %get3A_21, %dot_general3A_22 {dimension_numbers = #tpu.dot_dimension_numbers<[1], [0], [0], [1], [0, 0, 1, 1], [], []>, transpose_lhs_hint = false} : vector<3200x128xf32>, vector<128x64xf32>, vector<3200x64xf32> -> vector<3200x64xf32>
    %add3A = arith.addf %dot_general3A_18, %dot_general3A_23 : vector<3200x64xf32>
    %get3A_24 = arith.constant 0 : index
    %get3A_25 = arith.constant 0 : index
    %get3A_26 = vector.load %arg3[%get3A_24, %get3A_25] : memref<3200x16xf32, #tpu.memory_space<vmem>>, vector<3200x16xf32>
    %get3A_27 = arith.constant 0 : index
    %get3A_28 = arith.constant 0 : index
    %get3A_29 = vector.load %arg7[%get3A_27, %get3A_28] : memref<16x64xf32, #tpu.memory_space<vmem>>, vector<16x64xf32>
    %dot_general3A_30 = arith.constant dense<0.000000e+00> : vector<3200x64xf32>
    %dot_general3A_31 = tpu.matmul %get3A_26, %get3A_29, %dot_general3A_30 {dimension_numbers = #tpu.dot_dimension_numbers<[1], [0], [0], [1], [0, 0, 1, 1], [], []>, transpose_lhs_hint = false} : vector<3200x16xf32>, vector<16x64xf32>, vector<3200x64xf32> -> vector<3200x64xf32>
    %add3A_32 = arith.addf %add3A, %dot_general3A_31 : vector<3200x64xf32>
    %get3A_33 = arith.constant 0 : index
    %get3A_34 = arith.constant 0 : index
    %get3A_35 = vector.load %arg8[%get3A_33, %get3A_34] : memref<3x64xf32, #tpu.memory_space<vmem>>, vector<3x64xf32>
    %dot_general3A_36 = arith.constant dense<0.000000e+00> : vector<3200x64xf32>
    %dot_general3A_37 = tpu.matmul %select_n3A, %get3A_35, %dot_general3A_36 {dimension_numbers = #tpu.dot_dimension_numbers<[1], [0], [0], [1], [0, 0, 1, 1], [], []>, transpose_lhs_hint = false} : vector<3200x3xf32>, vector<3x64xf32>, vector<3200x64xf32> -> vector<3200x64xf32>
    %add3A_38 = arith.addf %add3A_32, %dot_general3A_37 : vector<3200x64xf32>
    %get3A_39 = arith.constant 0 : index
    %get3A_40 = arith.constant 0 : index
    %get3A_41 = vector.load %arg9[%get3A_39, %get3A_40] : memref<1x64xf32, #tpu.memory_space<vmem>>, vector<1x64xf32>
    %add3A_42 = vector.broadcast %get3A_41 : vector<1x64xf32> to vector<3200x64xf32>
    %add3A_43 = arith.addf %add3A_38, %add3A_42 : vector<3200x64xf32>
    %max3A_44 = arith.constant 0.000000e+00 : f32
    %max3A_45 = vector.broadcast %max3A_44 : f32 to vector<3200x64xf32>
    %max3A_46 = arith.maximumf %add3A_43, %max3A_45 : vector<3200x64xf32>
    %get3A_47 = arith.constant 0 : index
    %get3A_48 = arith.constant 0 : index
    %get3A_49 = vector.load %arg10[%get3A_47, %get3A_48] : memref<64x64xf32, #tpu.memory_space<vmem>>, vector<64x64xf32>
    %dot_general3A_50 = arith.constant dense<0.000000e+00> : vector<3200x64xf32>
    %dot_general3A_51 = tpu.matmul %max3A_46, %get3A_49, %dot_general3A_50 {dimension_numbers = #tpu.dot_dimension_numbers<[1], [0], [0], [1], [0, 0, 1, 1], [], []>, transpose_lhs_hint = false} : vector<3200x64xf32>, vector<64x64xf32>, vector<3200x64xf32> -> vector<3200x64xf32>
    %get3A_52 = arith.constant 0 : index
    %get3A_53 = arith.constant 0 : index
    %get3A_54 = vector.load %arg11[%get3A_52, %get3A_53] : memref<1x64xf32, #tpu.memory_space<vmem>>, vector<1x64xf32>
    %add3A_55 = vector.broadcast %get3A_54 : vector<1x64xf32> to vector<3200x64xf32>
    %add3A_56 = arith.addf %dot_general3A_51, %add3A_55 : vector<3200x64xf32>
    %get3A_57 = arith.constant 0 : index
    %get3A_58 = arith.constant 0 : index
    %get3A_59 = vector.load %arg12[%get3A_57, %get3A_58] : memref<64x64xf32, #tpu.memory_space<vmem>>, vector<64x64xf32>
    %dot_general3A_60 = arith.constant dense<0.000000e+00> : vector<3200x64xf32>
    %dot_general3A_61 = tpu.matmul %max3A_46, %get3A_59, %dot_general3A_60 {dimension_numbers = #tpu.dot_dimension_numbers<[1], [0], [0], [1], [0, 0, 1, 1], [], []>, transpose_lhs_hint = false} : vector<3200x64xf32>, vector<64x64xf32>, vector<3200x64xf32> -> vector<3200x64xf32>
    %get3A_62 = arith.constant 0 : index
    %get3A_63 = arith.constant 0 : index
    %get3A_64 = vector.load %arg13[%get3A_62, %get3A_63] : memref<1x1xf32, #tpu.memory_space<vmem>>, vector<1x1xf32>
    %add3A_65 = vector.broadcast %get3A_64 : vector<1x1xf32> to vector<3200x64xf32>
    %add3A_66 = arith.addf %dot_general3A_61, %add3A_65 : vector<3200x64xf32>
    %logistic3A = arith.negf %add3A_66 : vector<3200x64xf32>
    %logistic3A_67 = math.exp %logistic3A : vector<3200x64xf32>
    %logistic3A_68 = arith.constant 1.000000e+00 : f32
    %logistic3A_69 = vector.broadcast %logistic3A_68 : f32 to vector<3200x64xf32>
    %logistic3A_70 = arith.addf %logistic3A_69, %logistic3A_67 : vector<3200x64xf32>
    %logistic3A_71 = arith.divf %logistic3A_69, %logistic3A_70 : vector<3200x64xf32>
    %mul3A_72 = arith.mulf %add3A_56, %logistic3A_71 : vector<3200x64xf32>
    %lt3A_73 = arith.constant 125 : i32
    %lt3A_74 = arith.cmpi slt, %arg0, %lt3A_73 : i32
    %convert_element_type3A = arith.extui %lt3A_74 : i1 to i32
    %cond3A = arith.constant 0 : i32
    %cond3A_75 = arith.cmpi ne, %convert_element_type3A, %cond3A : i32
    scf.if %cond3A_75 {
      %swap3A_119 = arith.constant 0 : index
      %swap3A_120 = arith.constant 0 : index
      %swap3A_121 = vector.load %arg21[%swap3A_119, %swap3A_120] : memref<3200x64xf32, #tpu.memory_space<vmem>>, vector<3200x64xf32>
      tpu.vector_store %arg21[%swap3A_119, %swap3A_120], %mul3A_72 {strides = array<i32>} : memref<3200x64xf32, #tpu.memory_space<vmem>>, vector<3200x64xf32>,
    } else {
    }
    %get3A_76 = arith.constant 0 : index
    %get3A_77 = arith.constant 0 : index
    %get3A_78 = vector.load %arg14[%get3A_76, %get3A_77] : memref<128x64xf32, #tpu.memory_space<vmem>>, vector<128x64xf32>
    %dot_general3A_79 = arith.constant dense<0.000000e+00> : vector<3200x64xf32>
    %dot_general3A_80 = tpu.matmul %get3A_1, %get3A_78, %dot_general3A_79 {dimension_numbers = #tpu.dot_dimension_numbers<[1], [0], [0], [1], [0, 0, 1, 1], [], []>, transpose_lhs_hint = false} : vector<3200x128xf32>, vector<128x64xf32>, vector<3200x64xf32> -> vector<3200x64xf32>
    %get3A_81 = arith.constant 0 : index
    %get3A_82 = arith.constant 0 : index
    %get3A_83 = vector.load %arg15[%get3A_81, %get3A_82] : memref<64x64xf32, #tpu.memory_space<vmem>>, vector<64x64xf32>
    %dot_general3A_84 = arith.constant dense<0.000000e+00> : vector<3200x64xf32>
    %dot_general3A_85 = tpu.matmul %mul3A_72, %get3A_83, %dot_general3A_84 {dimension_numbers = #tpu.dot_dimension_numbers<[1], [0], [0], [1], [0, 0, 1, 1], [], []>, transpose_lhs_hint = false} : vector<3200x64xf32>, vector<64x64xf32>, vector<3200x64xf32> -> vector<3200x64xf32>
    %add3A_86 = arith.addf %dot_general3A_80, %dot_general3A_85 : vector<3200x64xf32>
    %get3A_87 = arith.constant 0 : index
    %get3A_88 = arith.constant 0 : index
    %get3A_89 = vector.load %arg16[%get3A_87, %get3A_88] : memref<1x64xf32, #tpu.memory_space<vmem>>, vector<1x64xf32>
    %add3A_90 = vector.broadcast %get3A_89 : vector<1x64xf32> to vector<3200x64xf32>
    %add3A_91 = arith.addf %add3A_86, %add3A_90 : vector<3200x64xf32>
    %max3A_92 = arith.constant 0.000000e+00 : f32
    %max3A_93 = vector.broadcast %max3A_92 : f32 to vector<3200x64xf32>
    %max3A_94 = arith.maximumf %add3A_91, %max3A_93 : vector<3200x64xf32>
    %get3A_95 = arith.constant 0 : index
    %get3A_96 = arith.constant 0 : index
    %get3A_97 = vector.load %arg17[%get3A_95, %get3A_96] : memref<64x4xf32, #tpu.memory_space<vmem>>, vector<64x4xf32>
    %dot_general3A_98 = arith.constant dense<0.000000e+00> : vector<3200x4xf32>
    %dot_general3A_99 = tpu.matmul %max3A_94, %get3A_97, %dot_general3A_98 {dimension_numbers = #tpu.dot_dimension_numbers<[1], [0], [0], [1], [0, 0, 1, 1], [], []>, transpose_lhs_hint = false} : vector<3200x64xf32>, vector<64x4xf32>, vector<3200x4xf32> -> vector<3200x4xf32>
    %get3A_100 = arith.constant 0 : index
    %get3A_101 = arith.constant 0 : index
    %get3A_102 = vector.load %arg18[%get3A_100, %get3A_101] : memref<1x4xf32, #tpu.memory_space<vmem>>, vector<1x4xf32>
    %add3A_103 = vector.broadcast %get3A_102 : vector<1x4xf32> to vector<3200x4xf32>
    %add3A_104 = arith.addf %dot_general3A_99, %add3A_103 : vector<3200x4xf32>
    %iota3A_105 = tpu.iota {dimensions = array<i32: 1>} : vector<1x4xi32>
    %slice3A = vector.extract_strided_slice %sub3A {offsets = [0, 80], sizes = [3200, 4], strides = [1, 1]} : vector<3200x128xf32> to vector<3200x4xf32>
    %mul3A_106 = arith.mulf %add3A_104, %slice3A : vector<3200x4xf32>
    %eq3A = arith.constant 3 : i32
    %eq3A_107 = vector.broadcast %eq3A : i32 to vector<1x4xi32>
    %eq3A_108 = arith.cmpi eq, %iota3A_105, %eq3A_107 : vector<1x4xi32>
    %convert_element_type3A_109 = arith.extui %eq3A_108 : vector<1x4xi1> to vector<1x4xi32>
    %convert_element_type3A_110 = arith.sitofp %convert_element_type3A_109 : vector<1x4xi32> to vector<1x4xf32>
    %add3A_111 = vector.broadcast %convert_element_type3A_110 : vector<1x4xf32> to vector<3200x4xf32>
    %add3A_112 = arith.addf %mul3A_106, %add3A_111 : vector<3200x4xf32>
    %lt3A_113 = arith.constant 125 : i32
    %lt3A_114 = arith.cmpi slt, %arg0, %lt3A_113 : i32
    %jit3A = arith.constant 0.000000e+00 : f32
    %broadcast_in_dim3A_115 = vector.broadcast %jit3A : f32 to vector<3200x4xf32>
    %select_n3A_116 = arith.select %lt3A_114, %add3A_112, %broadcast_in_dim3A_115 : vector<3200x4xf32>
    %swap3A = arith.constant 0 : index
    %swap3A_117 = arith.constant 0 : index
    %swap3A_118 = vector.load %arg22[%swap3A, %swap3A_117] : memref<3200x4xf32, #tpu.memory_space<vmem>>, vector<3200x4xf32>
    tpu.vector_store %arg22[%swap3A, %swap3A_117], %select_n3A_116 {strides = array<i32>} : memref<3200x4xf32, #tpu.memory_space<vmem>>, vector<3200x4xf32>,
    return
  }
  func.func @transform_0(%arg0: i32) -> (i32, i32) {
    %c0_i32 = arith.constant 0 : i32
    %c0_i32_0 = arith.constant 0 : i32
    return %arg0, %c0_i32 : i32, i32
  }
  func.func @transform_1(%arg0: i32) -> (i32, i32) {
    %add3A = arith.constant 128 : i32
    %add3A_0 = arith.addi %add3A, %arg0 : i32
    %c0_i32 = arith.constant 0 : i32
    %c0_i32_1 = arith.constant 0 : i32
    return %add3A_0, %c0_i32 : i32, i32
  }
  func.func @transform_2(%arg0: i32) -> (i32, i32) {
    %min3A = arith.constant 124 : i32
    %min3A_0 = arith.minsi %arg0, %min3A : i32
    %add3A = arith.constant 125 : i32
    %add3A_1 = arith.addi %add3A, %min3A_0 : i32
    %c0_i32 = arith.constant 0 : i32
    %c0_i32_2 = arith.constant 0 : i32
    return %add3A_1, %c0_i32 : i32, i32
  }
  func.func @transform_3(%arg0: i32) -> (i32, i32) {
    %c0_i32 = arith.constant 0 : i32
    %c0_i32_0 = arith.constant 0 : i32
    %c0_i32_1 = arith.constant 0 : i32
    return %c0_i32, %c0_i32_0 : i32, i32
  }
  func.func @transform_4(%arg0: i32) -> (i32, i32) {
    %c0_i32 = arith.constant 0 : i32
    %c0_i32_0 = arith.constant 0 : i32
    %c0_i32_1 = arith.constant 0 : i32
    return %c0_i32, %c0_i32_0 : i32, i32
  }
  func.func @transform_5(%arg0: i32) -> (i32, i32) {
    %c0_i32 = arith.constant 0 : i32
    %c0_i32_0 = arith.constant 0 : i32
    %c0_i32_1 = arith.constant 0 : i32
    return %c0_i32, %c0_i32_0 : i32, i32
  }
  func.func @transform_6(%arg0: i32) -> (i32, i32) {
    %c0_i32 = arith.constant 0 : i32
    %c0_i32_0 = arith.constant 0 : i32
    %c0_i32_1 = arith.constant 0 : i32
    return %c0_i32, %c0_i32_0 : i32, i32
  }
  func.func @transform_7(%arg0: i32) -> (i32, i32) {
    %c0_i32 = arith.constant 0 : i32
    %c0_i32_0 = arith.constant 0 : i32
    %c0_i32_1 = arith.constant 0 : i32
    return %c0_i32, %c0_i32_0 : i32, i32
  }
  func.func @transform_8(%arg0: i32) -> (i32, i32) {
    %c0_i32 = arith.constant 0 : i32
    %c0_i32_0 = arith.constant 0 : i32
    %c0_i32_1 = arith.constant 0 : i32
    return %c0_i32, %c0_i32_0 : i32, i32
  }
  func.func @transform_9(%arg0: i32) -> (i32, i32) {
    %c0_i32 = arith.constant 0 : i32
    %c0_i32_0 = arith.constant 0 : i32
    %c0_i32_1 = arith.constant 0 : i32
    return %c0_i32, %c0_i32_0 : i32, i32
  }
  func.func @transform_10(%arg0: i32) -> (i32, i32) {
    %c0_i32 = arith.constant 0 : i32
    %c0_i32_0 = arith.constant 0 : i32
    %c0_i32_1 = arith.constant 0 : i32
    return %c0_i32, %c0_i32_0 : i32, i32
  }
  func.func @transform_11(%arg0: i32) -> (i32, i32) {
    %c0_i32 = arith.constant 0 : i32
    %c0_i32_0 = arith.constant 0 : i32
    %c0_i32_1 = arith.constant 0 : i32
    return %c0_i32, %c0_i32_0 : i32, i32
  }
  func.func @transform_12(%arg0: i32) -> (i32, i32) {
    %c0_i32 = arith.constant 0 : i32
    %c0_i32_0 = arith.constant 0 : i32
    %c0_i32_1 = arith.constant 0 : i32
    return %c0_i32, %c0_i32_0 : i32, i32
  }
  func.func @transform_13(%arg0: i32) -> (i32, i32) {
    %c0_i32 = arith.constant 0 : i32
    %c0_i32_0 = arith.constant 0 : i32
    %c0_i32_1 = arith.constant 0 : i32
    return %c0_i32, %c0_i32_0 : i32, i32
  }
  func.func @transform_14(%arg0: i32) -> (i32, i32) {
    %c0_i32 = arith.constant 0 : i32
    %c0_i32_0 = arith.constant 0 : i32
    %c0_i32_1 = arith.constant 0 : i32
    return %c0_i32, %c0_i32_0 : i32, i32
  }
  func.func @transform_15(%arg0: i32) -> (i32, i32) {
    %c0_i32 = arith.constant 0 : i32
    %c0_i32_0 = arith.constant 0 : i32
    %c0_i32_1 = arith.constant 0 : i32
    return %c0_i32, %c0_i32_0 : i32, i32
  }
  func.func @transform_16(%arg0: i32) -> (i32, i32) {
    %c0_i32 = arith.constant 0 : i32
    %c0_i32_0 = arith.constant 0 : i32
    %c0_i32_1 = arith.constant 0 : i32
    return %c0_i32, %c0_i32_0 : i32, i32
  }
  func.func @transform_17(%arg0: i32) -> (i32, i32) {
    %c0_i32 = arith.constant 0 : i32
    %c0_i32_0 = arith.constant 0 : i32
    %c0_i32_1 = arith.constant 0 : i32
    return %c0_i32, %c0_i32_0 : i32, i32
  }
  func.func @transform_20(%arg0: i32) -> (i32, i32) {
    %min3A = arith.constant 124 : i32
    %min3A_0 = arith.minsi %arg0, %min3A : i32
    %add3A = arith.constant 125 : i32
    %add3A_1 = arith.addi %add3A, %min3A_0 : i32
    %c0_i32 = arith.constant 0 : i32
    %c0_i32_2 = arith.constant 0 : i32
    return %add3A_1, %c0_i32 : i32, i32
  }
  func.func @transform_21(%arg0: i32) -> (i32, i32) {
    %add3A = arith.constant 128 : i32
    %add3A_0 = arith.addi %add3A, %arg0 : i32
    %c0_i32 = arith.constant 0 : i32
    %c0_i32_1 = arith.constant 0 : i32
    return %add3A_0, %c0_i32 : i32, i32
  }
}

module attributes {stable_mosaic.version = 14 : i64} {
  func.func @_node_body(%arg0: i32, %arg1: memref<2000x70xf32, #tpu.memory_space<vmem>>, %arg2: memref<2000x1xf32, #tpu.memory_space<vmem>>, %arg3: memref<2x2000x4xf32, #tpu.memory_space<vmem>>, %arg4: memref<8x16xf32, #tpu.memory_space<vmem>>, %arg5: memref<64x64xf32, #tpu.memory_space<vmem>>, %arg6: memref<6x64xf32, #tpu.memory_space<vmem>>, %arg7: memref<16x64xf32, #tpu.memory_space<vmem>>, %arg8: memref<1x64xf32, #tpu.memory_space<vmem>>, %arg9: memref<64x3xf32, #tpu.memory_space<vmem>>, %arg10: memref<1x3xf32, #tpu.memory_space<vmem>>, %arg11: memref<89x64xf32, #tpu.memory_space<vmem>>, %arg12: memref<1x64xf32, #tpu.memory_space<vmem>>, %arg13: memref<64x16xf32, #tpu.memory_space<vmem>>, %arg14: memref<1x16xf32, #tpu.memory_space<vmem>>, %arg15: memref<8x16xf32, #tpu.memory_space<vmem>>, %arg16: memref<8x74xf32, #tpu.memory_space<vmem>>) attributes {dimension_semantics = [#tpu.dimension_semantics<arbitrary>], iteration_bounds = array<i64: 25>, scalar_prefetch = 0 : i64, scratch_operands = 1 : i64, tpu.core_type = #tpu.core_type<tc>, window_params = [{transform_indices = @transform_0, window_bounds = array<i64: 2000, 70>}, {transform_indices = @transform_1, window_bounds = array<i64: 2000, 1>}, {transform_indices = @transform_2, window_bounds = array<i64: 2, 2000, 4>}, {pipeline_mode = #tpu.pipeline_mode<synchronous>, transform_indices = @transform_3, window_bounds = array<i64: 8, 16>}, {pipeline_mode = #tpu.pipeline_mode<synchronous>, transform_indices = @transform_4, window_bounds = array<i64: 64, 64>}, {pipeline_mode = #tpu.pipeline_mode<synchronous>, transform_indices = @transform_5, window_bounds = array<i64: 6, 64>}, {pipeline_mode = #tpu.pipeline_mode<synchronous>, transform_indices = @transform_6, window_bounds = array<i64: 16, 64>}, {pipeline_mode = #tpu.pipeline_mode<synchronous>, transform_indices = @transform_7, window_bounds = array<i64: 1, 64>}, {pipeline_mode = #tpu.pipeline_mode<synchronous>, transform_indices = @transform_8, window_bounds = array<i64: 64, 3>}, {pipeline_mode = #tpu.pipeline_mode<synchronous>, transform_indices = @transform_9, window_bounds = array<i64: 1, 3>}, {pipeline_mode = #tpu.pipeline_mode<synchronous>, transform_indices = @transform_10, window_bounds = array<i64: 89, 64>}, {pipeline_mode = #tpu.pipeline_mode<synchronous>, transform_indices = @transform_11, window_bounds = array<i64: 1, 64>}, {pipeline_mode = #tpu.pipeline_mode<synchronous>, transform_indices = @transform_12, window_bounds = array<i64: 64, 16>}, {pipeline_mode = #tpu.pipeline_mode<synchronous>, transform_indices = @transform_13, window_bounds = array<i64: 1, 16>}, {pipeline_mode = #tpu.pipeline_mode<synchronous>, transform_indices = @transform_14, window_bounds = array<i64: 8, 16>}]} {
    %get3A = arith.constant 0 : index
    %get3A_0 = arith.constant 0 : index
    %get3A_1 = vector.load %arg1[%get3A, %get3A_0] : memref<2000x70xf32, #tpu.memory_space<vmem>>, vector<2000x70xf32>
    %slice3A = vector.extract_strided_slice %get3A_1 {offsets = [0, 0], sizes = [2000, 6], strides = [1, 1]} : vector<2000x70xf32> to vector<2000x6xf32>
    %slice3A_2 = vector.extract_strided_slice %get3A_1 {offsets = [0, 6], sizes = [2000, 64], strides = [1, 1]} : vector<2000x70xf32> to vector<2000x64xf32>
    %get3A_3 = arith.constant 0 : index
    %get3A_4 = arith.constant 0 : index
    %get3A_5 = vector.load %arg2[%get3A_3, %get3A_4] : memref<2000x1xf32, #tpu.memory_space<vmem>>, vector<2000x1xf32>
    %iota3A = tpu.iota {dimensions = array<i32: 1>} : vector<1x8xi32>
    %convert_element_type3A = arith.sitofp %iota3A : vector<1x8xi32> to vector<1x8xf32>
    %eq3A = vector.broadcast %get3A_5 : vector<2000x1xf32> to vector<2000x8xf32>
    %eq3A_6 = vector.broadcast %convert_element_type3A : vector<1x8xf32> to vector<2000x8xf32>
    %eq3A_7 = arith.cmpf oeq, %eq3A, %eq3A_6 : vector<2000x8xf32>
    %convert_element_type3A_8 = arith.extui %eq3A_7 : vector<2000x8xi1> to vector<2000x8xi32>
    %convert_element_type3A_9 = arith.sitofp %convert_element_type3A_8 : vector<2000x8xi32> to vector<2000x8xf32>
    %get3A_10 = arith.constant 0 : index
    %get3A_11 = arith.constant 0 : index
    %get3A_12 = vector.load %arg4[%get3A_10, %get3A_11] : memref<8x16xf32, #tpu.memory_space<vmem>>, vector<8x16xf32>
    %dot_general3A = arith.constant dense<0.000000e+00> : vector<2000x16xf32>
    %dot_general3A_13 = tpu.matmul %convert_element_type3A_9, %get3A_12, %dot_general3A {dimension_numbers = #tpu.dot_dimension_numbers<[1], [0], [0], [1], [0, 0, 1, 1], [], []>, transpose_lhs_hint = false} : vector<2000x8xf32>, vector<8x16xf32>, vector<2000x16xf32> -> vector<2000x16xf32>
    %get3A_14 = arith.constant 0 : index
    %get3A_15 = arith.constant 0 : index
    %get3A_16 = vector.load %arg5[%get3A_14, %get3A_15] : memref<64x64xf32, #tpu.memory_space<vmem>>, vector<64x64xf32>
    %dot_general3A_17 = arith.constant dense<0.000000e+00> : vector<2000x64xf32>
    %dot_general3A_18 = tpu.matmul %slice3A_2, %get3A_16, %dot_general3A_17 {dimension_numbers = #tpu.dot_dimension_numbers<[1], [0], [0], [1], [0, 0, 1, 1], [], []>, transpose_lhs_hint = false} : vector<2000x64xf32>, vector<64x64xf32>, vector<2000x64xf32> -> vector<2000x64xf32>
    %get3A_19 = arith.constant 0 : index
    %get3A_20 = arith.constant 0 : index
    %get3A_21 = vector.load %arg6[%get3A_19, %get3A_20] : memref<6x64xf32, #tpu.memory_space<vmem>>, vector<6x64xf32>
    %dot_general3A_22 = arith.constant dense<0.000000e+00> : vector<2000x64xf32>
    %dot_general3A_23 = tpu.matmul %slice3A, %get3A_21, %dot_general3A_22 {dimension_numbers = #tpu.dot_dimension_numbers<[1], [0], [0], [1], [0, 0, 1, 1], [], []>, transpose_lhs_hint = false} : vector<2000x6xf32>, vector<6x64xf32>, vector<2000x64xf32> -> vector<2000x64xf32>
    %add3A = arith.addf %dot_general3A_18, %dot_general3A_23 : vector<2000x64xf32>
    %get3A_24 = arith.constant 0 : index
    %get3A_25 = arith.constant 0 : index
    %get3A_26 = vector.load %arg7[%get3A_24, %get3A_25] : memref<16x64xf32, #tpu.memory_space<vmem>>, vector<16x64xf32>
    %dot_general3A_27 = arith.constant dense<0.000000e+00> : vector<2000x64xf32>
    %dot_general3A_28 = tpu.matmul %dot_general3A_13, %get3A_26, %dot_general3A_27 {dimension_numbers = #tpu.dot_dimension_numbers<[1], [0], [0], [1], [0, 0, 1, 1], [], []>, transpose_lhs_hint = false} : vector<2000x16xf32>, vector<16x64xf32>, vector<2000x64xf32> -> vector<2000x64xf32>
    %add3A_29 = arith.addf %add3A, %dot_general3A_28 : vector<2000x64xf32>
    %get3A_30 = arith.constant 0 : index
    %get3A_31 = arith.constant 0 : index
    %get3A_32 = vector.load %arg8[%get3A_30, %get3A_31] : memref<1x64xf32, #tpu.memory_space<vmem>>, vector<1x64xf32>
    %add3A_33 = vector.broadcast %get3A_32 : vector<1x64xf32> to vector<2000x64xf32>
    %add3A_34 = arith.addf %add3A_29, %add3A_33 : vector<2000x64xf32>
    %max3A = arith.constant 0.000000e+00 : f32
    %max3A_35 = vector.broadcast %max3A : f32 to vector<2000x64xf32>
    %max3A_36 = arith.maximumf %add3A_34, %max3A_35 : vector<2000x64xf32>
    %get3A_37 = arith.constant 0 : index
    %get3A_38 = arith.constant 0 : index
    %get3A_39 = vector.load %arg9[%get3A_37, %get3A_38] : memref<64x3xf32, #tpu.memory_space<vmem>>, vector<64x3xf32>
    %dot_general3A_40 = arith.constant dense<0.000000e+00> : vector<2000x3xf32>
    %dot_general3A_41 = tpu.matmul %max3A_36, %get3A_39, %dot_general3A_40 {dimension_numbers = #tpu.dot_dimension_numbers<[1], [0], [0], [1], [0, 0, 1, 1], [], []>, transpose_lhs_hint = false} : vector<2000x64xf32>, vector<64x3xf32>, vector<2000x3xf32> -> vector<2000x3xf32>
    %get3A_42 = arith.constant 0 : index
    %get3A_43 = arith.constant 0 : index
    %get3A_44 = vector.load %arg10[%get3A_42, %get3A_43] : memref<1x3xf32, #tpu.memory_space<vmem>>, vector<1x3xf32>
    %add3A_45 = vector.broadcast %get3A_44 : vector<1x3xf32> to vector<2000x3xf32>
    %add3A_46 = arith.addf %dot_general3A_41, %add3A_45 : vector<2000x3xf32>
    %get3A_47 = arith.constant 0 : index
    %get3A_48 = arith.constant 0 : index
    %get3A_49 = arith.constant 0 : index
    %get3A_50 = vector.load %arg3[%get3A_47, %get3A_48, %get3A_49] : memref<2x2000x4xf32, #tpu.memory_space<vmem>>, vector<1x2000x4xf32>
    %get3A_51 = vector.shape_cast %get3A_50 : vector<1x2000x4xf32> to vector<2000x4xf32>
    %get3A_52 = arith.constant 1 : index
    %get3A_53 = arith.constant 0 : index
    %get3A_54 = arith.constant 0 : index
    %get3A_55 = vector.load %arg3[%get3A_52, %get3A_53, %get3A_54] : memref<2x2000x4xf32, #tpu.memory_space<vmem>>, vector<1x2000x4xf32>
    %get3A_56 = vector.shape_cast %get3A_55 : vector<1x2000x4xf32> to vector<2000x4xf32>
    %add3A_57 = arith.addf %get3A_51, %get3A_56 : vector<2000x4xf32>
    %slice3A_58 = vector.extract_strided_slice %add3A_57 {offsets = [0, 0], sizes = [2000, 3], strides = [1, 1]} : vector<2000x4xf32> to vector<2000x3xf32>
    %slice3A_59 = vector.extract_strided_slice %add3A_57 {offsets = [0, 3], sizes = [2000, 1], strides = [1, 1]} : vector<2000x4xf32> to vector<2000x1xf32>
    %max3A_60 = arith.constant 1.000000e+00 : f32
    %max3A_61 = vector.broadcast %max3A_60 : f32 to vector<2000x1xf32>
    %max3A_62 = arith.maximumf %slice3A_59, %max3A_61 : vector<2000x1xf32>
    %div3A = vector.broadcast %max3A_62 : vector<2000x1xf32> to vector<2000x3xf32>
    %div3A_63 = arith.divf %slice3A_58, %div3A : vector<2000x3xf32>
    %add3A_64 = arith.addf %add3A_46, %div3A_63 : vector<2000x3xf32>
    %broadcast_in_dim3A = arith.constant 1.000000e+00 : f32
    %broadcast_in_dim3A_65 = vector.broadcast %broadcast_in_dim3A : f32 to vector<2000x1xf32>
    %concatenate3A = tpu.concatenate %add3A_64, %get3A_1, %broadcast_in_dim3A_65 in 1 : vector<2000x3xf32>, vector<2000x70xf32>, vector<2000x1xf32> -> vector<2000x74xf32>
    %dot_general3A_66 = arith.constant dense<0.000000e+00> : vector<8x74xf32>
    %dot_general3A_67 = tpu.matmul %convert_element_type3A_9, %concatenate3A, %dot_general3A_66 {dimension_numbers = #tpu.dot_dimension_numbers<[0], [0], [1], [1], [0, 1, 1, 1], [], []>, transpose_lhs_hint = false} : vector<2000x8xf32>, vector<2000x74xf32>, vector<8x74xf32> -> vector<8x74xf32>
    %eq3A_68 = arith.constant 0 : i32
    %eq3A_69 = arith.cmpi eq, %arg0, %eq3A_68 : i32
    %convert_element_type3A_70 = arith.extui %eq3A_69 : i1 to i32
    %cond3A = arith.constant 0 : i32
    %cond3A_71 = arith.cmpi ne, %convert_element_type3A_70, %cond3A : i32
    scf.if %cond3A_71 {
      %swap3A = arith.constant 0 : index
      %swap3A_81 = arith.constant 0 : index
      %swap3A_82 = vector.load %arg16[%swap3A, %swap3A_81] : memref<8x74xf32, #tpu.memory_space<vmem>>, vector<8x74xf32>
      tpu.vector_store %arg16[%swap3A, %swap3A_81], %dot_general3A_67 {strides = array<i32>} : memref<8x74xf32, #tpu.memory_space<vmem>>, vector<8x74xf32>,
    } else {
    }
    %gt3A = arith.constant 0 : i32
    %gt3A_72 = arith.cmpi sgt, %arg0, %gt3A : i32
    %convert_element_type3A_73 = arith.extui %gt3A_72 : i1 to i32
    %cond3A_74 = arith.constant 0 : i32
    %cond3A_75 = arith.cmpi ne, %convert_element_type3A_73, %cond3A_74 : i32
    scf.if %cond3A_75 {
      %get3A_81 = arith.constant 0 : index
      %get3A_82 = arith.constant 0 : index
      %get3A_83 = vector.load %arg16[%get3A_81, %get3A_82] : memref<8x74xf32, #tpu.memory_space<vmem>>, vector<8x74xf32>
      %add3A_84 = arith.addf %get3A_83, %dot_general3A_67 : vector<8x74xf32>
      %swap3A = arith.constant 0 : index
      %swap3A_85 = arith.constant 0 : index
      %swap3A_86 = vector.load %arg16[%swap3A, %swap3A_85] : memref<8x74xf32, #tpu.memory_space<vmem>>, vector<8x74xf32>
      tpu.vector_store %arg16[%swap3A, %swap3A_85], %add3A_84 {strides = array<i32>} : memref<8x74xf32, #tpu.memory_space<vmem>>, vector<8x74xf32>,
    } else {
    }
    %eq3A_76 = arith.constant 24 : i32
    %eq3A_77 = arith.cmpi eq, %arg0, %eq3A_76 : i32
    %convert_element_type3A_78 = arith.extui %eq3A_77 : i1 to i32
    %cond3A_79 = arith.constant 0 : i32
    %cond3A_80 = arith.cmpi ne, %convert_element_type3A_78, %cond3A_79 : i32
    scf.if %cond3A_80 {
      %get3A_81 = arith.constant 0 : index
      %get3A_82 = arith.constant 0 : index
      %get3A_83 = vector.load %arg16[%get3A_81, %get3A_82] : memref<8x74xf32, #tpu.memory_space<vmem>>, vector<8x74xf32>
      %slice3A_84 = vector.extract_strided_slice %get3A_83 {offsets = [0, 0], sizes = [8, 73], strides = [1, 1]} : vector<8x74xf32> to vector<8x73xf32>
      %slice3A_85 = vector.extract_strided_slice %get3A_83 {offsets = [0, 73], sizes = [8, 1], strides = [1, 1]} : vector<8x74xf32> to vector<8x1xf32>
      %max3A_86 = arith.constant 1.000000e+00 : f32
      %max3A_87 = vector.broadcast %max3A_86 : f32 to vector<8x1xf32>
      %max3A_88 = arith.maximumf %slice3A_85, %max3A_87 : vector<8x1xf32>
      %div3A_89 = vector.broadcast %max3A_88 : vector<8x1xf32> to vector<8x73xf32>
      %div3A_90 = arith.divf %slice3A_84, %div3A_89 : vector<8x73xf32>
      %get3A_91 = arith.constant 0 : index
      %get3A_92 = arith.constant 0 : index
      %get3A_93 = vector.load %arg4[%get3A_91, %get3A_92] : memref<8x16xf32, #tpu.memory_space<vmem>>, vector<8x16xf32>
      %concatenate3A_94 = tpu.concatenate %get3A_93, %div3A_90 in 1 : vector<8x16xf32>, vector<8x73xf32> -> vector<8x89xf32>
      %get3A_95 = arith.constant 0 : index
      %get3A_96 = arith.constant 0 : index
      %get3A_97 = vector.load %arg11[%get3A_95, %get3A_96] : memref<89x64xf32, #tpu.memory_space<vmem>>, vector<89x64xf32>
      %dot_general3A_98 = arith.constant dense<0.000000e+00> : vector<8x64xf32>
      %dot_general3A_99 = tpu.matmul %concatenate3A_94, %get3A_97, %dot_general3A_98 {dimension_numbers = #tpu.dot_dimension_numbers<[1], [0], [0], [1], [0, 0, 1, 1], [], []>, transpose_lhs_hint = false} : vector<8x89xf32>, vector<89x64xf32>, vector<8x64xf32> -> vector<8x64xf32>
      %get3A_100 = arith.constant 0 : index
      %get3A_101 = arith.constant 0 : index
      %get3A_102 = vector.load %arg12[%get3A_100, %get3A_101] : memref<1x64xf32, #tpu.memory_space<vmem>>, vector<1x64xf32>
      %add3A_103 = vector.broadcast %get3A_102 : vector<1x64xf32> to vector<8x64xf32>
      %add3A_104 = arith.addf %dot_general3A_99, %add3A_103 : vector<8x64xf32>
      %max3A_105 = arith.constant 0.000000e+00 : f32
      %max3A_106 = vector.broadcast %max3A_105 : f32 to vector<8x64xf32>
      %max3A_107 = arith.maximumf %add3A_104, %max3A_106 : vector<8x64xf32>
      %get3A_108 = arith.constant 0 : index
      %get3A_109 = arith.constant 0 : index
      %get3A_110 = vector.load %arg13[%get3A_108, %get3A_109] : memref<64x16xf32, #tpu.memory_space<vmem>>, vector<64x16xf32>
      %dot_general3A_111 = arith.constant dense<0.000000e+00> : vector<8x16xf32>
      %dot_general3A_112 = tpu.matmul %max3A_107, %get3A_110, %dot_general3A_111 {dimension_numbers = #tpu.dot_dimension_numbers<[1], [0], [0], [1], [0, 0, 1, 1], [], []>, transpose_lhs_hint = false} : vector<8x64xf32>, vector<64x16xf32>, vector<8x16xf32> -> vector<8x16xf32>
      %get3A_113 = arith.constant 0 : index
      %get3A_114 = arith.constant 0 : index
      %get3A_115 = vector.load %arg14[%get3A_113, %get3A_114] : memref<1x16xf32, #tpu.memory_space<vmem>>, vector<1x16xf32>
      %add3A_116 = vector.broadcast %get3A_115 : vector<1x16xf32> to vector<8x16xf32>
      %add3A_117 = arith.addf %dot_general3A_112, %add3A_116 : vector<8x16xf32>
      %swap3A = arith.constant 0 : index
      %swap3A_118 = arith.constant 0 : index
      %swap3A_119 = vector.load %arg15[%swap3A, %swap3A_118] : memref<8x16xf32, #tpu.memory_space<vmem>>, vector<8x16xf32>
      tpu.vector_store %arg15[%swap3A, %swap3A_118], %add3A_117 {strides = array<i32>} : memref<8x16xf32, #tpu.memory_space<vmem>>, vector<8x16xf32>,
    } else {
    }
    return
  }
  func.func @transform_0(%arg0: i32) -> (i32, i32) {
    %c0_i32 = arith.constant 0 : i32
    %c0_i32_0 = arith.constant 0 : i32
    return %arg0, %c0_i32 : i32, i32
  }
  func.func @transform_1(%arg0: i32) -> (i32, i32) {
    %c0_i32 = arith.constant 0 : i32
    %c0_i32_0 = arith.constant 0 : i32
    return %arg0, %c0_i32 : i32, i32
  }
  func.func @transform_2(%arg0: i32) -> (i32, i32, i32) {
    %c0_i32 = arith.constant 0 : i32
    %c0_i32_0 = arith.constant 0 : i32
    %c0_i32_1 = arith.constant 0 : i32
    return %c0_i32, %arg0, %c0_i32_0 : i32, i32, i32
  }
  func.func @transform_3(%arg0: i32) -> (i32, i32) {
    %c0_i32 = arith.constant 0 : i32
    %c0_i32_0 = arith.constant 0 : i32
    %c0_i32_1 = arith.constant 0 : i32
    return %c0_i32, %c0_i32_0 : i32, i32
  }
  func.func @transform_4(%arg0: i32) -> (i32, i32) {
    %c0_i32 = arith.constant 0 : i32
    %c0_i32_0 = arith.constant 0 : i32
    %c0_i32_1 = arith.constant 0 : i32
    return %c0_i32, %c0_i32_0 : i32, i32
  }
  func.func @transform_5(%arg0: i32) -> (i32, i32) {
    %c0_i32 = arith.constant 0 : i32
    %c0_i32_0 = arith.constant 0 : i32
    %c0_i32_1 = arith.constant 0 : i32
    return %c0_i32, %c0_i32_0 : i32, i32
  }
  func.func @transform_6(%arg0: i32) -> (i32, i32) {
    %c0_i32 = arith.constant 0 : i32
    %c0_i32_0 = arith.constant 0 : i32
    %c0_i32_1 = arith.constant 0 : i32
    return %c0_i32, %c0_i32_0 : i32, i32
  }
  func.func @transform_7(%arg0: i32) -> (i32, i32) {
    %c0_i32 = arith.constant 0 : i32
    %c0_i32_0 = arith.constant 0 : i32
    %c0_i32_1 = arith.constant 0 : i32
    return %c0_i32, %c0_i32_0 : i32, i32
  }
  func.func @transform_8(%arg0: i32) -> (i32, i32) {
    %c0_i32 = arith.constant 0 : i32
    %c0_i32_0 = arith.constant 0 : i32
    %c0_i32_1 = arith.constant 0 : i32
    return %c0_i32, %c0_i32_0 : i32, i32
  }
  func.func @transform_9(%arg0: i32) -> (i32, i32) {
    %c0_i32 = arith.constant 0 : i32
    %c0_i32_0 = arith.constant 0 : i32
    %c0_i32_1 = arith.constant 0 : i32
    return %c0_i32, %c0_i32_0 : i32, i32
  }
  func.func @transform_10(%arg0: i32) -> (i32, i32) {
    %c0_i32 = arith.constant 0 : i32
    %c0_i32_0 = arith.constant 0 : i32
    %c0_i32_1 = arith.constant 0 : i32
    return %c0_i32, %c0_i32_0 : i32, i32
  }
  func.func @transform_11(%arg0: i32) -> (i32, i32) {
    %c0_i32 = arith.constant 0 : i32
    %c0_i32_0 = arith.constant 0 : i32
    %c0_i32_1 = arith.constant 0 : i32
    return %c0_i32, %c0_i32_0 : i32, i32
  }
  func.func @transform_12(%arg0: i32) -> (i32, i32) {
    %c0_i32 = arith.constant 0 : i32
    %c0_i32_0 = arith.constant 0 : i32
    %c0_i32_1 = arith.constant 0 : i32
    return %c0_i32, %c0_i32_0 : i32, i32
  }
  func.func @transform_13(%arg0: i32) -> (i32, i32) {
    %c0_i32 = arith.constant 0 : i32
    %c0_i32_0 = arith.constant 0 : i32
    %c0_i32_1 = arith.constant 0 : i32
    return %c0_i32, %c0_i32_0 : i32, i32
  }
  func.func @transform_14(%arg0: i32) -> (i32, i32) {
    %c0_i32 = arith.constant 0 : i32
    %c0_i32_0 = arith.constant 0 : i32
    %c0_i32_1 = arith.constant 0 : i32
    return %c0_i32, %c0_i32_0 : i32, i32
  }
}

</mosaic_0001>

<sc_bundles>
// kernel: kernel.11.cloned.1.call-start
scs
__scs_entry_jumppad:
0x0: {  	(pc) =	sbr.rel $0x88, $3  }
0x1: {  	(tag) =	ssettag $0x0;
	lr =	simm.s32 $0x1  }
0x2: {  	[smem:$0x3F8A] =	sst lr;
	_ =	strace $0xD0000000  }
0x3: {  	_ = 	snop  }
0x4: {  	_ = 	snop  }
0x5: {  	_ = 	snop  }
0x6: {  	_ = 	snop  }
0x7: {  	_ = 	snop  }
__scs_overlays_trampoline_lowered:
0x8: {  	[smem:$0x3F99] =	sst s0  }
0x9: {  	[smem:$0x3F9A] =	sst s1  }
0xa: {  	[smem:$0x3F9B] =	sst s2  }
0xb: {  	[smem:$0x3F9C] =	sst s3  }
0xc: {  	[smem:$0x3F9D] =	sst s4  }
0xd: {  	[smem:$0x3F9E] =	sst s5  }
0xe: {  	[smem:$0x3F9F] =	sst s6  }
0xf: {  	[smem:$0x3FA0] =	sst s7  }
0x10: {  	[smem:$0x3FA1] =	sst s8  }
0x11: {  	[smem:$0x3FA2] =	sst s9;
	s0 =	simm.s32 @!p0 $0x0  }
0x12: {  	s1 =	sld [smem:$0x3F88];
	s0 =	simm.s32 @p0 $0x1  }
0x13: {  	[smem:$0x3FA3] =	sst s0;
	s0 =	simm.s32 @!p1 $0x0  }
0x14: {  	s2 =	sld [smem:$0x3F87];
	s0 =	simm.s32 @p1 $0x1  }
0x15: {  	[smem:$0x3FA4] =	sst s0;
	s0 =	simm.s32 @!p2 $0x0  }
0x16: {  	s3 =	sld [smem:$0x3FDB];
	s0 =	simm.s32 @p2 $0x1  }
0x17: {  	s4 =	simm.s32 $0x1BF5;
	[smem:$0x3FA6] =	sst s0  }
0x18: {  	s0 =	sld [smem:$0x3F89];
	_ =	swait.ge [sflag:s4], $0x0  }
0x19: {  	s7 =	sld [smem:$0x3F8A]  }
0x1a: {  	s8 =	sadd.s32 $0xFFFFE003, lr  }
0x1b: {  	s9 =	sadd.s32 $0xFFFFFEF7, lr;
	s5 =	simm.s32 $0xFFFFFFFF;
	p2 =	slt.u32 s8, $0xFFFFF086  }
0x1c: {  	p1 =	slt.u32 s9, $0xF7A;
	s5 =	simm.s32 @!p2 $0x0  }
0x1d: {  	s5 =	simm.s32 @p1 $0x1;
	p0 =	seq.s32 s7, s2  }
0x1e: {  	s7 =	smul.u32 @!p0 $0xF7A, s2;
	p2 =	seq.s32 @!p0 s5, $0x0  }
0x1f: {  	s9 =	smul.u32 $0xF7A, s1;
	s8 =	simm.s32 @!p0 $0x1BF5;
	p2 =	por !p2, p0  }
0x20: {  	[sflag:s8] =	ssyncset.s32 @!p0 $0xFFFFF086;
	s6 =	sadd.s32 @!p0 s3, s7;
	s7 =	simm.s32 @!p0 $0x108  }
0x21: {  	s3 =	sadd.s32 s3, s9;
	s6 =	sadd.s32 @!p0 $0x88, s6;
	s7 =	simm.s32 @p2 $0x1082  }
0x22: {  	[simem:s7], [sflag:s8] =	dma.local @!p0 [hbm:s6], $0xF7A  }
0x23: {  	s9 =	sor.u32 $0xD0000000, s2;
	s6 =	simm.s32 $0x108;
	_ =	swait.ge @!p0 [sflag:s8], $0x0  }
0x24: {  	s3 =	sadd.s32 $0x88, s3;
	s6 =	simm.s32 @!p1 $0x1082;
	[sflag:s4] =	ssyncset.s32 $0xFFFFF086  }
0x25: {  	[simem:s6], [sflag:s4] =	dma.local [hbm:s3], $0xF7A  }
0x26: {  	[smem:$0x3F8A] =	sst s1;
	(tag) =	ssettag s2;
	_ =	strace s9  }
0x27: {  	s1 =	sld [smem:$0x3F9A]  }
0x28: {  	s2 =	sld [smem:$0x3F9B]  }
0x29: {  	s4 =	sld [smem:$0x3F9D]  }
0x2a: {  	p0 =	seq.s32 s5, $0x0;
	s5 =	sld [smem:$0x3F9E]  }
0x2b: {  	s6 =	sld [smem:$0x3F9F]  }
0x2c: {  	s7 =	sld [smem:$0x3FA0]  }
0x2d: {  	s3 =	simm.s32 $0x108;
	s8 =	sld [smem:$0x3FA1]  }
0x2e: {  	s3 =	simm.s32 @!p0 $0x1082;
	s9 =	sld [smem:$0x3FA2]  }
0x2f: {  	lr =	sadd.s32 s0, s3;
	s0 =	sld [smem:$0x3F99]  }
0x30: {  	s3 =	sld [smem:$0x3F9C]  }
0x31: {  	[smem:$0x3FA5] =	sst s10  }
0x32: {  	s10 =	sld [smem:$0x3FA3];
	_ =	sdelay $0x3  }
0x33: {  	p0 =	seq.s32 s10, $0x1;
	s10 =	sld [smem:$0x3FA5];
	_ =	sdelay $0x3  }
0x34: {  	[smem:$0x3FA5] =	sst s10  }
0x35: {  	s10 =	sld [smem:$0x3FA4];
	_ =	sdelay $0x3  }
0x36: {  	p1 =	seq.s32 s10, $0x1;
	s10 =	sld [smem:$0x3FA5];
	_ =	sdelay $0x3  }
0x37: {  	[smem:$0x3FA5] =	sst s10  }
0x38: {  	s10 =	sld [smem:$0x3FA6]  }
0x39: {  	_ = 	snop;
	(pc) =	sbr.ind lr, $3  }
0x3a: {  	_ = 	snop  }
0x3b: {  	_ = 	snop  }
0x3c: {  	p2 =	seq.s32 s10, $0x1;
	s10 =	sld [smem:$0x3FA5]  }
0x3d: {  	_ =	shalt  }
0x3e: {  	_ =	shalt  }
0x3f: {  	_ =	shalt  }
0x40: {  	_ =	shalt  }
0x41: {  	_ =	shalt  }
0x42: {  	_ =	shalt  }
0x43: {  	_ =	shalt  }
0x44: {  	_ =	shalt  }
0x45: {  	_ =	shalt  }
0x46: {  	_ =	shalt  }
0x47: {  	_ =	shalt  }
0x48: {  	_ =	shalt  }
0x49: {  	_ =	shalt  }
0x4a: {  	_ =	shalt  }
0x4b: {  	_ =	shalt  }
0x4c: {  	_ =	shalt  }
0x4d: {  	_ =	shalt  }
0x4e: {  	_ =	shalt  }
0x4f: {  	_ =	shalt  }
0x50: {  	_ =	shalt  }
0x51: {  	_ =	shalt  }
0x52: {  	_ =	shalt  }
0x53: {  	_ =	shalt  }
0x54: {  	_ =	shalt  }
0x55: {  	_ =	shalt  }
0x56: {  	_ =	shalt  }
0x57: {  	_ =	shalt  }
0x58: {  	_ =	shalt  }
0x59: {  	_ =	shalt  }
0x5a: {  	_ =	shalt  }
0x5b: {  	_ =	shalt  }
0x5c: {  	_ =	shalt  }
0x5d: {  	_ =	shalt  }
0x5e: {  	_ =	shalt  }
0x5f: {  	_ =	shalt  }
0x60: {  	_ =	shalt  }
0x61: {  	_ =	shalt  }
0x62: {  	_ =	shalt  }
0x63: {  	_ =	shalt  }
0x64: {  	_ =	shalt  }
0x65: {  	_ =	shalt  }
0x66: {  	_ =	shalt  }
0x67: {  	_ =	shalt  }
0x68: {  	_ =	shalt  }
0x69: {  	_ =	shalt  }
0x6a: {  	_ =	shalt  }
0x6b: {  	_ =	shalt  }
0x6c: {  	_ =	shalt  }
0x6d: {  	_ =	shalt  }
0x6e: {  	_ =	shalt  }
0x6f: {  	_ =	shalt  }
0x70: {  	_ =	shalt  }
0x71: {  	_ =	shalt  }
0x72: {  	_ =	shalt  }
0x73: {  	_ =	shalt  }
0x74: {  	_ =	shalt  }
0x75: {  	_ =	shalt  }
0x76: {  	_ =	shalt  }
0x77: {  	_ =	shalt  }
0x78: {  	_ =	shalt  }
0x79: {  	_ =	shalt  }
0x7a: {  	_ =	shalt  }
0x7b: {  	_ =	shalt  }
0x7c: {  	_ =	shalt  }
0x7d: {  	_ =	shalt  }
0x7e: {  	_ =	shalt  }
0x7f: {  	_ =	shalt  }
0x80: {  	_ =	shalt  }
0x81: {  	_ =	shalt  }
0x82: {  	_ =	shalt  }
0x83: {  	_ =	shalt  }
0x84: {  	_ =	shalt  }
0x85: {  	_ =	shalt  }
0x86: {  	_ =	shalt  }
0x87: {  	_ =	shalt  }
.Lfunc_end0:
.L_simem_size_0:
called_computation.1_lowered:
.L_overlay_start_0:
0x88: {  	s2 =	sld [smem:$0x3FD9]  }
0x89: {  	s3 =	sld [smem:$0x3FFE];
	_ =	sdelay $0x1  }
0x8a: {  	s1 =	srdreg.scid  }
0x8b: {  	s0 =	sand.u32 $0x1, s1  }
0x8c: {  	s17 =	sshll.u32 s0, $0xA;
	s2 =	sadd.s32 s3, s2  }
0x8d: {  	s2 =	sadd.s32 s2, s17  }
0x8e: {  	[smem:$0x3FB1] =	sst s2  }
0x8f: {  	_ = 	snop  }
0x90: {  	(tm) =	ssettm $0x1  }
0x91: {  	s18 =	sld [smem:$0x3FFB];
	_ =	sdelay $0x3  }
0x92: {  	_ =	strace s18  }
0x93: {  	s2 =	sld [smem:$0x3FFC];
	_ =	sdelay $0x3  }
0x94: {  	_ =	strace s2  }
0x95: {  	s2 =	sld [smem:$0x3FFD];
	_ =	sdelay $0x3  }
0x96: {  	_ =	strace s2  }
0x97: {  	_ =	strace $0x8FFFFFFF  }
0x98: {  	s19 =	sld [smem:$0x3FDB];
	_ =	sdelay $0x1  }
0x99: {  	s20 =	simm.s32 $_scs_section_size  }
0x9a: {  	s4 =	simm.s32 $_size__tile_overlayer_lowered;
	s5 =	simm.s32 $_tile_overlayer_lowered  }
0x9b: {  	s6 =	simm.s32 $0x1BFF;
	s21 =	sshll.u32 s5, $0x1;
	s3 =	sadd.s32 s20, s19  }
0x9c: {  	s22 =	simm.s32 $0x0;
	s4 =	sshll.u32 s4, $0x1;
	s5 =	sadd.s32 s21, s3  }
0x9d: {  	[timem:s22], [sflag:s6] =	dma.local [hbm:s5], s4  }
0x9e: {  	_ =	swait.ge [sflag:s6], s4  }
0x9f: {  	s4 =	ssub.s32 $0x0, s4;
	[sflag:s6] =	ssyncset.done $0x0  }
0xa0: {  	[sflag:s6] =	ssyncadd.s32 s4;
	_ =	sdelay $0x1  }
0xa1: {  	s23 =	simm.s32 $0x1B8B  }
0xa2: {  	_ =	swait.ge [sflag:s23], $0x1  }
0xa3: {  	[sflag:s23] =	ssyncset.done $0x0  }
0xa4: {  	[sflag:s23] =	ssyncadd.s32 $0xFFFFFFFF  }
0xa5: {  	s4 =	sld [smem:$0x0]  }
0xa6: {  	s5 =	sand.u32 $0xFFFFFFFE, s1  }
0xa7: {  	p0 =	sne.s32 s1, s5  }
0xa8: {  	s5 =	sshll.u32 @p0 s5, $0xE  }
0xa9: {  	s5 =	sadd.s32 @p0 $0x11B8D, s5;
	s6 =	sshll.u32 @p0 s4, $0x11  }
0xaa: {  	s5 =	sor.u32 @p0 s6, s5  }
0xab: {  	[sflag:s5] =	ssyncadd.remote.s32 @p0 $0x1;
	_ =	sdelay $0x1  }
0xac: {  	s5 =	simm.s32 @p0 $0x1B8D  }
0xad: {  	_ =	swait.eq @p0 [sflag:s5], $0x1  }
0xae: {  	[sflag:s5] =	ssyncadd.s32 @p0 $0xFFFFFFFF  }
0xaf: {  	s6 =	sshll.u32 @!p0 s1, $0xE  }
0xb0: {  	s6 =	sor.u32 @!p0 $0x4000, s6;
	s5 =	simm.s32 @!p0 $0x1B8D  }
0xb1: {  	s4 =	sshll.u32 @!p0 s4, $0x11;
	s6 =	sadd.s32 @!p0 $0x11B8D, s6;
	_ =	swait.eq @!p0 [sflag:s5], $0x1  }
0xb2: {  	s4 =	sor.u32 @!p0 s4, s6;
	[sflag:s5] =	ssyncadd.s32 @!p0 $0xFFFFFFFF  }
0xb3: {  	s25 =	simm.s32 $0x1B8E;
	s24 =	sld [smem:$0x3FFE];
	[sflag:s4] =	ssyncadd.remote.s32 @!p0 $0x1  }
0xb4: {  	s26 =	simm.s32 $execute0_lowered;
	[smem:$0x3FD2] =	sst s25  }
0xb5: {  	s5 =	sshll.u32 s26, $0x1;
	_ =	strace $0x80000049;
	[dreg:$0x1] =	wrdreg $0xFFFFFFFF  }
0xb6: {  	s28 =	simm.s32 $_size_execute0_lowered;
	s3 =	sadd.s32 s3, s5;
	[dreg:$0x0] =	wrdreg $0x0  }
0xb7: {  	s5 =	sshll.u32 s28, $0x1;
	[dreg:$0x2] =	wrdreg s3  }
0xb8: {  	[dreg:$0x3] =	wrdreg s5  }
0xb9: {  	[dreg:$0x4] =	wrdreg $0xC0  }
0xba: {  	_ =	task [dreg:s22], $0x5FFFF  }
0xbb: {  	[dreg:$0x1] =	wrdreg $0xFFFFFFFF  }
0xbc: {  	[dreg:$0x0] =	wrdreg $0x60  }
0xbd: {  	[dreg:$0x2] =	wrdreg s24  }
0xbe: {  	[dreg:$0x3] =	wrdreg $0xA  }
0xbf: {  	_ =	task.clear_ibuf [dreg:s22], $0x4FFFF;
	_ =	strace $0x90000049  }
0xc0: {  	s29 =	simm.s32 $0xA;
	_ =	strace $0x8000004B  }
0xc1: {  	_ =	swait.ge [sflag:s29], $0x1  }
0xc2: {  	[sflag:s29] =	ssyncadd.s32 $0xFFFFFFFF  }
0xc3: {  	_ =	strace $0x9000004B  }
0xc4: {  	_ =	sfence  }
0xc5: {  	s30 =	sld [smem:$0x0];
	_ =	sdelay $0x2  }
0xc6: {  	s31 =	sshll.u32 s1, $0xD;
	s1 =	sshrl.u32 s1, $0x2  }
0xc7: {  	s4 =	sand.u32 $0x4000, s31;
	s1 =	sadd.s32 s1, s30  }
0xc8: {  	s0 =	sor.u32 s4, s0;
	s1 =	sshll.u32 s1, $0x11  }
0xc9: {  	s0 =	sor.u32 s1, s0  }
0xca: {  	s0 =	sadd.s32 $0x8F2B, s0  }
0xcb: {  	[sflag:s0] =	ssyncadd.remote.s32 $0x1  }
0xcc: {  	_ =	sfence.sel $0xFFFF  }
0xcd: {  	[dreg:$0x0] =	wrdreg $0xFFFFFFFF;
	(pc) =	sbr.abs _section_cstart, $3  }
0xce: {  	[dreg:$0x1] =	wrdreg $0xFFFFFFFF  }
0xcf: {  	_ =	task.clear_ibuf [dreg:s22], $0x2FFFF;
	_ =	strace $0x9FFFFFFF  }
0xd0: {  	(tm) =	ssettm $0x7FFFFFFF  }
0xd1: {  	_ =	shalt  }
tec
execute0_lowered:
.L_overlay_start_1:
0x0: {  	(tag) =	ssettag $0x1  }
0x1: {  	s4 =	rddreg [dreg:$0x0]  }
0x2: {  	s0 =	rddreg [dreg:$0x1];
	s1 =	simm.s32 $0x0  }
0x3: {  	s6 =	srdreg.scid;
	s2 =	stileid.u32;
	s30 =	simm.s32 $0x80  }
0x4: {  	s31 =	simm.s32 $0x200;
	s10 =	simm.s32 $0x280;
	s11 =	simm.s32 $0x4280  }
0x5: {  	s12 =	simm.s32 $0x8280;
	s13 =	simm.s32 $0xC280;
	s14 =	simm.s32 $0x6  }
0x6: {  	s15 =	simm.s32 $0x7;
	s16 =	simm.s32 $0x8;
	s17 =	simm.s32 $0x9  }
0x7: {  	s18 =	simm.s32 $0xA;
	[smem:$0x7FF] =	sst s1;
	s5 =	sadd.s32 $0x3EFC00, s4  }
0x8: {  	s19 =	simm.s32 $0x0;
	_ =	strace $0x8000004A;
	[dreg:$0x2] =	wrdreg s5  }
0x9: {  	s3 =	sadd.s32 $0x4CC200, s4;
	s26 =	sand.u32 $0x1, s6;
	[dreg:$0x5] =	wrdreg s30  }
0xa: {  	s28 =	smul.u32 $0xA, s2;
	s4 =	sadd.s32 $0x120F800, s4;
	[dreg:$0x6] =	wrdreg s31  }
0xb: {  	s8 =	smul.u32 $0xBE, s2;
	s7 =	ssub.s32 $0x2, s26;
	[dreg:$0x7] =	wrdreg s10  }
0xc: {  	p0 =	seq.s32 s26, $0x0;
	s5 =	simm.s32 $0x26;
	[dreg:$0x8] =	wrdreg s11  }
0xd: {  	s10 =	simm.s32 $0x2;
	s11 =	simm.s32 $0x3;
	[dreg:$0x9] =	wrdreg s12  }
0xe: {  	s12 =	simm.s32 $0x4;
	[dreg:$0xa] =	wrdreg s13;
	s13 =	simm.s32 $0x5  }
0xf: {  	s6 =	sadd.s32 $0xBE0, s28;
	s9 =	sshrl.u32 s7, $0x1;
	s5 =	simm.s32 @!p0 $0x2  }
0x10: {  	s6 =	smov.u32 @p0 s8;
	s7 =	ssub.s32 s7, s9;
	s29 =	sshll.u32 s5, $0x1  }
0x11: {  	s8 =	simm.s32 $0x10280;
	s9 =	simm.s32 $0x1;
	[dreg:$0x3] =	wrdreg s6  }
0x12: {  	[dreg:$0x4] =	wrdreg s29;
	s6 =	smax.u32 s7, $0x1;
	s7 =	simm.s32 $0xB  }
.LBB2_1:
0x13: {  	s20 =	simm.s32 $0x0;
	s21 =	simm.s32 $0x0  }
.LBB2_2:
0x14: {  	(drf) =	sdiv.u32 s21, s5;
	_ =	sdelay $0x7  }
0x15: {  	s23 =	smul.u32 $0x5, s20  }
0x16: {  	s22 =	rddreg [dreg:$0x3];
	s24 =	spop (drf)  }
0x17: {  	s22 =	sadd.s32 s22, s23;
	s26 =	smul.u32 $0x64000, s24  }
0x18: {  	s22 =	sshll.u32 s22, $0x7  }
0x19: {  	s22 =	sadd.s32 s26, s22  }
0x1a: {  	s28 =	rddreg [dreg:$0x2];
	s23 =	sshrl.u32 s22, $0x3  }
0x1b: {  	s23 =	sadd.s32 s28, s23  }
0x1c: {  	[tilespmem:s1], [sflag:$0xB] =	stream.linear.gather [hbm4b:s23+s1], $0x280, $0x38;
	[tilespmem:$0x14280] =	vst v63  }
0x1d: {  	_ =	swait.ge [sflag:s7], $0x280  }
0x1e: {  	p0 =	sne.s32 s21, $0x0;
	[sflag:s7] =	ssyncset.done $0x0  }
0x1f: {  	s23 =	simm.s32 @p0 $0x6;
	[sflag:s7] =	ssyncadd.s32 $0xFFFFFD80  }
0x20: {  	_ =	swait.ge @p0 [sflag:s23], $0x4000  }
0x21: {  	s25 =	simm.s32 @p0 $0x280;
	[sflag:s23] =	ssyncset.done @p0 $0x0  }
0x22: {  	s24 =	simm.s32 @p0 $0x0;
	[sflag:s23] =	ssyncadd.s32 @p0 $0xFFFFC000;
	s23 =	simm.s32 @p0 $0x80  }
0x23: {  	[tilespmem:s25], [sflag:$0x1] =	stream.indirect.gather @p0 [hbm4b:s3+s23], $0x80, s24, s23, $0xb8;
	[tilespmem:$0x14280] =	vst v63  }
0x24: {  	s24 =	simm.s32 @p0 $0x7  }
0x25: {  	_ =	swait.ge @p0 [sflag:s24], $0x4000  }
0x26: {  	[sflag:s24] =	ssyncset.done @p0 $0x0  }
0x27: {  	[sflag:s24] =	ssyncadd.s32 @p0 $0xFFFFC000;
	s24 =	simm.s32 @p0 $0x4280  }
0x28: {  	[tilespmem:s24], [sflag:$0x2] =	stream.indirect.gather @p0 [hbm4b:s3+s23], $0x80, s23, s23, $0xb8;
	[tilespmem:$0x14280] =	vst v63  }
0x29: {  	s24 =	simm.s32 @p0 $0x8  }
0x2a: {  	_ =	swait.ge @p0 [sflag:s24], $0x4000  }
0x2b: {  	[sflag:s24] =	ssyncset.done @p0 $0x0  }
0x2c: {  	s25 =	simm.s32 @p0 $0x8280;
	[sflag:s24] =	ssyncadd.s32 @p0 $0xFFFFC000;
	s24 =	simm.s32 @p0 $0x100  }
0x2d: {  	[tilespmem:s25], [sflag:$0x3] =	stream.indirect.gather @p0 [hbm4b:s3+s23], $0x80, s24, s23, $0xb8;
	[tilespmem:$0x14280] =	vst v63  }
0x2e: {  	s24 =	simm.s32 @p0 $0x9  }
0x2f: {  	_ =	swait.ge @p0 [sflag:s24], $0x4000  }
0x30: {  	[sflag:s24] =	ssyncset.done @p0 $0x0  }
0x31: {  	s25 =	simm.s32 @p0 $0xC280;
	[sflag:s24] =	ssyncadd.s32 @p0 $0xFFFFC000;
	s24 =	simm.s32 @p0 $0x180  }
0x32: {  	[tilespmem:s25], [sflag:$0x4] =	stream.indirect.gather @p0 [hbm4b:s3+s23], $0x80, s24, s23, $0xb8;
	[tilespmem:$0x14280] =	vst v63  }
0x33: {  	s23 =	simm.s32 @p0 $0xA  }
0x34: {  	_ =	swait.ge @p0 [sflag:s23], $0x4000  }
0x35: {  	s24 =	simm.s32 @!p0 $0x0;
	[sflag:s23] =	ssyncset.done @p0 $0x0  }
0x36: {  	s25 =	simm.s32 @!p0 $0x280;
	[sflag:s23] =	ssyncadd.s32 @p0 $0xFFFFC000;
	s23 =	simm.s32 @!p0 $0x80  }
0x37: {  	[tilespmem:s25], [sflag:$0x1] =	stream.indirect.gather @!p0 [hbm4b:s3+s23], $0x80, s24, s23, $0xb8;
	[tilespmem:$0x14280] =	vst v63  }
0x38: {  	s24 =	simm.s32 @!p0 $0x4280  }
0x39: {  	[tilespmem:s24], [sflag:$0x2] =	stream.indirect.gather @!p0 [hbm4b:s3+s23], $0x80, s23, s23, $0xb8;
	[tilespmem:$0x14280] =	vst v63  }
0x3a: {  	s25 =	simm.s32 @!p0 $0x8280;
	s24 =	simm.s32 @!p0 $0x100  }
0x3b: {  	[tilespmem:s25], [sflag:$0x3] =	stream.indirect.gather @!p0 [hbm4b:s3+s23], $0x80, s24, s23, $0xb8;
	[tilespmem:$0x14280] =	vst v63  }
0x3c: {  	s26 =	simm.s32 @!p0 $0xC280;
	s29 =	rddreg [dreg:$0x5];
	s25 =	simm.s32 @!p0 $0x180  }
0x3d: {  	[tilespmem:s26], [sflag:$0x4] =	stream.indirect.gather @!p0 [hbm4b:s3+s23], $0x80, s25, s23, $0xb8;
	[tilespmem:$0x14280] =	vst v63  }
0x3e: {  	s28 =	rddreg [dreg:$0x6]  }
0x3f: {  	[tilespmem:s8], [sflag:$0x5] =	stream.indirect.gather [hbm4b:s3+s29], $0x80, s28, s29, $0xb8;
	[tilespmem:$0x14280] =	vst v63  }
0x40: {  	s22 =	sshll.u32 s22, $0x4;
	_ =	swait.ge [sflag:s9], $0x4000  }
0x41: {  	s31 =	sand.u32 $0x1FFFF800, s22;
	[sflag:s9] =	ssyncset.done $0x0  }
0x42: {  	s24 =	sadd.s32 s4, s31;
	s30 =	rddreg [dreg:$0x7];
	[sflag:s9] =	ssyncadd.s32 $0xFFFFC000  }
0x43: {  	[hbm4b:s24+s1] =	stream.linear.scatter [tilespmem:s30], [sflag:$0x6], $0x4000, $0x38;
	[tilespmem:$0x14280] =	vst v63  }
0x44: {  	s24 =	sadd.s32 $0x800, s22;
	_ =	swait.ge [sflag:s10], $0x4000  }
0x45: {  	s23 =	sand.u32 $0x1FFFF800, s24;
	[sflag:s10] =	ssyncset.done $0x0  }
0x46: {  	s25 =	rddreg [dreg:$0x8];
	s23 =	sadd.s32 s4, s23;
	[sflag:s10] =	ssyncadd.s32 $0xFFFFC000  }
0x47: {  	[hbm4b:s23+s1] =	stream.linear.scatter [tilespmem:s25], [sflag:$0x7], $0x4000, $0x38;
	[tilespmem:$0x14280] =	vst v63  }
0x48: {  	s26 =	sadd.s32 $0x1000, s22;
	_ =	swait.ge [sflag:s11], $0x4000  }
0x49: {  	s23 =	sand.u32 $0x1FFFF800, s26;
	[sflag:s11] =	ssyncset.done $0x0  }
0x4a: {  	s23 =	sadd.s32 s4, s23;
	s28 =	rddreg [dreg:$0x9];
	[sflag:s11] =	ssyncadd.s32 $0xFFFFC000  }
0x4b: {  	[hbm4b:s23+s1] =	stream.linear.scatter [tilespmem:s28], [sflag:$0x8], $0x4000, $0x38;
	[tilespmem:$0x14280] =	vst v63  }
0x4c: {  	s29 =	sadd.s32 $0x1800, s22;
	_ =	swait.ge [sflag:s12], $0x4000  }
0x4d: {  	s23 =	sand.u32 $0x1FFFF800, s29;
	[sflag:s12] =	ssyncset.done $0x0  }
0x4e: {  	s23 =	sadd.s32 s4, s23;
	s30 =	rddreg [dreg:$0xa];
	[sflag:s12] =	ssyncadd.s32 $0xFFFFC000  }
0x4f: {  	[hbm4b:s23+s1] =	stream.linear.scatter [tilespmem:s30], [sflag:$0x9], $0x4000, $0x38;
	[tilespmem:$0x14280] =	vst v63  }
0x50: {  	_ =	swait.ge [sflag:s13], $0x4000  }
0x51: {  	s21 =	sadd.s32 $0x1, s21;
	s31 =	rddreg [dreg:$0x4]  }
0x52: {  	p1 =	sne.s32 s31, s21  }
.Ltmp0:
0x53: {  	_ = 	snop;
	(pc) =	sbr.rel @p1 .LBB2_2-.Ltmp0, $4  }
0x54: {  	s20 =	sadd.s32 $0x1, s20;
	s22 =	sadd.s32 $0x2000, s22  }
0x55: {  	p0 =	seq.s32 s20, s5;
	s22 =	sand.u32 $0x1FFFF800, s22;
	[sflag:s13] =	ssyncset.done $0x0  }
0x56: {  	s20 =	simm.s32 @p0 $0x0;
	s22 =	sadd.s32 s4, s22;
	[sflag:s13] =	ssyncadd.s32 $0xFFFFC000  }
0x57: {  	[hbm4b:s22+s1] =	stream.linear.scatter [tilespmem:s8], [sflag:$0xA], $0x4000, $0x38;
	[tilespmem:$0x14280] =	vst v63  }
0x58: {  	_ =	swait.ge [sflag:s14], $0x4000  }
0x59: {  	[sflag:s14] =	ssyncset.done $0x0  }
0x5a: {  	[sflag:s14] =	ssyncadd.s32 $0xFFFFC000  }
0x5b: {  	_ =	swait.ge [sflag:s15], $0x4000  }
0x5c: {  	[sflag:s15] =	ssyncset.done $0x0  }
0x5d: {  	[sflag:s15] =	ssyncadd.s32 $0xFFFFC000  }
0x5e: {  	_ =	swait.ge [sflag:s16], $0x4000  }
0x5f: {  	[sflag:s16] =	ssyncset.done $0x0  }
0x60: {  	s19 =	sadd.s32 $0x1, s19;
	[sflag:s16] =	ssyncadd.s32 $0xFFFFC000  }
0x61: {  	p0 =	sne.s32 s19, s6;
	_ =	swait.ge [sflag:s17], $0x4000  }
.Ltmp1:
0x62: {  	[sflag:s17] =	ssyncset.done $0x0;
	(pc) =	sbr.rel @p0 .LBB2_1-.Ltmp1, $4  }
0x63: {  	[sflag:s17] =	ssyncadd.s32 $0xFFFFC000  }
0x64: {  	_ =	swait.ge [sflag:s18], $0x4000  }
0x65: {  	[sflag:s18] =	ssyncset.done $0x0  }
0x66: {  	[sflag:s18] =	ssyncadd.s32 $0xFFFFC000  }
0x67: {  	_ =	sfence.sel $0x180000  }
0x68: {  	[bflag:$0x0] =	sbarrier.arrive $0xFFFF  }
0x69: {  	p0 =	sne.s32 s2, $0x0;
	_ =	strace $0x9000004A  }
0x6a: {  	s0 =	sadd.s32 @!p0 $0x100000, s0;
	[bflag:$0x2] =	sbarrier.arrive $0xFFFF  }
0x6b: {  	[sflag:s0] =	ssyncadd.tile.s32 @!p0 $0x1;
	_ =	shalt  }
.Lfunc_end2:
_tile_overlayer_lowered:
.L_overlay_start_2:
0x6c: {  	(tag) =	ssettag $0x2  }
0x6d: {  	s0 =	rddreg [dreg:$0x0];
	s2 =	stileid.u32  }
0x6e: {  	s1 =	rddreg [dreg:$0x1];
	p0 =	sne.s32 s2, $0x0  }
0x6f: {  	s3 =	rddreg [dreg:$0x2];
	[bflag:$0x3] =	sbarrier.arrive $0xFFFF;
	s2 =	simm.s32 @!p0 $0x1C0B  }
0x70: {  	[timem:s3], [sflag:s2] =	dma.local @!p0 [hbm:s0], s1  }
0x71: {  	s0 =	simm.s32 @!p0 $0xB  }
0x72: {  	_ =	swait.ge @!p0 [sflag:s0], s1  }
0x73: {  	s1 =	ssub.s32 @!p0 $0x0, s1;
	[sflag:s0] =	ssyncset.done @!p0 $0x0  }
0x74: {  	[sflag:s0] =	ssyncadd.s32 @!p0 s1  }
0x75: {  	[bflag:$0x3] =	sbarrier.arrive $0xFFFF  }
0x76: {  	_ =	shalt  }

// kernel: kernel.14.cloned.1.call-start
scs
__scs_entry_jumppad:
0x0: {  	(pc) =	sbr.rel $0x88, $3  }
0x1: {  	(tag) =	ssettag $0x0;
	lr =	simm.s32 $0x1  }
0x2: {  	[smem:$0x3F8A] =	sst lr;
	_ =	strace $0xD0000000  }
0x3: {  	_ = 	snop  }
0x4: {  	_ = 	snop  }
0x5: {  	_ = 	snop  }
0x6: {  	_ = 	snop  }
0x7: {  	_ = 	snop  }
__scs_overlays_trampoline_lowered:
0x8: {  	[smem:$0x3F99] =	sst s0  }
0x9: {  	[smem:$0x3F9A] =	sst s1  }
0xa: {  	[smem:$0x3F9B] =	sst s2  }
0xb: {  	[smem:$0x3F9C] =	sst s3  }
0xc: {  	[smem:$0x3F9D] =	sst s4  }
0xd: {  	[smem:$0x3F9E] =	sst s5  }
0xe: {  	[smem:$0x3F9F] =	sst s6  }
0xf: {  	[smem:$0x3FA0] =	sst s7  }
0x10: {  	[smem:$0x3FA1] =	sst s8  }
0x11: {  	[smem:$0x3FA2] =	sst s9;
	s0 =	simm.s32 @!p0 $0x0  }
0x12: {  	s1 =	sld [smem:$0x3F88];
	s0 =	simm.s32 @p0 $0x1  }
0x13: {  	[smem:$0x3FA3] =	sst s0;
	s0 =	simm.s32 @!p1 $0x0  }
0x14: {  	s2 =	sld [smem:$0x3F87];
	s0 =	simm.s32 @p1 $0x1  }
0x15: {  	[smem:$0x3FA4] =	sst s0;
	s0 =	simm.s32 @!p2 $0x0  }
0x16: {  	s3 =	sld [smem:$0x3FDB];
	s0 =	simm.s32 @p2 $0x1  }
0x17: {  	s4 =	simm.s32 $0x1BF5;
	[smem:$0x3FA6] =	sst s0  }
0x18: {  	s0 =	sld [smem:$0x3F89];
	_ =	swait.ge [sflag:s4], $0x0  }
0x19: {  	s7 =	sld [smem:$0x3F8A]  }
0x1a: {  	s8 =	sadd.s32 $0xFFFFE003, lr  }
0x1b: {  	s9 =	sadd.s32 $0xFFFFFEF7, lr;
	s5 =	simm.s32 $0xFFFFFFFF;
	p2 =	slt.u32 s8, $0xFFFFF086  }
0x1c: {  	p1 =	slt.u32 s9, $0xF7A;
	s5 =	simm.s32 @!p2 $0x0  }
0x1d: {  	s5 =	simm.s32 @p1 $0x1;
	p0 =	seq.s32 s7, s2  }
0x1e: {  	s7 =	smul.u32 @!p0 $0xF7A, s2;
	p2 =	seq.s32 @!p0 s5, $0x0  }
0x1f: {  	s9 =	smul.u32 $0xF7A, s1;
	s8 =	simm.s32 @!p0 $0x1BF5;
	p2 =	por !p2, p0  }
0x20: {  	[sflag:s8] =	ssyncset.s32 @!p0 $0xFFFFF086;
	s6 =	sadd.s32 @!p0 s3, s7;
	s7 =	simm.s32 @!p0 $0x108  }
0x21: {  	s3 =	sadd.s32 s3, s9;
	s6 =	sadd.s32 @!p0 $0x88, s6;
	s7 =	simm.s32 @p2 $0x1082  }
0x22: {  	[simem:s7], [sflag:s8] =	dma.local @!p0 [hbm:s6], $0xF7A  }
0x23: {  	s9 =	sor.u32 $0xD0000000, s2;
	s6 =	simm.s32 $0x108;
	_ =	swait.ge @!p0 [sflag:s8], $0x0  }
0x24: {  	s3 =	sadd.s32 $0x88, s3;
	s6 =	simm.s32 @!p1 $0x1082;
	[sflag:s4] =	ssyncset.s32 $0xFFFFF086  }
0x25: {  	[simem:s6], [sflag:s4] =	dma.local [hbm:s3], $0xF7A  }
0x26: {  	[smem:$0x3F8A] =	sst s1;
	(tag) =	ssettag s2;
	_ =	strace s9  }
0x27: {  	s1 =	sld [smem:$0x3F9A]  }
0x28: {  	s2 =	sld [smem:$0x3F9B]  }
0x29: {  	s4 =	sld [smem:$0x3F9D]  }
0x2a: {  	p0 =	seq.s32 s5, $0x0;
	s5 =	sld [smem:$0x3F9E]  }
0x2b: {  	s6 =	sld [smem:$0x3F9F]  }
0x2c: {  	s7 =	sld [smem:$0x3FA0]  }
0x2d: {  	s3 =	simm.s32 $0x108;
	s8 =	sld [smem:$0x3FA1]  }
0x2e: {  	s3 =	simm.s32 @!p0 $0x1082;
	s9 =	sld [smem:$0x3FA2]  }
0x2f: {  	lr =	sadd.s32 s0, s3;
	s0 =	sld [smem:$0x3F99]  }
0x30: {  	s3 =	sld [smem:$0x3F9C]  }
0x31: {  	[smem:$0x3FA5] =	sst s10  }
0x32: {  	s10 =	sld [smem:$0x3FA3];
	_ =	sdelay $0x3  }
0x33: {  	p0 =	seq.s32 s10, $0x1;
	s10 =	sld [smem:$0x3FA5];
	_ =	sdelay $0x3  }
0x34: {  	[smem:$0x3FA5] =	sst s10  }
0x35: {  	s10 =	sld [smem:$0x3FA4];
	_ =	sdelay $0x3  }
0x36: {  	p1 =	seq.s32 s10, $0x1;
	s10 =	sld [smem:$0x3FA5];
	_ =	sdelay $0x3  }
0x37: {  	[smem:$0x3FA5] =	sst s10  }
0x38: {  	s10 =	sld [smem:$0x3FA6]  }
0x39: {  	_ = 	snop;
	(pc) =	sbr.ind lr, $3  }
0x3a: {  	_ = 	snop  }
0x3b: {  	_ = 	snop  }
0x3c: {  	p2 =	seq.s32 s10, $0x1;
	s10 =	sld [smem:$0x3FA5]  }
0x3d: {  	_ =	shalt  }
0x3e: {  	_ =	shalt  }
0x3f: {  	_ =	shalt  }
0x40: {  	_ =	shalt  }
0x41: {  	_ =	shalt  }
0x42: {  	_ =	shalt  }
0x43: {  	_ =	shalt  }
0x44: {  	_ =	shalt  }
0x45: {  	_ =	shalt  }
0x46: {  	_ =	shalt  }
0x47: {  	_ =	shalt  }
0x48: {  	_ =	shalt  }
0x49: {  	_ =	shalt  }
0x4a: {  	_ =	shalt  }
0x4b: {  	_ =	shalt  }
0x4c: {  	_ =	shalt  }
0x4d: {  	_ =	shalt  }
0x4e: {  	_ =	shalt  }
0x4f: {  	_ =	shalt  }
0x50: {  	_ =	shalt  }
0x51: {  	_ =	shalt  }
0x52: {  	_ =	shalt  }
0x53: {  	_ =	shalt  }
0x54: {  	_ =	shalt  }
0x55: {  	_ =	shalt  }
0x56: {  	_ =	shalt  }
0x57: {  	_ =	shalt  }
0x58: {  	_ =	shalt  }
0x59: {  	_ =	shalt  }
0x5a: {  	_ =	shalt  }
0x5b: {  	_ =	shalt  }
0x5c: {  	_ =	shalt  }
0x5d: {  	_ =	shalt  }
0x5e: {  	_ =	shalt  }
0x5f: {  	_ =	shalt  }
0x60: {  	_ =	shalt  }
0x61: {  	_ =	shalt  }
0x62: {  	_ =	shalt  }
0x63: {  	_ =	shalt  }
0x64: {  	_ =	shalt  }
0x65: {  	_ =	shalt  }
0x66: {  	_ =	shalt  }
0x67: {  	_ =	shalt  }
0x68: {  	_ =	shalt  }
0x69: {  	_ =	shalt  }
0x6a: {  	_ =	shalt  }
0x6b: {  	_ =	shalt  }
0x6c: {  	_ =	shalt  }
0x6d: {  	_ =	shalt  }
0x6e: {  	_ =	shalt  }
0x6f: {  	_ =	shalt  }
0x70: {  	_ =	shalt  }
0x71: {  	_ =	shalt  }
0x72: {  	_ =	shalt  }
0x73: {  	_ =	shalt  }
0x74: {  	_ =	shalt  }
0x75: {  	_ =	shalt  }
0x76: {  	_ =	shalt  }
0x77: {  	_ =	shalt  }
0x78: {  	_ =	shalt  }
0x79: {  	_ =	shalt  }
0x7a: {  	_ =	shalt  }
0x7b: {  	_ =	shalt  }
0x7c: {  	_ =	shalt  }
0x7d: {  	_ =	shalt  }
0x7e: {  	_ =	shalt  }
0x7f: {  	_ =	shalt  }
0x80: {  	_ =	shalt  }
0x81: {  	_ =	shalt  }
0x82: {  	_ =	shalt  }
0x83: {  	_ =	shalt  }
0x84: {  	_ =	shalt  }
0x85: {  	_ =	shalt  }
0x86: {  	_ =	shalt  }
0x87: {  	_ =	shalt  }
.Lfunc_end0:
.L_simem_size_0:
called_computation.2_lowered:
.L_overlay_start_0:
0x88: {  	s2 =	sld [smem:$0x3FD9]  }
0x89: {  	s3 =	sld [smem:$0x3FFE];
	_ =	sdelay $0x1  }
0x8a: {  	s1 =	srdreg.scid  }
0x8b: {  	s0 =	sand.u32 $0x1, s1  }
0x8c: {  	s14 =	sshll.u32 s0, $0xA;
	s2 =	sadd.s32 s3, s2  }
0x8d: {  	s2 =	sadd.s32 s2, s14  }
0x8e: {  	[smem:$0x3FB1] =	sst s2  }
0x8f: {  	_ = 	snop  }
0x90: {  	s2 =	sld [smem:$0x3FD0];
	_ =	sdelay $0x2  }
0x91: {  	s15 =	simm.s32 $0xB;
	s4 =	simm.s32 $0x10  }
0x92: {  	[smem:s4], [sflag:s15] =	dma.local [hbm:s2], $0x1  }
0x93: {  	_ =	swait.eq [sflag:s15], $0x1  }
0x94: {  	[sflag:s15] =	ssyncset.done $0x0  }
0x95: {  	[sflag:s15] =	ssyncadd.s32 $0xFFFFFFFF  }
0x96: {  	s16 =	sld [smem:$0x10];
	(tm) =	ssettm $0x1  }
0x97: {  	s17 =	sld [smem:$0x3FFB];
	_ =	sdelay $0x3  }
0x98: {  	_ =	strace s17  }
0x99: {  	s3 =	sld [smem:$0x3FFC];
	_ =	sdelay $0x3  }
0x9a: {  	_ =	strace s3  }
0x9b: {  	s3 =	sld [smem:$0x3FFD];
	_ =	sdelay $0x3  }
0x9c: {  	_ =	strace s3  }
0x9d: {  	_ =	strace $0x8FFFFFFF  }
0x9e: {  	s18 =	sld [smem:$0x3FDB];
	_ =	sdelay $0x1  }
0x9f: {  	s19 =	simm.s32 $_scs_section_size  }
0xa0: {  	s5 =	simm.s32 $_size__tile_overlayer_lowered;
	s6 =	simm.s32 $_tile_overlayer_lowered  }
0xa1: {  	s22 =	simm.s32 $0x1BFF;
	s21 =	sshll.u32 s6, $0x1;
	s3 =	sadd.s32 s19, s18  }
0xa2: {  	s7 =	simm.s32 $0x0;
	s20 =	sshll.u32 s5, $0x1;
	s5 =	sadd.s32 s21, s3  }
0xa3: {  	[timem:s7], [sflag:s22] =	dma.local [hbm:s5], s20  }
0xa4: {  	_ =	swait.ge [sflag:s22], s20  }
0xa5: {  	s4 =	ssub.s32 $0x0, s20;
	[sflag:s22] =	ssyncset.done $0x0  }
0xa6: {  	[sflag:s22] =	ssyncadd.s32 s4;
	_ =	sdelay $0x1  }
0xa7: {  	s23 =	simm.s32 $0x1B8B  }
0xa8: {  	_ =	swait.ge [sflag:s23], $0x1  }
0xa9: {  	[sflag:s23] =	ssyncset.done $0x0  }
0xaa: {  	s25 =	simm.s32 $0x1B8E;
	s24 =	sld [smem:$0x3FFE];
	[sflag:s23] =	ssyncadd.s32 $0xFFFFFFFF  }
0xab: {  	s26 =	simm.s32 $execute0_lowered;
	[smem:$0x3FD2] =	sst s25  }
0xac: {  	s5 =	sshll.u32 s26, $0x1;
	_ =	strace $0x8000004C;
	[dreg:$0x1] =	wrdreg $0xFFFFFFFF  }
0xad: {  	s28 =	simm.s32 $_size_execute0_lowered;
	s3 =	sadd.s32 s3, s5;
	[dreg:$0x0] =	wrdreg $0x0  }
0xae: {  	s5 =	sshll.u32 s28, $0x1;
	[dreg:$0x2] =	wrdreg s3  }
0xaf: {  	[dreg:$0x3] =	wrdreg s5  }
0xb0: {  	[dreg:$0x4] =	wrdreg $0xC0  }
0xb1: {  	_ =	task [dreg:s7], $0x5FFFF  }
0xb2: {  	[dreg:$0x1] =	wrdreg $0xFFFFFFFF  }
0xb3: {  	[dreg:$0x0] =	wrdreg $0x60  }
0xb4: {  	[dreg:$0x2] =	wrdreg s24  }
0xb5: {  	[dreg:$0x3] =	wrdreg s16  }
0xb6: {  	[dreg:$0x4] =	wrdreg $0x24000  }
0xb7: {  	[dreg:$0x5] =	wrdreg $0x9  }
0xb8: {  	_ =	task.clear_ibuf [dreg:s7], $0x6FFFF;
	_ =	strace $0x9000004C  }
0xb9: {  	s29 =	simm.s32 $0x9;
	_ =	strace $0x8000004E  }
0xba: {  	_ =	swait.ge [sflag:s29], $0x1  }
0xbb: {  	[sflag:s29] =	ssyncadd.s32 $0xFFFFFFFF  }
0xbc: {  	_ =	strace $0x9000004E  }
0xbd: {  	_ =	sfence  }
0xbe: {  	s30 =	sld [smem:$0x0];
	_ =	sdelay $0x2  }
0xbf: {  	s31 =	sshll.u32 s1, $0xD;
	s1 =	sshrl.u32 s1, $0x2  }
0xc0: {  	s3 =	sand.u32 $0x4000, s31;
	s1 =	sadd.s32 s1, s30  }
0xc1: {  	s0 =	sor.u32 s3, s0;
	s1 =	sshll.u32 s1, $0x11  }
0xc2: {  	s0 =	sor.u32 s1, s0  }
0xc3: {  	s0 =	sadd.s32 $0x8F2B, s0  }
0xc4: {  	[sflag:s0] =	ssyncadd.remote.s32 $0x1  }
0xc5: {  	_ =	sfence.sel $0xFFFF  }
0xc6: {  	[dreg:$0x0] =	wrdreg $0xFFFFFFFF;
	(pc) =	sbr.abs _section_cstart, $3  }
0xc7: {  	[dreg:$0x1] =	wrdreg $0xFFFFFFFF  }
0xc8: {  	_ =	task.clear_ibuf [dreg:s7], $0x2FFFF;
	_ =	strace $0x9FFFFFFF  }
0xc9: {  	(tm) =	ssettm $0x7FFFFFFF  }
tec
execute0_lowered:
.L_overlay_start_1:
0x0: {  	(tag) =	ssettag $0x1  }
0x1: {  	s0 =	rddreg [dreg:$0x0]  }
0x2: {  	s1 =	srdreg.scid;
	s4 =	rddreg [dreg:$0x1]  }
0x3: {  	s12 =	stileid.u32;
	s2 =	rddreg [dreg:$0x2];
	s3 =	simm.s32 $0x0  }
0x4: {  	s13 =	simm.s32 $0x800;
	s14 =	simm.s32 $0x100;
	s15 =	simm.s32 $0xC00  }
0x5: {  	s16 =	simm.s32 $0x180;
	s17 =	simm.s32 $0x1000;
	s18 =	simm.s32 $0x200  }
0x6: {  	s19 =	simm.s32 $0x1400;
	s20 =	simm.s32 $0x280;
	s5 =	smul.u32 $0x64000, s12  }
0x7: {  	s28 =	simm.s32 $0x2;
	s29 =	simm.s32 $0x3;
	s7 =	smul.u32 $0x6400, s12  }
0x8: {  	s30 =	simm.s32 $0x4;
	s1 =	sand.u32 $0x1, s1;
	s10 =	smul.u32 $0xC800, s12  }
0x9: {  	s31 =	simm.s32 $0x5;
	[smem:$0x7FF] =	sst s3;
	s6 =	smul.u32 $0x32000, s1  }
0xa: {  	s23 =	sshll.u32 s12, $0x6;
	s12 =	simm.s32 $0x80;
	s8 =	smul.u32 $0x64000, s1  }
0xb: {  	_ =	strace $0x8000004D;
	s9 =	ssub.s32 $0x2, s1;
	s1 =	smul.u32 $0x6400, s1  }
0xc: {  	s21 =	sshrl.u32 s7, $0x3;
	s11 =	sshrl.u32 s9, $0x1;
	s5 =	sadd.s32 s6, s5  }
0xd: {  	s6 =	sadd.s32 s21, s0;
	s8 =	sadd.s32 s7, s8;
	s22 =	ssub.s32 s9, s11  }
0xe: {  	s7 =	sadd.s32 s7, s2;
	s1 =	sadd.s32 s1, s10;
	s10 =	simm.s32 $0x9  }
0xf: {  	s11 =	simm.s32 $0x400;
	s21 =	simm.s32 $0x1800;
	s5 =	sshrl.u32 s5, $0x3  }
0x10: {  	s8 =	sshrl.u32 s8, $0x3;
	s6 =	sadd.s32 $0x408E00, s6;
	s24 =	sshrl.u32 s1, $0x3  }
0x11: {  	s25 =	smax.u32 s22, $0x1;
	s7 =	sshrl.u32 s7, $0x3;
	[dreg:$0x5] =	wrdreg s6  }
0x12: {  	s22 =	simm.s32 $0x300;
	s5 =	sadd.s32 s5, s0;
	[dreg:$0x8] =	wrdreg s25  }
0x13: {  	s0 =	sadd.s32 s8, s0;
	s6 =	sor.u32 $0x1C09, s23;
	[dreg:$0xa] =	wrdreg s7  }
0x14: {  	s1 =	simm.s32 $0x6;
	s0 =	sadd.s32 $0x191400, s0;
	[dreg:$0x6] =	wrdreg s6  }
0x15: {  	s23 =	simm.s32 $0x1C00;
	s26 =	sadd.s32 $0xC9400, s5;
	[dreg:$0x7] =	wrdreg s0  }
0x16: {  	s25 =	simm.s32 $0x2000;
	s8 =	simm.s32 $0x0;
	[dreg:$0x9] =	wrdreg s26  }
0x17: {  	s0 =	sadd.s32 s24, s4;
	s24 =	simm.s32 $0x380;
	s26 =	simm.s32 $0x1  }
0x18: {  	s4 =	simm.s32 $0x8;
	[dreg:$0x4] =	wrdreg s0;
	s0 =	simm.s32 $0x7  }
.LBB2_1:
0x19: {  	[dreg:$0xb] =	wrdreg s8  }
0x1a: {  	s5 =	rddreg [dreg:$0x5]  }
0x1b: {  	[spmem:s7], [sflag:s6] =	dma.local [hbm:s5], $0xC80  }
0x1c: {  	_ =	swait.ge [sflag:s10], $0xC80  }
0x1d: {  	[sflag:s10] =	ssyncset.done $0x0  }
0x1e: {  	[sflag:s10] =	ssyncadd.s32 $0xFFFFF380  }
0x1f: {  	[bflag:$0x0] =	sbarrier.arrive $0xFFFF  }
0x20: {  	s9 =	rddreg [dreg:$0x4]  }
0x21: {  	s5 =	sadd.s32 $0x0, s9  }
0x22: {  	[tilespmem:s3], [sflag:$0x9] =	stream.linear.gather [hbm4b:s5+s3], $0x400, $0x38;
	[tilespmem:$0x5600] =	vst v63  }
0x23: {  	_ =	swait.ge [sflag:s10], $0x400  }
0x24: {  	[sflag:s10] =	ssyncset.done $0x0  }
0x25: {  	s8 =	rddreg [dreg:$0x9];
	[sflag:s10] =	ssyncadd.s32 $0xFFFFFC00  }
0x26: {  	[tilespmem:s11], [sflag:$0x9] =	stream.linear.gather [hbm4b:s8+s3], $0x2000, $0x38;
	[tilespmem:$0x5600] =	vst v63  }
0x27: {  	_ =	swait.ge [sflag:s10], $0x2000  }
0x28: {  	[sflag:s10] =	ssyncset.done $0x0  }
0x29: {  	[sflag:s10] =	ssyncadd.s32 $0xFFFFE000  }
0x2a: {  	[spmem:s2] =	stream.indirect.scatter.add.f32 [tilespmem:s11], [sflag:$0x1], $0x4, s3, s12, $0xb8;
	[tilespmem:$0x5600] =	vst v63  }
0x2b: {  	_ = 	snop  }
0x2c: {  	[spmem:s2] =	stream.indirect.scatter.add.f32 [tilespmem:s13], [sflag:$0x2], $0x4, s12, s12, $0xb8;
	[tilespmem:$0x5600] =	vst v63  }
0x2d: {  	_ = 	snop  }
0x2e: {  	[spmem:s2] =	stream.indirect.scatter.add.f32 [tilespmem:s15], [sflag:$0x3], $0x4, s14, s12, $0xb8;
	[tilespmem:$0x5600] =	vst v63  }
0x2f: {  	_ = 	snop  }
0x30: {  	[spmem:s2] =	stream.indirect.scatter.add.f32 [tilespmem:s17], [sflag:$0x4], $0x4, s16, s12, $0xb8;
	[tilespmem:$0x5600] =	vst v63  }
0x31: {  	_ = 	snop  }
0x32: {  	[spmem:s2] =	stream.indirect.scatter.add.f32 [tilespmem:s19], [sflag:$0x5], $0x4, s18, s12, $0xb8;
	[tilespmem:$0x5600] =	vst v63  }
0x33: {  	_ = 	snop  }
0x34: {  	[spmem:s2] =	stream.indirect.scatter.add.f32 [tilespmem:s21], [sflag:$0x6], $0x4, s20, s12, $0xb8;
	[tilespmem:$0x5600] =	vst v63  }
0x35: {  	_ = 	snop  }
0x36: {  	[spmem:s2] =	stream.indirect.scatter.add.f32 [tilespmem:s23], [sflag:$0x7], $0x4, s22, s12, $0xb8;
	[tilespmem:$0x5600] =	vst v63  }
0x37: {  	_ = 	snop  }
0x38: {  	[spmem:s2] =	stream.indirect.scatter.add.f32 [tilespmem:s25], [sflag:$0x8], $0x4, s24, s12, $0xb8;
	[tilespmem:$0x5600] =	vst v63  }
0x39: {  	_ =	swait.ge [sflag:s26], $0x200  }
0x3a: {  	[sflag:s26] =	ssyncset.done $0x0  }
0x3b: {  	[sflag:s26] =	ssyncadd.s32 $0xFFFFFE00  }
0x3c: {  	_ =	swait.ge [sflag:s28], $0x200  }
0x3d: {  	[sflag:s28] =	ssyncset.done $0x0  }
0x3e: {  	[sflag:s28] =	ssyncadd.s32 $0xFFFFFE00  }
0x3f: {  	_ =	swait.ge [sflag:s29], $0x200  }
0x40: {  	[sflag:s29] =	ssyncset.done $0x0  }
0x41: {  	[sflag:s29] =	ssyncadd.s32 $0xFFFFFE00  }
0x42: {  	_ =	swait.ge [sflag:s30], $0x200  }
0x43: {  	[sflag:s30] =	ssyncset.done $0x0  }
0x44: {  	[sflag:s30] =	ssyncadd.s32 $0xFFFFFE00  }
0x45: {  	_ =	swait.ge [sflag:s31], $0x200  }
0x46: {  	[sflag:s31] =	ssyncset.done $0x0  }
0x47: {  	[sflag:s31] =	ssyncadd.s32 $0xFFFFFE00  }
0x48: {  	_ =	swait.ge [sflag:s1], $0x200  }
0x49: {  	[sflag:s1] =	ssyncset.done $0x0  }
0x4a: {  	[sflag:s1] =	ssyncadd.s32 $0xFFFFFE00  }
0x4b: {  	_ =	swait.ge [sflag:s0], $0x200  }
0x4c: {  	[sflag:s0] =	ssyncset.done $0x0  }
0x4d: {  	[sflag:s0] =	ssyncadd.s32 $0xFFFFFE00  }
0x4e: {  	s7 =	simm.s32 $0x100;
	_ =	swait.ge [sflag:s4], $0x200  }
0x4f: {  	s5 =	simm.s32 $0x80;
	s9 =	rddreg [dreg:$0x4];
	[sflag:s4] =	ssyncset.done $0x0  }
.LBB2_2:
0x50: {  	[sflag:s4] =	ssyncadd.s32 $0xFFFFFE00;
	s9 =	sadd.s32 s5, s9  }
0x51: {  	[tilespmem:s3], [sflag:$0x9] =	stream.linear.gather [hbm4b:s9+s3], $0x400, $0x38;
	[tilespmem:$0x5600] =	vst v63  }
0x52: {  	_ =	swait.ge [sflag:s10], $0x400  }
0x53: {  	[sflag:s10] =	ssyncset.done $0x0  }
0x54: {  	s8 =	sadd.s32 $0x400, s8;
	[sflag:s10] =	ssyncadd.s32 $0xFFFFFC00  }
0x55: {  	[tilespmem:s11], [sflag:$0x9] =	stream.linear.gather [hbm4b:s8+s3], $0x2000, $0x38;
	[tilespmem:$0x5600] =	vst v63  }
0x56: {  	_ =	swait.ge [sflag:s10], $0x2000  }
0x57: {  	[sflag:s10] =	ssyncset.done $0x0  }
0x58: {  	[sflag:s10] =	ssyncadd.s32 $0xFFFFE000  }
0x59: {  	[spmem:s2] =	stream.indirect.scatter.add.f32 [tilespmem:s11], [sflag:$0x1], $0x4, s3, s12, $0xb8;
	[tilespmem:$0x5600] =	vst v63  }
0x5a: {  	_ = 	snop  }
0x5b: {  	[spmem:s2] =	stream.indirect.scatter.add.f32 [tilespmem:s13], [sflag:$0x2], $0x4, s12, s12, $0xb8;
	[tilespmem:$0x5600] =	vst v63  }
0x5c: {  	_ = 	snop  }
0x5d: {  	[spmem:s2] =	stream.indirect.scatter.add.f32 [tilespmem:s15], [sflag:$0x3], $0x4, s14, s12, $0xb8;
	[tilespmem:$0x5600] =	vst v63  }
0x5e: {  	_ = 	snop  }
0x5f: {  	[spmem:s2] =	stream.indirect.scatter.add.f32 [tilespmem:s17], [sflag:$0x4], $0x4, s16, s12, $0xb8;
	[tilespmem:$0x5600] =	vst v63  }
0x60: {  	_ = 	snop  }
0x61: {  	[spmem:s2] =	stream.indirect.scatter.add.f32 [tilespmem:s19], [sflag:$0x5], $0x4, s18, s12, $0xb8;
	[tilespmem:$0x5600] =	vst v63  }
0x62: {  	_ = 	snop  }
0x63: {  	[spmem:s2] =	stream.indirect.scatter.add.f32 [tilespmem:s21], [sflag:$0x6], $0x4, s20, s12, $0xb8;
	[tilespmem:$0x5600] =	vst v63  }
0x64: {  	_ = 	snop  }
0x65: {  	[spmem:s2] =	stream.indirect.scatter.add.f32 [tilespmem:s23], [sflag:$0x7], $0x4, s22, s12, $0xb8;
	[tilespmem:$0x5600] =	vst v63  }
0x66: {  	_ = 	snop  }
0x67: {  	[spmem:s2] =	stream.indirect.scatter.add.f32 [tilespmem:s25], [sflag:$0x8], $0x4, s24, s12, $0xb8;
	[tilespmem:$0x5600] =	vst v63  }
0x68: {  	_ =	swait.ge [sflag:s26], $0x200  }
0x69: {  	[sflag:s26] =	ssyncset.done $0x0  }
0x6a: {  	[sflag:s26] =	ssyncadd.s32 $0xFFFFFE00  }
0x6b: {  	_ =	swait.ge [sflag:s28], $0x200  }
0x6c: {  	[sflag:s28] =	ssyncset.done $0x0  }
0x6d: {  	[sflag:s28] =	ssyncadd.s32 $0xFFFFFE00  }
0x6e: {  	_ =	swait.ge [sflag:s29], $0x200  }
0x6f: {  	[sflag:s29] =	ssyncset.done $0x0  }
0x70: {  	[sflag:s29] =	ssyncadd.s32 $0xFFFFFE00  }
0x71: {  	_ =	swait.ge [sflag:s30], $0x200  }
0x72: {  	[sflag:s30] =	ssyncset.done $0x0  }
0x73: {  	[sflag:s30] =	ssyncadd.s32 $0xFFFFFE00  }
0x74: {  	_ =	swait.ge [sflag:s31], $0x200  }
0x75: {  	[sflag:s31] =	ssyncset.done $0x0  }
0x76: {  	[sflag:s31] =	ssyncadd.s32 $0xFFFFFE00  }
0x77: {  	_ =	swait.ge [sflag:s1], $0x200  }
0x78: {  	[sflag:s1] =	ssyncset.done $0x0  }
0x79: {  	p0 =	sne.s32 s7, $0xC00;
	[sflag:s1] =	ssyncadd.s32 $0xFFFFFE00  }
.Ltmp0:
0x7a: {  	_ =	swait.ge [sflag:s0], $0x200;
	(pc) =	sbr.rel @p0 .LBB2_2-.Ltmp0, $4  }
0x7b: {  	[sflag:s0] =	ssyncset.done $0x0  }
0x7c: {  	[sflag:s0] =	ssyncadd.s32 $0xFFFFFE00  }
0x7d: {  	s6 =	smov.u32 s7;
	s7 =	sadd.s32 $0x80, s7;
	_ =	swait.ge [sflag:s4], $0x200  }
0x7e: {  	s5 =	smov.u32 s6;
	s9 =	rddreg [dreg:$0x4];
	[sflag:s4] =	ssyncset.done $0x0  }
0x7f: {  	s5 =	sadd.s32 s5, s9;
	[sflag:s4] =	ssyncadd.s32 $0xFFFFFE00  }
0x80: {  	[tilespmem:s3], [sflag:$0x9] =	stream.linear.gather [hbm4b:s5+s3], $0x400, $0x38;
	[tilespmem:$0x5600] =	vst v63  }
0x81: {  	_ =	swait.ge [sflag:s10], $0x400  }
0x82: {  	[sflag:s10] =	ssyncset.done $0x0  }
0x83: {  	s8 =	sadd.s32 $0x400, s8;
	[sflag:s10] =	ssyncadd.s32 $0xFFFFFC00  }
0x84: {  	[tilespmem:s11], [sflag:$0x9] =	stream.linear.gather [hbm4b:s8+s3], $0x2000, $0x38;
	[tilespmem:$0x5600] =	vst v63  }
0x85: {  	_ =	swait.ge [sflag:s10], $0x2000  }
0x86: {  	[sflag:s10] =	ssyncset.done $0x0  }
0x87: {  	[sflag:s10] =	ssyncadd.s32 $0xFFFFE000  }
0x88: {  	[spmem:s2] =	stream.indirect.scatter.add.f32 [tilespmem:s11], [sflag:$0x1], $0x4, s3, s12, $0xb8;
	[tilespmem:$0x5600] =	vst v63  }
0x89: {  	_ = 	snop  }
0x8a: {  	[spmem:s2] =	stream.indirect.scatter.add.f32 [tilespmem:s13], [sflag:$0x2], $0x4, s12, s12, $0xb8;
	[tilespmem:$0x5600] =	vst v63  }
0x8b: {  	_ = 	snop  }
0x8c: {  	[spmem:s2] =	stream.indirect.scatter.add.f32 [tilespmem:s15], [sflag:$0x3], $0x4, s14, s12, $0xb8;
	[tilespmem:$0x5600] =	vst v63  }
0x8d: {  	_ = 	snop  }
0x8e: {  	[spmem:s2] =	stream.indirect.scatter.add.f32 [tilespmem:s17], [sflag:$0x4], $0x4, s16, s12, $0xb8;
	[tilespmem:$0x5600] =	vst v63  }
0x8f: {  	_ = 	snop  }
0x90: {  	[spmem:s2] =	stream.indirect.scatter.add.f32 [tilespmem:s19], [sflag:$0x5], $0x4, s18, s12, $0xb8;
	[tilespmem:$0x5600] =	vst v63  }
0x91: {  	_ = 	snop  }
0x92: {  	[spmem:s2] =	stream.indirect.scatter.add.f32 [tilespmem:s21], [sflag:$0x6], $0x4, s20, s12, $0xb8;
	[tilespmem:$0x5600] =	vst v63  }
0x93: {  	_ = 	snop  }
0x94: {  	[spmem:s2] =	stream.indirect.scatter.add.f32 [tilespmem:s23], [sflag:$0x7], $0x4, s22, s12, $0xb8;
	[tilespmem:$0x5600] =	vst v63  }
0x95: {  	_ = 	snop  }
0x96: {  	[spmem:s2] =	stream.indirect.scatter.add.f32 [tilespmem:s25], [sflag:$0x8], $0x4, s24, s12, $0xb8;
	[tilespmem:$0x5600] =	vst v63  }
0x97: {  	_ =	swait.ge [sflag:s26], $0x200  }
0x98: {  	[sflag:s26] =	ssyncset.done $0x0  }
0x99: {  	[sflag:s26] =	ssyncadd.s32 $0xFFFFFE00  }
0x9a: {  	_ =	swait.ge [sflag:s28], $0x200  }
0x9b: {  	[sflag:s28] =	ssyncset.done $0x0  }
0x9c: {  	[sflag:s28] =	ssyncadd.s32 $0xFFFFFE00  }
0x9d: {  	_ =	swait.ge [sflag:s29], $0x200  }
0x9e: {  	[sflag:s29] =	ssyncset.done $0x0  }
0x9f: {  	[sflag:s29] =	ssyncadd.s32 $0xFFFFFE00  }
0xa0: {  	_ =	swait.ge [sflag:s30], $0x200  }
0xa1: {  	[sflag:s30] =	ssyncset.done $0x0  }
0xa2: {  	[sflag:s30] =	ssyncadd.s32 $0xFFFFFE00  }
0xa3: {  	_ =	swait.ge [sflag:s31], $0x200  }
0xa4: {  	[sflag:s31] =	ssyncset.done $0x0  }
0xa5: {  	[sflag:s31] =	ssyncadd.s32 $0xFFFFFE00  }
0xa6: {  	_ =	swait.ge [sflag:s1], $0x200  }
0xa7: {  	[sflag:s1] =	ssyncset.done $0x0  }
0xa8: {  	[sflag:s1] =	ssyncadd.s32 $0xFFFFFE00  }
0xa9: {  	_ =	swait.ge [sflag:s0], $0x200  }
0xaa: {  	[sflag:s0] =	ssyncset.done $0x0  }
0xab: {  	[sflag:s0] =	ssyncadd.s32 $0xFFFFFE00  }
0xac: {  	_ =	swait.ge [sflag:s4], $0x200  }
0xad: {  	[sflag:s4] =	ssyncset.done $0x0  }
0xae: {  	[sflag:s4] =	ssyncadd.s32 $0xFFFFFE00  }
0xaf: {  	[bflag:$0x0] =	sbarrier.arrive $0xFFFF  }
0xb0: {  	s6 =	rddreg [dreg:$0x6]  }
0xb1: {  	s9 =	rddreg [dreg:$0x7]  }
0xb2: {  	s7 =	rddreg [dreg:$0xa]  }
0xb3: {  	[hbm:s9], [sflag:s6] =	dma.local [spmem:s7], $0xC80  }
0xb4: {  	_ =	swait.ge [sflag:s10], $0xC80  }
0xb5: {  	s5 =	rddreg [dreg:$0xb]  }
0xb6: {  	s9 =	rddreg [dreg:$0x8];
	s8 =	sadd.s32 $0x1, s5  }
0xb7: {  	p0 =	sne.s32 s8, s9  }
.Ltmp1:
0xb8: {  	_ = 	snop;
	(pc) =	sbr.rel @p0 .LBB2_1-.Ltmp1, $3  }
0xb9: {  	_ =	sdelay $0x1  }
0xba: {  	[sflag:s10] =	ssyncset.done $0x0  }
0xbb: {  	[sflag:s10] =	ssyncadd.s32 $0xFFFFF380  }
0xbc: {  	_ =	sfence.sel $0x180000  }
0xbd: {  	[bflag:$0x0] =	sbarrier.arrive $0xFFFF  }
0xbe: {  	_ =	strace $0x9000004D  }
0xbf: {  	s0 =	stileid.u32;
	[bflag:$0x2] =	sbarrier.arrive $0xFFFF  }
0xc0: {  	p0 =	sne.s32 s0, $0x0;
	s0 =	rddreg [dreg:$0x3]  }
0xc1: {  	s0 =	sadd.s32 @!p0 $0x100000, s0  }
0xc2: {  	[sflag:s0] =	ssyncadd.tile.s32 @!p0 $0x1;
	_ =	shalt  }
.Lfunc_end2:
_tile_overlayer_lowered:
.L_overlay_start_2:
0xc3: {  	(tag) =	ssettag $0x2  }
0xc4: {  	s0 =	rddreg [dreg:$0x0];
	s2 =	stileid.u32  }
0xc5: {  	s1 =	rddreg [dreg:$0x1];
	p0 =	sne.s32 s2, $0x0  }
0xc6: {  	s3 =	rddreg [dreg:$0x2];
	[bflag:$0x3] =	sbarrier.arrive $0xFFFF;
	s2 =	simm.s32 @!p0 $0x1C09  }
0xc7: {  	[timem:s3], [sflag:s2] =	dma.local @!p0 [hbm:s0], s1  }
0xc8: {  	s0 =	simm.s32 @!p0 $0x9  }
0xc9: {  	_ =	swait.ge @!p0 [sflag:s0], s1  }
0xca: {  	s1 =	ssub.s32 @!p0 $0x0, s1;
	[sflag:s0] =	ssyncset.done @!p0 $0x0  }
0xcb: {  	[sflag:s0] =	ssyncadd.s32 @!p0 s1  }
0xcc: {  	[bflag:$0x3] =	sbarrier.arrive $0xFFFF  }
0xcd: {  	_ =	shalt  }

// kernel: kernel.8.cloned.1.call-start
scs
__scs_entry_jumppad:
0x0: {  	(pc) =	sbr.rel $0x88, $3  }
0x1: {  	(tag) =	ssettag $0x0;
	lr =	simm.s32 $0x1  }
0x2: {  	[smem:$0x3F8A] =	sst lr;
	_ =	strace $0xD0000000  }
0x3: {  	_ = 	snop  }
0x4: {  	_ = 	snop  }
0x5: {  	_ = 	snop  }
0x6: {  	_ = 	snop  }
0x7: {  	_ = 	snop  }
__scs_overlays_trampoline_lowered:
0x8: {  	[smem:$0x3F99] =	sst s0  }
0x9: {  	[smem:$0x3F9A] =	sst s1  }
0xa: {  	[smem:$0x3F9B] =	sst s2  }
0xb: {  	[smem:$0x3F9C] =	sst s3  }
0xc: {  	[smem:$0x3F9D] =	sst s4  }
0xd: {  	[smem:$0x3F9E] =	sst s5  }
0xe: {  	[smem:$0x3F9F] =	sst s6  }
0xf: {  	[smem:$0x3FA0] =	sst s7  }
0x10: {  	[smem:$0x3FA1] =	sst s8  }
0x11: {  	[smem:$0x3FA2] =	sst s9;
	s0 =	simm.s32 @!p0 $0x0  }
0x12: {  	s1 =	sld [smem:$0x3F88];
	s0 =	simm.s32 @p0 $0x1  }
0x13: {  	[smem:$0x3FA3] =	sst s0;
	s0 =	simm.s32 @!p1 $0x0  }
0x14: {  	s2 =	sld [smem:$0x3F87];
	s0 =	simm.s32 @p1 $0x1  }
0x15: {  	[smem:$0x3FA4] =	sst s0;
	s0 =	simm.s32 @!p2 $0x0  }
0x16: {  	s3 =	sld [smem:$0x3FDB];
	s0 =	simm.s32 @p2 $0x1  }
0x17: {  	s4 =	simm.s32 $0x1BF5;
	[smem:$0x3FA6] =	sst s0  }
0x18: {  	s0 =	sld [smem:$0x3F89];
	_ =	swait.ge [sflag:s4], $0x0  }
0x19: {  	s7 =	sld [smem:$0x3F8A]  }
0x1a: {  	s8 =	sadd.s32 $0xFFFFE003, lr  }
0x1b: {  	s9 =	sadd.s32 $0xFFFFFEF7, lr;
	s5 =	simm.s32 $0xFFFFFFFF;
	p2 =	slt.u32 s8, $0xFFFFF086  }
0x1c: {  	p1 =	slt.u32 s9, $0xF7A;
	s5 =	simm.s32 @!p2 $0x0  }
0x1d: {  	s5 =	simm.s32 @p1 $0x1;
	p0 =	seq.s32 s7, s2  }
0x1e: {  	s7 =	smul.u32 @!p0 $0xF7A, s2;
	p2 =	seq.s32 @!p0 s5, $0x0  }
0x1f: {  	s9 =	smul.u32 $0xF7A, s1;
	s8 =	simm.s32 @!p0 $0x1BF5;
	p2 =	por !p2, p0  }
0x20: {  	[sflag:s8] =	ssyncset.s32 @!p0 $0xFFFFF086;
	s6 =	sadd.s32 @!p0 s3, s7;
	s7 =	simm.s32 @!p0 $0x108  }
0x21: {  	s3 =	sadd.s32 s3, s9;
	s6 =	sadd.s32 @!p0 $0x88, s6;
	s7 =	simm.s32 @p2 $0x1082  }
0x22: {  	[simem:s7], [sflag:s8] =	dma.local @!p0 [hbm:s6], $0xF7A  }
0x23: {  	s9 =	sor.u32 $0xD0000000, s2;
	s6 =	simm.s32 $0x108;
	_ =	swait.ge @!p0 [sflag:s8], $0x0  }
0x24: {  	s3 =	sadd.s32 $0x88, s3;
	s6 =	simm.s32 @!p1 $0x1082;
	[sflag:s4] =	ssyncset.s32 $0xFFFFF086  }
0x25: {  	[simem:s6], [sflag:s4] =	dma.local [hbm:s3], $0xF7A  }
0x26: {  	[smem:$0x3F8A] =	sst s1;
	(tag) =	ssettag s2;
	_ =	strace s9  }
0x27: {  	s1 =	sld [smem:$0x3F9A]  }
0x28: {  	s2 =	sld [smem:$0x3F9B]  }
0x29: {  	s4 =	sld [smem:$0x3F9D]  }
0x2a: {  	p0 =	seq.s32 s5, $0x0;
	s5 =	sld [smem:$0x3F9E]  }
0x2b: {  	s6 =	sld [smem:$0x3F9F]  }
0x2c: {  	s7 =	sld [smem:$0x3FA0]  }
0x2d: {  	s3 =	simm.s32 $0x108;
	s8 =	sld [smem:$0x3FA1]  }
0x2e: {  	s3 =	simm.s32 @!p0 $0x1082;
	s9 =	sld [smem:$0x3FA2]  }
0x2f: {  	lr =	sadd.s32 s0, s3;
	s0 =	sld [smem:$0x3F99]  }
0x30: {  	s3 =	sld [smem:$0x3F9C]  }
0x31: {  	[smem:$0x3FA5] =	sst s10  }
0x32: {  	s10 =	sld [smem:$0x3FA3];
	_ =	sdelay $0x3  }
0x33: {  	p0 =	seq.s32 s10, $0x1;
	s10 =	sld [smem:$0x3FA5];
	_ =	sdelay $0x3  }
0x34: {  	[smem:$0x3FA5] =	sst s10  }
0x35: {  	s10 =	sld [smem:$0x3FA4];
	_ =	sdelay $0x3  }
0x36: {  	p1 =	seq.s32 s10, $0x1;
	s10 =	sld [smem:$0x3FA5];
	_ =	sdelay $0x3  }
0x37: {  	[smem:$0x3FA5] =	sst s10  }
0x38: {  	s10 =	sld [smem:$0x3FA6]  }
0x39: {  	_ = 	snop;
	(pc) =	sbr.ind lr, $3  }
0x3a: {  	_ = 	snop  }
0x3b: {  	_ = 	snop  }
0x3c: {  	p2 =	seq.s32 s10, $0x1;
	s10 =	sld [smem:$0x3FA5]  }
0x3d: {  	_ =	shalt  }
0x3e: {  	_ =	shalt  }
0x3f: {  	_ =	shalt  }
0x40: {  	_ =	shalt  }
0x41: {  	_ =	shalt  }
0x42: {  	_ =	shalt  }
0x43: {  	_ =	shalt  }
0x44: {  	_ =	shalt  }
0x45: {  	_ =	shalt  }
0x46: {  	_ =	shalt  }
0x47: {  	_ =	shalt  }
0x48: {  	_ =	shalt  }
0x49: {  	_ =	shalt  }
0x4a: {  	_ =	shalt  }
0x4b: {  	_ =	shalt  }
0x4c: {  	_ =	shalt  }
0x4d: {  	_ =	shalt  }
0x4e: {  	_ =	shalt  }
0x4f: {  	_ =	shalt  }
0x50: {  	_ =	shalt  }
0x51: {  	_ =	shalt  }
0x52: {  	_ =	shalt  }
0x53: {  	_ =	shalt  }
0x54: {  	_ =	shalt  }
0x55: {  	_ =	shalt  }
0x56: {  	_ =	shalt  }
0x57: {  	_ =	shalt  }
0x58: {  	_ =	shalt  }
0x59: {  	_ =	shalt  }
0x5a: {  	_ =	shalt  }
0x5b: {  	_ =	shalt  }
0x5c: {  	_ =	shalt  }
0x5d: {  	_ =	shalt  }
0x5e: {  	_ =	shalt  }
0x5f: {  	_ =	shalt  }
0x60: {  	_ =	shalt  }
0x61: {  	_ =	shalt  }
0x62: {  	_ =	shalt  }
0x63: {  	_ =	shalt  }
0x64: {  	_ =	shalt  }
0x65: {  	_ =	shalt  }
0x66: {  	_ =	shalt  }
0x67: {  	_ =	shalt  }
0x68: {  	_ =	shalt  }
0x69: {  	_ =	shalt  }
0x6a: {  	_ =	shalt  }
0x6b: {  	_ =	shalt  }
0x6c: {  	_ =	shalt  }
0x6d: {  	_ =	shalt  }
0x6e: {  	_ =	shalt  }
0x6f: {  	_ =	shalt  }
0x70: {  	_ =	shalt  }
0x71: {  	_ =	shalt  }
0x72: {  	_ =	shalt  }
0x73: {  	_ =	shalt  }
0x74: {  	_ =	shalt  }
0x75: {  	_ =	shalt  }
0x76: {  	_ =	shalt  }
0x77: {  	_ =	shalt  }
0x78: {  	_ =	shalt  }
0x79: {  	_ =	shalt  }
0x7a: {  	_ =	shalt  }
0x7b: {  	_ =	shalt  }
0x7c: {  	_ =	shalt  }
0x7d: {  	_ =	shalt  }
0x7e: {  	_ =	shalt  }
0x7f: {  	_ =	shalt  }
0x80: {  	_ =	shalt  }
0x81: {  	_ =	shalt  }
0x82: {  	_ =	shalt  }
0x83: {  	_ =	shalt  }
0x84: {  	_ =	shalt  }
0x85: {  	_ =	shalt  }
0x86: {  	_ =	shalt  }
0x87: {  	_ =	shalt  }
.Lfunc_end0:
.L_simem_size_0:
called_computation_lowered:
.L_overlay_start_0:
0x88: {  	s2 =	sld [smem:$0x3FD9]  }
0x89: {  	s3 =	sld [smem:$0x3FFE];
	_ =	sdelay $0x1  }
0x8a: {  	s1 =	srdreg.scid  }
0x8b: {  	s0 =	sand.u32 $0x1, s1  }
0x8c: {  	s16 =	sshll.u32 s0, $0xA;
	s2 =	sadd.s32 s3, s2  }
0x8d: {  	s2 =	sadd.s32 s2, s16  }
0x8e: {  	[smem:$0x3FB1] =	sst s2  }
0x8f: {  	_ = 	snop  }
0x90: {  	(tm) =	ssettm $0x1  }
0x91: {  	s17 =	sld [smem:$0x3FFB];
	_ =	sdelay $0x3  }
0x92: {  	_ =	strace s17  }
0x93: {  	s2 =	sld [smem:$0x3FFC];
	_ =	sdelay $0x3  }
0x94: {  	_ =	strace s2  }
0x95: {  	s2 =	sld [smem:$0x3FFD];
	_ =	sdelay $0x3  }
0x96: {  	_ =	strace s2  }
0x97: {  	_ =	strace $0x8FFFFFFF  }
0x98: {  	s18 =	sld [smem:$0x3FDB];
	_ =	sdelay $0x1  }
0x99: {  	s19 =	simm.s32 $_scs_section_size  }
0x9a: {  	s4 =	simm.s32 $_size__tile_overlayer_lowered;
	s5 =	simm.s32 $_tile_overlayer_lowered  }
0x9b: {  	s22 =	simm.s32 $0x1BFF;
	s21 =	sshll.u32 s5, $0x1;
	s2 =	sadd.s32 s19, s18  }
0x9c: {  	s6 =	simm.s32 $0x0;
	s20 =	sshll.u32 s4, $0x1;
	s4 =	sadd.s32 s21, s2  }
0x9d: {  	[timem:s6], [sflag:s22] =	dma.local [hbm:s4], s20  }
0x9e: {  	_ =	swait.ge [sflag:s22], s20  }
0x9f: {  	s3 =	ssub.s32 $0x0, s20;
	[sflag:s22] =	ssyncset.done $0x0  }
0xa0: {  	[sflag:s22] =	ssyncadd.s32 s3;
	_ =	sdelay $0x1  }
0xa1: {  	s23 =	simm.s32 $0x1B8B  }
0xa2: {  	_ =	swait.ge [sflag:s23], $0x1  }
0xa3: {  	[sflag:s23] =	ssyncset.done $0x0  }
0xa4: {  	s25 =	simm.s32 $0x1B8E;
	s24 =	sld [smem:$0x3FFE];
	[sflag:s23] =	ssyncadd.s32 $0xFFFFFFFF  }
0xa5: {  	s26 =	simm.s32 $execute0_lowered;
	[smem:$0x3FD2] =	sst s25  }
0xa6: {  	s4 =	sshll.u32 s26, $0x1;
	_ =	strace $0x80000046;
	[dreg:$0x1] =	wrdreg $0xFFFFFFFF  }
0xa7: {  	s28 =	simm.s32 $_size_execute0_lowered;
	s2 =	sadd.s32 s2, s4;
	[dreg:$0x0] =	wrdreg $0x0  }
0xa8: {  	s4 =	sshll.u32 s28, $0x1;
	[dreg:$0x2] =	wrdreg s2  }
0xa9: {  	[dreg:$0x3] =	wrdreg s4  }
0xaa: {  	[dreg:$0x4] =	wrdreg $0xC0  }
0xab: {  	_ =	task [dreg:s6], $0x5FFFF  }
0xac: {  	[dreg:$0x1] =	wrdreg $0xFFFFFFFF  }
0xad: {  	[dreg:$0x0] =	wrdreg $0x60  }
0xae: {  	[dreg:$0x2] =	wrdreg s24  }
0xaf: {  	[dreg:$0x3] =	wrdreg $0x9  }
0xb0: {  	_ =	task.clear_ibuf [dreg:s6], $0x4FFFF;
	_ =	strace $0x90000046  }
0xb1: {  	s29 =	simm.s32 $0x9;
	_ =	strace $0x80000048  }
0xb2: {  	_ =	swait.ge [sflag:s29], $0x1  }
0xb3: {  	[sflag:s29] =	ssyncadd.s32 $0xFFFFFFFF  }
0xb4: {  	_ =	strace $0x90000048  }
0xb5: {  	_ =	sfence  }
0xb6: {  	s30 =	sld [smem:$0x0];
	_ =	sdelay $0x2  }
0xb7: {  	s31 =	sshll.u32 s1, $0xD;
	s1 =	sshrl.u32 s1, $0x2  }
0xb8: {  	s3 =	sand.u32 $0x4000, s31;
	s1 =	sadd.s32 s1, s30  }
0xb9: {  	s0 =	sor.u32 s3, s0;
	s1 =	sshll.u32 s1, $0x11  }
0xba: {  	s0 =	sor.u32 s1, s0  }
0xbb: {  	s0 =	sadd.s32 $0x8F2B, s0  }
0xbc: {  	[sflag:s0] =	ssyncadd.remote.s32 $0x1  }
0xbd: {  	_ =	sfence.sel $0xFFFF  }
0xbe: {  	[dreg:$0x0] =	wrdreg $0xFFFFFFFF;
	(pc) =	sbr.abs _section_cstart, $3  }
0xbf: {  	[dreg:$0x1] =	wrdreg $0xFFFFFFFF  }
0xc0: {  	_ =	task.clear_ibuf [dreg:s6], $0x2FFFF;
	_ =	strace $0x9FFFFFFF  }
0xc1: {  	(tm) =	ssettm $0x7FFFFFFF  }
tec
execute0_lowered:
.L_overlay_start_1:
0x0: {  	(tag) =	ssettag $0x1  }
0x1: {  	s4 =	rddreg [dreg:$0x0]  }
0x2: {  	s0 =	rddreg [dreg:$0x1];
	s1 =	simm.s32 $0x0  }
0x3: {  	s6 =	srdreg.scid;
	s2 =	stileid.u32;
	s30 =	simm.s32 $0x80  }
0x4: {  	s31 =	simm.s32 $0x200;
	s10 =	simm.s32 $0x280;
	s11 =	simm.s32 $0x4280  }
0x5: {  	s12 =	simm.s32 $0x8280;
	s13 =	simm.s32 $0xC280;
	s14 =	simm.s32 $0x6  }
0x6: {  	s15 =	simm.s32 $0x7;
	s16 =	simm.s32 $0x8;
	s17 =	simm.s32 $0x9  }
0x7: {  	s18 =	simm.s32 $0xA;
	[smem:$0x7FF] =	sst s1;
	s5 =	sadd.s32 $0x3D6C00, s4  }
0x8: {  	s19 =	simm.s32 $0x0;
	_ =	strace $0x80000047;
	[dreg:$0x2] =	wrdreg s5  }
0x9: {  	s3 =	sadd.s32 $0x4CC200, s4;
	s26 =	sand.u32 $0x1, s6;
	[dreg:$0x5] =	wrdreg s30  }
0xa: {  	s28 =	smul.u32 $0xA, s2;
	s4 =	sadd.s32 $0x58F800, s4;
	[dreg:$0x6] =	wrdreg s31  }
0xb: {  	s8 =	smul.u32 $0xBE, s2;
	s7 =	ssub.s32 $0x2, s26;
	[dreg:$0x7] =	wrdreg s10  }
0xc: {  	p0 =	seq.s32 s26, $0x0;
	s5 =	simm.s32 $0x26;
	[dreg:$0x8] =	wrdreg s11  }
0xd: {  	s10 =	simm.s32 $0x2;
	s11 =	simm.s32 $0x3;
	[dreg:$0x9] =	wrdreg s12  }
0xe: {  	s12 =	simm.s32 $0x4;
	[dreg:$0xa] =	wrdreg s13;
	s13 =	simm.s32 $0x5  }
0xf: {  	s6 =	sadd.s32 $0xBE0, s28;
	s9 =	sshrl.u32 s7, $0x1;
	s5 =	simm.s32 @!p0 $0x2  }
0x10: {  	s6 =	smov.u32 @p0 s8;
	s7 =	ssub.s32 s7, s9;
	s29 =	sshll.u32 s5, $0x1  }
0x11: {  	s8 =	simm.s32 $0x10280;
	s9 =	simm.s32 $0x1;
	[dreg:$0x3] =	wrdreg s6  }
0x12: {  	[dreg:$0x4] =	wrdreg s29;
	s6 =	smax.u32 s7, $0x1;
	s7 =	simm.s32 $0xB  }
.LBB2_1:
0x13: {  	s20 =	simm.s32 $0x0;
	s21 =	simm.s32 $0x0  }
.LBB2_2:
0x14: {  	(drf) =	sdiv.u32 s21, s5;
	_ =	sdelay $0x7  }
0x15: {  	s23 =	smul.u32 $0x5, s20  }
0x16: {  	s22 =	rddreg [dreg:$0x3];
	s24 =	spop (drf)  }
0x17: {  	s22 =	sadd.s32 s22, s23;
	s26 =	smul.u32 $0x64000, s24  }
0x18: {  	s22 =	sshll.u32 s22, $0x7  }
0x19: {  	s22 =	sadd.s32 s26, s22  }
0x1a: {  	s28 =	rddreg [dreg:$0x2];
	s23 =	sshrl.u32 s22, $0x3  }
0x1b: {  	s23 =	sadd.s32 s28, s23  }
0x1c: {  	[tilespmem:s1], [sflag:$0xB] =	stream.linear.gather [hbm4b:s23+s1], $0x280, $0x38;
	[tilespmem:$0x14280] =	vst v63  }
0x1d: {  	_ =	swait.ge [sflag:s7], $0x280  }
0x1e: {  	p0 =	sne.s32 s21, $0x0;
	[sflag:s7] =	ssyncset.done $0x0  }
0x1f: {  	s23 =	simm.s32 @p0 $0x6;
	[sflag:s7] =	ssyncadd.s32 $0xFFFFFD80  }
0x20: {  	_ =	swait.ge @p0 [sflag:s23], $0x4000  }
0x21: {  	s25 =	simm.s32 @p0 $0x280;
	[sflag:s23] =	ssyncset.done @p0 $0x0  }
0x22: {  	s24 =	simm.s32 @p0 $0x0;
	[sflag:s23] =	ssyncadd.s32 @p0 $0xFFFFC000;
	s23 =	simm.s32 @p0 $0x80  }
0x23: {  	[tilespmem:s25], [sflag:$0x1] =	stream.indirect.gather @p0 [hbm4b:s3+s23], $0x80, s24, s23, $0xb8;
	[tilespmem:$0x14280] =	vst v63  }
0x24: {  	s24 =	simm.s32 @p0 $0x7  }
0x25: {  	_ =	swait.ge @p0 [sflag:s24], $0x4000  }
0x26: {  	[sflag:s24] =	ssyncset.done @p0 $0x0  }
0x27: {  	[sflag:s24] =	ssyncadd.s32 @p0 $0xFFFFC000;
	s24 =	simm.s32 @p0 $0x4280  }
0x28: {  	[tilespmem:s24], [sflag:$0x2] =	stream.indirect.gather @p0 [hbm4b:s3+s23], $0x80, s23, s23, $0xb8;
	[tilespmem:$0x14280] =	vst v63  }
0x29: {  	s24 =	simm.s32 @p0 $0x8  }
0x2a: {  	_ =	swait.ge @p0 [sflag:s24], $0x4000  }
0x2b: {  	[sflag:s24] =	ssyncset.done @p0 $0x0  }
0x2c: {  	s25 =	simm.s32 @p0 $0x8280;
	[sflag:s24] =	ssyncadd.s32 @p0 $0xFFFFC000;
	s24 =	simm.s32 @p0 $0x100  }
0x2d: {  	[tilespmem:s25], [sflag:$0x3] =	stream.indirect.gather @p0 [hbm4b:s3+s23], $0x80, s24, s23, $0xb8;
	[tilespmem:$0x14280] =	vst v63  }
0x2e: {  	s24 =	simm.s32 @p0 $0x9  }
0x2f: {  	_ =	swait.ge @p0 [sflag:s24], $0x4000  }
0x30: {  	[sflag:s24] =	ssyncset.done @p0 $0x0  }
0x31: {  	s25 =	simm.s32 @p0 $0xC280;
	[sflag:s24] =	ssyncadd.s32 @p0 $0xFFFFC000;
	s24 =	simm.s32 @p0 $0x180  }
0x32: {  	[tilespmem:s25], [sflag:$0x4] =	stream.indirect.gather @p0 [hbm4b:s3+s23], $0x80, s24, s23, $0xb8;
	[tilespmem:$0x14280] =	vst v63  }
0x33: {  	s23 =	simm.s32 @p0 $0xA  }
0x34: {  	_ =	swait.ge @p0 [sflag:s23], $0x4000  }
0x35: {  	s24 =	simm.s32 @!p0 $0x0;
	[sflag:s23] =	ssyncset.done @p0 $0x0  }
0x36: {  	s25 =	simm.s32 @!p0 $0x280;
	[sflag:s23] =	ssyncadd.s32 @p0 $0xFFFFC000;
	s23 =	simm.s32 @!p0 $0x80  }
0x37: {  	[tilespmem:s25], [sflag:$0x1] =	stream.indirect.gather @!p0 [hbm4b:s3+s23], $0x80, s24, s23, $0xb8;
	[tilespmem:$0x14280] =	vst v63  }
0x38: {  	s24 =	simm.s32 @!p0 $0x4280  }
0x39: {  	[tilespmem:s24], [sflag:$0x2] =	stream.indirect.gather @!p0 [hbm4b:s3+s23], $0x80, s23, s23, $0xb8;
	[tilespmem:$0x14280] =	vst v63  }
0x3a: {  	s25 =	simm.s32 @!p0 $0x8280;
	s24 =	simm.s32 @!p0 $0x100  }
0x3b: {  	[tilespmem:s25], [sflag:$0x3] =	stream.indirect.gather @!p0 [hbm4b:s3+s23], $0x80, s24, s23, $0xb8;
	[tilespmem:$0x14280] =	vst v63  }
0x3c: {  	s26 =	simm.s32 @!p0 $0xC280;
	s29 =	rddreg [dreg:$0x5];
	s25 =	simm.s32 @!p0 $0x180  }
0x3d: {  	[tilespmem:s26], [sflag:$0x4] =	stream.indirect.gather @!p0 [hbm4b:s3+s23], $0x80, s25, s23, $0xb8;
	[tilespmem:$0x14280] =	vst v63  }
0x3e: {  	s28 =	rddreg [dreg:$0x6]  }
0x3f: {  	[tilespmem:s8], [sflag:$0x5] =	stream.indirect.gather [hbm4b:s3+s29], $0x80, s28, s29, $0xb8;
	[tilespmem:$0x14280] =	vst v63  }
0x40: {  	s22 =	sshll.u32 s22, $0x4;
	_ =	swait.ge [sflag:s9], $0x4000  }
0x41: {  	s31 =	sand.u32 $0x1FFFF800, s22;
	[sflag:s9] =	ssyncset.done $0x0  }
0x42: {  	s24 =	sadd.s32 s4, s31;
	s30 =	rddreg [dreg:$0x7];
	[sflag:s9] =	ssyncadd.s32 $0xFFFFC000  }
0x43: {  	[hbm4b:s24+s1] =	stream.linear.scatter [tilespmem:s30], [sflag:$0x6], $0x4000, $0x38;
	[tilespmem:$0x14280] =	vst v63  }
0x44: {  	s24 =	sadd.s32 $0x800, s22;
	_ =	swait.ge [sflag:s10], $0x4000  }
0x45: {  	s23 =	sand.u32 $0x1FFFF800, s24;
	[sflag:s10] =	ssyncset.done $0x0  }
0x46: {  	s25 =	rddreg [dreg:$0x8];
	s23 =	sadd.s32 s4, s23;
	[sflag:s10] =	ssyncadd.s32 $0xFFFFC000  }
0x47: {  	[hbm4b:s23+s1] =	stream.linear.scatter [tilespmem:s25], [sflag:$0x7], $0x4000, $0x38;
	[tilespmem:$0x14280] =	vst v63  }
0x48: {  	s26 =	sadd.s32 $0x1000, s22;
	_ =	swait.ge [sflag:s11], $0x4000  }
0x49: {  	s23 =	sand.u32 $0x1FFFF800, s26;
	[sflag:s11] =	ssyncset.done $0x0  }
0x4a: {  	s23 =	sadd.s32 s4, s23;
	s28 =	rddreg [dreg:$0x9];
	[sflag:s11] =	ssyncadd.s32 $0xFFFFC000  }
0x4b: {  	[hbm4b:s23+s1] =	stream.linear.scatter [tilespmem:s28], [sflag:$0x8], $0x4000, $0x38;
	[tilespmem:$0x14280] =	vst v63  }
0x4c: {  	s29 =	sadd.s32 $0x1800, s22;
	_ =	swait.ge [sflag:s12], $0x4000  }
0x4d: {  	s23 =	sand.u32 $0x1FFFF800, s29;
	[sflag:s12] =	ssyncset.done $0x0  }
0x4e: {  	s23 =	sadd.s32 s4, s23;
	s30 =	rddreg [dreg:$0xa];
	[sflag:s12] =	ssyncadd.s32 $0xFFFFC000  }
0x4f: {  	[hbm4b:s23+s1] =	stream.linear.scatter [tilespmem:s30], [sflag:$0x9], $0x4000, $0x38;
	[tilespmem:$0x14280] =	vst v63  }
0x50: {  	_ =	swait.ge [sflag:s13], $0x4000  }
0x51: {  	s21 =	sadd.s32 $0x1, s21;
	s31 =	rddreg [dreg:$0x4]  }
0x52: {  	p1 =	sne.s32 s31, s21  }
.Ltmp0:
0x53: {  	_ = 	snop;
	(pc) =	sbr.rel @p1 .LBB2_2-.Ltmp0, $4  }
0x54: {  	s20 =	sadd.s32 $0x1, s20;
	s22 =	sadd.s32 $0x2000, s22  }
0x55: {  	p0 =	seq.s32 s20, s5;
	s22 =	sand.u32 $0x1FFFF800, s22;
	[sflag:s13] =	ssyncset.done $0x0  }
0x56: {  	s20 =	simm.s32 @p0 $0x0;
	s22 =	sadd.s32 s4, s22;
	[sflag:s13] =	ssyncadd.s32 $0xFFFFC000  }
0x57: {  	[hbm4b:s22+s1] =	stream.linear.scatter [tilespmem:s8], [sflag:$0xA], $0x4000, $0x38;
	[tilespmem:$0x14280] =	vst v63  }
0x58: {  	_ =	swait.ge [sflag:s14], $0x4000  }
0x59: {  	[sflag:s14] =	ssyncset.done $0x0  }
0x5a: {  	[sflag:s14] =	ssyncadd.s32 $0xFFFFC000  }
0x5b: {  	_ =	swait.ge [sflag:s15], $0x4000  }
0x5c: {  	[sflag:s15] =	ssyncset.done $0x0  }
0x5d: {  	[sflag:s15] =	ssyncadd.s32 $0xFFFFC000  }
0x5e: {  	_ =	swait.ge [sflag:s16], $0x4000  }
0x5f: {  	[sflag:s16] =	ssyncset.done $0x0  }
0x60: {  	s19 =	sadd.s32 $0x1, s19;
	[sflag:s16] =	ssyncadd.s32 $0xFFFFC000  }
0x61: {  	p0 =	sne.s32 s19, s6;
	_ =	swait.ge [sflag:s17], $0x4000  }
.Ltmp1:
0x62: {  	[sflag:s17] =	ssyncset.done $0x0;
	(pc) =	sbr.rel @p0 .LBB2_1-.Ltmp1, $4  }
0x63: {  	[sflag:s17] =	ssyncadd.s32 $0xFFFFC000  }
0x64: {  	_ =	swait.ge [sflag:s18], $0x4000  }
0x65: {  	[sflag:s18] =	ssyncset.done $0x0  }
0x66: {  	[sflag:s18] =	ssyncadd.s32 $0xFFFFC000  }
0x67: {  	_ =	sfence.sel $0x180000  }
0x68: {  	[bflag:$0x0] =	sbarrier.arrive $0xFFFF  }
0x69: {  	p0 =	sne.s32 s2, $0x0;
	_ =	strace $0x90000047  }
0x6a: {  	s0 =	sadd.s32 @!p0 $0x100000, s0;
	[bflag:$0x2] =	sbarrier.arrive $0xFFFF  }
0x6b: {  	[sflag:s0] =	ssyncadd.tile.s32 @!p0 $0x1;
	_ =	shalt  }
.Lfunc_end2:
_tile_overlayer_lowered:
.L_overlay_start_2:
0x6c: {  	(tag) =	ssettag $0x2  }
0x6d: {  	s0 =	rddreg [dreg:$0x0];
	s2 =	stileid.u32  }
0x6e: {  	s1 =	rddreg [dreg:$0x1];
	p0 =	sne.s32 s2, $0x0  }
0x6f: {  	s3 =	rddreg [dreg:$0x2];
	[bflag:$0x3] =	sbarrier.arrive $0xFFFF;
	s2 =	simm.s32 @!p0 $0x1C0B  }
0x70: {  	[timem:s3], [sflag:s2] =	dma.local @!p0 [hbm:s0], s1  }
0x71: {  	s0 =	simm.s32 @!p0 $0xB  }
0x72: {  	_ =	swait.ge @!p0 [sflag:s0], s1  }
0x73: {  	s1 =	ssub.s32 @!p0 $0x0, s1;
	[sflag:s0] =	ssyncset.done @!p0 $0x0  }
0x74: {  	[sflag:s0] =	ssyncadd.s32 @!p0 s1  }
0x75: {  	[bflag:$0x3] =	sbarrier.arrive $0xFFFF  }
0x76: {  	_ =	shalt  }

</sc_bundles>
